<compile_context>
chip_gen: v7x
topology: tpu7x:2x2x1
jax: 0.10.2.dev20260603
libtpu: 0.0.44.dev20260713+nightly
codegen_flags: <defaults>
</compile_context>

<pallas_src>
import dataclasses
import functools

import jax
import jax.numpy as jnp
from jax import lax
from jax.experimental import pallas as pl
from jax.experimental.pallas import tpu as pltpu
from jax.experimental.pallas import tpu_sc as plsc

N = 10000
E = 320000
D = 128
G = 64
NS = 16
NC = 2
W_WIN = 128
NWIN = 2560
EPAD = NWIN * W_WIN
WPT = NWIN // (NC * NS)
NBUF = 2
HWPT = WPT // 2
NP = 10240
EPS = 1e-5

_mesh = plsc.VectorSubcoreMesh(core_axis_name="c", subcore_axis_name="s")

_cp = pltpu.CompilerParams()
if "needs_layout_passes" in pltpu.CompilerParams.__dataclass_fields__:
    _cp = dataclasses.replace(_cp, needs_layout_passes=False)



@functools.partial(
    pl.kernel,
    out_type=jax.ShapeDtypeStruct((NC * NS, 16, 1024), jnp.float32),
    mesh=_mesh,
    compiler_params=_cp,
    scratch_types=[
        pltpu.VMEM((16, 1024), jnp.float32),
        pltpu.VMEM((HWPT, W_WIN), jnp.int32),
    ],
)
def _deg_kernel(dst_hbm, out_hbm, dacc, di_all):
    c = lax.axis_index("c")
    s = lax.axis_index("s")
    wid = c * NS + s

    @pl.loop(0, 16)
    def _(r):
        @pl.loop(0, 1024, step=16)
        def _(q):
            dacc[r, pl.ds(q, 16)] = jnp.zeros((16,), jnp.float32)

    ones16 = jnp.ones((16,), jnp.float32)
    for half in range(WPT // HWPT):
        pltpu.sync_copy(
            dst_hbm.at[pl.ds(wid * WPT + half * HWPT, HWPT)], di_all)

        @pl.loop(0, HWPT)
        def _(w):
            @pl.loop(0, W_WIN, step=16)
            def _(k):
                idx = di_all[w, pl.ds(k, 16)]
                plsc.addupdate_scatter(
                    dacc, [idx >> 10, idx & 1023], ones16)

    pltpu.sync_copy(dacc, out_hbm.at[wid])


@functools.partial(
    pl.kernel,
    out_type=jax.ShapeDtypeStruct((NC, NP, D), jnp.float32),
    mesh=_mesh,
    scratch_types=[
        pltpu.VMEM_SHARED((NP, D), jnp.float32),
        pltpu.VMEM((NBUF, W_WIN, D), jnp.float32),
        pltpu.VMEM((HWPT, W_WIN), jnp.int32),
        pltpu.VMEM((HWPT, W_WIN), jnp.int32),
    ]
    + [pltpu.SemaphoreType.DMA] * (2 * NBUF),
)
def _agg_kernel(h2_hbm, src_hbm, dst_hbm, zeros_hbm, out_hbm,
                acc, rows_v, si_all, di_all, *sems):
    gsem = sems[:NBUF]
    ssem = sems[NBUF:]
    c = lax.axis_index("c")
    s = lax.axis_index("s")
    rpt = NP // NS

    def _gather(w, b):
        pltpu.async_copy(h2_hbm.at[si_all.at[w]], rows_v.at[b], gsem[b])

    def _scatter(w, b):
        pltpu.async_copy(rows_v.at[b], acc.at[di_all.at[w]], ssem[b], add=True)

    for half in range(WPT // HWPT):
        base = (c * NS + s) * WPT + half * HWPT
        pltpu.sync_copy(src_hbm.at[pl.ds(base, HWPT)], si_all)
        pltpu.sync_copy(dst_hbm.at[pl.ds(base, HWPT)], di_all)

        for b in range(NBUF):
            _gather(b, b)

        if half == 0:
            pltpu.sync_copy(zeros_hbm.at[pl.ds(s * rpt, rpt)],
                            acc.at[pl.ds(s * rpt, rpt)])
            plsc.subcore_barrier()

        @pl.loop(0, HWPT // NBUF)
        def _(j):
            w0 = j * NBUF
            for b in range(NBUF):
                pltpu.make_async_copy(h2_hbm.at[si_all.at[w0 + b]],
                                      rows_v.at[b], gsem[b]).wait()
                _scatter(w0 + b, b)
            for b in range(NBUF):
                wn = w0 + NBUF + b

                @pl.when(wn < HWPT)
                def _():
                    pltpu.make_async_copy(rows_v.at[b], acc.at[di_all.at[w0 + b]],
                                          ssem[b]).wait()
                    _gather(wn, b)

        w_last = HWPT - NBUF
        for b in range(NBUF):
            pltpu.make_async_copy(rows_v.at[b], acc.at[di_all.at[w_last + b]],
                                  ssem[b]).wait()

    plsc.subcore_barrier()
    pltpu.sync_copy(acc.at[pl.ds(s * rpt, rpt)],
                    out_hbm.at[c].at[pl.ds(s * rpt, rpt)])



def _split_hi_lo(a):
    ai = lax.bitcast_convert_type(a, jnp.uint32)
    hi32 = lax.bitcast_convert_type(ai & jnp.uint32(0xFFFF0000), jnp.float32)
    lo = a - hi32
    return hi32.astype(jnp.bfloat16), lo.astype(jnp.bfloat16)


def _dot3(a, b):
    ah, al = _split_hi_lo(a)
    bh, bl = _split_hi_lo(b)
    d = lambda p, q: jnp.dot(p, q, preferred_element_type=jnp.float32)
    return d(ah, bh) + (d(ah, bl) + d(al, bh))


def _pre_body(x_ref, w_ref, dp_ref, h2_ref, dinv_ref):
    dp = dp_ref[...]
    deg = jnp.sum(dp[:, :N], axis=0) + 1.0
    dinv = lax.rsqrt(deg)[:, None]
    h2 = _dot3(x_ref[...], w_ref[...])
    h2_ref[...] = h2 * dinv
    dinv_ref[...] = dinv


def _pre(x, w1, dp):
    return pl.pallas_call(
        _pre_body,
        out_shape=(jax.ShapeDtypeStruct((N, D), jnp.float32),
                   jax.ShapeDtypeStruct((N, 1), jnp.float32)),
    )(x, w1, dp)


def _norm_relu_bn(o_ref, h2_ref, dinv_ref, b_ref, g_ref, be_ref):
    o = o_ref[...]
    agg = o[0, :N] + o[1, :N]
    u = (agg + h2_ref[...]) * dinv_ref[...] + b_ref[...][None, :]
    u = jnp.maximum(u, 0.0)
    mu = jnp.mean(u, axis=0)
    du = u - mu
    var = jnp.mean(du * du, axis=0)
    return du * lax.rsqrt(var + EPS) * g_ref[...][None, :] + be_ref[...][None, :]


def _mid_body(o_ref, h2_ref, dinv_ref, b_ref, g_ref, be_ref, w_ref, out_ref):
    hn = _norm_relu_bn(o_ref, h2_ref, dinv_ref, b_ref, g_ref, be_ref)
    h2n = _dot3(hn, w_ref[...])
    out_ref[...] = h2n * dinv_ref[...]


def _mid(o, h2, dinv, b, g, be, wn):
    return pl.pallas_call(
        _mid_body,
        out_shape=jax.ShapeDtypeStruct((N, D), jnp.float32),
    )(o, h2, dinv, b, g, be, wn)


def _post_body(o_ref, h2_ref, dinv_ref, b_ref, g_ref, be_ref, batch_ref, out_ref):
    hn = _norm_relu_bn(o_ref, h2_ref, dinv_ref, b_ref, g_ref, be_ref)
    seg = lax.broadcasted_iota(jnp.int32, (G, N), 0)
    onehot_t = (seg == batch_ref[...][None, :]).astype(jnp.float32)
    out_ref[...] = _dot3(onehot_t, hn)


def _post(o, h2, dinv, b, g, be, batch):
    return pl.pallas_call(
        _post_body,
        out_shape=jax.ShapeDtypeStruct((G, D), jnp.float32),
    )(o, h2, dinv, b, g, be, batch)



def kernel(x, edge_index, batch, W1, b1, g1, be1, W2, b2, g2, be2,
           W3, b3, g3, be3, W4, b4, g4, be4):
    pad_i = jnp.arange(EPAD - E, dtype=jnp.int32)
    src = jnp.concatenate(
        [edge_index[0], pad_i % N]).reshape(NWIN, W_WIN)
    dst = jnp.concatenate(
        [edge_index[1], N + (pad_i % (NP - N))]).reshape(NWIN, W_WIN)
    zeros_d = jnp.zeros((NP, D), jnp.float32)

    dp = _deg_kernel(dst).reshape(NC * NS, 16 * 1024)
    h2, dinv = _pre(x, W1, dp)
    for (b, g, be, wn) in ((b1, g1, be1, W2), (b2, g2, be2, W3),
                           (b3, g3, be3, W4)):
        o = _agg_kernel(h2, src, dst, zeros_d)
        h2 = _mid(o, h2, dinv, b, g, be, wn)
    o = _agg_kernel(h2, src, dst, zeros_d)
    return _post(o, h2, dinv, b4, g4, be4, batch)

# --- scband reference (transcript-rebuilt; emitter-appended) ---
"""Pipeline reference for scband-gcnlayer-51084341019209 (READ-ONLY COPY).

The authoritative reference and input builder live on the scoring server;
editing this copy changes nothing except your own understanding.
"""

import jax, jax.numpy as jnp
import numpy as np

N = 10000
E = 320000
D = 128
G = 64


def gcn_conv(x, edge_index, W, b):
    # PyG GCNConv: x' = D^-1/2 (A + I) D^-1/2 (X W) + b
    n = x.shape[0]
    h = x @ W
    loop = jnp.arange(n)
    src = jnp.concatenate([edge_index[0], loop])
    dst = jnp.concatenate([edge_index[1], loop])
    deg = jnp.zeros((n,), h.dtype).at[dst].add(1.0)
    dinv = jnp.where(deg > 0, deg ** -0.5, 0.0)
    norm = (dinv[src] * dinv[dst])[:, None]
    out = jax.ops.segment_sum(h[src] * norm, dst, num_segments=n)
    return out + b


def batch_norm(x, gamma, beta, eps=1e-5):
    mu = jnp.mean(x, axis=0)
    var = jnp.var(x, axis=0)  # biased, matching torch BN normalization
    return (x - mu) / jnp.sqrt(var + eps) * gamma + beta


def setup_inputs(seed: int = 0) -> dict:
    key = jax.random.key(seed)
    ks = jax.random.split(key, 12)
    inp = {
        'x': jax.random.normal(ks[0], (N, D), jnp.float32),
        'edge_index': jax.random.randint(ks[1], (2, E), 0, N, jnp.int32),
        'batch': jnp.sort(jax.random.randint(ks[2], (N,), 0, G, jnp.int32)),
    }
    for i, k in zip(range(1, 5), ks[3:7]):
        inp[f'W{i}'] = jax.random.normal(k, (D, D), jnp.float32) * 0.05
        inp[f'b{i}'] = jnp.zeros((D,), jnp.float32)
        inp[f'g{i}'] = jnp.ones((D,), jnp.float32)
        inp[f'be{i}'] = jnp.zeros((D,), jnp.float32)
    return inp


def reference(x, edge_index, batch, W1, b1, g1, be1, W2, b2, g2, be2, W3, b3, g3, be3, W4, b4, g4, be4):
    h = jax.nn.relu(gcn_conv(x, edge_index, W1, b1))
    h = batch_norm(h, g1, be1)
    h = jax.nn.relu(gcn_conv(h, edge_index, W2, b2))
    h = batch_norm(h, g2, be2)
    h = jax.nn.relu(gcn_conv(h, edge_index, W3, b3))
    h = batch_norm(h, g3, be3)
    h = jax.nn.relu(gcn_conv(h, edge_index, W4, b4))
    h = batch_norm(h, g4, be4)
    pooled = jax.ops.segment_sum(h, batch, num_segments=G)  # global_add_pool
    # F.dropout in eval mode is identity
    return pooled

if __name__ == "__main__":
    import jax
    _d = setup_inputs()
    print(jax.jit(kernel)(*tuple(_d.values())))

</pallas_src>

<mosaic_0001>
#map = affine_map<(d0, d1) -> (0, 0)>
#map1 = affine_map<(d0, d1) -> (0, 0, 0)>
module attributes {stable_mosaic.version = 14 : i64} {
  func.func @_agg_kernel(%arg0: i32, %arg1: i32, %arg2: memref<10000x128xf32, #tpu.memory_space<hbm>>, %arg3: memref<2560x128xi32, #tpu.memory_space<hbm>>, %arg4: memref<2560x128xi32, #tpu.memory_space<hbm>>, %arg5: memref<10240x128xf32, #tpu.memory_space<hbm>>, %arg6: memref<2x10240x128xf32, #tpu.memory_space<hbm>>, %arg7: memref<10240x128xf32, #tpu.memory_space<vmem_shared>>, %arg8: memref<2x128x128xf32, #tpu.memory_space<vmem>>, %arg9: memref<40x128xi32, #tpu.memory_space<vmem>>, %arg10: memref<40x128xi32, #tpu.memory_space<vmem>>, %arg11: memref<!tpu.dma_semaphore, #tpu.memory_space<semaphore_mem>>, %arg12: memref<!tpu.dma_semaphore, #tpu.memory_space<semaphore_mem>>, %arg13: memref<!tpu.dma_semaphore, #tpu.memory_space<semaphore_mem>>, %arg14: memref<!tpu.dma_semaphore, #tpu.memory_space<semaphore_mem>>) attributes {dimension_semantics = [#tpu.dimension_semantics<core_parallel>, #tpu.dimension_semantics<subcore_parallel>], iteration_bounds = array<i64: 2, 16>, scalar_prefetch = 0 : i64, scratch_operands = 8 : i64, tpu.core_type = #tpu.core_type<sc_vector_subcore>, window_params = [{transform_indices = #map}, {transform_indices = #map}, {transform_indices = #map}, {transform_indices = #map}, {transform_indices = #map1}]} {
    %mul3A = arith.constant 16 : i32
    %mul3A_0 = arith.muli %arg0, %mul3A : i32
    %add3A = arith.addi %mul3A_0, %arg1 : i32
    %mul3A_1 = arith.constant 80 : i32
    %mul3A_2 = arith.muli %add3A, %mul3A_1 : i32
    %add3A_3 = arith.constant 0 : i32
    %add3A_4 = arith.addi %mul3A_2, %add3A_3 : i32
    "tpu.region"() ({
      %run_scoped3A = tpu.sem_alloc : memref<!tpu.dma_semaphore, #tpu.memory_space<semaphore_mem>>
      %dma_start3A_124 = arith.constant 0 : i32
      %dma_start3A_125 = tpu.memref_slice %arg3[%add3A_4, %dma_start3A_124] : memref<2560x128xi32, #tpu.memory_space<hbm>> -> memref<40x128xi32, #tpu.memory_space<hbm>>
      %dma_start3A_126 = arith.constant 0 : i32
      %dma_start3A_127 = tpu.memref_slice %arg3[%add3A_4, %dma_start3A_126] : memref<2560x128xi32, #tpu.memory_space<hbm>> -> memref<40x128xi32, #tpu.memory_space<hbm>>
      tpu.enqueue_dma source(%dma_start3A_127 : memref<40x128xi32, #tpu.memory_space<hbm>>) target(%arg9 : memref<40x128xi32, #tpu.memory_space<vmem>>) target_semaphore(%run_scoped3A : memref<!tpu.dma_semaphore, #tpu.memory_space<semaphore_mem>>)
      %dma_wait3A_128 = arith.constant 0 : i32
      %dma_wait3A_129 = tpu.memref_slice %arg3[%add3A_4, %dma_wait3A_128] : memref<2560x128xi32, #tpu.memory_space<hbm>> -> memref<40x128xi32, #tpu.memory_space<hbm>>
      %dma_wait3A_130 = arith.constant 0 : i32
      %dma_wait3A_131 = tpu.memref_slice %arg3[%add3A_4, %dma_wait3A_130] : memref<2560x128xi32, #tpu.memory_space<hbm>> -> memref<40x128xi32, #tpu.memory_space<hbm>>
      tpu.wait_dma2 semaphore(%run_scoped3A : memref<!tpu.dma_semaphore, #tpu.memory_space<semaphore_mem>>) src(%dma_wait3A_131 : memref<40x128xi32, #tpu.memory_space<hbm>>) dst(%arg9 : memref<40x128xi32, #tpu.memory_space<vmem>>)
      tpu.yield
    }) : () -> ()
    "tpu.region"() ({
      %run_scoped3A = tpu.sem_alloc : memref<!tpu.dma_semaphore, #tpu.memory_space<semaphore_mem>>
      %dma_start3A_124 = arith.constant 0 : i32
      %dma_start3A_125 = tpu.memref_slice %arg4[%add3A_4, %dma_start3A_124] : memref<2560x128xi32, #tpu.memory_space<hbm>> -> memref<40x128xi32, #tpu.memory_space<hbm>>
      %dma_start3A_126 = arith.constant 0 : i32
      %dma_start3A_127 = tpu.memref_slice %arg4[%add3A_4, %dma_start3A_126] : memref<2560x128xi32, #tpu.memory_space<hbm>> -> memref<40x128xi32, #tpu.memory_space<hbm>>
      tpu.enqueue_dma source(%dma_start3A_127 : memref<40x128xi32, #tpu.memory_space<hbm>>) target(%arg10 : memref<40x128xi32, #tpu.memory_space<vmem>>) target_semaphore(%run_scoped3A : memref<!tpu.dma_semaphore, #tpu.memory_space<semaphore_mem>>)
      %dma_wait3A_128 = arith.constant 0 : i32
      %dma_wait3A_129 = tpu.memref_slice %arg4[%add3A_4, %dma_wait3A_128] : memref<2560x128xi32, #tpu.memory_space<hbm>> -> memref<40x128xi32, #tpu.memory_space<hbm>>
      %dma_wait3A_130 = arith.constant 0 : i32
      %dma_wait3A_131 = tpu.memref_slice %arg4[%add3A_4, %dma_wait3A_130] : memref<2560x128xi32, #tpu.memory_space<hbm>> -> memref<40x128xi32, #tpu.memory_space<hbm>>
      tpu.wait_dma2 semaphore(%run_scoped3A : memref<!tpu.dma_semaphore, #tpu.memory_space<semaphore_mem>>) src(%dma_wait3A_131 : memref<40x128xi32, #tpu.memory_space<hbm>>) dst(%arg10 : memref<40x128xi32, #tpu.memory_space<vmem>>)
      tpu.yield
    }) : () -> ()
    %dma_start3A = arith.constant 0 : i32
    %dma_start3A_5 = arith.constant 0 : i32
    %dma_start3A_6 = arith.constant 0 : i32
    %dma_start3A_7 = arith.constant 0 : i32
    %dma_start3A_8 = tpu.memref_slice %arg8[%dma_start3A_5, %dma_start3A_6, %dma_start3A_7] : memref<2x128x128xf32, #tpu.memory_space<vmem>> -> memref<1x128x128xf32, #tpu.memory_space<vmem>>
    %dma_start3A_9 = tpu.memref_squeeze %dma_start3A_8 : memref<1x128x128xf32, #tpu.memory_space<vmem>> -> memref<128x128xf32, #tpu.memory_space<vmem>>
    %dma_start3A_10 = arith.constant 0 : i32
    %dma_start3A_11 = tpu.memref_slice %arg9[%dma_start3A, %dma_start3A_10] : memref<40x128xi32, #tpu.memory_space<vmem>> -> memref<1x128xi32, #tpu.memory_space<vmem>>
    %dma_start3A_12 = tpu.memref_squeeze %dma_start3A_11 : memref<1x128xi32, #tpu.memory_space<vmem>> -> memref<128xi32, #tpu.memory_space<vmem>>
    %dma_start3A_13 = arith.constant 0 : i32
    %dma_start3A_14 = arith.constant 0 : i32
    %dma_start3A_15 = tpu.memref_slice %arg2[%dma_start3A_13, %dma_start3A_14] : memref<10000x128xf32, #tpu.memory_space<hbm>> -> memref<10000x128xf32, #tpu.memory_space<hbm>>
    tpu.enqueue_indirect_dma source(%dma_start3A_15 : memref<10000x128xf32, #tpu.memory_space<hbm>>) target(%dma_start3A_9 : memref<128x128xf32, #tpu.memory_space<vmem>>) offsets(%dma_start3A_12 : memref<128xi32, #tpu.memory_space<vmem>>) semaphore(%arg11 : memref<!tpu.dma_semaphore, #tpu.memory_space<semaphore_mem>>)
    %dma_start3A_16 = arith.constant 1 : i32
    %dma_start3A_17 = arith.constant 1 : i32
    %dma_start3A_18 = arith.constant 0 : i32
    %dma_start3A_19 = arith.constant 0 : i32
    %dma_start3A_20 = tpu.memref_slice %arg8[%dma_start3A_17, %dma_start3A_18, %dma_start3A_19] : memref<2x128x128xf32, #tpu.memory_space<vmem>> -> memref<1x128x128xf32, #tpu.memory_space<vmem>>
    %dma_start3A_21 = tpu.memref_squeeze %dma_start3A_20 : memref<1x128x128xf32, #tpu.memory_space<vmem>> -> memref<128x128xf32, #tpu.memory_space<vmem>>
    %dma_start3A_22 = arith.constant 0 : i32
    %dma_start3A_23 = tpu.memref_slice %arg9[%dma_start3A_16, %dma_start3A_22] : memref<40x128xi32, #tpu.memory_space<vmem>> -> memref<1x128xi32, #tpu.memory_space<vmem>>
    %dma_start3A_24 = tpu.memref_squeeze %dma_start3A_23 : memref<1x128xi32, #tpu.memory_space<vmem>> -> memref<128xi32, #tpu.memory_space<vmem>>
    %dma_start3A_25 = arith.constant 0 : i32
    %dma_start3A_26 = arith.constant 0 : i32
    %dma_start3A_27 = tpu.memref_slice %arg2[%dma_start3A_25, %dma_start3A_26] : memref<10000x128xf32, #tpu.memory_space<hbm>> -> memref<10000x128xf32, #tpu.memory_space<hbm>>
    tpu.enqueue_indirect_dma source(%dma_start3A_27 : memref<10000x128xf32, #tpu.memory_space<hbm>>) target(%dma_start3A_21 : memref<128x128xf32, #tpu.memory_space<vmem>>) offsets(%dma_start3A_24 : memref<128xi32, #tpu.memory_space<vmem>>) semaphore(%arg12 : memref<!tpu.dma_semaphore, #tpu.memory_space<semaphore_mem>>)
    %mul3A_28 = arith.constant 640 : i32
    %mul3A_29 = arith.muli %arg1, %mul3A_28 : i32
    %mul3A_30 = arith.constant 640 : i32
    %mul3A_31 = arith.muli %arg1, %mul3A_30 : i32
    "tpu.region"() ({
      %run_scoped3A = tpu.sem_alloc : memref<!tpu.dma_semaphore, #tpu.memory_space<semaphore_mem>>
      %dma_start3A_124 = arith.constant 0 : i32
      %dma_start3A_125 = tpu.memref_slice %arg7[%mul3A_31, %dma_start3A_124] : memref<10240x128xf32, #tpu.memory_space<vmem_shared>> -> memref<640x128xf32, #tpu.memory_space<vmem_shared>>
      %dma_start3A_126 = arith.constant 0 : i32
      %dma_start3A_127 = tpu.memref_slice %arg5[%mul3A_29, %dma_start3A_126] : memref<10240x128xf32, #tpu.memory_space<hbm>> -> memref<640x128xf32, #tpu.memory_space<hbm>>
      tpu.enqueue_dma source(%dma_start3A_127 : memref<640x128xf32, #tpu.memory_space<hbm>>) target(%dma_start3A_125 : memref<640x128xf32, #tpu.memory_space<vmem_shared>>) target_semaphore(%run_scoped3A : memref<!tpu.dma_semaphore, #tpu.memory_space<semaphore_mem>>)
      %dma_wait3A_128 = arith.constant 0 : i32
      %dma_wait3A_129 = tpu.memref_slice %arg7[%mul3A_31, %dma_wait3A_128] : memref<10240x128xf32, #tpu.memory_space<vmem_shared>> -> memref<640x128xf32, #tpu.memory_space<vmem_shared>>
      %dma_wait3A_130 = arith.constant 0 : i32
      %dma_wait3A_131 = tpu.memref_slice %arg5[%mul3A_29, %dma_wait3A_130] : memref<10240x128xf32, #tpu.memory_space<hbm>> -> memref<640x128xf32, #tpu.memory_space<hbm>>
      tpu.wait_dma2 semaphore(%run_scoped3A : memref<!tpu.dma_semaphore, #tpu.memory_space<semaphore_mem>>) src(%dma_wait3A_131 : memref<640x128xf32, #tpu.memory_space<hbm>>) dst(%dma_wait3A_129 : memref<640x128xf32, #tpu.memory_space<vmem_shared>>)
      tpu.yield
    }) : () -> ()
    %barrier3A = arith.constant 0 : index
    tpu.barrier barrier_id(%barrier3A)
    %scan3A = arith.constant 0 : i32
    %scan3A_32 = arith.constant 20 : i32
    %scan3A_33 = arith.addi %scan3A, %scan3A_32 : i32
    %scan3A_34 = arith.constant 1 : i32
    scf.for %scan3A_124 = %scan3A to %scan3A_33 step %scan3A_34  : i32 {
      %mul3A_125 = arith.constant 1 : i32
      %mul3A_126 = arith.muli %scan3A_124, %mul3A_125 : i32
      %add3A_127 = arith.constant 0 : i32
      %add3A_128 = arith.addi %add3A_127, %mul3A_126 : i32
      %mul3A_129 = arith.constant 2 : i32
      %mul3A_130 = arith.muli %add3A_128, %mul3A_129 : i32
      %add3A_131 = arith.constant 0 : i32
      %add3A_132 = arith.addi %mul3A_130, %add3A_131 : i32
      %dma_wait3A_133 = arith.constant 0 : i32
      %dma_wait3A_134 = arith.constant 0 : i32
      %dma_wait3A_135 = arith.constant 0 : i32
      %dma_wait3A_136 = tpu.memref_slice %arg8[%dma_wait3A_133, %dma_wait3A_134, %dma_wait3A_135] : memref<2x128x128xf32, #tpu.memory_space<vmem>> -> memref<1x128x128xf32, #tpu.memory_space<vmem>>
      %dma_wait3A_137 = tpu.memref_squeeze %dma_wait3A_136 : memref<1x128x128xf32, #tpu.memory_space<vmem>> -> memref<128x128xf32, #tpu.memory_space<vmem>>
      %dma_wait3A_138 = arith.constant 0 : i32
      %dma_wait3A_139 = tpu.memref_slice %arg9[%add3A_132, %dma_wait3A_138] : memref<40x128xi32, #tpu.memory_space<vmem>> -> memref<1x128xi32, #tpu.memory_space<vmem>>
      %dma_wait3A_140 = tpu.memref_squeeze %dma_wait3A_139 : memref<1x128xi32, #tpu.memory_space<vmem>> -> memref<128xi32, #tpu.memory_space<vmem>>
      %dma_wait3A_141 = arith.constant 0 : i32
      %dma_wait3A_142 = arith.constant 0 : i32
      %dma_wait3A_143 = tpu.memref_slice %arg2[%dma_wait3A_141, %dma_wait3A_142] : memref<10000x128xf32, #tpu.memory_space<hbm>> -> memref<10000x128xf32, #tpu.memory_space<hbm>>
      tpu.wait_indirect_dma semaphore(%arg11 : memref<!tpu.dma_semaphore, #tpu.memory_space<semaphore_mem>>) src(%dma_wait3A_143 : memref<10000x128xf32, #tpu.memory_space<hbm>>) dst(%dma_wait3A_137 : memref<128x128xf32, #tpu.memory_space<vmem>>)
      %add3A_144 = arith.constant 0 : i32
      %add3A_145 = arith.addi %mul3A_130, %add3A_144 : i32
      %dma_start3A_146 = arith.constant 0 : i32
      %dma_start3A_147 = arith.constant 0 : i32
      %dma_start3A_148 = arith.constant 0 : i32
      %dma_start3A_149 = tpu.memref_slice %arg8[%dma_start3A_146, %dma_start3A_147, %dma_start3A_148] : memref<2x128x128xf32, #tpu.memory_space<vmem>> -> memref<1x128x128xf32, #tpu.memory_space<vmem>>
      %dma_start3A_150 = tpu.memref_squeeze %dma_start3A_149 : memref<1x128x128xf32, #tpu.memory_space<vmem>> -> memref<128x128xf32, #tpu.memory_space<vmem>>
      %dma_start3A_151 = arith.constant 0 : i32
      %dma_start3A_152 = tpu.memref_slice %arg10[%add3A_145, %dma_start3A_151] : memref<40x128xi32, #tpu.memory_space<vmem>> -> memref<1x128xi32, #tpu.memory_space<vmem>>
      %dma_start3A_153 = tpu.memref_squeeze %dma_start3A_152 : memref<1x128xi32, #tpu.memory_space<vmem>> -> memref<128xi32, #tpu.memory_space<vmem>>
      %dma_start3A_154 = arith.constant 0 : i32
      %dma_start3A_155 = arith.constant 0 : i32
      %dma_start3A_156 = tpu.memref_slice %arg7[%dma_start3A_154, %dma_start3A_155] : memref<10240x128xf32, #tpu.memory_space<vmem_shared>> -> memref<10240x128xf32, #tpu.memory_space<vmem_shared>>
      tpu.enqueue_indirect_dma source(%dma_start3A_150 : memref<128x128xf32, #tpu.memory_space<vmem>>) target(%dma_start3A_156 : memref<10240x128xf32, #tpu.memory_space<vmem_shared>>) offsets(%dma_start3A_153 : memref<128xi32, #tpu.memory_space<vmem>>) semaphore(%arg13 : memref<!tpu.dma_semaphore, #tpu.memory_space<semaphore_mem>>) {add = true}
      %add3A_157 = arith.constant 1 : i32
      %add3A_158 = arith.addi %mul3A_130, %add3A_157 : i32
      %dma_wait3A_159 = arith.constant 1 : i32
      %dma_wait3A_160 = arith.constant 0 : i32
      %dma_wait3A_161 = arith.constant 0 : i32
      %dma_wait3A_162 = tpu.memref_slice %arg8[%dma_wait3A_159, %dma_wait3A_160, %dma_wait3A_161] : memref<2x128x128xf32, #tpu.memory_space<vmem>> -> memref<1x128x128xf32, #tpu.memory_space<vmem>>
      %dma_wait3A_163 = tpu.memref_squeeze %dma_wait3A_162 : memref<1x128x128xf32, #tpu.memory_space<vmem>> -> memref<128x128xf32, #tpu.memory_space<vmem>>
      %dma_wait3A_164 = arith.constant 0 : i32
      %dma_wait3A_165 = tpu.memref_slice %arg9[%add3A_158, %dma_wait3A_164] : memref<40x128xi32, #tpu.memory_space<vmem>> -> memref<1x128xi32, #tpu.memory_space<vmem>>
      %dma_wait3A_166 = tpu.memref_squeeze %dma_wait3A_165 : memref<1x128xi32, #tpu.memory_space<vmem>> -> memref<128xi32, #tpu.memory_space<vmem>>
      %dma_wait3A_167 = arith.constant 0 : i32
      %dma_wait3A_168 = arith.constant 0 : i32
      %dma_wait3A_169 = tpu.memref_slice %arg2[%dma_wait3A_167, %dma_wait3A_168] : memref<10000x128xf32, #tpu.memory_space<hbm>> -> memref<10000x128xf32, #tpu.memory_space<hbm>>
      tpu.wait_indirect_dma semaphore(%arg12 : memref<!tpu.dma_semaphore, #tpu.memory_space<semaphore_mem>>) src(%dma_wait3A_169 : memref<10000x128xf32, #tpu.memory_space<hbm>>) dst(%dma_wait3A_163 : memref<128x128xf32, #tpu.memory_space<vmem>>)
      %add3A_170 = arith.constant 1 : i32
      %add3A_171 = arith.addi %mul3A_130, %add3A_170 : i32
      %dma_start3A_172 = arith.constant 1 : i32
      %dma_start3A_173 = arith.constant 0 : i32
      %dma_start3A_174 = arith.constant 0 : i32
      %dma_start3A_175 = tpu.memref_slice %arg8[%dma_start3A_172, %dma_start3A_173, %dma_start3A_174] : memref<2x128x128xf32, #tpu.memory_space<vmem>> -> memref<1x128x128xf32, #tpu.memory_space<vmem>>
      %dma_start3A_176 = tpu.memref_squeeze %dma_start3A_175 : memref<1x128x128xf32, #tpu.memory_space<vmem>> -> memref<128x128xf32, #tpu.memory_space<vmem>>
      %dma_start3A_177 = arith.constant 0 : i32
      %dma_start3A_178 = tpu.memref_slice %arg10[%add3A_171, %dma_start3A_177] : memref<40x128xi32, #tpu.memory_space<vmem>> -> memref<1x128xi32, #tpu.memory_space<vmem>>
      %dma_start3A_179 = tpu.memref_squeeze %dma_start3A_178 : memref<1x128xi32, #tpu.memory_space<vmem>> -> memref<128xi32, #tpu.memory_space<vmem>>
      %dma_start3A_180 = arith.constant 0 : i32
      %dma_start3A_181 = arith.constant 0 : i32
      %dma_start3A_182 = tpu.memref_slice %arg7[%dma_start3A_180, %dma_start3A_181] : memref<10240x128xf32, #tpu.memory_space<vmem_shared>> -> memref<10240x128xf32, #tpu.memory_space<vmem_shared>>
      tpu.enqueue_indirect_dma source(%dma_start3A_176 : memref<128x128xf32, #tpu.memory_space<vmem>>) target(%dma_start3A_182 : memref<10240x128xf32, #tpu.memory_space<vmem_shared>>) offsets(%dma_start3A_179 : memref<128xi32, #tpu.memory_space<vmem>>) semaphore(%arg14 : memref<!tpu.dma_semaphore, #tpu.memory_space<semaphore_mem>>) {add = true}
      %add3A_183 = arith.constant 2 : i32
      %add3A_184 = arith.addi %mul3A_130, %add3A_183 : i32
      %add3A_185 = arith.constant 0 : i32
      %add3A_186 = arith.addi %add3A_184, %add3A_185 : i32
      %lt3A = arith.constant 40 : i32
      %lt3A_187 = arith.cmpi slt, %add3A_186, %lt3A : i32
      %convert_element_type3A = arith.extui %lt3A_187 : i1 to i32
      %cond3A = arith.constant 0 : i32
      %cond3A_188 = arith.cmpi ne, %convert_element_type3A, %cond3A : i32
      scf.if %cond3A_188 {
        %add3A_198 = arith.constant 0 : i32
        %add3A_199 = arith.addi %mul3A_130, %add3A_198 : i32
        %dma_wait3A_200 = arith.constant 0 : i32
        %dma_wait3A_201 = arith.constant 0 : i32
        %dma_wait3A_202 = arith.constant 0 : i32
        %dma_wait3A_203 = tpu.memref_slice %arg8[%dma_wait3A_200, %dma_wait3A_201, %dma_wait3A_202] : memref<2x128x128xf32, #tpu.memory_space<vmem>> -> memref<1x128x128xf32, #tpu.memory_space<vmem>>
        %dma_wait3A_204 = tpu.memref_squeeze %dma_wait3A_203 : memref<1x128x128xf32, #tpu.memory_space<vmem>> -> memref<128x128xf32, #tpu.memory_space<vmem>>
        %dma_wait3A_205 = arith.constant 0 : i32
        %dma_wait3A_206 = tpu.memref_slice %arg10[%add3A_199, %dma_wait3A_205] : memref<40x128xi32, #tpu.memory_space<vmem>> -> memref<1x128xi32, #tpu.memory_space<vmem>>
        %dma_wait3A_207 = tpu.memref_squeeze %dma_wait3A_206 : memref<1x128xi32, #tpu.memory_space<vmem>> -> memref<128xi32, #tpu.memory_space<vmem>>
        %dma_wait3A_208 = arith.constant 0 : i32
        %dma_wait3A_209 = arith.constant 0 : i32
        %dma_wait3A_210 = tpu.memref_slice %arg7[%dma_wait3A_208, %dma_wait3A_209] : memref<10240x128xf32, #tpu.memory_space<vmem_shared>> -> memref<10240x128xf32, #tpu.memory_space<vmem_shared>>
        tpu.wait_indirect_dma semaphore(%arg13 : memref<!tpu.dma_semaphore, #tpu.memory_space<semaphore_mem>>) src(%dma_wait3A_204 : memref<128x128xf32, #tpu.memory_space<vmem>>) dst(%dma_wait3A_210 : memref<10240x128xf32, #tpu.memory_space<vmem_shared>>)
        %dma_start3A_211 = arith.constant 0 : i32
        %dma_start3A_212 = arith.constant 0 : i32
        %dma_start3A_213 = arith.constant 0 : i32
        %dma_start3A_214 = tpu.memref_slice %arg8[%dma_start3A_211, %dma_start3A_212, %dma_start3A_213] : memref<2x128x128xf32, #tpu.memory_space<vmem>> -> memref<1x128x128xf32, #tpu.memory_space<vmem>>
        %dma_start3A_215 = tpu.memref_squeeze %dma_start3A_214 : memref<1x128x128xf32, #tpu.memory_space<vmem>> -> memref<128x128xf32, #tpu.memory_space<vmem>>
        %dma_start3A_216 = arith.constant 0 : i32
        %dma_start3A_217 = tpu.memref_slice %arg9[%add3A_186, %dma_start3A_216] : memref<40x128xi32, #tpu.memory_space<vmem>> -> memref<1x128xi32, #tpu.memory_space<vmem>>
        %dma_start3A_218 = tpu.memref_squeeze %dma_start3A_217 : memref<1x128xi32, #tpu.memory_space<vmem>> -> memref<128xi32, #tpu.memory_space<vmem>>
        %dma_start3A_219 = arith.constant 0 : i32
        %dma_start3A_220 = arith.constant 0 : i32
        %dma_start3A_221 = tpu.memref_slice %arg2[%dma_start3A_219, %dma_start3A_220] : memref<10000x128xf32, #tpu.memory_space<hbm>> -> memref<10000x128xf32, #tpu.memory_space<hbm>>
        tpu.enqueue_indirect_dma source(%dma_start3A_221 : memref<10000x128xf32, #tpu.memory_space<hbm>>) target(%dma_start3A_215 : memref<128x128xf32, #tpu.memory_space<vmem>>) offsets(%dma_start3A_218 : memref<128xi32, #tpu.memory_space<vmem>>) semaphore(%arg11 : memref<!tpu.dma_semaphore, #tpu.memory_space<semaphore_mem>>)
      } else {
      }
      %add3A_189 = arith.constant 2 : i32
      %add3A_190 = arith.addi %mul3A_130, %add3A_189 : i32
      %add3A_191 = arith.constant 1 : i32
      %add3A_192 = arith.addi %add3A_190, %add3A_191 : i32
      %lt3A_193 = arith.constant 40 : i32
      %lt3A_194 = arith.cmpi slt, %add3A_192, %lt3A_193 : i32
      %convert_element_type3A_195 = arith.extui %lt3A_194 : i1 to i32
      %cond3A_196 = arith.constant 0 : i32
      %cond3A_197 = arith.cmpi ne, %convert_element_type3A_195, %cond3A_196 : i32
      scf.if %cond3A_197 {
        %add3A_198 = arith.constant 1 : i32
        %add3A_199 = arith.addi %mul3A_130, %add3A_198 : i32
        %dma_wait3A_200 = arith.constant 1 : i32
        %dma_wait3A_201 = arith.constant 0 : i32
        %dma_wait3A_202 = arith.constant 0 : i32
        %dma_wait3A_203 = tpu.memref_slice %arg8[%dma_wait3A_200, %dma_wait3A_201, %dma_wait3A_202] : memref<2x128x128xf32, #tpu.memory_space<vmem>> -> memref<1x128x128xf32, #tpu.memory_space<vmem>>
        %dma_wait3A_204 = tpu.memref_squeeze %dma_wait3A_203 : memref<1x128x128xf32, #tpu.memory_space<vmem>> -> memref<128x128xf32, #tpu.memory_space<vmem>>
        %dma_wait3A_205 = arith.constant 0 : i32
        %dma_wait3A_206 = tpu.memref_slice %arg10[%add3A_199, %dma_wait3A_205] : memref<40x128xi32, #tpu.memory_space<vmem>> -> memref<1x128xi32, #tpu.memory_space<vmem>>
        %dma_wait3A_207 = tpu.memref_squeeze %dma_wait3A_206 : memref<1x128xi32, #tpu.memory_space<vmem>> -> memref<128xi32, #tpu.memory_space<vmem>>
        %dma_wait3A_208 = arith.constant 0 : i32
        %dma_wait3A_209 = arith.constant 0 : i32
        %dma_wait3A_210 = tpu.memref_slice %arg7[%dma_wait3A_208, %dma_wait3A_209] : memref<10240x128xf32, #tpu.memory_space<vmem_shared>> -> memref<10240x128xf32, #tpu.memory_space<vmem_shared>>
        tpu.wait_indirect_dma semaphore(%arg14 : memref<!tpu.dma_semaphore, #tpu.memory_space<semaphore_mem>>) src(%dma_wait3A_204 : memref<128x128xf32, #tpu.memory_space<vmem>>) dst(%dma_wait3A_210 : memref<10240x128xf32, #tpu.memory_space<vmem_shared>>)
        %dma_start3A_211 = arith.constant 1 : i32
        %dma_start3A_212 = arith.constant 0 : i32
        %dma_start3A_213 = arith.constant 0 : i32
        %dma_start3A_214 = tpu.memref_slice %arg8[%dma_start3A_211, %dma_start3A_212, %dma_start3A_213] : memref<2x128x128xf32, #tpu.memory_space<vmem>> -> memref<1x128x128xf32, #tpu.memory_space<vmem>>
        %dma_start3A_215 = tpu.memref_squeeze %dma_start3A_214 : memref<1x128x128xf32, #tpu.memory_space<vmem>> -> memref<128x128xf32, #tpu.memory_space<vmem>>
        %dma_start3A_216 = arith.constant 0 : i32
        %dma_start3A_217 = tpu.memref_slice %arg9[%add3A_192, %dma_start3A_216] : memref<40x128xi32, #tpu.memory_space<vmem>> -> memref<1x128xi32, #tpu.memory_space<vmem>>
        %dma_start3A_218 = tpu.memref_squeeze %dma_start3A_217 : memref<1x128xi32, #tpu.memory_space<vmem>> -> memref<128xi32, #tpu.memory_space<vmem>>
        %dma_start3A_219 = arith.constant 0 : i32
        %dma_start3A_220 = arith.constant 0 : i32
        %dma_start3A_221 = tpu.memref_slice %arg2[%dma_start3A_219, %dma_start3A_220] : memref<10000x128xf32, #tpu.memory_space<hbm>> -> memref<10000x128xf32, #tpu.memory_space<hbm>>
        tpu.enqueue_indirect_dma source(%dma_start3A_221 : memref<10000x128xf32, #tpu.memory_space<hbm>>) target(%dma_start3A_215 : memref<128x128xf32, #tpu.memory_space<vmem>>) offsets(%dma_start3A_218 : memref<128xi32, #tpu.memory_space<vmem>>) semaphore(%arg12 : memref<!tpu.dma_semaphore, #tpu.memory_space<semaphore_mem>>)
      } else {
      }
    }
    %scan3A_35 = arith.constant 20 : i32
    %dma_wait3A = arith.constant 0 : i32
    %dma_wait3A_36 = arith.constant 38 : i32
    %dma_wait3A_37 = arith.constant 0 : i32
    %dma_wait3A_38 = arith.constant 0 : i32
    %dma_wait3A_39 = tpu.memref_slice %arg8[%dma_wait3A, %dma_wait3A_37, %dma_wait3A_38] : memref<2x128x128xf32, #tpu.memory_space<vmem>> -> memref<1x128x128xf32, #tpu.memory_space<vmem>>
    %dma_wait3A_40 = tpu.memref_squeeze %dma_wait3A_39 : memref<1x128x128xf32, #tpu.memory_space<vmem>> -> memref<128x128xf32, #tpu.memory_space<vmem>>
    %dma_wait3A_41 = arith.constant 0 : i32
    %dma_wait3A_42 = tpu.memref_slice %arg10[%dma_wait3A_36, %dma_wait3A_41] : memref<40x128xi32, #tpu.memory_space<vmem>> -> memref<1x128xi32, #tpu.memory_space<vmem>>
    %dma_wait3A_43 = tpu.memref_squeeze %dma_wait3A_42 : memref<1x128xi32, #tpu.memory_space<vmem>> -> memref<128xi32, #tpu.memory_space<vmem>>
    %dma_wait3A_44 = arith.constant 0 : i32
    %dma_wait3A_45 = arith.constant 0 : i32
    %dma_wait3A_46 = tpu.memref_slice %arg7[%dma_wait3A_44, %dma_wait3A_45] : memref<10240x128xf32, #tpu.memory_space<vmem_shared>> -> memref<10240x128xf32, #tpu.memory_space<vmem_shared>>
    tpu.wait_indirect_dma semaphore(%arg13 : memref<!tpu.dma_semaphore, #tpu.memory_space<semaphore_mem>>) src(%dma_wait3A_40 : memref<128x128xf32, #tpu.memory_space<vmem>>) dst(%dma_wait3A_46 : memref<10240x128xf32, #tpu.memory_space<vmem_shared>>)
    %dma_wait3A_47 = arith.constant 1 : i32
    %dma_wait3A_48 = arith.constant 39 : i32
    %dma_wait3A_49 = arith.constant 0 : i32
    %dma_wait3A_50 = arith.constant 0 : i32
    %dma_wait3A_51 = tpu.memref_slice %arg8[%dma_wait3A_47, %dma_wait3A_49, %dma_wait3A_50] : memref<2x128x128xf32, #tpu.memory_space<vmem>> -> memref<1x128x128xf32, #tpu.memory_space<vmem>>
    %dma_wait3A_52 = tpu.memref_squeeze %dma_wait3A_51 : memref<1x128x128xf32, #tpu.memory_space<vmem>> -> memref<128x128xf32, #tpu.memory_space<vmem>>
    %dma_wait3A_53 = arith.constant 0 : i32
    %dma_wait3A_54 = tpu.memref_slice %arg10[%dma_wait3A_48, %dma_wait3A_53] : memref<40x128xi32, #tpu.memory_space<vmem>> -> memref<1x128xi32, #tpu.memory_space<vmem>>
    %dma_wait3A_55 = tpu.memref_squeeze %dma_wait3A_54 : memref<1x128xi32, #tpu.memory_space<vmem>> -> memref<128xi32, #tpu.memory_space<vmem>>
    %dma_wait3A_56 = arith.constant 0 : i32
    %dma_wait3A_57 = arith.constant 0 : i32
    %dma_wait3A_58 = tpu.memref_slice %arg7[%dma_wait3A_56, %dma_wait3A_57] : memref<10240x128xf32, #tpu.memory_space<vmem_shared>> -> memref<10240x128xf32, #tpu.memory_space<vmem_shared>>
    tpu.wait_indirect_dma semaphore(%arg14 : memref<!tpu.dma_semaphore, #tpu.memory_space<semaphore_mem>>) src(%dma_wait3A_52 : memref<128x128xf32, #tpu.memory_space<vmem>>) dst(%dma_wait3A_58 : memref<10240x128xf32, #tpu.memory_space<vmem_shared>>)
    %mul3A_59 = arith.constant 16 : i32
    %mul3A_60 = arith.muli %arg0, %mul3A_59 : i32
    %add3A_61 = arith.addi %mul3A_60, %arg1 : i32
    %mul3A_62 = arith.constant 80 : i32
    %mul3A_63 = arith.muli %add3A_61, %mul3A_62 : i32
    %add3A_64 = arith.constant 40 : i32
    %add3A_65 = arith.addi %mul3A_63, %add3A_64 : i32
    "tpu.region"() ({
      %run_scoped3A = tpu.sem_alloc : memref<!tpu.dma_semaphore, #tpu.memory_space<semaphore_mem>>
      %dma_start3A_124 = arith.constant 0 : i32
      %dma_start3A_125 = tpu.memref_slice %arg3[%add3A_65, %dma_start3A_124] : memref<2560x128xi32, #tpu.memory_space<hbm>> -> memref<40x128xi32, #tpu.memory_space<hbm>>
      %dma_start3A_126 = arith.constant 0 : i32
      %dma_start3A_127 = tpu.memref_slice %arg3[%add3A_65, %dma_start3A_126] : memref<2560x128xi32, #tpu.memory_space<hbm>> -> memref<40x128xi32, #tpu.memory_space<hbm>>
      tpu.enqueue_dma source(%dma_start3A_127 : memref<40x128xi32, #tpu.memory_space<hbm>>) target(%arg9 : memref<40x128xi32, #tpu.memory_space<vmem>>) target_semaphore(%run_scoped3A : memref<!tpu.dma_semaphore, #tpu.memory_space<semaphore_mem>>)
      %dma_wait3A_128 = arith.constant 0 : i32
      %dma_wait3A_129 = tpu.memref_slice %arg3[%add3A_65, %dma_wait3A_128] : memref<2560x128xi32, #tpu.memory_space<hbm>> -> memref<40x128xi32, #tpu.memory_space<hbm>>
      %dma_wait3A_130 = arith.constant 0 : i32
      %dma_wait3A_131 = tpu.memref_slice %arg3[%add3A_65, %dma_wait3A_130] : memref<2560x128xi32, #tpu.memory_space<hbm>> -> memref<40x128xi32, #tpu.memory_space<hbm>>
      tpu.wait_dma2 semaphore(%run_scoped3A : memref<!tpu.dma_semaphore, #tpu.memory_space<semaphore_mem>>) src(%dma_wait3A_131 : memref<40x128xi32, #tpu.memory_space<hbm>>) dst(%arg9 : memref<40x128xi32, #tpu.memory_space<vmem>>)
      tpu.yield
    }) : () -> ()
    "tpu.region"() ({
      %run_scoped3A = tpu.sem_alloc : memref<!tpu.dma_semaphore, #tpu.memory_space<semaphore_mem>>
      %dma_start3A_124 = arith.constant 0 : i32
      %dma_start3A_125 = tpu.memref_slice %arg4[%add3A_65, %dma_start3A_124] : memref<2560x128xi32, #tpu.memory_space<hbm>> -> memref<40x128xi32, #tpu.memory_space<hbm>>
      %dma_start3A_126 = arith.constant 0 : i32
      %dma_start3A_127 = tpu.memref_slice %arg4[%add3A_65, %dma_start3A_126] : memref<2560x128xi32, #tpu.memory_space<hbm>> -> memref<40x128xi32, #tpu.memory_space<hbm>>
      tpu.enqueue_dma source(%dma_start3A_127 : memref<40x128xi32, #tpu.memory_space<hbm>>) target(%arg10 : memref<40x128xi32, #tpu.memory_space<vmem>>) target_semaphore(%run_scoped3A : memref<!tpu.dma_semaphore, #tpu.memory_space<semaphore_mem>>)
      %dma_wait3A_128 = arith.constant 0 : i32
      %dma_wait3A_129 = tpu.memref_slice %arg4[%add3A_65, %dma_wait3A_128] : memref<2560x128xi32, #tpu.memory_space<hbm>> -> memref<40x128xi32, #tpu.memory_space<hbm>>
      %dma_wait3A_130 = arith.constant 0 : i32
      %dma_wait3A_131 = tpu.memref_slice %arg4[%add3A_65, %dma_wait3A_130] : memref<2560x128xi32, #tpu.memory_space<hbm>> -> memref<40x128xi32, #tpu.memory_space<hbm>>
      tpu.wait_dma2 semaphore(%run_scoped3A : memref<!tpu.dma_semaphore, #tpu.memory_space<semaphore_mem>>) src(%dma_wait3A_131 : memref<40x128xi32, #tpu.memory_space<hbm>>) dst(%arg10 : memref<40x128xi32, #tpu.memory_space<vmem>>)
      tpu.yield
    }) : () -> ()
    %dma_start3A_66 = arith.constant 0 : i32
    %dma_start3A_67 = arith.constant 0 : i32
    %dma_start3A_68 = arith.constant 0 : i32
    %dma_start3A_69 = arith.constant 0 : i32
    %dma_start3A_70 = tpu.memref_slice %arg8[%dma_start3A_67, %dma_start3A_68, %dma_start3A_69] : memref<2x128x128xf32, #tpu.memory_space<vmem>> -> memref<1x128x128xf32, #tpu.memory_space<vmem>>
    %dma_start3A_71 = tpu.memref_squeeze %dma_start3A_70 : memref<1x128x128xf32, #tpu.memory_space<vmem>> -> memref<128x128xf32, #tpu.memory_space<vmem>>
    %dma_start3A_72 = arith.constant 0 : i32
    %dma_start3A_73 = tpu.memref_slice %arg9[%dma_start3A_66, %dma_start3A_72] : memref<40x128xi32, #tpu.memory_space<vmem>> -> memref<1x128xi32, #tpu.memory_space<vmem>>
    %dma_start3A_74 = tpu.memref_squeeze %dma_start3A_73 : memref<1x128xi32, #tpu.memory_space<vmem>> -> memref<128xi32, #tpu.memory_space<vmem>>
    %dma_start3A_75 = arith.constant 0 : i32
    %dma_start3A_76 = arith.constant 0 : i32
    %dma_start3A_77 = tpu.memref_slice %arg2[%dma_start3A_75, %dma_start3A_76] : memref<10000x128xf32, #tpu.memory_space<hbm>> -> memref<10000x128xf32, #tpu.memory_space<hbm>>
    tpu.enqueue_indirect_dma source(%dma_start3A_77 : memref<10000x128xf32, #tpu.memory_space<hbm>>) target(%dma_start3A_71 : memref<128x128xf32, #tpu.memory_space<vmem>>) offsets(%dma_start3A_74 : memref<128xi32, #tpu.memory_space<vmem>>) semaphore(%arg11 : memref<!tpu.dma_semaphore, #tpu.memory_space<semaphore_mem>>)
    %dma_start3A_78 = arith.constant 1 : i32
    %dma_start3A_79 = arith.constant 1 : i32
    %dma_start3A_80 = arith.constant 0 : i32
    %dma_start3A_81 = arith.constant 0 : i32
    %dma_start3A_82 = tpu.memref_slice %arg8[%dma_start3A_79, %dma_start3A_80, %dma_start3A_81] : memref<2x128x128xf32, #tpu.memory_space<vmem>> -> memref<1x128x128xf32, #tpu.memory_space<vmem>>
    %dma_start3A_83 = tpu.memref_squeeze %dma_start3A_82 : memref<1x128x128xf32, #tpu.memory_space<vmem>> -> memref<128x128xf32, #tpu.memory_space<vmem>>
    %dma_start3A_84 = arith.constant 0 : i32
    %dma_start3A_85 = tpu.memref_slice %arg9[%dma_start3A_78, %dma_start3A_84] : memref<40x128xi32, #tpu.memory_space<vmem>> -> memref<1x128xi32, #tpu.memory_space<vmem>>
    %dma_start3A_86 = tpu.memref_squeeze %dma_start3A_85 : memref<1x128xi32, #tpu.memory_space<vmem>> -> memref<128xi32, #tpu.memory_space<vmem>>
    %dma_start3A_87 = arith.constant 0 : i32
    %dma_start3A_88 = arith.constant 0 : i32
    %dma_start3A_89 = tpu.memref_slice %arg2[%dma_start3A_87, %dma_start3A_88] : memref<10000x128xf32, #tpu.memory_space<hbm>> -> memref<10000x128xf32, #tpu.memory_space<hbm>>
    tpu.enqueue_indirect_dma source(%dma_start3A_89 : memref<10000x128xf32, #tpu.memory_space<hbm>>) target(%dma_start3A_83 : memref<128x128xf32, #tpu.memory_space<vmem>>) offsets(%dma_start3A_86 : memref<128xi32, #tpu.memory_space<vmem>>) semaphore(%arg12 : memref<!tpu.dma_semaphore, #tpu.memory_space<semaphore_mem>>)
    %scan3A_90 = arith.constant 0 : i32
    %scan3A_91 = arith.constant 20 : i32
    %scan3A_92 = arith.addi %scan3A_90, %scan3A_91 : i32
    %scan3A_93 = arith.constant 1 : i32
    scf.for %scan3A_124 = %scan3A_90 to %scan3A_92 step %scan3A_93  : i32 {
      %mul3A_125 = arith.constant 1 : i32
      %mul3A_126 = arith.muli %scan3A_124, %mul3A_125 : i32
      %add3A_127 = arith.constant 0 : i32
      %add3A_128 = arith.addi %add3A_127, %mul3A_126 : i32
      %mul3A_129 = arith.constant 2 : i32
      %mul3A_130 = arith.muli %add3A_128, %mul3A_129 : i32
      %add3A_131 = arith.constant 0 : i32
      %add3A_132 = arith.addi %mul3A_130, %add3A_131 : i32
      %dma_wait3A_133 = arith.constant 0 : i32
      %dma_wait3A_134 = arith.constant 0 : i32
      %dma_wait3A_135 = arith.constant 0 : i32
      %dma_wait3A_136 = tpu.memref_slice %arg8[%dma_wait3A_133, %dma_wait3A_134, %dma_wait3A_135] : memref<2x128x128xf32, #tpu.memory_space<vmem>> -> memref<1x128x128xf32, #tpu.memory_space<vmem>>
      %dma_wait3A_137 = tpu.memref_squeeze %dma_wait3A_136 : memref<1x128x128xf32, #tpu.memory_space<vmem>> -> memref<128x128xf32, #tpu.memory_space<vmem>>
      %dma_wait3A_138 = arith.constant 0 : i32
      %dma_wait3A_139 = tpu.memref_slice %arg9[%add3A_132, %dma_wait3A_138] : memref<40x128xi32, #tpu.memory_space<vmem>> -> memref<1x128xi32, #tpu.memory_space<vmem>>
      %dma_wait3A_140 = tpu.memref_squeeze %dma_wait3A_139 : memref<1x128xi32, #tpu.memory_space<vmem>> -> memref<128xi32, #tpu.memory_space<vmem>>
      %dma_wait3A_141 = arith.constant 0 : i32
      %dma_wait3A_142 = arith.constant 0 : i32
      %dma_wait3A_143 = tpu.memref_slice %arg2[%dma_wait3A_141, %dma_wait3A_142] : memref<10000x128xf32, #tpu.memory_space<hbm>> -> memref<10000x128xf32, #tpu.memory_space<hbm>>
      tpu.wait_indirect_dma semaphore(%arg11 : memref<!tpu.dma_semaphore, #tpu.memory_space<semaphore_mem>>) src(%dma_wait3A_143 : memref<10000x128xf32, #tpu.memory_space<hbm>>) dst(%dma_wait3A_137 : memref<128x128xf32, #tpu.memory_space<vmem>>)
      %add3A_144 = arith.constant 0 : i32
      %add3A_145 = arith.addi %mul3A_130, %add3A_144 : i32
      %dma_start3A_146 = arith.constant 0 : i32
      %dma_start3A_147 = arith.constant 0 : i32
      %dma_start3A_148 = arith.constant 0 : i32
      %dma_start3A_149 = tpu.memref_slice %arg8[%dma_start3A_146, %dma_start3A_147, %dma_start3A_148] : memref<2x128x128xf32, #tpu.memory_space<vmem>> -> memref<1x128x128xf32, #tpu.memory_space<vmem>>
      %dma_start3A_150 = tpu.memref_squeeze %dma_start3A_149 : memref<1x128x128xf32, #tpu.memory_space<vmem>> -> memref<128x128xf32, #tpu.memory_space<vmem>>
      %dma_start3A_151 = arith.constant 0 : i32
      %dma_start3A_152 = tpu.memref_slice %arg10[%add3A_145, %dma_start3A_151] : memref<40x128xi32, #tpu.memory_space<vmem>> -> memref<1x128xi32, #tpu.memory_space<vmem>>
      %dma_start3A_153 = tpu.memref_squeeze %dma_start3A_152 : memref<1x128xi32, #tpu.memory_space<vmem>> -> memref<128xi32, #tpu.memory_space<vmem>>
      %dma_start3A_154 = arith.constant 0 : i32
      %dma_start3A_155 = arith.constant 0 : i32
      %dma_start3A_156 = tpu.memref_slice %arg7[%dma_start3A_154, %dma_start3A_155] : memref<10240x128xf32, #tpu.memory_space<vmem_shared>> -> memref<10240x128xf32, #tpu.memory_space<vmem_shared>>
      tpu.enqueue_indirect_dma source(%dma_start3A_150 : memref<128x128xf32, #tpu.memory_space<vmem>>) target(%dma_start3A_156 : memref<10240x128xf32, #tpu.memory_space<vmem_shared>>) offsets(%dma_start3A_153 : memref<128xi32, #tpu.memory_space<vmem>>) semaphore(%arg13 : memref<!tpu.dma_semaphore, #tpu.memory_space<semaphore_mem>>) {add = true}
      %add3A_157 = arith.constant 1 : i32
      %add3A_158 = arith.addi %mul3A_130, %add3A_157 : i32
      %dma_wait3A_159 = arith.constant 1 : i32
      %dma_wait3A_160 = arith.constant 0 : i32
      %dma_wait3A_161 = arith.constant 0 : i32
      %dma_wait3A_162 = tpu.memref_slice %arg8[%dma_wait3A_159, %dma_wait3A_160, %dma_wait3A_161] : memref<2x128x128xf32, #tpu.memory_space<vmem>> -> memref<1x128x128xf32, #tpu.memory_space<vmem>>
      %dma_wait3A_163 = tpu.memref_squeeze %dma_wait3A_162 : memref<1x128x128xf32, #tpu.memory_space<vmem>> -> memref<128x128xf32, #tpu.memory_space<vmem>>
      %dma_wait3A_164 = arith.constant 0 : i32
      %dma_wait3A_165 = tpu.memref_slice %arg9[%add3A_158, %dma_wait3A_164] : memref<40x128xi32, #tpu.memory_space<vmem>> -> memref<1x128xi32, #tpu.memory_space<vmem>>
      %dma_wait3A_166 = tpu.memref_squeeze %dma_wait3A_165 : memref<1x128xi32, #tpu.memory_space<vmem>> -> memref<128xi32, #tpu.memory_space<vmem>>
      %dma_wait3A_167 = arith.constant 0 : i32
      %dma_wait3A_168 = arith.constant 0 : i32
      %dma_wait3A_169 = tpu.memref_slice %arg2[%dma_wait3A_167, %dma_wait3A_168] : memref<10000x128xf32, #tpu.memory_space<hbm>> -> memref<10000x128xf32, #tpu.memory_space<hbm>>
      tpu.wait_indirect_dma semaphore(%arg12 : memref<!tpu.dma_semaphore, #tpu.memory_space<semaphore_mem>>) src(%dma_wait3A_169 : memref<10000x128xf32, #tpu.memory_space<hbm>>) dst(%dma_wait3A_163 : memref<128x128xf32, #tpu.memory_space<vmem>>)
      %add3A_170 = arith.constant 1 : i32
      %add3A_171 = arith.addi %mul3A_130, %add3A_170 : i32
      %dma_start3A_172 = arith.constant 1 : i32
      %dma_start3A_173 = arith.constant 0 : i32
      %dma_start3A_174 = arith.constant 0 : i32
      %dma_start3A_175 = tpu.memref_slice %arg8[%dma_start3A_172, %dma_start3A_173, %dma_start3A_174] : memref<2x128x128xf32, #tpu.memory_space<vmem>> -> memref<1x128x128xf32, #tpu.memory_space<vmem>>
      %dma_start3A_176 = tpu.memref_squeeze %dma_start3A_175 : memref<1x128x128xf32, #tpu.memory_space<vmem>> -> memref<128x128xf32, #tpu.memory_space<vmem>>
      %dma_start3A_177 = arith.constant 0 : i32
      %dma_start3A_178 = tpu.memref_slice %arg10[%add3A_171, %dma_start3A_177] : memref<40x128xi32, #tpu.memory_space<vmem>> -> memref<1x128xi32, #tpu.memory_space<vmem>>
      %dma_start3A_179 = tpu.memref_squeeze %dma_start3A_178 : memref<1x128xi32, #tpu.memory_space<vmem>> -> memref<128xi32, #tpu.memory_space<vmem>>
      %dma_start3A_180 = arith.constant 0 : i32
      %dma_start3A_181 = arith.constant 0 : i32
      %dma_start3A_182 = tpu.memref_slice %arg7[%dma_start3A_180, %dma_start3A_181] : memref<10240x128xf32, #tpu.memory_space<vmem_shared>> -> memref<10240x128xf32, #tpu.memory_space<vmem_shared>>
      tpu.enqueue_indirect_dma source(%dma_start3A_176 : memref<128x128xf32, #tpu.memory_space<vmem>>) target(%dma_start3A_182 : memref<10240x128xf32, #tpu.memory_space<vmem_shared>>) offsets(%dma_start3A_179 : memref<128xi32, #tpu.memory_space<vmem>>) semaphore(%arg14 : memref<!tpu.dma_semaphore, #tpu.memory_space<semaphore_mem>>) {add = true}
      %add3A_183 = arith.constant 2 : i32
      %add3A_184 = arith.addi %mul3A_130, %add3A_183 : i32
      %add3A_185 = arith.constant 0 : i32
      %add3A_186 = arith.addi %add3A_184, %add3A_185 : i32
      %lt3A = arith.constant 40 : i32
      %lt3A_187 = arith.cmpi slt, %add3A_186, %lt3A : i32
      %convert_element_type3A = arith.extui %lt3A_187 : i1 to i32
      %cond3A = arith.constant 0 : i32
      %cond3A_188 = arith.cmpi ne, %convert_element_type3A, %cond3A : i32
      scf.if %cond3A_188 {
        %add3A_198 = arith.constant 0 : i32
        %add3A_199 = arith.addi %mul3A_130, %add3A_198 : i32
        %dma_wait3A_200 = arith.constant 0 : i32
        %dma_wait3A_201 = arith.constant 0 : i32
        %dma_wait3A_202 = arith.constant 0 : i32
        %dma_wait3A_203 = tpu.memref_slice %arg8[%dma_wait3A_200, %dma_wait3A_201, %dma_wait3A_202] : memref<2x128x128xf32, #tpu.memory_space<vmem>> -> memref<1x128x128xf32, #tpu.memory_space<vmem>>
        %dma_wait3A_204 = tpu.memref_squeeze %dma_wait3A_203 : memref<1x128x128xf32, #tpu.memory_space<vmem>> -> memref<128x128xf32, #tpu.memory_space<vmem>>
        %dma_wait3A_205 = arith.constant 0 : i32
        %dma_wait3A_206 = tpu.memref_slice %arg10[%add3A_199, %dma_wait3A_205] : memref<40x128xi32, #tpu.memory_space<vmem>> -> memref<1x128xi32, #tpu.memory_space<vmem>>
        %dma_wait3A_207 = tpu.memref_squeeze %dma_wait3A_206 : memref<1x128xi32, #tpu.memory_space<vmem>> -> memref<128xi32, #tpu.memory_space<vmem>>
        %dma_wait3A_208 = arith.constant 0 : i32
        %dma_wait3A_209 = arith.constant 0 : i32
        %dma_wait3A_210 = tpu.memref_slice %arg7[%dma_wait3A_208, %dma_wait3A_209] : memref<10240x128xf32, #tpu.memory_space<vmem_shared>> -> memref<10240x128xf32, #tpu.memory_space<vmem_shared>>
        tpu.wait_indirect_dma semaphore(%arg13 : memref<!tpu.dma_semaphore, #tpu.memory_space<semaphore_mem>>) src(%dma_wait3A_204 : memref<128x128xf32, #tpu.memory_space<vmem>>) dst(%dma_wait3A_210 : memref<10240x128xf32, #tpu.memory_space<vmem_shared>>)
        %dma_start3A_211 = arith.constant 0 : i32
        %dma_start3A_212 = arith.constant 0 : i32
        %dma_start3A_213 = arith.constant 0 : i32
        %dma_start3A_214 = tpu.memref_slice %arg8[%dma_start3A_211, %dma_start3A_212, %dma_start3A_213] : memref<2x128x128xf32, #tpu.memory_space<vmem>> -> memref<1x128x128xf32, #tpu.memory_space<vmem>>
        %dma_start3A_215 = tpu.memref_squeeze %dma_start3A_214 : memref<1x128x128xf32, #tpu.memory_space<vmem>> -> memref<128x128xf32, #tpu.memory_space<vmem>>
        %dma_start3A_216 = arith.constant 0 : i32
        %dma_start3A_217 = tpu.memref_slice %arg9[%add3A_186, %dma_start3A_216] : memref<40x128xi32, #tpu.memory_space<vmem>> -> memref<1x128xi32, #tpu.memory_space<vmem>>
        %dma_start3A_218 = tpu.memref_squeeze %dma_start3A_217 : memref<1x128xi32, #tpu.memory_space<vmem>> -> memref<128xi32, #tpu.memory_space<vmem>>
        %dma_start3A_219 = arith.constant 0 : i32
        %dma_start3A_220 = arith.constant 0 : i32
        %dma_start3A_221 = tpu.memref_slice %arg2[%dma_start3A_219, %dma_start3A_220] : memref<10000x128xf32, #tpu.memory_space<hbm>> -> memref<10000x128xf32, #tpu.memory_space<hbm>>
        tpu.enqueue_indirect_dma source(%dma_start3A_221 : memref<10000x128xf32, #tpu.memory_space<hbm>>) target(%dma_start3A_215 : memref<128x128xf32, #tpu.memory_space<vmem>>) offsets(%dma_start3A_218 : memref<128xi32, #tpu.memory_space<vmem>>) semaphore(%arg11 : memref<!tpu.dma_semaphore, #tpu.memory_space<semaphore_mem>>)
      } else {
      }
      %add3A_189 = arith.constant 2 : i32
      %add3A_190 = arith.addi %mul3A_130, %add3A_189 : i32
      %add3A_191 = arith.constant 1 : i32
      %add3A_192 = arith.addi %add3A_190, %add3A_191 : i32
      %lt3A_193 = arith.constant 40 : i32
      %lt3A_194 = arith.cmpi slt, %add3A_192, %lt3A_193 : i32
      %convert_element_type3A_195 = arith.extui %lt3A_194 : i1 to i32
      %cond3A_196 = arith.constant 0 : i32
      %cond3A_197 = arith.cmpi ne, %convert_element_type3A_195, %cond3A_196 : i32
      scf.if %cond3A_197 {
        %add3A_198 = arith.constant 1 : i32
        %add3A_199 = arith.addi %mul3A_130, %add3A_198 : i32
        %dma_wait3A_200 = arith.constant 1 : i32
        %dma_wait3A_201 = arith.constant 0 : i32
        %dma_wait3A_202 = arith.constant 0 : i32
        %dma_wait3A_203 = tpu.memref_slice %arg8[%dma_wait3A_200, %dma_wait3A_201, %dma_wait3A_202] : memref<2x128x128xf32, #tpu.memory_space<vmem>> -> memref<1x128x128xf32, #tpu.memory_space<vmem>>
        %dma_wait3A_204 = tpu.memref_squeeze %dma_wait3A_203 : memref<1x128x128xf32, #tpu.memory_space<vmem>> -> memref<128x128xf32, #tpu.memory_space<vmem>>
        %dma_wait3A_205 = arith.constant 0 : i32
        %dma_wait3A_206 = tpu.memref_slice %arg10[%add3A_199, %dma_wait3A_205] : memref<40x128xi32, #tpu.memory_space<vmem>> -> memref<1x128xi32, #tpu.memory_space<vmem>>
        %dma_wait3A_207 = tpu.memref_squeeze %dma_wait3A_206 : memref<1x128xi32, #tpu.memory_space<vmem>> -> memref<128xi32, #tpu.memory_space<vmem>>
        %dma_wait3A_208 = arith.constant 0 : i32
        %dma_wait3A_209 = arith.constant 0 : i32
        %dma_wait3A_210 = tpu.memref_slice %arg7[%dma_wait3A_208, %dma_wait3A_209] : memref<10240x128xf32, #tpu.memory_space<vmem_shared>> -> memref<10240x128xf32, #tpu.memory_space<vmem_shared>>
        tpu.wait_indirect_dma semaphore(%arg14 : memref<!tpu.dma_semaphore, #tpu.memory_space<semaphore_mem>>) src(%dma_wait3A_204 : memref<128x128xf32, #tpu.memory_space<vmem>>) dst(%dma_wait3A_210 : memref<10240x128xf32, #tpu.memory_space<vmem_shared>>)
        %dma_start3A_211 = arith.constant 1 : i32
        %dma_start3A_212 = arith.constant 0 : i32
        %dma_start3A_213 = arith.constant 0 : i32
        %dma_start3A_214 = tpu.memref_slice %arg8[%dma_start3A_211, %dma_start3A_212, %dma_start3A_213] : memref<2x128x128xf32, #tpu.memory_space<vmem>> -> memref<1x128x128xf32, #tpu.memory_space<vmem>>
        %dma_start3A_215 = tpu.memref_squeeze %dma_start3A_214 : memref<1x128x128xf32, #tpu.memory_space<vmem>> -> memref<128x128xf32, #tpu.memory_space<vmem>>
        %dma_start3A_216 = arith.constant 0 : i32
        %dma_start3A_217 = tpu.memref_slice %arg9[%add3A_192, %dma_start3A_216] : memref<40x128xi32, #tpu.memory_space<vmem>> -> memref<1x128xi32, #tpu.memory_space<vmem>>
        %dma_start3A_218 = tpu.memref_squeeze %dma_start3A_217 : memref<1x128xi32, #tpu.memory_space<vmem>> -> memref<128xi32, #tpu.memory_space<vmem>>
        %dma_start3A_219 = arith.constant 0 : i32
        %dma_start3A_220 = arith.constant 0 : i32
        %dma_start3A_221 = tpu.memref_slice %arg2[%dma_start3A_219, %dma_start3A_220] : memref<10000x128xf32, #tpu.memory_space<hbm>> -> memref<10000x128xf32, #tpu.memory_space<hbm>>
        tpu.enqueue_indirect_dma source(%dma_start3A_221 : memref<10000x128xf32, #tpu.memory_space<hbm>>) target(%dma_start3A_215 : memref<128x128xf32, #tpu.memory_space<vmem>>) offsets(%dma_start3A_218 : memref<128xi32, #tpu.memory_space<vmem>>) semaphore(%arg12 : memref<!tpu.dma_semaphore, #tpu.memory_space<semaphore_mem>>)
      } else {
      }
    }
    %scan3A_94 = arith.constant 20 : i32
    %dma_wait3A_95 = arith.constant 0 : i32
    %dma_wait3A_96 = arith.constant 38 : i32
    %dma_wait3A_97 = arith.constant 0 : i32
    %dma_wait3A_98 = arith.constant 0 : i32
    %dma_wait3A_99 = tpu.memref_slice %arg8[%dma_wait3A_95, %dma_wait3A_97, %dma_wait3A_98] : memref<2x128x128xf32, #tpu.memory_space<vmem>> -> memref<1x128x128xf32, #tpu.memory_space<vmem>>
    %dma_wait3A_100 = tpu.memref_squeeze %dma_wait3A_99 : memref<1x128x128xf32, #tpu.memory_space<vmem>> -> memref<128x128xf32, #tpu.memory_space<vmem>>
    %dma_wait3A_101 = arith.constant 0 : i32
    %dma_wait3A_102 = tpu.memref_slice %arg10[%dma_wait3A_96, %dma_wait3A_101] : memref<40x128xi32, #tpu.memory_space<vmem>> -> memref<1x128xi32, #tpu.memory_space<vmem>>
    %dma_wait3A_103 = tpu.memref_squeeze %dma_wait3A_102 : memref<1x128xi32, #tpu.memory_space<vmem>> -> memref<128xi32, #tpu.memory_space<vmem>>
    %dma_wait3A_104 = arith.constant 0 : i32
    %dma_wait3A_105 = arith.constant 0 : i32
    %dma_wait3A_106 = tpu.memref_slice %arg7[%dma_wait3A_104, %dma_wait3A_105] : memref<10240x128xf32, #tpu.memory_space<vmem_shared>> -> memref<10240x128xf32, #tpu.memory_space<vmem_shared>>
    tpu.wait_indirect_dma semaphore(%arg13 : memref<!tpu.dma_semaphore, #tpu.memory_space<semaphore_mem>>) src(%dma_wait3A_100 : memref<128x128xf32, #tpu.memory_space<vmem>>) dst(%dma_wait3A_106 : memref<10240x128xf32, #tpu.memory_space<vmem_shared>>)
    %dma_wait3A_107 = arith.constant 1 : i32
    %dma_wait3A_108 = arith.constant 39 : i32
    %dma_wait3A_109 = arith.constant 0 : i32
    %dma_wait3A_110 = arith.constant 0 : i32
    %dma_wait3A_111 = tpu.memref_slice %arg8[%dma_wait3A_107, %dma_wait3A_109, %dma_wait3A_110] : memref<2x128x128xf32, #tpu.memory_space<vmem>> -> memref<1x128x128xf32, #tpu.memory_space<vmem>>
    %dma_wait3A_112 = tpu.memref_squeeze %dma_wait3A_111 : memref<1x128x128xf32, #tpu.memory_space<vmem>> -> memref<128x128xf32, #tpu.memory_space<vmem>>
    %dma_wait3A_113 = arith.constant 0 : i32
    %dma_wait3A_114 = tpu.memref_slice %arg10[%dma_wait3A_108, %dma_wait3A_113] : memref<40x128xi32, #tpu.memory_space<vmem>> -> memref<1x128xi32, #tpu.memory_space<vmem>>
    %dma_wait3A_115 = tpu.memref_squeeze %dma_wait3A_114 : memref<1x128xi32, #tpu.memory_space<vmem>> -> memref<128xi32, #tpu.memory_space<vmem>>
    %dma_wait3A_116 = arith.constant 0 : i32
    %dma_wait3A_117 = arith.constant 0 : i32
    %dma_wait3A_118 = tpu.memref_slice %arg7[%dma_wait3A_116, %dma_wait3A_117] : memref<10240x128xf32, #tpu.memory_space<vmem_shared>> -> memref<10240x128xf32, #tpu.memory_space<vmem_shared>>
    tpu.wait_indirect_dma semaphore(%arg14 : memref<!tpu.dma_semaphore, #tpu.memory_space<semaphore_mem>>) src(%dma_wait3A_112 : memref<128x128xf32, #tpu.memory_space<vmem>>) dst(%dma_wait3A_118 : memref<10240x128xf32, #tpu.memory_space<vmem_shared>>)
    %barrier3A_119 = arith.constant 0 : index
    tpu.barrier barrier_id(%barrier3A_119)
    %mul3A_120 = arith.constant 640 : i32
    %mul3A_121 = arith.muli %arg1, %mul3A_120 : i32
    %mul3A_122 = arith.constant 640 : i32
    %mul3A_123 = arith.muli %arg1, %mul3A_122 : i32
    "tpu.region"() ({
      %run_scoped3A = tpu.sem_alloc : memref<!tpu.dma_semaphore, #tpu.memory_space<semaphore_mem>>
      %dma_start3A_124 = arith.constant 0 : i32
      %dma_start3A_125 = arith.constant 0 : i32
      %dma_start3A_126 = tpu.memref_slice %arg6[%arg0, %dma_start3A_124, %dma_start3A_125] : memref<2x10240x128xf32, #tpu.memory_space<hbm>> -> memref<1x10240x128xf32, #tpu.memory_space<hbm>>
      %dma_start3A_127 = tpu.memref_squeeze %dma_start3A_126 : memref<1x10240x128xf32, #tpu.memory_space<hbm>> -> memref<10240x128xf32, #tpu.memory_space<hbm>>
      %dma_start3A_128 = arith.constant 0 : i32
      %dma_start3A_129 = tpu.memref_slice %dma_start3A_127[%mul3A_123, %dma_start3A_128] : memref<10240x128xf32, #tpu.memory_space<hbm>> -> memref<640x128xf32, #tpu.memory_space<hbm>>
      %dma_start3A_130 = arith.constant 0 : i32
      %dma_start3A_131 = tpu.memref_slice %arg7[%mul3A_121, %dma_start3A_130] : memref<10240x128xf32, #tpu.memory_space<vmem_shared>> -> memref<640x128xf32, #tpu.memory_space<vmem_shared>>
      tpu.enqueue_dma source(%dma_start3A_131 : memref<640x128xf32, #tpu.memory_space<vmem_shared>>) target(%dma_start3A_129 : memref<640x128xf32, #tpu.memory_space<hbm>>) target_semaphore(%run_scoped3A : memref<!tpu.dma_semaphore, #tpu.memory_space<semaphore_mem>>)
      %dma_wait3A_132 = arith.constant 0 : i32
      %dma_wait3A_133 = arith.constant 0 : i32
      %dma_wait3A_134 = tpu.memref_slice %arg6[%arg0, %dma_wait3A_132, %dma_wait3A_133] : memref<2x10240x128xf32, #tpu.memory_space<hbm>> -> memref<1x10240x128xf32, #tpu.memory_space<hbm>>
      %dma_wait3A_135 = tpu.memref_squeeze %dma_wait3A_134 : memref<1x10240x128xf32, #tpu.memory_space<hbm>> -> memref<10240x128xf32, #tpu.memory_space<hbm>>
      %dma_wait3A_136 = arith.constant 0 : i32
      %dma_wait3A_137 = tpu.memref_slice %dma_wait3A_135[%mul3A_123, %dma_wait3A_136] : memref<10240x128xf32, #tpu.memory_space<hbm>> -> memref<640x128xf32, #tpu.memory_space<hbm>>
      %dma_wait3A_138 = arith.constant 0 : i32
      %dma_wait3A_139 = tpu.memref_slice %arg7[%mul3A_121, %dma_wait3A_138] : memref<10240x128xf32, #tpu.memory_space<vmem_shared>> -> memref<640x128xf32, #tpu.memory_space<vmem_shared>>
      tpu.wait_dma2 semaphore(%run_scoped3A : memref<!tpu.dma_semaphore, #tpu.memory_space<semaphore_mem>>) src(%dma_wait3A_139 : memref<640x128xf32, #tpu.memory_space<vmem_shared>>) dst(%dma_wait3A_137 : memref<640x128xf32, #tpu.memory_space<hbm>>)
      tpu.yield
    }) : () -> ()
    return
  }
}

#map = affine_map<(d0, d1) -> (0, 0)>
#map1 = affine_map<(d0, d1) -> (0, 0, 0)>
module attributes {stable_mosaic.version = 14 : i64} {
  func.func @_agg_kernel(%arg0: i32, %arg1: i32, %arg2: memref<10000x128xf32, #tpu.memory_space<hbm>>, %arg3: memref<2560x128xi32, #tpu.memory_space<hbm>>, %arg4: memref<2560x128xi32, #tpu.memory_space<hbm>>, %arg5: memref<10240x128xf32, #tpu.memory_space<hbm>>, %arg6: memref<2x10240x128xf32, #tpu.memory_space<hbm>>, %arg7: memref<10240x128xf32, #tpu.memory_space<vmem_shared>>, %arg8: memref<2x128x128xf32, #tpu.memory_space<vmem>>, %arg9: memref<40x128xi32, #tpu.memory_space<vmem>>, %arg10: memref<40x128xi32, #tpu.memory_space<vmem>>, %arg11: memref<!tpu.dma_semaphore, #tpu.memory_space<semaphore_mem>>, %arg12: memref<!tpu.dma_semaphore, #tpu.memory_space<semaphore_mem>>, %arg13: memref<!tpu.dma_semaphore, #tpu.memory_space<semaphore_mem>>, %arg14: memref<!tpu.dma_semaphore, #tpu.memory_space<semaphore_mem>>) attributes {dimension_semantics = [#tpu.dimension_semantics<core_parallel>, #tpu.dimension_semantics<subcore_parallel>], iteration_bounds = array<i64: 2, 16>, scalar_prefetch = 0 : i64, scratch_operands = 8 : i64, tpu.core_type = #tpu.core_type<sc_vector_subcore>, window_params = [{transform_indices = #map}, {transform_indices = #map}, {transform_indices = #map}, {transform_indices = #map}, {transform_indices = #map1}]} {
    %mul3A = arith.constant 16 : i32
    %mul3A_0 = arith.muli %arg0, %mul3A : i32
    %add3A = arith.addi %mul3A_0, %arg1 : i32
    %mul3A_1 = arith.constant 80 : i32
    %mul3A_2 = arith.muli %add3A, %mul3A_1 : i32
    %add3A_3 = arith.constant 0 : i32
    %add3A_4 = arith.addi %mul3A_2, %add3A_3 : i32
    "tpu.region"() ({
      %run_scoped3A = tpu.sem_alloc : memref<!tpu.dma_semaphore, #tpu.memory_space<semaphore_mem>>
      %dma_start3A_124 = arith.constant 0 : i32
      %dma_start3A_125 = tpu.memref_slice %arg3[%add3A_4, %dma_start3A_124] : memref<2560x128xi32, #tpu.memory_space<hbm>> -> memref<40x128xi32, #tpu.memory_space<hbm>>
      %dma_start3A_126 = arith.constant 0 : i32
      %dma_start3A_127 = tpu.memref_slice %arg3[%add3A_4, %dma_start3A_126] : memref<2560x128xi32, #tpu.memory_space<hbm>> -> memref<40x128xi32, #tpu.memory_space<hbm>>
      tpu.enqueue_dma source(%dma_start3A_127 : memref<40x128xi32, #tpu.memory_space<hbm>>) target(%arg9 : memref<40x128xi32, #tpu.memory_space<vmem>>) target_semaphore(%run_scoped3A : memref<!tpu.dma_semaphore, #tpu.memory_space<semaphore_mem>>)
      %dma_wait3A_128 = arith.constant 0 : i32
      %dma_wait3A_129 = tpu.memref_slice %arg3[%add3A_4, %dma_wait3A_128] : memref<2560x128xi32, #tpu.memory_space<hbm>> -> memref<40x128xi32, #tpu.memory_space<hbm>>
      %dma_wait3A_130 = arith.constant 0 : i32
      %dma_wait3A_131 = tpu.memref_slice %arg3[%add3A_4, %dma_wait3A_130] : memref<2560x128xi32, #tpu.memory_space<hbm>> -> memref<40x128xi32, #tpu.memory_space<hbm>>
      tpu.wait_dma2 semaphore(%run_scoped3A : memref<!tpu.dma_semaphore, #tpu.memory_space<semaphore_mem>>) src(%dma_wait3A_131 : memref<40x128xi32, #tpu.memory_space<hbm>>) dst(%arg9 : memref<40x128xi32, #tpu.memory_space<vmem>>)
      tpu.yield
    }) : () -> ()
    "tpu.region"() ({
      %run_scoped3A = tpu.sem_alloc : memref<!tpu.dma_semaphore, #tpu.memory_space<semaphore_mem>>
      %dma_start3A_124 = arith.constant 0 : i32
      %dma_start3A_125 = tpu.memref_slice %arg4[%add3A_4, %dma_start3A_124] : memref<2560x128xi32, #tpu.memory_space<hbm>> -> memref<40x128xi32, #tpu.memory_space<hbm>>
      %dma_start3A_126 = arith.constant 0 : i32
      %dma_start3A_127 = tpu.memref_slice %arg4[%add3A_4, %dma_start3A_126] : memref<2560x128xi32, #tpu.memory_space<hbm>> -> memref<40x128xi32, #tpu.memory_space<hbm>>
      tpu.enqueue_dma source(%dma_start3A_127 : memref<40x128xi32, #tpu.memory_space<hbm>>) target(%arg10 : memref<40x128xi32, #tpu.memory_space<vmem>>) target_semaphore(%run_scoped3A : memref<!tpu.dma_semaphore, #tpu.memory_space<semaphore_mem>>)
      %dma_wait3A_128 = arith.constant 0 : i32
      %dma_wait3A_129 = tpu.memref_slice %arg4[%add3A_4, %dma_wait3A_128] : memref<2560x128xi32, #tpu.memory_space<hbm>> -> memref<40x128xi32, #tpu.memory_space<hbm>>
      %dma_wait3A_130 = arith.constant 0 : i32
      %dma_wait3A_131 = tpu.memref_slice %arg4[%add3A_4, %dma_wait3A_130] : memref<2560x128xi32, #tpu.memory_space<hbm>> -> memref<40x128xi32, #tpu.memory_space<hbm>>
      tpu.wait_dma2 semaphore(%run_scoped3A : memref<!tpu.dma_semaphore, #tpu.memory_space<semaphore_mem>>) src(%dma_wait3A_131 : memref<40x128xi32, #tpu.memory_space<hbm>>) dst(%arg10 : memref<40x128xi32, #tpu.memory_space<vmem>>)
      tpu.yield
    }) : () -> ()
    %dma_start3A = arith.constant 0 : i32
    %dma_start3A_5 = arith.constant 0 : i32
    %dma_start3A_6 = arith.constant 0 : i32
    %dma_start3A_7 = arith.constant 0 : i32
    %dma_start3A_8 = tpu.memref_slice %arg8[%dma_start3A_5, %dma_start3A_6, %dma_start3A_7] : memref<2x128x128xf32, #tpu.memory_space<vmem>> -> memref<1x128x128xf32, #tpu.memory_space<vmem>>
    %dma_start3A_9 = tpu.memref_squeeze %dma_start3A_8 : memref<1x128x128xf32, #tpu.memory_space<vmem>> -> memref<128x128xf32, #tpu.memory_space<vmem>>
    %dma_start3A_10 = arith.constant 0 : i32
    %dma_start3A_11 = tpu.memref_slice %arg9[%dma_start3A, %dma_start3A_10] : memref<40x128xi32, #tpu.memory_space<vmem>> -> memref<1x128xi32, #tpu.memory_space<vmem>>
    %dma_start3A_12 = tpu.memref_squeeze %dma_start3A_11 : memref<1x128xi32, #tpu.memory_space<vmem>> -> memref<128xi32, #tpu.memory_space<vmem>>
    %dma_start3A_13 = arith.constant 0 : i32
    %dma_start3A_14 = arith.constant 0 : i32
    %dma_start3A_15 = tpu.memref_slice %arg2[%dma_start3A_13, %dma_start3A_14] : memref<10000x128xf32, #tpu.memory_space<hbm>> -> memref<10000x128xf32, #tpu.memory_space<hbm>>
    tpu.enqueue_indirect_dma source(%dma_start3A_15 : memref<10000x128xf32, #tpu.memory_space<hbm>>) target(%dma_start3A_9 : memref<128x128xf32, #tpu.memory_space<vmem>>) offsets(%dma_start3A_12 : memref<128xi32, #tpu.memory_space<vmem>>) semaphore(%arg11 : memref<!tpu.dma_semaphore, #tpu.memory_space<semaphore_mem>>)
    %dma_start3A_16 = arith.constant 1 : i32
    %dma_start3A_17 = arith.constant 1 : i32
    %dma_start3A_18 = arith.constant 0 : i32
    %dma_start3A_19 = arith.constant 0 : i32
    %dma_start3A_20 = tpu.memref_slice %arg8[%dma_start3A_17, %dma_start3A_18, %dma_start3A_19] : memref<2x128x128xf32, #tpu.memory_space<vmem>> -> memref<1x128x128xf32, #tpu.memory_space<vmem>>
    %dma_start3A_21 = tpu.memref_squeeze %dma_start3A_20 : memref<1x128x128xf32, #tpu.memory_space<vmem>> -> memref<128x128xf32, #tpu.memory_space<vmem>>
    %dma_start3A_22 = arith.constant 0 : i32
    %dma_start3A_23 = tpu.memref_slice %arg9[%dma_start3A_16, %dma_start3A_22] : memref<40x128xi32, #tpu.memory_space<vmem>> -> memref<1x128xi32, #tpu.memory_space<vmem>>
    %dma_start3A_24 = tpu.memref_squeeze %dma_start3A_23 : memref<1x128xi32, #tpu.memory_space<vmem>> -> memref<128xi32, #tpu.memory_space<vmem>>
    %dma_start3A_25 = arith.constant 0 : i32
    %dma_start3A_26 = arith.constant 0 : i32
    %dma_start3A_27 = tpu.memref_slice %arg2[%dma_start3A_25, %dma_start3A_26] : memref<10000x128xf32, #tpu.memory_space<hbm>> -> memref<10000x128xf32, #tpu.memory_space<hbm>>
    tpu.enqueue_indirect_dma source(%dma_start3A_27 : memref<10000x128xf32, #tpu.memory_space<hbm>>) target(%dma_start3A_21 : memref<128x128xf32, #tpu.memory_space<vmem>>) offsets(%dma_start3A_24 : memref<128xi32, #tpu.memory_space<vmem>>) semaphore(%arg12 : memref<!tpu.dma_semaphore, #tpu.memory_space<semaphore_mem>>)
    %mul3A_28 = arith.constant 640 : i32
    %mul3A_29 = arith.muli %arg1, %mul3A_28 : i32
    %mul3A_30 = arith.constant 640 : i32
    %mul3A_31 = arith.muli %arg1, %mul3A_30 : i32
    "tpu.region"() ({
      %run_scoped3A = tpu.sem_alloc : memref<!tpu.dma_semaphore, #tpu.memory_space<semaphore_mem>>
      %dma_start3A_124 = arith.constant 0 : i32
      %dma_start3A_125 = tpu.memref_slice %arg7[%mul3A_31, %dma_start3A_124] : memref<10240x128xf32, #tpu.memory_space<vmem_shared>> -> memref<640x128xf32, #tpu.memory_space<vmem_shared>>
      %dma_start3A_126 = arith.constant 0 : i32
      %dma_start3A_127 = tpu.memref_slice %arg5[%mul3A_29, %dma_start3A_126] : memref<10240x128xf32, #tpu.memory_space<hbm>> -> memref<640x128xf32, #tpu.memory_space<hbm>>
      tpu.enqueue_dma source(%dma_start3A_127 : memref<640x128xf32, #tpu.memory_space<hbm>>) target(%dma_start3A_125 : memref<640x128xf32, #tpu.memory_space<vmem_shared>>) target_semaphore(%run_scoped3A : memref<!tpu.dma_semaphore, #tpu.memory_space<semaphore_mem>>)
      %dma_wait3A_128 = arith.constant 0 : i32
      %dma_wait3A_129 = tpu.memref_slice %arg7[%mul3A_31, %dma_wait3A_128] : memref<10240x128xf32, #tpu.memory_space<vmem_shared>> -> memref<640x128xf32, #tpu.memory_space<vmem_shared>>
      %dma_wait3A_130 = arith.constant 0 : i32
      %dma_wait3A_131 = tpu.memref_slice %arg5[%mul3A_29, %dma_wait3A_130] : memref<10240x128xf32, #tpu.memory_space<hbm>> -> memref<640x128xf32, #tpu.memory_space<hbm>>
      tpu.wait_dma2 semaphore(%run_scoped3A : memref<!tpu.dma_semaphore, #tpu.memory_space<semaphore_mem>>) src(%dma_wait3A_131 : memref<640x128xf32, #tpu.memory_space<hbm>>) dst(%dma_wait3A_129 : memref<640x128xf32, #tpu.memory_space<vmem_shared>>)
      tpu.yield
    }) : () -> ()
    %barrier3A = arith.constant 0 : index
    tpu.barrier barrier_id(%barrier3A)
    %scan3A = arith.constant 0 : i32
    %scan3A_32 = arith.constant 20 : i32
    %scan3A_33 = arith.addi %scan3A, %scan3A_32 : i32
    %scan3A_34 = arith.constant 1 : i32
    scf.for %scan3A_124 = %scan3A to %scan3A_33 step %scan3A_34  : i32 {
      %mul3A_125 = arith.constant 1 : i32
      %mul3A_126 = arith.muli %scan3A_124, %mul3A_125 : i32
      %add3A_127 = arith.constant 0 : i32
      %add3A_128 = arith.addi %add3A_127, %mul3A_126 : i32
      %mul3A_129 = arith.constant 2 : i32
      %mul3A_130 = arith.muli %add3A_128, %mul3A_129 : i32
      %add3A_131 = arith.constant 0 : i32
      %add3A_132 = arith.addi %mul3A_130, %add3A_131 : i32
      %dma_wait3A_133 = arith.constant 0 : i32
      %dma_wait3A_134 = arith.constant 0 : i32
      %dma_wait3A_135 = arith.constant 0 : i32
      %dma_wait3A_136 = tpu.memref_slice %arg8[%dma_wait3A_133, %dma_wait3A_134, %dma_wait3A_135] : memref<2x128x128xf32, #tpu.memory_space<vmem>> -> memref<1x128x128xf32, #tpu.memory_space<vmem>>
      %dma_wait3A_137 = tpu.memref_squeeze %dma_wait3A_136 : memref<1x128x128xf32, #tpu.memory_space<vmem>> -> memref<128x128xf32, #tpu.memory_space<vmem>>
      %dma_wait3A_138 = arith.constant 0 : i32
      %dma_wait3A_139 = tpu.memref_slice %arg9[%add3A_132, %dma_wait3A_138] : memref<40x128xi32, #tpu.memory_space<vmem>> -> memref<1x128xi32, #tpu.memory_space<vmem>>
      %dma_wait3A_140 = tpu.memref_squeeze %dma_wait3A_139 : memref<1x128xi32, #tpu.memory_space<vmem>> -> memref<128xi32, #tpu.memory_space<vmem>>
      %dma_wait3A_141 = arith.constant 0 : i32
      %dma_wait3A_142 = arith.constant 0 : i32
      %dma_wait3A_143 = tpu.memref_slice %arg2[%dma_wait3A_141, %dma_wait3A_142] : memref<10000x128xf32, #tpu.memory_space<hbm>> -> memref<10000x128xf32, #tpu.memory_space<hbm>>
      tpu.wait_indirect_dma semaphore(%arg11 : memref<!tpu.dma_semaphore, #tpu.memory_space<semaphore_mem>>) src(%dma_wait3A_143 : memref<10000x128xf32, #tpu.memory_space<hbm>>) dst(%dma_wait3A_137 : memref<128x128xf32, #tpu.memory_space<vmem>>)
      %add3A_144 = arith.constant 0 : i32
      %add3A_145 = arith.addi %mul3A_130, %add3A_144 : i32
      %dma_start3A_146 = arith.constant 0 : i32
      %dma_start3A_147 = arith.constant 0 : i32
      %dma_start3A_148 = arith.constant 0 : i32
      %dma_start3A_149 = tpu.memref_slice %arg8[%dma_start3A_146, %dma_start3A_147, %dma_start3A_148] : memref<2x128x128xf32, #tpu.memory_space<vmem>> -> memref<1x128x128xf32, #tpu.memory_space<vmem>>
      %dma_start3A_150 = tpu.memref_squeeze %dma_start3A_149 : memref<1x128x128xf32, #tpu.memory_space<vmem>> -> memref<128x128xf32, #tpu.memory_space<vmem>>
      %dma_start3A_151 = arith.constant 0 : i32
      %dma_start3A_152 = tpu.memref_slice %arg10[%add3A_145, %dma_start3A_151] : memref<40x128xi32, #tpu.memory_space<vmem>> -> memref<1x128xi32, #tpu.memory_space<vmem>>
      %dma_start3A_153 = tpu.memref_squeeze %dma_start3A_152 : memref<1x128xi32, #tpu.memory_space<vmem>> -> memref<128xi32, #tpu.memory_space<vmem>>
      %dma_start3A_154 = arith.constant 0 : i32
      %dma_start3A_155 = arith.constant 0 : i32
      %dma_start3A_156 = tpu.memref_slice %arg7[%dma_start3A_154, %dma_start3A_155] : memref<10240x128xf32, #tpu.memory_space<vmem_shared>> -> memref<10240x128xf32, #tpu.memory_space<vmem_shared>>
      tpu.enqueue_indirect_dma source(%dma_start3A_150 : memref<128x128xf32, #tpu.memory_space<vmem>>) target(%dma_start3A_156 : memref<10240x128xf32, #tpu.memory_space<vmem_shared>>) offsets(%dma_start3A_153 : memref<128xi32, #tpu.memory_space<vmem>>) semaphore(%arg13 : memref<!tpu.dma_semaphore, #tpu.memory_space<semaphore_mem>>) {add = true}
      %add3A_157 = arith.constant 1 : i32
      %add3A_158 = arith.addi %mul3A_130, %add3A_157 : i32
      %dma_wait3A_159 = arith.constant 1 : i32
      %dma_wait3A_160 = arith.constant 0 : i32
      %dma_wait3A_161 = arith.constant 0 : i32
      %dma_wait3A_162 = tpu.memref_slice %arg8[%dma_wait3A_159, %dma_wait3A_160, %dma_wait3A_161] : memref<2x128x128xf32, #tpu.memory_space<vmem>> -> memref<1x128x128xf32, #tpu.memory_space<vmem>>
      %dma_wait3A_163 = tpu.memref_squeeze %dma_wait3A_162 : memref<1x128x128xf32, #tpu.memory_space<vmem>> -> memref<128x128xf32, #tpu.memory_space<vmem>>
      %dma_wait3A_164 = arith.constant 0 : i32
      %dma_wait3A_165 = tpu.memref_slice %arg9[%add3A_158, %dma_wait3A_164] : memref<40x128xi32, #tpu.memory_space<vmem>> -> memref<1x128xi32, #tpu.memory_space<vmem>>
      %dma_wait3A_166 = tpu.memref_squeeze %dma_wait3A_165 : memref<1x128xi32, #tpu.memory_space<vmem>> -> memref<128xi32, #tpu.memory_space<vmem>>
      %dma_wait3A_167 = arith.constant 0 : i32
      %dma_wait3A_168 = arith.constant 0 : i32
      %dma_wait3A_169 = tpu.memref_slice %arg2[%dma_wait3A_167, %dma_wait3A_168] : memref<10000x128xf32, #tpu.memory_space<hbm>> -> memref<10000x128xf32, #tpu.memory_space<hbm>>
      tpu.wait_indirect_dma semaphore(%arg12 : memref<!tpu.dma_semaphore, #tpu.memory_space<semaphore_mem>>) src(%dma_wait3A_169 : memref<10000x128xf32, #tpu.memory_space<hbm>>) dst(%dma_wait3A_163 : memref<128x128xf32, #tpu.memory_space<vmem>>)
      %add3A_170 = arith.constant 1 : i32
      %add3A_171 = arith.addi %mul3A_130, %add3A_170 : i32
      %dma_start3A_172 = arith.constant 1 : i32
      %dma_start3A_173 = arith.constant 0 : i32
      %dma_start3A_174 = arith.constant 0 : i32
      %dma_start3A_175 = tpu.memref_slice %arg8[%dma_start3A_172, %dma_start3A_173, %dma_start3A_174] : memref<2x128x128xf32, #tpu.memory_space<vmem>> -> memref<1x128x128xf32, #tpu.memory_space<vmem>>
      %dma_start3A_176 = tpu.memref_squeeze %dma_start3A_175 : memref<1x128x128xf32, #tpu.memory_space<vmem>> -> memref<128x128xf32, #tpu.memory_space<vmem>>
      %dma_start3A_177 = arith.constant 0 : i32
      %dma_start3A_178 = tpu.memref_slice %arg10[%add3A_171, %dma_start3A_177] : memref<40x128xi32, #tpu.memory_space<vmem>> -> memref<1x128xi32, #tpu.memory_space<vmem>>
      %dma_start3A_179 = tpu.memref_squeeze %dma_start3A_178 : memref<1x128xi32, #tpu.memory_space<vmem>> -> memref<128xi32, #tpu.memory_space<vmem>>
      %dma_start3A_180 = arith.constant 0 : i32
      %dma_start3A_181 = arith.constant 0 : i32
      %dma_start3A_182 = tpu.memref_slice %arg7[%dma_start3A_180, %dma_start3A_181] : memref<10240x128xf32, #tpu.memory_space<vmem_shared>> -> memref<10240x128xf32, #tpu.memory_space<vmem_shared>>
      tpu.enqueue_indirect_dma source(%dma_start3A_176 : memref<128x128xf32, #tpu.memory_space<vmem>>) target(%dma_start3A_182 : memref<10240x128xf32, #tpu.memory_space<vmem_shared>>) offsets(%dma_start3A_179 : memref<128xi32, #tpu.memory_space<vmem>>) semaphore(%arg14 : memref<!tpu.dma_semaphore, #tpu.memory_space<semaphore_mem>>) {add = true}
      %add3A_183 = arith.constant 2 : i32
      %add3A_184 = arith.addi %mul3A_130, %add3A_183 : i32
      %add3A_185 = arith.constant 0 : i32
      %add3A_186 = arith.addi %add3A_184, %add3A_185 : i32
      %lt3A = arith.constant 40 : i32
      %lt3A_187 = arith.cmpi slt, %add3A_186, %lt3A : i32
      %convert_element_type3A = arith.extui %lt3A_187 : i1 to i32
      %cond3A = arith.constant 0 : i32
      %cond3A_188 = arith.cmpi ne, %convert_element_type3A, %cond3A : i32
      scf.if %cond3A_188 {
        %add3A_198 = arith.constant 0 : i32
        %add3A_199 = arith.addi %mul3A_130, %add3A_198 : i32
        %dma_wait3A_200 = arith.constant 0 : i32
        %dma_wait3A_201 = arith.constant 0 : i32
        %dma_wait3A_202 = arith.constant 0 : i32
        %dma_wait3A_203 = tpu.memref_slice %arg8[%dma_wait3A_200, %dma_wait3A_201, %dma_wait3A_202] : memref<2x128x128xf32, #tpu.memory_space<vmem>> -> memref<1x128x128xf32, #tpu.memory_space<vmem>>
        %dma_wait3A_204 = tpu.memref_squeeze %dma_wait3A_203 : memref<1x128x128xf32, #tpu.memory_space<vmem>> -> memref<128x128xf32, #tpu.memory_space<vmem>>
        %dma_wait3A_205 = arith.constant 0 : i32
        %dma_wait3A_206 = tpu.memref_slice %arg10[%add3A_199, %dma_wait3A_205] : memref<40x128xi32, #tpu.memory_space<vmem>> -> memref<1x128xi32, #tpu.memory_space<vmem>>
        %dma_wait3A_207 = tpu.memref_squeeze %dma_wait3A_206 : memref<1x128xi32, #tpu.memory_space<vmem>> -> memref<128xi32, #tpu.memory_space<vmem>>
        %dma_wait3A_208 = arith.constant 0 : i32
        %dma_wait3A_209 = arith.constant 0 : i32
        %dma_wait3A_210 = tpu.memref_slice %arg7[%dma_wait3A_208, %dma_wait3A_209] : memref<10240x128xf32, #tpu.memory_space<vmem_shared>> -> memref<10240x128xf32, #tpu.memory_space<vmem_shared>>
        tpu.wait_indirect_dma semaphore(%arg13 : memref<!tpu.dma_semaphore, #tpu.memory_space<semaphore_mem>>) src(%dma_wait3A_204 : memref<128x128xf32, #tpu.memory_space<vmem>>) dst(%dma_wait3A_210 : memref<10240x128xf32, #tpu.memory_space<vmem_shared>>)
        %dma_start3A_211 = arith.constant 0 : i32
        %dma_start3A_212 = arith.constant 0 : i32
        %dma_start3A_213 = arith.constant 0 : i32
        %dma_start3A_214 = tpu.memref_slice %arg8[%dma_start3A_211, %dma_start3A_212, %dma_start3A_213] : memref<2x128x128xf32, #tpu.memory_space<vmem>> -> memref<1x128x128xf32, #tpu.memory_space<vmem>>
        %dma_start3A_215 = tpu.memref_squeeze %dma_start3A_214 : memref<1x128x128xf32, #tpu.memory_space<vmem>> -> memref<128x128xf32, #tpu.memory_space<vmem>>
        %dma_start3A_216 = arith.constant 0 : i32
        %dma_start3A_217 = tpu.memref_slice %arg9[%add3A_186, %dma_start3A_216] : memref<40x128xi32, #tpu.memory_space<vmem>> -> memref<1x128xi32, #tpu.memory_space<vmem>>
        %dma_start3A_218 = tpu.memref_squeeze %dma_start3A_217 : memref<1x128xi32, #tpu.memory_space<vmem>> -> memref<128xi32, #tpu.memory_space<vmem>>
        %dma_start3A_219 = arith.constant 0 : i32
        %dma_start3A_220 = arith.constant 0 : i32
        %dma_start3A_221 = tpu.memref_slice %arg2[%dma_start3A_219, %dma_start3A_220] : memref<10000x128xf32, #tpu.memory_space<hbm>> -> memref<10000x128xf32, #tpu.memory_space<hbm>>
        tpu.enqueue_indirect_dma source(%dma_start3A_221 : memref<10000x128xf32, #tpu.memory_space<hbm>>) target(%dma_start3A_215 : memref<128x128xf32, #tpu.memory_space<vmem>>) offsets(%dma_start3A_218 : memref<128xi32, #tpu.memory_space<vmem>>) semaphore(%arg11 : memref<!tpu.dma_semaphore, #tpu.memory_space<semaphore_mem>>)
      } else {
      }
      %add3A_189 = arith.constant 2 : i32
      %add3A_190 = arith.addi %mul3A_130, %add3A_189 : i32
      %add3A_191 = arith.constant 1 : i32
      %add3A_192 = arith.addi %add3A_190, %add3A_191 : i32
      %lt3A_193 = arith.constant 40 : i32
      %lt3A_194 = arith.cmpi slt, %add3A_192, %lt3A_193 : i32
      %convert_element_type3A_195 = arith.extui %lt3A_194 : i1 to i32
      %cond3A_196 = arith.constant 0 : i32
      %cond3A_197 = arith.cmpi ne, %convert_element_type3A_195, %cond3A_196 : i32
      scf.if %cond3A_197 {
        %add3A_198 = arith.constant 1 : i32
        %add3A_199 = arith.addi %mul3A_130, %add3A_198 : i32
        %dma_wait3A_200 = arith.constant 1 : i32
        %dma_wait3A_201 = arith.constant 0 : i32
        %dma_wait3A_202 = arith.constant 0 : i32
        %dma_wait3A_203 = tpu.memref_slice %arg8[%dma_wait3A_200, %dma_wait3A_201, %dma_wait3A_202] : memref<2x128x128xf32, #tpu.memory_space<vmem>> -> memref<1x128x128xf32, #tpu.memory_space<vmem>>
        %dma_wait3A_204 = tpu.memref_squeeze %dma_wait3A_203 : memref<1x128x128xf32, #tpu.memory_space<vmem>> -> memref<128x128xf32, #tpu.memory_space<vmem>>
        %dma_wait3A_205 = arith.constant 0 : i32
        %dma_wait3A_206 = tpu.memref_slice %arg10[%add3A_199, %dma_wait3A_205] : memref<40x128xi32, #tpu.memory_space<vmem>> -> memref<1x128xi32, #tpu.memory_space<vmem>>
        %dma_wait3A_207 = tpu.memref_squeeze %dma_wait3A_206 : memref<1x128xi32, #tpu.memory_space<vmem>> -> memref<128xi32, #tpu.memory_space<vmem>>
        %dma_wait3A_208 = arith.constant 0 : i32
        %dma_wait3A_209 = arith.constant 0 : i32
        %dma_wait3A_210 = tpu.memref_slice %arg7[%dma_wait3A_208, %dma_wait3A_209] : memref<10240x128xf32, #tpu.memory_space<vmem_shared>> -> memref<10240x128xf32, #tpu.memory_space<vmem_shared>>
        tpu.wait_indirect_dma semaphore(%arg14 : memref<!tpu.dma_semaphore, #tpu.memory_space<semaphore_mem>>) src(%dma_wait3A_204 : memref<128x128xf32, #tpu.memory_space<vmem>>) dst(%dma_wait3A_210 : memref<10240x128xf32, #tpu.memory_space<vmem_shared>>)
        %dma_start3A_211 = arith.constant 1 : i32
        %dma_start3A_212 = arith.constant 0 : i32
        %dma_start3A_213 = arith.constant 0 : i32
        %dma_start3A_214 = tpu.memref_slice %arg8[%dma_start3A_211, %dma_start3A_212, %dma_start3A_213] : memref<2x128x128xf32, #tpu.memory_space<vmem>> -> memref<1x128x128xf32, #tpu.memory_space<vmem>>
        %dma_start3A_215 = tpu.memref_squeeze %dma_start3A_214 : memref<1x128x128xf32, #tpu.memory_space<vmem>> -> memref<128x128xf32, #tpu.memory_space<vmem>>
        %dma_start3A_216 = arith.constant 0 : i32
        %dma_start3A_217 = tpu.memref_slice %arg9[%add3A_192, %dma_start3A_216] : memref<40x128xi32, #tpu.memory_space<vmem>> -> memref<1x128xi32, #tpu.memory_space<vmem>>
        %dma_start3A_218 = tpu.memref_squeeze %dma_start3A_217 : memref<1x128xi32, #tpu.memory_space<vmem>> -> memref<128xi32, #tpu.memory_space<vmem>>
        %dma_start3A_219 = arith.constant 0 : i32
        %dma_start3A_220 = arith.constant 0 : i32
        %dma_start3A_221 = tpu.memref_slice %arg2[%dma_start3A_219, %dma_start3A_220] : memref<10000x128xf32, #tpu.memory_space<hbm>> -> memref<10000x128xf32, #tpu.memory_space<hbm>>
        tpu.enqueue_indirect_dma source(%dma_start3A_221 : memref<10000x128xf32, #tpu.memory_space<hbm>>) target(%dma_start3A_215 : memref<128x128xf32, #tpu.memory_space<vmem>>) offsets(%dma_start3A_218 : memref<128xi32, #tpu.memory_space<vmem>>) semaphore(%arg12 : memref<!tpu.dma_semaphore, #tpu.memory_space<semaphore_mem>>)
      } else {
      }
    }
    %scan3A_35 = arith.constant 20 : i32
    %dma_wait3A = arith.constant 0 : i32
    %dma_wait3A_36 = arith.constant 38 : i32
    %dma_wait3A_37 = arith.constant 0 : i32
    %dma_wait3A_38 = arith.constant 0 : i32
    %dma_wait3A_39 = tpu.memref_slice %arg8[%dma_wait3A, %dma_wait3A_37, %dma_wait3A_38] : memref<2x128x128xf32, #tpu.memory_space<vmem>> -> memref<1x128x128xf32, #tpu.memory_space<vmem>>
    %dma_wait3A_40 = tpu.memref_squeeze %dma_wait3A_39 : memref<1x128x128xf32, #tpu.memory_space<vmem>> -> memref<128x128xf32, #tpu.memory_space<vmem>>
    %dma_wait3A_41 = arith.constant 0 : i32
    %dma_wait3A_42 = tpu.memref_slice %arg10[%dma_wait3A_36, %dma_wait3A_41] : memref<40x128xi32, #tpu.memory_space<vmem>> -> memref<1x128xi32, #tpu.memory_space<vmem>>
    %dma_wait3A_43 = tpu.memref_squeeze %dma_wait3A_42 : memref<1x128xi32, #tpu.memory_space<vmem>> -> memref<128xi32, #tpu.memory_space<vmem>>
    %dma_wait3A_44 = arith.constant 0 : i32
    %dma_wait3A_45 = arith.constant 0 : i32
    %dma_wait3A_46 = tpu.memref_slice %arg7[%dma_wait3A_44, %dma_wait3A_45] : memref<10240x128xf32, #tpu.memory_space<vmem_shared>> -> memref<10240x128xf32, #tpu.memory_space<vmem_shared>>
    tpu.wait_indirect_dma semaphore(%arg13 : memref<!tpu.dma_semaphore, #tpu.memory_space<semaphore_mem>>) src(%dma_wait3A_40 : memref<128x128xf32, #tpu.memory_space<vmem>>) dst(%dma_wait3A_46 : memref<10240x128xf32, #tpu.memory_space<vmem_shared>>)
    %dma_wait3A_47 = arith.constant 1 : i32
    %dma_wait3A_48 = arith.constant 39 : i32
    %dma_wait3A_49 = arith.constant 0 : i32
    %dma_wait3A_50 = arith.constant 0 : i32
    %dma_wait3A_51 = tpu.memref_slice %arg8[%dma_wait3A_47, %dma_wait3A_49, %dma_wait3A_50] : memref<2x128x128xf32, #tpu.memory_space<vmem>> -> memref<1x128x128xf32, #tpu.memory_space<vmem>>
    %dma_wait3A_52 = tpu.memref_squeeze %dma_wait3A_51 : memref<1x128x128xf32, #tpu.memory_space<vmem>> -> memref<128x128xf32, #tpu.memory_space<vmem>>
    %dma_wait3A_53 = arith.constant 0 : i32
    %dma_wait3A_54 = tpu.memref_slice %arg10[%dma_wait3A_48, %dma_wait3A_53] : memref<40x128xi32, #tpu.memory_space<vmem>> -> memref<1x128xi32, #tpu.memory_space<vmem>>
    %dma_wait3A_55 = tpu.memref_squeeze %dma_wait3A_54 : memref<1x128xi32, #tpu.memory_space<vmem>> -> memref<128xi32, #tpu.memory_space<vmem>>
    %dma_wait3A_56 = arith.constant 0 : i32
    %dma_wait3A_57 = arith.constant 0 : i32
    %dma_wait3A_58 = tpu.memref_slice %arg7[%dma_wait3A_56, %dma_wait3A_57] : memref<10240x128xf32, #tpu.memory_space<vmem_shared>> -> memref<10240x128xf32, #tpu.memory_space<vmem_shared>>
    tpu.wait_indirect_dma semaphore(%arg14 : memref<!tpu.dma_semaphore, #tpu.memory_space<semaphore_mem>>) src(%dma_wait3A_52 : memref<128x128xf32, #tpu.memory_space<vmem>>) dst(%dma_wait3A_58 : memref<10240x128xf32, #tpu.memory_space<vmem_shared>>)
    %mul3A_59 = arith.constant 16 : i32
    %mul3A_60 = arith.muli %arg0, %mul3A_59 : i32
    %add3A_61 = arith.addi %mul3A_60, %arg1 : i32
    %mul3A_62 = arith.constant 80 : i32
    %mul3A_63 = arith.muli %add3A_61, %mul3A_62 : i32
    %add3A_64 = arith.constant 40 : i32
    %add3A_65 = arith.addi %mul3A_63, %add3A_64 : i32
    "tpu.region"() ({
      %run_scoped3A = tpu.sem_alloc : memref<!tpu.dma_semaphore, #tpu.memory_space<semaphore_mem>>
      %dma_start3A_124 = arith.constant 0 : i32
      %dma_start3A_125 = tpu.memref_slice %arg3[%add3A_65, %dma_start3A_124] : memref<2560x128xi32, #tpu.memory_space<hbm>> -> memref<40x128xi32, #tpu.memory_space<hbm>>
      %dma_start3A_126 = arith.constant 0 : i32
      %dma_start3A_127 = tpu.memref_slice %arg3[%add3A_65, %dma_start3A_126] : memref<2560x128xi32, #tpu.memory_space<hbm>> -> memref<40x128xi32, #tpu.memory_space<hbm>>
      tpu.enqueue_dma source(%dma_start3A_127 : memref<40x128xi32, #tpu.memory_space<hbm>>) target(%arg9 : memref<40x128xi32, #tpu.memory_space<vmem>>) target_semaphore(%run_scoped3A : memref<!tpu.dma_semaphore, #tpu.memory_space<semaphore_mem>>)
      %dma_wait3A_128 = arith.constant 0 : i32
      %dma_wait3A_129 = tpu.memref_slice %arg3[%add3A_65, %dma_wait3A_128] : memref<2560x128xi32, #tpu.memory_space<hbm>> -> memref<40x128xi32, #tpu.memory_space<hbm>>
      %dma_wait3A_130 = arith.constant 0 : i32
      %dma_wait3A_131 = tpu.memref_slice %arg3[%add3A_65, %dma_wait3A_130] : memref<2560x128xi32, #tpu.memory_space<hbm>> -> memref<40x128xi32, #tpu.memory_space<hbm>>
      tpu.wait_dma2 semaphore(%run_scoped3A : memref<!tpu.dma_semaphore, #tpu.memory_space<semaphore_mem>>) src(%dma_wait3A_131 : memref<40x128xi32, #tpu.memory_space<hbm>>) dst(%arg9 : memref<40x128xi32, #tpu.memory_space<vmem>>)
      tpu.yield
    }) : () -> ()
    "tpu.region"() ({
      %run_scoped3A = tpu.sem_alloc : memref<!tpu.dma_semaphore, #tpu.memory_space<semaphore_mem>>
      %dma_start3A_124 = arith.constant 0 : i32
      %dma_start3A_125 = tpu.memref_slice %arg4[%add3A_65, %dma_start3A_124] : memref<2560x128xi32, #tpu.memory_space<hbm>> -> memref<40x128xi32, #tpu.memory_space<hbm>>
      %dma_start3A_126 = arith.constant 0 : i32
      %dma_start3A_127 = tpu.memref_slice %arg4[%add3A_65, %dma_start3A_126] : memref<2560x128xi32, #tpu.memory_space<hbm>> -> memref<40x128xi32, #tpu.memory_space<hbm>>
      tpu.enqueue_dma source(%dma_start3A_127 : memref<40x128xi32, #tpu.memory_space<hbm>>) target(%arg10 : memref<40x128xi32, #tpu.memory_space<vmem>>) target_semaphore(%run_scoped3A : memref<!tpu.dma_semaphore, #tpu.memory_space<semaphore_mem>>)
      %dma_wait3A_128 = arith.constant 0 : i32
      %dma_wait3A_129 = tpu.memref_slice %arg4[%add3A_65, %dma_wait3A_128] : memref<2560x128xi32, #tpu.memory_space<hbm>> -> memref<40x128xi32, #tpu.memory_space<hbm>>
      %dma_wait3A_130 = arith.constant 0 : i32
      %dma_wait3A_131 = tpu.memref_slice %arg4[%add3A_65, %dma_wait3A_130] : memref<2560x128xi32, #tpu.memory_space<hbm>> -> memref<40x128xi32, #tpu.memory_space<hbm>>
      tpu.wait_dma2 semaphore(%run_scoped3A : memref<!tpu.dma_semaphore, #tpu.memory_space<semaphore_mem>>) src(%dma_wait3A_131 : memref<40x128xi32, #tpu.memory_space<hbm>>) dst(%arg10 : memref<40x128xi32, #tpu.memory_space<vmem>>)
      tpu.yield
    }) : () -> ()
    %dma_start3A_66 = arith.constant 0 : i32
    %dma_start3A_67 = arith.constant 0 : i32
    %dma_start3A_68 = arith.constant 0 : i32
    %dma_start3A_69 = arith.constant 0 : i32
    %dma_start3A_70 = tpu.memref_slice %arg8[%dma_start3A_67, %dma_start3A_68, %dma_start3A_69] : memref<2x128x128xf32, #tpu.memory_space<vmem>> -> memref<1x128x128xf32, #tpu.memory_space<vmem>>
    %dma_start3A_71 = tpu.memref_squeeze %dma_start3A_70 : memref<1x128x128xf32, #tpu.memory_space<vmem>> -> memref<128x128xf32, #tpu.memory_space<vmem>>
    %dma_start3A_72 = arith.constant 0 : i32
    %dma_start3A_73 = tpu.memref_slice %arg9[%dma_start3A_66, %dma_start3A_72] : memref<40x128xi32, #tpu.memory_space<vmem>> -> memref<1x128xi32, #tpu.memory_space<vmem>>
    %dma_start3A_74 = tpu.memref_squeeze %dma_start3A_73 : memref<1x128xi32, #tpu.memory_space<vmem>> -> memref<128xi32, #tpu.memory_space<vmem>>
    %dma_start3A_75 = arith.constant 0 : i32
    %dma_start3A_76 = arith.constant 0 : i32
    %dma_start3A_77 = tpu.memref_slice %arg2[%dma_start3A_75, %dma_start3A_76] : memref<10000x128xf32, #tpu.memory_space<hbm>> -> memref<10000x128xf32, #tpu.memory_space<hbm>>
    tpu.enqueue_indirect_dma source(%dma_start3A_77 : memref<10000x128xf32, #tpu.memory_space<hbm>>) target(%dma_start3A_71 : memref<128x128xf32, #tpu.memory_space<vmem>>) offsets(%dma_start3A_74 : memref<128xi32, #tpu.memory_space<vmem>>) semaphore(%arg11 : memref<!tpu.dma_semaphore, #tpu.memory_space<semaphore_mem>>)
    %dma_start3A_78 = arith.constant 1 : i32
    %dma_start3A_79 = arith.constant 1 : i32
    %dma_start3A_80 = arith.constant 0 : i32
    %dma_start3A_81 = arith.constant 0 : i32
    %dma_start3A_82 = tpu.memref_slice %arg8[%dma_start3A_79, %dma_start3A_80, %dma_start3A_81] : memref<2x128x128xf32, #tpu.memory_space<vmem>> -> memref<1x128x128xf32, #tpu.memory_space<vmem>>
    %dma_start3A_83 = tpu.memref_squeeze %dma_start3A_82 : memref<1x128x128xf32, #tpu.memory_space<vmem>> -> memref<128x128xf32, #tpu.memory_space<vmem>>
    %dma_start3A_84 = arith.constant 0 : i32
    %dma_start3A_85 = tpu.memref_slice %arg9[%dma_start3A_78, %dma_start3A_84] : memref<40x128xi32, #tpu.memory_space<vmem>> -> memref<1x128xi32, #tpu.memory_space<vmem>>
    %dma_start3A_86 = tpu.memref_squeeze %dma_start3A_85 : memref<1x128xi32, #tpu.memory_space<vmem>> -> memref<128xi32, #tpu.memory_space<vmem>>
    %dma_start3A_87 = arith.constant 0 : i32
    %dma_start3A_88 = arith.constant 0 : i32
    %dma_start3A_89 = tpu.memref_slice %arg2[%dma_start3A_87, %dma_start3A_88] : memref<10000x128xf32, #tpu.memory_space<hbm>> -> memref<10000x128xf32, #tpu.memory_space<hbm>>
    tpu.enqueue_indirect_dma source(%dma_start3A_89 : memref<10000x128xf32, #tpu.memory_space<hbm>>) target(%dma_start3A_83 : memref<128x128xf32, #tpu.memory_space<vmem>>) offsets(%dma_start3A_86 : memref<128xi32, #tpu.memory_space<vmem>>) semaphore(%arg12 : memref<!tpu.dma_semaphore, #tpu.memory_space<semaphore_mem>>)
    %scan3A_90 = arith.constant 0 : i32
    %scan3A_91 = arith.constant 20 : i32
    %scan3A_92 = arith.addi %scan3A_90, %scan3A_91 : i32
    %scan3A_93 = arith.constant 1 : i32
    scf.for %scan3A_124 = %scan3A_90 to %scan3A_92 step %scan3A_93  : i32 {
      %mul3A_125 = arith.constant 1 : i32
      %mul3A_126 = arith.muli %scan3A_124, %mul3A_125 : i32
      %add3A_127 = arith.constant 0 : i32
      %add3A_128 = arith.addi %add3A_127, %mul3A_126 : i32
      %mul3A_129 = arith.constant 2 : i32
      %mul3A_130 = arith.muli %add3A_128, %mul3A_129 : i32
      %add3A_131 = arith.constant 0 : i32
      %add3A_132 = arith.addi %mul3A_130, %add3A_131 : i32
      %dma_wait3A_133 = arith.constant 0 : i32
      %dma_wait3A_134 = arith.constant 0 : i32
      %dma_wait3A_135 = arith.constant 0 : i32
      %dma_wait3A_136 = tpu.memref_slice %arg8[%dma_wait3A_133, %dma_wait3A_134, %dma_wait3A_135] : memref<2x128x128xf32, #tpu.memory_space<vmem>> -> memref<1x128x128xf32, #tpu.memory_space<vmem>>
      %dma_wait3A_137 = tpu.memref_squeeze %dma_wait3A_136 : memref<1x128x128xf32, #tpu.memory_space<vmem>> -> memref<128x128xf32, #tpu.memory_space<vmem>>
      %dma_wait3A_138 = arith.constant 0 : i32
      %dma_wait3A_139 = tpu.memref_slice %arg9[%add3A_132, %dma_wait3A_138] : memref<40x128xi32, #tpu.memory_space<vmem>> -> memref<1x128xi32, #tpu.memory_space<vmem>>
      %dma_wait3A_140 = tpu.memref_squeeze %dma_wait3A_139 : memref<1x128xi32, #tpu.memory_space<vmem>> -> memref<128xi32, #tpu.memory_space<vmem>>
      %dma_wait3A_141 = arith.constant 0 : i32
      %dma_wait3A_142 = arith.constant 0 : i32
      %dma_wait3A_143 = tpu.memref_slice %arg2[%dma_wait3A_141, %dma_wait3A_142] : memref<10000x128xf32, #tpu.memory_space<hbm>> -> memref<10000x128xf32, #tpu.memory_space<hbm>>
      tpu.wait_indirect_dma semaphore(%arg11 : memref<!tpu.dma_semaphore, #tpu.memory_space<semaphore_mem>>) src(%dma_wait3A_143 : memref<10000x128xf32, #tpu.memory_space<hbm>>) dst(%dma_wait3A_137 : memref<128x128xf32, #tpu.memory_space<vmem>>)
      %add3A_144 = arith.constant 0 : i32
      %add3A_145 = arith.addi %mul3A_130, %add3A_144 : i32
      %dma_start3A_146 = arith.constant 0 : i32
      %dma_start3A_147 = arith.constant 0 : i32
      %dma_start3A_148 = arith.constant 0 : i32
      %dma_start3A_149 = tpu.memref_slice %arg8[%dma_start3A_146, %dma_start3A_147, %dma_start3A_148] : memref<2x128x128xf32, #tpu.memory_space<vmem>> -> memref<1x128x128xf32, #tpu.memory_space<vmem>>
      %dma_start3A_150 = tpu.memref_squeeze %dma_start3A_149 : memref<1x128x128xf32, #tpu.memory_space<vmem>> -> memref<128x128xf32, #tpu.memory_space<vmem>>
      %dma_start3A_151 = arith.constant 0 : i32
      %dma_start3A_152 = tpu.memref_slice %arg10[%add3A_145, %dma_start3A_151] : memref<40x128xi32, #tpu.memory_space<vmem>> -> memref<1x128xi32, #tpu.memory_space<vmem>>
      %dma_start3A_153 = tpu.memref_squeeze %dma_start3A_152 : memref<1x128xi32, #tpu.memory_space<vmem>> -> memref<128xi32, #tpu.memory_space<vmem>>
      %dma_start3A_154 = arith.constant 0 : i32
      %dma_start3A_155 = arith.constant 0 : i32
      %dma_start3A_156 = tpu.memref_slice %arg7[%dma_start3A_154, %dma_start3A_155] : memref<10240x128xf32, #tpu.memory_space<vmem_shared>> -> memref<10240x128xf32, #tpu.memory_space<vmem_shared>>
      tpu.enqueue_indirect_dma source(%dma_start3A_150 : memref<128x128xf32, #tpu.memory_space<vmem>>) target(%dma_start3A_156 : memref<10240x128xf32, #tpu.memory_space<vmem_shared>>) offsets(%dma_start3A_153 : memref<128xi32, #tpu.memory_space<vmem>>) semaphore(%arg13 : memref<!tpu.dma_semaphore, #tpu.memory_space<semaphore_mem>>) {add = true}
      %add3A_157 = arith.constant 1 : i32
      %add3A_158 = arith.addi %mul3A_130, %add3A_157 : i32
      %dma_wait3A_159 = arith.constant 1 : i32
      %dma_wait3A_160 = arith.constant 0 : i32
      %dma_wait3A_161 = arith.constant 0 : i32
      %dma_wait3A_162 = tpu.memref_slice %arg8[%dma_wait3A_159, %dma_wait3A_160, %dma_wait3A_161] : memref<2x128x128xf32, #tpu.memory_space<vmem>> -> memref<1x128x128xf32, #tpu.memory_space<vmem>>
      %dma_wait3A_163 = tpu.memref_squeeze %dma_wait3A_162 : memref<1x128x128xf32, #tpu.memory_space<vmem>> -> memref<128x128xf32, #tpu.memory_space<vmem>>
      %dma_wait3A_164 = arith.constant 0 : i32
      %dma_wait3A_165 = tpu.memref_slice %arg9[%add3A_158, %dma_wait3A_164] : memref<40x128xi32, #tpu.memory_space<vmem>> -> memref<1x128xi32, #tpu.memory_space<vmem>>
      %dma_wait3A_166 = tpu.memref_squeeze %dma_wait3A_165 : memref<1x128xi32, #tpu.memory_space<vmem>> -> memref<128xi32, #tpu.memory_space<vmem>>
      %dma_wait3A_167 = arith.constant 0 : i32
      %dma_wait3A_168 = arith.constant 0 : i32
      %dma_wait3A_169 = tpu.memref_slice %arg2[%dma_wait3A_167, %dma_wait3A_168] : memref<10000x128xf32, #tpu.memory_space<hbm>> -> memref<10000x128xf32, #tpu.memory_space<hbm>>
      tpu.wait_indirect_dma semaphore(%arg12 : memref<!tpu.dma_semaphore, #tpu.memory_space<semaphore_mem>>) src(%dma_wait3A_169 : memref<10000x128xf32, #tpu.memory_space<hbm>>) dst(%dma_wait3A_163 : memref<128x128xf32, #tpu.memory_space<vmem>>)
      %add3A_170 = arith.constant 1 : i32
      %add3A_171 = arith.addi %mul3A_130, %add3A_170 : i32
      %dma_start3A_172 = arith.constant 1 : i32
      %dma_start3A_173 = arith.constant 0 : i32
      %dma_start3A_174 = arith.constant 0 : i32
      %dma_start3A_175 = tpu.memref_slice %arg8[%dma_start3A_172, %dma_start3A_173, %dma_start3A_174] : memref<2x128x128xf32, #tpu.memory_space<vmem>> -> memref<1x128x128xf32, #tpu.memory_space<vmem>>
      %dma_start3A_176 = tpu.memref_squeeze %dma_start3A_175 : memref<1x128x128xf32, #tpu.memory_space<vmem>> -> memref<128x128xf32, #tpu.memory_space<vmem>>
      %dma_start3A_177 = arith.constant 0 : i32
      %dma_start3A_178 = tpu.memref_slice %arg10[%add3A_171, %dma_start3A_177] : memref<40x128xi32, #tpu.memory_space<vmem>> -> memref<1x128xi32, #tpu.memory_space<vmem>>
      %dma_start3A_179 = tpu.memref_squeeze %dma_start3A_178 : memref<1x128xi32, #tpu.memory_space<vmem>> -> memref<128xi32, #tpu.memory_space<vmem>>
      %dma_start3A_180 = arith.constant 0 : i32
      %dma_start3A_181 = arith.constant 0 : i32
      %dma_start3A_182 = tpu.memref_slice %arg7[%dma_start3A_180, %dma_start3A_181] : memref<10240x128xf32, #tpu.memory_space<vmem_shared>> -> memref<10240x128xf32, #tpu.memory_space<vmem_shared>>
      tpu.enqueue_indirect_dma source(%dma_start3A_176 : memref<128x128xf32, #tpu.memory_space<vmem>>) target(%dma_start3A_182 : memref<10240x128xf32, #tpu.memory_space<vmem_shared>>) offsets(%dma_start3A_179 : memref<128xi32, #tpu.memory_space<vmem>>) semaphore(%arg14 : memref<!tpu.dma_semaphore, #tpu.memory_space<semaphore_mem>>) {add = true}
      %add3A_183 = arith.constant 2 : i32
      %add3A_184 = arith.addi %mul3A_130, %add3A_183 : i32
      %add3A_185 = arith.constant 0 : i32
      %add3A_186 = arith.addi %add3A_184, %add3A_185 : i32
      %lt3A = arith.constant 40 : i32
      %lt3A_187 = arith.cmpi slt, %add3A_186, %lt3A : i32
      %convert_element_type3A = arith.extui %lt3A_187 : i1 to i32
      %cond3A = arith.constant 0 : i32
      %cond3A_188 = arith.cmpi ne, %convert_element_type3A, %cond3A : i32
      scf.if %cond3A_188 {
        %add3A_198 = arith.constant 0 : i32
        %add3A_199 = arith.addi %mul3A_130, %add3A_198 : i32
        %dma_wait3A_200 = arith.constant 0 : i32
        %dma_wait3A_201 = arith.constant 0 : i32
        %dma_wait3A_202 = arith.constant 0 : i32
        %dma_wait3A_203 = tpu.memref_slice %arg8[%dma_wait3A_200, %dma_wait3A_201, %dma_wait3A_202] : memref<2x128x128xf32, #tpu.memory_space<vmem>> -> memref<1x128x128xf32, #tpu.memory_space<vmem>>
        %dma_wait3A_204 = tpu.memref_squeeze %dma_wait3A_203 : memref<1x128x128xf32, #tpu.memory_space<vmem>> -> memref<128x128xf32, #tpu.memory_space<vmem>>
        %dma_wait3A_205 = arith.constant 0 : i32
        %dma_wait3A_206 = tpu.memref_slice %arg10[%add3A_199, %dma_wait3A_205] : memref<40x128xi32, #tpu.memory_space<vmem>> -> memref<1x128xi32, #tpu.memory_space<vmem>>
        %dma_wait3A_207 = tpu.memref_squeeze %dma_wait3A_206 : memref<1x128xi32, #tpu.memory_space<vmem>> -> memref<128xi32, #tpu.memory_space<vmem>>
        %dma_wait3A_208 = arith.constant 0 : i32
        %dma_wait3A_209 = arith.constant 0 : i32
        %dma_wait3A_210 = tpu.memref_slice %arg7[%dma_wait3A_208, %dma_wait3A_209] : memref<10240x128xf32, #tpu.memory_space<vmem_shared>> -> memref<10240x128xf32, #tpu.memory_space<vmem_shared>>
        tpu.wait_indirect_dma semaphore(%arg13 : memref<!tpu.dma_semaphore, #tpu.memory_space<semaphore_mem>>) src(%dma_wait3A_204 : memref<128x128xf32, #tpu.memory_space<vmem>>) dst(%dma_wait3A_210 : memref<10240x128xf32, #tpu.memory_space<vmem_shared>>)
        %dma_start3A_211 = arith.constant 0 : i32
        %dma_start3A_212 = arith.constant 0 : i32
        %dma_start3A_213 = arith.constant 0 : i32
        %dma_start3A_214 = tpu.memref_slice %arg8[%dma_start3A_211, %dma_start3A_212, %dma_start3A_213] : memref<2x128x128xf32, #tpu.memory_space<vmem>> -> memref<1x128x128xf32, #tpu.memory_space<vmem>>
        %dma_start3A_215 = tpu.memref_squeeze %dma_start3A_214 : memref<1x128x128xf32, #tpu.memory_space<vmem>> -> memref<128x128xf32, #tpu.memory_space<vmem>>
        %dma_start3A_216 = arith.constant 0 : i32
        %dma_start3A_217 = tpu.memref_slice %arg9[%add3A_186, %dma_start3A_216] : memref<40x128xi32, #tpu.memory_space<vmem>> -> memref<1x128xi32, #tpu.memory_space<vmem>>
        %dma_start3A_218 = tpu.memref_squeeze %dma_start3A_217 : memref<1x128xi32, #tpu.memory_space<vmem>> -> memref<128xi32, #tpu.memory_space<vmem>>
        %dma_start3A_219 = arith.constant 0 : i32
        %dma_start3A_220 = arith.constant 0 : i32
        %dma_start3A_221 = tpu.memref_slice %arg2[%dma_start3A_219, %dma_start3A_220] : memref<10000x128xf32, #tpu.memory_space<hbm>> -> memref<10000x128xf32, #tpu.memory_space<hbm>>
        tpu.enqueue_indirect_dma source(%dma_start3A_221 : memref<10000x128xf32, #tpu.memory_space<hbm>>) target(%dma_start3A_215 : memref<128x128xf32, #tpu.memory_space<vmem>>) offsets(%dma_start3A_218 : memref<128xi32, #tpu.memory_space<vmem>>) semaphore(%arg11 : memref<!tpu.dma_semaphore, #tpu.memory_space<semaphore_mem>>)
      } else {
      }
      %add3A_189 = arith.constant 2 : i32
      %add3A_190 = arith.addi %mul3A_130, %add3A_189 : i32
      %add3A_191 = arith.constant 1 : i32
      %add3A_192 = arith.addi %add3A_190, %add3A_191 : i32
      %lt3A_193 = arith.constant 40 : i32
      %lt3A_194 = arith.cmpi slt, %add3A_192, %lt3A_193 : i32
      %convert_element_type3A_195 = arith.extui %lt3A_194 : i1 to i32
      %cond3A_196 = arith.constant 0 : i32
      %cond3A_197 = arith.cmpi ne, %convert_element_type3A_195, %cond3A_196 : i32
      scf.if %cond3A_197 {
        %add3A_198 = arith.constant 1 : i32
        %add3A_199 = arith.addi %mul3A_130, %add3A_198 : i32
        %dma_wait3A_200 = arith.constant 1 : i32
        %dma_wait3A_201 = arith.constant 0 : i32
        %dma_wait3A_202 = arith.constant 0 : i32
        %dma_wait3A_203 = tpu.memref_slice %arg8[%dma_wait3A_200, %dma_wait3A_201, %dma_wait3A_202] : memref<2x128x128xf32, #tpu.memory_space<vmem>> -> memref<1x128x128xf32, #tpu.memory_space<vmem>>
        %dma_wait3A_204 = tpu.memref_squeeze %dma_wait3A_203 : memref<1x128x128xf32, #tpu.memory_space<vmem>> -> memref<128x128xf32, #tpu.memory_space<vmem>>
        %dma_wait3A_205 = arith.constant 0 : i32
        %dma_wait3A_206 = tpu.memref_slice %arg10[%add3A_199, %dma_wait3A_205] : memref<40x128xi32, #tpu.memory_space<vmem>> -> memref<1x128xi32, #tpu.memory_space<vmem>>
        %dma_wait3A_207 = tpu.memref_squeeze %dma_wait3A_206 : memref<1x128xi32, #tpu.memory_space<vmem>> -> memref<128xi32, #tpu.memory_space<vmem>>
        %dma_wait3A_208 = arith.constant 0 : i32
        %dma_wait3A_209 = arith.constant 0 : i32
        %dma_wait3A_210 = tpu.memref_slice %arg7[%dma_wait3A_208, %dma_wait3A_209] : memref<10240x128xf32, #tpu.memory_space<vmem_shared>> -> memref<10240x128xf32, #tpu.memory_space<vmem_shared>>
        tpu.wait_indirect_dma semaphore(%arg14 : memref<!tpu.dma_semaphore, #tpu.memory_space<semaphore_mem>>) src(%dma_wait3A_204 : memref<128x128xf32, #tpu.memory_space<vmem>>) dst(%dma_wait3A_210 : memref<10240x128xf32, #tpu.memory_space<vmem_shared>>)
        %dma_start3A_211 = arith.constant 1 : i32
        %dma_start3A_212 = arith.constant 0 : i32
        %dma_start3A_213 = arith.constant 0 : i32
        %dma_start3A_214 = tpu.memref_slice %arg8[%dma_start3A_211, %dma_start3A_212, %dma_start3A_213] : memref<2x128x128xf32, #tpu.memory_space<vmem>> -> memref<1x128x128xf32, #tpu.memory_space<vmem>>
        %dma_start3A_215 = tpu.memref_squeeze %dma_start3A_214 : memref<1x128x128xf32, #tpu.memory_space<vmem>> -> memref<128x128xf32, #tpu.memory_space<vmem>>
        %dma_start3A_216 = arith.constant 0 : i32
        %dma_start3A_217 = tpu.memref_slice %arg9[%add3A_192, %dma_start3A_216] : memref<40x128xi32, #tpu.memory_space<vmem>> -> memref<1x128xi32, #tpu.memory_space<vmem>>
        %dma_start3A_218 = tpu.memref_squeeze %dma_start3A_217 : memref<1x128xi32, #tpu.memory_space<vmem>> -> memref<128xi32, #tpu.memory_space<vmem>>
        %dma_start3A_219 = arith.constant 0 : i32
        %dma_start3A_220 = arith.constant 0 : i32
        %dma_start3A_221 = tpu.memref_slice %arg2[%dma_start3A_219, %dma_start3A_220] : memref<10000x128xf32, #tpu.memory_space<hbm>> -> memref<10000x128xf32, #tpu.memory_space<hbm>>
        tpu.enqueue_indirect_dma source(%dma_start3A_221 : memref<10000x128xf32, #tpu.memory_space<hbm>>) target(%dma_start3A_215 : memref<128x128xf32, #tpu.memory_space<vmem>>) offsets(%dma_start3A_218 : memref<128xi32, #tpu.memory_space<vmem>>) semaphore(%arg12 : memref<!tpu.dma_semaphore, #tpu.memory_space<semaphore_mem>>)
      } else {
      }
    }
    %scan3A_94 = arith.constant 20 : i32
    %dma_wait3A_95 = arith.constant 0 : i32
    %dma_wait3A_96 = arith.constant 38 : i32
    %dma_wait3A_97 = arith.constant 0 : i32
    %dma_wait3A_98 = arith.constant 0 : i32
    %dma_wait3A_99 = tpu.memref_slice %arg8[%dma_wait3A_95, %dma_wait3A_97, %dma_wait3A_98] : memref<2x128x128xf32, #tpu.memory_space<vmem>> -> memref<1x128x128xf32, #tpu.memory_space<vmem>>
    %dma_wait3A_100 = tpu.memref_squeeze %dma_wait3A_99 : memref<1x128x128xf32, #tpu.memory_space<vmem>> -> memref<128x128xf32, #tpu.memory_space<vmem>>
    %dma_wait3A_101 = arith.constant 0 : i32
    %dma_wait3A_102 = tpu.memref_slice %arg10[%dma_wait3A_96, %dma_wait3A_101] : memref<40x128xi32, #tpu.memory_space<vmem>> -> memref<1x128xi32, #tpu.memory_space<vmem>>
    %dma_wait3A_103 = tpu.memref_squeeze %dma_wait3A_102 : memref<1x128xi32, #tpu.memory_space<vmem>> -> memref<128xi32, #tpu.memory_space<vmem>>
    %dma_wait3A_104 = arith.constant 0 : i32
    %dma_wait3A_105 = arith.constant 0 : i32
    %dma_wait3A_106 = tpu.memref_slice %arg7[%dma_wait3A_104, %dma_wait3A_105] : memref<10240x128xf32, #tpu.memory_space<vmem_shared>> -> memref<10240x128xf32, #tpu.memory_space<vmem_shared>>
    tpu.wait_indirect_dma semaphore(%arg13 : memref<!tpu.dma_semaphore, #tpu.memory_space<semaphore_mem>>) src(%dma_wait3A_100 : memref<128x128xf32, #tpu.memory_space<vmem>>) dst(%dma_wait3A_106 : memref<10240x128xf32, #tpu.memory_space<vmem_shared>>)
    %dma_wait3A_107 = arith.constant 1 : i32
    %dma_wait3A_108 = arith.constant 39 : i32
    %dma_wait3A_109 = arith.constant 0 : i32
    %dma_wait3A_110 = arith.constant 0 : i32
    %dma_wait3A_111 = tpu.memref_slice %arg8[%dma_wait3A_107, %dma_wait3A_109, %dma_wait3A_110] : memref<2x128x128xf32, #tpu.memory_space<vmem>> -> memref<1x128x128xf32, #tpu.memory_space<vmem>>
    %dma_wait3A_112 = tpu.memref_squeeze %dma_wait3A_111 : memref<1x128x128xf32, #tpu.memory_space<vmem>> -> memref<128x128xf32, #tpu.memory_space<vmem>>
    %dma_wait3A_113 = arith.constant 0 : i32
    %dma_wait3A_114 = tpu.memref_slice %arg10[%dma_wait3A_108, %dma_wait3A_113] : memref<40x128xi32, #tpu.memory_space<vmem>> -> memref<1x128xi32, #tpu.memory_space<vmem>>
    %dma_wait3A_115 = tpu.memref_squeeze %dma_wait3A_114 : memref<1x128xi32, #tpu.memory_space<vmem>> -> memref<128xi32, #tpu.memory_space<vmem>>
    %dma_wait3A_116 = arith.constant 0 : i32
    %dma_wait3A_117 = arith.constant 0 : i32
    %dma_wait3A_118 = tpu.memref_slice %arg7[%dma_wait3A_116, %dma_wait3A_117] : memref<10240x128xf32, #tpu.memory_space<vmem_shared>> -> memref<10240x128xf32, #tpu.memory_space<vmem_shared>>
    tpu.wait_indirect_dma semaphore(%arg14 : memref<!tpu.dma_semaphore, #tpu.memory_space<semaphore_mem>>) src(%dma_wait3A_112 : memref<128x128xf32, #tpu.memory_space<vmem>>) dst(%dma_wait3A_118 : memref<10240x128xf32, #tpu.memory_space<vmem_shared>>)
    %barrier3A_119 = arith.constant 0 : index
    tpu.barrier barrier_id(%barrier3A_119)
    %mul3A_120 = arith.constant 640 : i32
    %mul3A_121 = arith.muli %arg1, %mul3A_120 : i32
    %mul3A_122 = arith.constant 640 : i32
    %mul3A_123 = arith.muli %arg1, %mul3A_122 : i32
    "tpu.region"() ({
      %run_scoped3A = tpu.sem_alloc : memref<!tpu.dma_semaphore, #tpu.memory_space<semaphore_mem>>
      %dma_start3A_124 = arith.constant 0 : i32
      %dma_start3A_125 = arith.constant 0 : i32
      %dma_start3A_126 = tpu.memref_slice %arg6[%arg0, %dma_start3A_124, %dma_start3A_125] : memref<2x10240x128xf32, #tpu.memory_space<hbm>> -> memref<1x10240x128xf32, #tpu.memory_space<hbm>>
      %dma_start3A_127 = tpu.memref_squeeze %dma_start3A_126 : memref<1x10240x128xf32, #tpu.memory_space<hbm>> -> memref<10240x128xf32, #tpu.memory_space<hbm>>
      %dma_start3A_128 = arith.constant 0 : i32
      %dma_start3A_129 = tpu.memref_slice %dma_start3A_127[%mul3A_123, %dma_start3A_128] : memref<10240x128xf32, #tpu.memory_space<hbm>> -> memref<640x128xf32, #tpu.memory_space<hbm>>
      %dma_start3A_130 = arith.constant 0 : i32
      %dma_start3A_131 = tpu.memref_slice %arg7[%mul3A_121, %dma_start3A_130] : memref<10240x128xf32, #tpu.memory_space<vmem_shared>> -> memref<640x128xf32, #tpu.memory_space<vmem_shared>>
      tpu.enqueue_dma source(%dma_start3A_131 : memref<640x128xf32, #tpu.memory_space<vmem_shared>>) target(%dma_start3A_129 : memref<640x128xf32, #tpu.memory_space<hbm>>) target_semaphore(%run_scoped3A : memref<!tpu.dma_semaphore, #tpu.memory_space<semaphore_mem>>)
      %dma_wait3A_132 = arith.constant 0 : i32
      %dma_wait3A_133 = arith.constant 0 : i32
      %dma_wait3A_134 = tpu.memref_slice %arg6[%arg0, %dma_wait3A_132, %dma_wait3A_133] : memref<2x10240x128xf32, #tpu.memory_space<hbm>> -> memref<1x10240x128xf32, #tpu.memory_space<hbm>>
      %dma_wait3A_135 = tpu.memref_squeeze %dma_wait3A_134 : memref<1x10240x128xf32, #tpu.memory_space<hbm>> -> memref<10240x128xf32, #tpu.memory_space<hbm>>
      %dma_wait3A_136 = arith.constant 0 : i32
      %dma_wait3A_137 = tpu.memref_slice %dma_wait3A_135[%mul3A_123, %dma_wait3A_136] : memref<10240x128xf32, #tpu.memory_space<hbm>> -> memref<640x128xf32, #tpu.memory_space<hbm>>
      %dma_wait3A_138 = arith.constant 0 : i32
      %dma_wait3A_139 = tpu.memref_slice %arg7[%mul3A_121, %dma_wait3A_138] : memref<10240x128xf32, #tpu.memory_space<vmem_shared>> -> memref<640x128xf32, #tpu.memory_space<vmem_shared>>
      tpu.wait_dma2 semaphore(%run_scoped3A : memref<!tpu.dma_semaphore, #tpu.memory_space<semaphore_mem>>) src(%dma_wait3A_139 : memref<640x128xf32, #tpu.memory_space<vmem_shared>>) dst(%dma_wait3A_137 : memref<640x128xf32, #tpu.memory_space<hbm>>)
      tpu.yield
    }) : () -> ()
    return
  }
}

#map = affine_map<(d0, d1) -> (0, 0)>
#map1 = affine_map<(d0, d1) -> (0, 0, 0)>
module attributes {stable_mosaic.version = 14 : i64} {
  func.func @_deg_kernel(%arg0: i32, %arg1: i32, %arg2: memref<2560x128xi32, #tpu.memory_space<hbm>>, %arg3: memref<32x16x1024xf32, #tpu.memory_space<hbm>>, %arg4: memref<16x1024xf32, #tpu.memory_space<vmem>>, %arg5: memref<40x128xi32, #tpu.memory_space<vmem>>) attributes {dimension_semantics = [#tpu.dimension_semantics<core_parallel>, #tpu.dimension_semantics<subcore_parallel>], iteration_bounds = array<i64: 2, 16>, scalar_prefetch = 0 : i64, scratch_operands = 2 : i64, tpu.core_type = #tpu.core_type<sc_vector_subcore>, window_params = [{transform_indices = #map}, {transform_indices = #map1}]} {
    %mul3A = arith.constant 16 : i32
    %mul3A_0 = arith.muli %arg0, %mul3A : i32
    %add3A = arith.addi %mul3A_0, %arg1 : i32
    %scan3A = arith.constant 0 : i32
    %scan3A_1 = arith.constant 16 : i32
    %scan3A_2 = arith.addi %scan3A, %scan3A_1 : i32
    %scan3A_3 = arith.constant 1 : i32
    scf.for %scan3A_24 = %scan3A to %scan3A_2 step %scan3A_3  : i32 {
      %mul3A_25 = arith.constant 1 : i32
      %mul3A_26 = arith.muli %scan3A_24, %mul3A_25 : i32
      %add3A_27 = arith.constant 0 : i32
      %add3A_28 = arith.addi %add3A_27, %mul3A_26 : i32
      %scan3A_29 = arith.constant 0 : i32
      %scan3A_30 = arith.constant 64 : i32
      %scan3A_31 = arith.addi %scan3A_29, %scan3A_30 : i32
      %scan3A_32 = arith.constant 1 : i32
      scf.for %scan3A_34 = %scan3A_29 to %scan3A_31 step %scan3A_32  : i32 {
        %mul3A_35 = arith.constant 16 : i32
        %mul3A_36 = arith.muli %scan3A_34, %mul3A_35 : i32
        %add3A_37 = arith.constant 0 : i32
        %add3A_38 = arith.addi %add3A_37, %mul3A_36 : i32
        %broadcast_in_dim3A_39 = arith.constant 0.000000e+00 : f32
        %broadcast_in_dim3A_40 = vector.broadcast %broadcast_in_dim3A_39 : f32 to vector<16xf32>
        %swap3A = arith.index_cast %add3A_28 : i32 to index
        %swap3A_41 = arith.index_cast %add3A_38 : i32 to index
        %swap3A_42 = tpu.vector_load %arg4[%swap3A, %swap3A_41] {strides = array<i32>} : memref<16x1024xf32, #tpu.memory_space<vmem>>, vector<16xf32>,
        tpu.vector_store %arg4[%swap3A, %swap3A_41], %broadcast_in_dim3A_40 {strides = array<i32>} : memref<16x1024xf32, #tpu.memory_space<vmem>>, vector<16xf32>,
      }
      %scan3A_33 = arith.constant 64 : i32
    }
    %scan3A_4 = arith.constant 16 : i32
    %broadcast_in_dim3A = arith.constant 1.000000e+00 : f32
    %broadcast_in_dim3A_5 = vector.broadcast %broadcast_in_dim3A : f32 to vector<16xf32>
    %mul3A_6 = arith.constant 80 : i32
    %mul3A_7 = arith.muli %add3A, %mul3A_6 : i32
    %add3A_8 = arith.constant 0 : i32
    %add3A_9 = arith.addi %mul3A_7, %add3A_8 : i32
    "tpu.region"() ({
      %run_scoped3A = tpu.sem_alloc : memref<!tpu.dma_semaphore, #tpu.memory_space<semaphore_mem>>
      %dma_start3A = arith.constant 0 : i32
      %dma_start3A_24 = tpu.memref_slice %arg2[%add3A_9, %dma_start3A] : memref<2560x128xi32, #tpu.memory_space<hbm>> -> memref<40x128xi32, #tpu.memory_space<hbm>>
      %dma_start3A_25 = arith.constant 0 : i32
      %dma_start3A_26 = tpu.memref_slice %arg2[%add3A_9, %dma_start3A_25] : memref<2560x128xi32, #tpu.memory_space<hbm>> -> memref<40x128xi32, #tpu.memory_space<hbm>>
      tpu.enqueue_dma source(%dma_start3A_26 : memref<40x128xi32, #tpu.memory_space<hbm>>) target(%arg5 : memref<40x128xi32, #tpu.memory_space<vmem>>) target_semaphore(%run_scoped3A : memref<!tpu.dma_semaphore, #tpu.memory_space<semaphore_mem>>)
      %dma_wait3A = arith.constant 0 : i32
      %dma_wait3A_27 = tpu.memref_slice %arg2[%add3A_9, %dma_wait3A] : memref<2560x128xi32, #tpu.memory_space<hbm>> -> memref<40x128xi32, #tpu.memory_space<hbm>>
      %dma_wait3A_28 = arith.constant 0 : i32
      %dma_wait3A_29 = tpu.memref_slice %arg2[%add3A_9, %dma_wait3A_28] : memref<2560x128xi32, #tpu.memory_space<hbm>> -> memref<40x128xi32, #tpu.memory_space<hbm>>
      tpu.wait_dma2 semaphore(%run_scoped3A : memref<!tpu.dma_semaphore, #tpu.memory_space<semaphore_mem>>) src(%dma_wait3A_29 : memref<40x128xi32, #tpu.memory_space<hbm>>) dst(%arg5 : memref<40x128xi32, #tpu.memory_space<vmem>>)
      tpu.yield
    }) : () -> ()
    %scan3A_10 = arith.constant 0 : i32
    %scan3A_11 = arith.constant 40 : i32
    %scan3A_12 = arith.addi %scan3A_10, %scan3A_11 : i32
    %scan3A_13 = arith.constant 1 : i32
    scf.for %scan3A_24 = %scan3A_10 to %scan3A_12 step %scan3A_13  : i32 {
      %mul3A_25 = arith.constant 1 : i32
      %mul3A_26 = arith.muli %scan3A_24, %mul3A_25 : i32
      %add3A_27 = arith.constant 0 : i32
      %add3A_28 = arith.addi %add3A_27, %mul3A_26 : i32
      %scan3A_29 = arith.constant 0 : i32
      %scan3A_30 = arith.constant 8 : i32
      %scan3A_31 = arith.addi %scan3A_29, %scan3A_30 : i32
      %scan3A_32 = arith.constant 1 : i32
      scf.for %scan3A_34 = %scan3A_29 to %scan3A_31 step %scan3A_32  : i32 {
        %mul3A_35 = arith.constant 16 : i32
        %mul3A_36 = arith.muli %scan3A_34, %mul3A_35 : i32
        %add3A_37 = arith.constant 0 : i32
        %add3A_38 = arith.addi %add3A_37, %mul3A_36 : i32
        %get3A = arith.index_cast %add3A_28 : i32 to index
        %get3A_39 = arith.index_cast %add3A_38 : i32 to index
        %get3A_40 = tpu.vector_load %arg5[%get3A, %get3A_39] {strides = array<i32>} : memref<40x128xi32, #tpu.memory_space<vmem>>, vector<16xi32>,
        %shift_right_arithmetic3A = arith.constant 10 : i32
        %shift_right_arithmetic3A_41 = vector.broadcast %shift_right_arithmetic3A : i32 to vector<16xi32>
        %shift_right_arithmetic3A_42 = arith.shrsi %get3A_40, %shift_right_arithmetic3A_41 : vector<16xi32>
        %and3A = arith.constant 1023 : i32
        %and3A_43 = vector.broadcast %and3A : i32 to vector<16xi32>
        %and3A_44 = arith.andi %get3A_40, %and3A_43 : vector<16xi32>
        tpu.vector_store_idx %arg4[%shift_right_arithmetic3A_42, %and3A_44], %broadcast_in_dim3A_5 {add = true} : memref<16x1024xf32, #tpu.memory_space<vmem>>[vector<16xi32>, vector<16xi32>], vector<16xf32>,
      }
      %scan3A_33 = arith.constant 8 : i32
    }
    %scan3A_14 = arith.constant 40 : i32
    %mul3A_15 = arith.constant 80 : i32
    %mul3A_16 = arith.muli %add3A, %mul3A_15 : i32
    %add3A_17 = arith.constant 40 : i32
    %add3A_18 = arith.addi %mul3A_16, %add3A_17 : i32
    "tpu.region"() ({
      %run_scoped3A = tpu.sem_alloc : memref<!tpu.dma_semaphore, #tpu.memory_space<semaphore_mem>>
      %dma_start3A = arith.constant 0 : i32
      %dma_start3A_24 = tpu.memref_slice %arg2[%add3A_18, %dma_start3A] : memref<2560x128xi32, #tpu.memory_space<hbm>> -> memref<40x128xi32, #tpu.memory_space<hbm>>
      %dma_start3A_25 = arith.constant 0 : i32
      %dma_start3A_26 = tpu.memref_slice %arg2[%add3A_18, %dma_start3A_25] : memref<2560x128xi32, #tpu.memory_space<hbm>> -> memref<40x128xi32, #tpu.memory_space<hbm>>
      tpu.enqueue_dma source(%dma_start3A_26 : memref<40x128xi32, #tpu.memory_space<hbm>>) target(%arg5 : memref<40x128xi32, #tpu.memory_space<vmem>>) target_semaphore(%run_scoped3A : memref<!tpu.dma_semaphore, #tpu.memory_space<semaphore_mem>>)
      %dma_wait3A = arith.constant 0 : i32
      %dma_wait3A_27 = tpu.memref_slice %arg2[%add3A_18, %dma_wait3A] : memref<2560x128xi32, #tpu.memory_space<hbm>> -> memref<40x128xi32, #tpu.memory_space<hbm>>
      %dma_wait3A_28 = arith.constant 0 : i32
      %dma_wait3A_29 = tpu.memref_slice %arg2[%add3A_18, %dma_wait3A_28] : memref<2560x128xi32, #tpu.memory_space<hbm>> -> memref<40x128xi32, #tpu.memory_space<hbm>>
      tpu.wait_dma2 semaphore(%run_scoped3A : memref<!tpu.dma_semaphore, #tpu.memory_space<semaphore_mem>>) src(%dma_wait3A_29 : memref<40x128xi32, #tpu.memory_space<hbm>>) dst(%arg5 : memref<40x128xi32, #tpu.memory_space<vmem>>)
      tpu.yield
    }) : () -> ()
    %scan3A_19 = arith.constant 0 : i32
    %scan3A_20 = arith.constant 40 : i32
    %scan3A_21 = arith.addi %scan3A_19, %scan3A_20 : i32
    %scan3A_22 = arith.constant 1 : i32
    scf.for %scan3A_24 = %scan3A_19 to %scan3A_21 step %scan3A_22  : i32 {
      %mul3A_25 = arith.constant 1 : i32
      %mul3A_26 = arith.muli %scan3A_24, %mul3A_25 : i32
      %add3A_27 = arith.constant 0 : i32
      %add3A_28 = arith.addi %add3A_27, %mul3A_26 : i32
      %scan3A_29 = arith.constant 0 : i32
      %scan3A_30 = arith.constant 8 : i32
      %scan3A_31 = arith.addi %scan3A_29, %scan3A_30 : i32
      %scan3A_32 = arith.constant 1 : i32
      scf.for %scan3A_34 = %scan3A_29 to %scan3A_31 step %scan3A_32  : i32 {
        %mul3A_35 = arith.constant 16 : i32
        %mul3A_36 = arith.muli %scan3A_34, %mul3A_35 : i32
        %add3A_37 = arith.constant 0 : i32
        %add3A_38 = arith.addi %add3A_37, %mul3A_36 : i32
        %get3A = arith.index_cast %add3A_28 : i32 to index
        %get3A_39 = arith.index_cast %add3A_38 : i32 to index
        %get3A_40 = tpu.vector_load %arg5[%get3A, %get3A_39] {strides = array<i32>} : memref<40x128xi32, #tpu.memory_space<vmem>>, vector<16xi32>,
        %shift_right_arithmetic3A = arith.constant 10 : i32
        %shift_right_arithmetic3A_41 = vector.broadcast %shift_right_arithmetic3A : i32 to vector<16xi32>
        %shift_right_arithmetic3A_42 = arith.shrsi %get3A_40, %shift_right_arithmetic3A_41 : vector<16xi32>
        %and3A = arith.constant 1023 : i32
        %and3A_43 = vector.broadcast %and3A : i32 to vector<16xi32>
        %and3A_44 = arith.andi %get3A_40, %and3A_43 : vector<16xi32>
        tpu.vector_store_idx %arg4[%shift_right_arithmetic3A_42, %and3A_44], %broadcast_in_dim3A_5 {add = true} : memref<16x1024xf32, #tpu.memory_space<vmem>>[vector<16xi32>, vector<16xi32>], vector<16xf32>,
      }
      %scan3A_33 = arith.constant 8 : i32
    }
    %scan3A_23 = arith.constant 40 : i32
    "tpu.region"() ({
      %run_scoped3A = tpu.sem_alloc : memref<!tpu.dma_semaphore, #tpu.memory_space<semaphore_mem>>
      %dma_start3A = arith.constant 0 : i32
      %dma_start3A_24 = arith.constant 0 : i32
      %dma_start3A_25 = tpu.memref_slice %arg3[%add3A, %dma_start3A, %dma_start3A_24] : memref<32x16x1024xf32, #tpu.memory_space<hbm>> -> memref<1x16x1024xf32, #tpu.memory_space<hbm>>
      %dma_start3A_26 = tpu.memref_squeeze %dma_start3A_25 : memref<1x16x1024xf32, #tpu.memory_space<hbm>> -> memref<16x1024xf32, #tpu.memory_space<hbm>>
      %dma_start3A_27 = arith.constant 0 : i32
      %dma_start3A_28 = arith.constant 0 : i32
      %dma_start3A_29 = tpu.memref_slice %arg3[%add3A, %dma_start3A_27, %dma_start3A_28] : memref<32x16x1024xf32, #tpu.memory_space<hbm>> -> memref<1x16x1024xf32, #tpu.memory_space<hbm>>
      %dma_start3A_30 = tpu.memref_squeeze %dma_start3A_29 : memref<1x16x1024xf32, #tpu.memory_space<hbm>> -> memref<16x1024xf32, #tpu.memory_space<hbm>>
      tpu.enqueue_dma source(%arg4 : memref<16x1024xf32, #tpu.memory_space<vmem>>) target(%dma_start3A_30 : memref<16x1024xf32, #tpu.memory_space<hbm>>) target_semaphore(%run_scoped3A : memref<!tpu.dma_semaphore, #tpu.memory_space<semaphore_mem>>)
      %dma_wait3A = arith.constant 0 : i32
      %dma_wait3A_31 = arith.constant 0 : i32
      %dma_wait3A_32 = tpu.memref_slice %arg3[%add3A, %dma_wait3A, %dma_wait3A_31] : memref<32x16x1024xf32, #tpu.memory_space<hbm>> -> memref<1x16x1024xf32, #tpu.memory_space<hbm>>
      %dma_wait3A_33 = tpu.memref_squeeze %dma_wait3A_32 : memref<1x16x1024xf32, #tpu.memory_space<hbm>> -> memref<16x1024xf32, #tpu.memory_space<hbm>>
      %dma_wait3A_34 = arith.constant 0 : i32
      %dma_wait3A_35 = arith.constant 0 : i32
      %dma_wait3A_36 = tpu.memref_slice %arg3[%add3A, %dma_wait3A_34, %dma_wait3A_35] : memref<32x16x1024xf32, #tpu.memory_space<hbm>> -> memref<1x16x1024xf32, #tpu.memory_space<hbm>>
      %dma_wait3A_37 = tpu.memref_squeeze %dma_wait3A_36 : memref<1x16x1024xf32, #tpu.memory_space<hbm>> -> memref<16x1024xf32, #tpu.memory_space<hbm>>
      tpu.wait_dma2 semaphore(%run_scoped3A : memref<!tpu.dma_semaphore, #tpu.memory_space<semaphore_mem>>) src(%arg4 : memref<16x1024xf32, #tpu.memory_space<vmem>>) dst(%dma_wait3A_37 : memref<16x1024xf32, #tpu.memory_space<hbm>>)
      tpu.yield
    }) : () -> ()
    return
  }
}

#map = affine_map<(d0, d1) -> (0, 0)>
#map1 = affine_map<(d0, d1) -> (0, 0, 0)>
module attributes {stable_mosaic.version = 14 : i64} {
  func.func @_agg_kernel(%arg0: i32, %arg1: i32, %arg2: memref<10000x128xf32, #tpu.memory_space<hbm>>, %arg3: memref<2560x128xi32, #tpu.memory_space<hbm>>, %arg4: memref<2560x128xi32, #tpu.memory_space<hbm>>, %arg5: memref<10240x128xf32, #tpu.memory_space<hbm>>, %arg6: memref<2x10240x128xf32, #tpu.memory_space<hbm>>, %arg7: memref<10240x128xf32, #tpu.memory_space<vmem_shared>>, %arg8: memref<2x128x128xf32, #tpu.memory_space<vmem>>, %arg9: memref<40x128xi32, #tpu.memory_space<vmem>>, %arg10: memref<40x128xi32, #tpu.memory_space<vmem>>, %arg11: memref<!tpu.dma_semaphore, #tpu.memory_space<semaphore_mem>>, %arg12: memref<!tpu.dma_semaphore, #tpu.memory_space<semaphore_mem>>, %arg13: memref<!tpu.dma_semaphore, #tpu.memory_space<semaphore_mem>>, %arg14: memref<!tpu.dma_semaphore, #tpu.memory_space<semaphore_mem>>) attributes {dimension_semantics = [#tpu.dimension_semantics<core_parallel>, #tpu.dimension_semantics<subcore_parallel>], iteration_bounds = array<i64: 2, 16>, scalar_prefetch = 0 : i64, scratch_operands = 8 : i64, tpu.core_type = #tpu.core_type<sc_vector_subcore>, window_params = [{transform_indices = #map}, {transform_indices = #map}, {transform_indices = #map}, {transform_indices = #map}, {transform_indices = #map1}]} {
    %mul3A = arith.constant 16 : i32
    %mul3A_0 = arith.muli %arg0, %mul3A : i32
    %add3A = arith.addi %mul3A_0, %arg1 : i32
    %mul3A_1 = arith.constant 80 : i32
    %mul3A_2 = arith.muli %add3A, %mul3A_1 : i32
    %add3A_3 = arith.constant 0 : i32
    %add3A_4 = arith.addi %mul3A_2, %add3A_3 : i32
    "tpu.region"() ({
      %run_scoped3A = tpu.sem_alloc : memref<!tpu.dma_semaphore, #tpu.memory_space<semaphore_mem>>
      %dma_start3A_124 = arith.constant 0 : i32
      %dma_start3A_125 = tpu.memref_slice %arg3[%add3A_4, %dma_start3A_124] : memref<2560x128xi32, #tpu.memory_space<hbm>> -> memref<40x128xi32, #tpu.memory_space<hbm>>
      %dma_start3A_126 = arith.constant 0 : i32
      %dma_start3A_127 = tpu.memref_slice %arg3[%add3A_4, %dma_start3A_126] : memref<2560x128xi32, #tpu.memory_space<hbm>> -> memref<40x128xi32, #tpu.memory_space<hbm>>
      tpu.enqueue_dma source(%dma_start3A_127 : memref<40x128xi32, #tpu.memory_space<hbm>>) target(%arg9 : memref<40x128xi32, #tpu.memory_space<vmem>>) target_semaphore(%run_scoped3A : memref<!tpu.dma_semaphore, #tpu.memory_space<semaphore_mem>>)
      %dma_wait3A_128 = arith.constant 0 : i32
      %dma_wait3A_129 = tpu.memref_slice %arg3[%add3A_4, %dma_wait3A_128] : memref<2560x128xi32, #tpu.memory_space<hbm>> -> memref<40x128xi32, #tpu.memory_space<hbm>>
      %dma_wait3A_130 = arith.constant 0 : i32
      %dma_wait3A_131 = tpu.memref_slice %arg3[%add3A_4, %dma_wait3A_130] : memref<2560x128xi32, #tpu.memory_space<hbm>> -> memref<40x128xi32, #tpu.memory_space<hbm>>
      tpu.wait_dma2 semaphore(%run_scoped3A : memref<!tpu.dma_semaphore, #tpu.memory_space<semaphore_mem>>) src(%dma_wait3A_131 : memref<40x128xi32, #tpu.memory_space<hbm>>) dst(%arg9 : memref<40x128xi32, #tpu.memory_space<vmem>>)
      tpu.yield
    }) : () -> ()
    "tpu.region"() ({
      %run_scoped3A = tpu.sem_alloc : memref<!tpu.dma_semaphore, #tpu.memory_space<semaphore_mem>>
      %dma_start3A_124 = arith.constant 0 : i32
      %dma_start3A_125 = tpu.memref_slice %arg4[%add3A_4, %dma_start3A_124] : memref<2560x128xi32, #tpu.memory_space<hbm>> -> memref<40x128xi32, #tpu.memory_space<hbm>>
      %dma_start3A_126 = arith.constant 0 : i32
      %dma_start3A_127 = tpu.memref_slice %arg4[%add3A_4, %dma_start3A_126] : memref<2560x128xi32, #tpu.memory_space<hbm>> -> memref<40x128xi32, #tpu.memory_space<hbm>>
      tpu.enqueue_dma source(%dma_start3A_127 : memref<40x128xi32, #tpu.memory_space<hbm>>) target(%arg10 : memref<40x128xi32, #tpu.memory_space<vmem>>) target_semaphore(%run_scoped3A : memref<!tpu.dma_semaphore, #tpu.memory_space<semaphore_mem>>)
      %dma_wait3A_128 = arith.constant 0 : i32
      %dma_wait3A_129 = tpu.memref_slice %arg4[%add3A_4, %dma_wait3A_128] : memref<2560x128xi32, #tpu.memory_space<hbm>> -> memref<40x128xi32, #tpu.memory_space<hbm>>
      %dma_wait3A_130 = arith.constant 0 : i32
      %dma_wait3A_131 = tpu.memref_slice %arg4[%add3A_4, %dma_wait3A_130] : memref<2560x128xi32, #tpu.memory_space<hbm>> -> memref<40x128xi32, #tpu.memory_space<hbm>>
      tpu.wait_dma2 semaphore(%run_scoped3A : memref<!tpu.dma_semaphore, #tpu.memory_space<semaphore_mem>>) src(%dma_wait3A_131 : memref<40x128xi32, #tpu.memory_space<hbm>>) dst(%arg10 : memref<40x128xi32, #tpu.memory_space<vmem>>)
      tpu.yield
    }) : () -> ()
    %dma_start3A = arith.constant 0 : i32
    %dma_start3A_5 = arith.constant 0 : i32
    %dma_start3A_6 = arith.constant 0 : i32
    %dma_start3A_7 = arith.constant 0 : i32
    %dma_start3A_8 = tpu.memref_slice %arg8[%dma_start3A_5, %dma_start3A_6, %dma_start3A_7] : memref<2x128x128xf32, #tpu.memory_space<vmem>> -> memref<1x128x128xf32, #tpu.memory_space<vmem>>
    %dma_start3A_9 = tpu.memref_squeeze %dma_start3A_8 : memref<1x128x128xf32, #tpu.memory_space<vmem>> -> memref<128x128xf32, #tpu.memory_space<vmem>>
    %dma_start3A_10 = arith.constant 0 : i32
    %dma_start3A_11 = tpu.memref_slice %arg9[%dma_start3A, %dma_start3A_10] : memref<40x128xi32, #tpu.memory_space<vmem>> -> memref<1x128xi32, #tpu.memory_space<vmem>>
    %dma_start3A_12 = tpu.memref_squeeze %dma_start3A_11 : memref<1x128xi32, #tpu.memory_space<vmem>> -> memref<128xi32, #tpu.memory_space<vmem>>
    %dma_start3A_13 = arith.constant 0 : i32
    %dma_start3A_14 = arith.constant 0 : i32
    %dma_start3A_15 = tpu.memref_slice %arg2[%dma_start3A_13, %dma_start3A_14] : memref<10000x128xf32, #tpu.memory_space<hbm>> -> memref<10000x128xf32, #tpu.memory_space<hbm>>
    tpu.enqueue_indirect_dma source(%dma_start3A_15 : memref<10000x128xf32, #tpu.memory_space<hbm>>) target(%dma_start3A_9 : memref<128x128xf32, #tpu.memory_space<vmem>>) offsets(%dma_start3A_12 : memref<128xi32, #tpu.memory_space<vmem>>) semaphore(%arg11 : memref<!tpu.dma_semaphore, #tpu.memory_space<semaphore_mem>>)
    %dma_start3A_16 = arith.constant 1 : i32
    %dma_start3A_17 = arith.constant 1 : i32
    %dma_start3A_18 = arith.constant 0 : i32
    %dma_start3A_19 = arith.constant 0 : i32
    %dma_start3A_20 = tpu.memref_slice %arg8[%dma_start3A_17, %dma_start3A_18, %dma_start3A_19] : memref<2x128x128xf32, #tpu.memory_space<vmem>> -> memref<1x128x128xf32, #tpu.memory_space<vmem>>
    %dma_start3A_21 = tpu.memref_squeeze %dma_start3A_20 : memref<1x128x128xf32, #tpu.memory_space<vmem>> -> memref<128x128xf32, #tpu.memory_space<vmem>>
    %dma_start3A_22 = arith.constant 0 : i32
    %dma_start3A_23 = tpu.memref_slice %arg9[%dma_start3A_16, %dma_start3A_22] : memref<40x128xi32, #tpu.memory_space<vmem>> -> memref<1x128xi32, #tpu.memory_space<vmem>>
    %dma_start3A_24 = tpu.memref_squeeze %dma_start3A_23 : memref<1x128xi32, #tpu.memory_space<vmem>> -> memref<128xi32, #tpu.memory_space<vmem>>
    %dma_start3A_25 = arith.constant 0 : i32
    %dma_start3A_26 = arith.constant 0 : i32
    %dma_start3A_27 = tpu.memref_slice %arg2[%dma_start3A_25, %dma_start3A_26] : memref<10000x128xf32, #tpu.memory_space<hbm>> -> memref<10000x128xf32, #tpu.memory_space<hbm>>
    tpu.enqueue_indirect_dma source(%dma_start3A_27 : memref<10000x128xf32, #tpu.memory_space<hbm>>) target(%dma_start3A_21 : memref<128x128xf32, #tpu.memory_space<vmem>>) offsets(%dma_start3A_24 : memref<128xi32, #tpu.memory_space<vmem>>) semaphore(%arg12 : memref<!tpu.dma_semaphore, #tpu.memory_space<semaphore_mem>>)
    %mul3A_28 = arith.constant 640 : i32
    %mul3A_29 = arith.muli %arg1, %mul3A_28 : i32
    %mul3A_30 = arith.constant 640 : i32
    %mul3A_31 = arith.muli %arg1, %mul3A_30 : i32
    "tpu.region"() ({
      %run_scoped3A = tpu.sem_alloc : memref<!tpu.dma_semaphore, #tpu.memory_space<semaphore_mem>>
      %dma_start3A_124 = arith.constant 0 : i32
      %dma_start3A_125 = tpu.memref_slice %arg7[%mul3A_31, %dma_start3A_124] : memref<10240x128xf32, #tpu.memory_space<vmem_shared>> -> memref<640x128xf32, #tpu.memory_space<vmem_shared>>
      %dma_start3A_126 = arith.constant 0 : i32
      %dma_start3A_127 = tpu.memref_slice %arg5[%mul3A_29, %dma_start3A_126] : memref<10240x128xf32, #tpu.memory_space<hbm>> -> memref<640x128xf32, #tpu.memory_space<hbm>>
      tpu.enqueue_dma source(%dma_start3A_127 : memref<640x128xf32, #tpu.memory_space<hbm>>) target(%dma_start3A_125 : memref<640x128xf32, #tpu.memory_space<vmem_shared>>) target_semaphore(%run_scoped3A : memref<!tpu.dma_semaphore, #tpu.memory_space<semaphore_mem>>)
      %dma_wait3A_128 = arith.constant 0 : i32
      %dma_wait3A_129 = tpu.memref_slice %arg7[%mul3A_31, %dma_wait3A_128] : memref<10240x128xf32, #tpu.memory_space<vmem_shared>> -> memref<640x128xf32, #tpu.memory_space<vmem_shared>>
      %dma_wait3A_130 = arith.constant 0 : i32
      %dma_wait3A_131 = tpu.memref_slice %arg5[%mul3A_29, %dma_wait3A_130] : memref<10240x128xf32, #tpu.memory_space<hbm>> -> memref<640x128xf32, #tpu.memory_space<hbm>>
      tpu.wait_dma2 semaphore(%run_scoped3A : memref<!tpu.dma_semaphore, #tpu.memory_space<semaphore_mem>>) src(%dma_wait3A_131 : memref<640x128xf32, #tpu.memory_space<hbm>>) dst(%dma_wait3A_129 : memref<640x128xf32, #tpu.memory_space<vmem_shared>>)
      tpu.yield
    }) : () -> ()
    %barrier3A = arith.constant 0 : index
    tpu.barrier barrier_id(%barrier3A)
    %scan3A = arith.constant 0 : i32
    %scan3A_32 = arith.constant 20 : i32
    %scan3A_33 = arith.addi %scan3A, %scan3A_32 : i32
    %scan3A_34 = arith.constant 1 : i32
    scf.for %scan3A_124 = %scan3A to %scan3A_33 step %scan3A_34  : i32 {
      %mul3A_125 = arith.constant 1 : i32
      %mul3A_126 = arith.muli %scan3A_124, %mul3A_125 : i32
      %add3A_127 = arith.constant 0 : i32
      %add3A_128 = arith.addi %add3A_127, %mul3A_126 : i32
      %mul3A_129 = arith.constant 2 : i32
      %mul3A_130 = arith.muli %add3A_128, %mul3A_129 : i32
      %add3A_131 = arith.constant 0 : i32
      %add3A_132 = arith.addi %mul3A_130, %add3A_131 : i32
      %dma_wait3A_133 = arith.constant 0 : i32
      %dma_wait3A_134 = arith.constant 0 : i32
      %dma_wait3A_135 = arith.constant 0 : i32
      %dma_wait3A_136 = tpu.memref_slice %arg8[%dma_wait3A_133, %dma_wait3A_134, %dma_wait3A_135] : memref<2x128x128xf32, #tpu.memory_space<vmem>> -> memref<1x128x128xf32, #tpu.memory_space<vmem>>
      %dma_wait3A_137 = tpu.memref_squeeze %dma_wait3A_136 : memref<1x128x128xf32, #tpu.memory_space<vmem>> -> memref<128x128xf32, #tpu.memory_space<vmem>>
      %dma_wait3A_138 = arith.constant 0 : i32
      %dma_wait3A_139 = tpu.memref_slice %arg9[%add3A_132, %dma_wait3A_138] : memref<40x128xi32, #tpu.memory_space<vmem>> -> memref<1x128xi32, #tpu.memory_space<vmem>>
      %dma_wait3A_140 = tpu.memref_squeeze %dma_wait3A_139 : memref<1x128xi32, #tpu.memory_space<vmem>> -> memref<128xi32, #tpu.memory_space<vmem>>
      %dma_wait3A_141 = arith.constant 0 : i32
      %dma_wait3A_142 = arith.constant 0 : i32
      %dma_wait3A_143 = tpu.memref_slice %arg2[%dma_wait3A_141, %dma_wait3A_142] : memref<10000x128xf32, #tpu.memory_space<hbm>> -> memref<10000x128xf32, #tpu.memory_space<hbm>>
      tpu.wait_indirect_dma semaphore(%arg11 : memref<!tpu.dma_semaphore, #tpu.memory_space<semaphore_mem>>) src(%dma_wait3A_143 : memref<10000x128xf32, #tpu.memory_space<hbm>>) dst(%dma_wait3A_137 : memref<128x128xf32, #tpu.memory_space<vmem>>)
      %add3A_144 = arith.constant 0 : i32
      %add3A_145 = arith.addi %mul3A_130, %add3A_144 : i32
      %dma_start3A_146 = arith.constant 0 : i32
      %dma_start3A_147 = arith.constant 0 : i32
      %dma_start3A_148 = arith.constant 0 : i32
      %dma_start3A_149 = tpu.memref_slice %arg8[%dma_start3A_146, %dma_start3A_147, %dma_start3A_148] : memref<2x128x128xf32, #tpu.memory_space<vmem>> -> memref<1x128x128xf32, #tpu.memory_space<vmem>>
      %dma_start3A_150 = tpu.memref_squeeze %dma_start3A_149 : memref<1x128x128xf32, #tpu.memory_space<vmem>> -> memref<128x128xf32, #tpu.memory_space<vmem>>
      %dma_start3A_151 = arith.constant 0 : i32
      %dma_start3A_152 = tpu.memref_slice %arg10[%add3A_145, %dma_start3A_151] : memref<40x128xi32, #tpu.memory_space<vmem>> -> memref<1x128xi32, #tpu.memory_space<vmem>>
      %dma_start3A_153 = tpu.memref_squeeze %dma_start3A_152 : memref<1x128xi32, #tpu.memory_space<vmem>> -> memref<128xi32, #tpu.memory_space<vmem>>
      %dma_start3A_154 = arith.constant 0 : i32
      %dma_start3A_155 = arith.constant 0 : i32
      %dma_start3A_156 = tpu.memref_slice %arg7[%dma_start3A_154, %dma_start3A_155] : memref<10240x128xf32, #tpu.memory_space<vmem_shared>> -> memref<10240x128xf32, #tpu.memory_space<vmem_shared>>
      tpu.enqueue_indirect_dma source(%dma_start3A_150 : memref<128x128xf32, #tpu.memory_space<vmem>>) target(%dma_start3A_156 : memref<10240x128xf32, #tpu.memory_space<vmem_shared>>) offsets(%dma_start3A_153 : memref<128xi32, #tpu.memory_space<vmem>>) semaphore(%arg13 : memref<!tpu.dma_semaphore, #tpu.memory_space<semaphore_mem>>) {add = true}
      %add3A_157 = arith.constant 1 : i32
      %add3A_158 = arith.addi %mul3A_130, %add3A_157 : i32
      %dma_wait3A_159 = arith.constant 1 : i32
      %dma_wait3A_160 = arith.constant 0 : i32
      %dma_wait3A_161 = arith.constant 0 : i32
      %dma_wait3A_162 = tpu.memref_slice %arg8[%dma_wait3A_159, %dma_wait3A_160, %dma_wait3A_161] : memref<2x128x128xf32, #tpu.memory_space<vmem>> -> memref<1x128x128xf32, #tpu.memory_space<vmem>>
      %dma_wait3A_163 = tpu.memref_squeeze %dma_wait3A_162 : memref<1x128x128xf32, #tpu.memory_space<vmem>> -> memref<128x128xf32, #tpu.memory_space<vmem>>
      %dma_wait3A_164 = arith.constant 0 : i32
      %dma_wait3A_165 = tpu.memref_slice %arg9[%add3A_158, %dma_wait3A_164] : memref<40x128xi32, #tpu.memory_space<vmem>> -> memref<1x128xi32, #tpu.memory_space<vmem>>
      %dma_wait3A_166 = tpu.memref_squeeze %dma_wait3A_165 : memref<1x128xi32, #tpu.memory_space<vmem>> -> memref<128xi32, #tpu.memory_space<vmem>>
      %dma_wait3A_167 = arith.constant 0 : i32
      %dma_wait3A_168 = arith.constant 0 : i32
      %dma_wait3A_169 = tpu.memref_slice %arg2[%dma_wait3A_167, %dma_wait3A_168] : memref<10000x128xf32, #tpu.memory_space<hbm>> -> memref<10000x128xf32, #tpu.memory_space<hbm>>
      tpu.wait_indirect_dma semaphore(%arg12 : memref<!tpu.dma_semaphore, #tpu.memory_space<semaphore_mem>>) src(%dma_wait3A_169 : memref<10000x128xf32, #tpu.memory_space<hbm>>) dst(%dma_wait3A_163 : memref<128x128xf32, #tpu.memory_space<vmem>>)
      %add3A_170 = arith.constant 1 : i32
      %add3A_171 = arith.addi %mul3A_130, %add3A_170 : i32
      %dma_start3A_172 = arith.constant 1 : i32
      %dma_start3A_173 = arith.constant 0 : i32
      %dma_start3A_174 = arith.constant 0 : i32
      %dma_start3A_175 = tpu.memref_slice %arg8[%dma_start3A_172, %dma_start3A_173, %dma_start3A_174] : memref<2x128x128xf32, #tpu.memory_space<vmem>> -> memref<1x128x128xf32, #tpu.memory_space<vmem>>
      %dma_start3A_176 = tpu.memref_squeeze %dma_start3A_175 : memref<1x128x128xf32, #tpu.memory_space<vmem>> -> memref<128x128xf32, #tpu.memory_space<vmem>>
      %dma_start3A_177 = arith.constant 0 : i32
      %dma_start3A_178 = tpu.memref_slice %arg10[%add3A_171, %dma_start3A_177] : memref<40x128xi32, #tpu.memory_space<vmem>> -> memref<1x128xi32, #tpu.memory_space<vmem>>
      %dma_start3A_179 = tpu.memref_squeeze %dma_start3A_178 : memref<1x128xi32, #tpu.memory_space<vmem>> -> memref<128xi32, #tpu.memory_space<vmem>>
      %dma_start3A_180 = arith.constant 0 : i32
      %dma_start3A_181 = arith.constant 0 : i32
      %dma_start3A_182 = tpu.memref_slice %arg7[%dma_start3A_180, %dma_start3A_181] : memref<10240x128xf32, #tpu.memory_space<vmem_shared>> -> memref<10240x128xf32, #tpu.memory_space<vmem_shared>>
      tpu.enqueue_indirect_dma source(%dma_start3A_176 : memref<128x128xf32, #tpu.memory_space<vmem>>) target(%dma_start3A_182 : memref<10240x128xf32, #tpu.memory_space<vmem_shared>>) offsets(%dma_start3A_179 : memref<128xi32, #tpu.memory_space<vmem>>) semaphore(%arg14 : memref<!tpu.dma_semaphore, #tpu.memory_space<semaphore_mem>>) {add = true}
      %add3A_183 = arith.constant 2 : i32
      %add3A_184 = arith.addi %mul3A_130, %add3A_183 : i32
      %add3A_185 = arith.constant 0 : i32
      %add3A_186 = arith.addi %add3A_184, %add3A_185 : i32
      %lt3A = arith.constant 40 : i32
      %lt3A_187 = arith.cmpi slt, %add3A_186, %lt3A : i32
      %convert_element_type3A = arith.extui %lt3A_187 : i1 to i32
      %cond3A = arith.constant 0 : i32
      %cond3A_188 = arith.cmpi ne, %convert_element_type3A, %cond3A : i32
      scf.if %cond3A_188 {
        %add3A_198 = arith.constant 0 : i32
        %add3A_199 = arith.addi %mul3A_130, %add3A_198 : i32
        %dma_wait3A_200 = arith.constant 0 : i32
        %dma_wait3A_201 = arith.constant 0 : i32
        %dma_wait3A_202 = arith.constant 0 : i32
        %dma_wait3A_203 = tpu.memref_slice %arg8[%dma_wait3A_200, %dma_wait3A_201, %dma_wait3A_202] : memref<2x128x128xf32, #tpu.memory_space<vmem>> -> memref<1x128x128xf32, #tpu.memory_space<vmem>>
        %dma_wait3A_204 = tpu.memref_squeeze %dma_wait3A_203 : memref<1x128x128xf32, #tpu.memory_space<vmem>> -> memref<128x128xf32, #tpu.memory_space<vmem>>
        %dma_wait3A_205 = arith.constant 0 : i32
        %dma_wait3A_206 = tpu.memref_slice %arg10[%add3A_199, %dma_wait3A_205] : memref<40x128xi32, #tpu.memory_space<vmem>> -> memref<1x128xi32, #tpu.memory_space<vmem>>
        %dma_wait3A_207 = tpu.memref_squeeze %dma_wait3A_206 : memref<1x128xi32, #tpu.memory_space<vmem>> -> memref<128xi32, #tpu.memory_space<vmem>>
        %dma_wait3A_208 = arith.constant 0 : i32
        %dma_wait3A_209 = arith.constant 0 : i32
        %dma_wait3A_210 = tpu.memref_slice %arg7[%dma_wait3A_208, %dma_wait3A_209] : memref<10240x128xf32, #tpu.memory_space<vmem_shared>> -> memref<10240x128xf32, #tpu.memory_space<vmem_shared>>
        tpu.wait_indirect_dma semaphore(%arg13 : memref<!tpu.dma_semaphore, #tpu.memory_space<semaphore_mem>>) src(%dma_wait3A_204 : memref<128x128xf32, #tpu.memory_space<vmem>>) dst(%dma_wait3A_210 : memref<10240x128xf32, #tpu.memory_space<vmem_shared>>)
        %dma_start3A_211 = arith.constant 0 : i32
        %dma_start3A_212 = arith.constant 0 : i32
        %dma_start3A_213 = arith.constant 0 : i32
        %dma_start3A_214 = tpu.memref_slice %arg8[%dma_start3A_211, %dma_start3A_212, %dma_start3A_213] : memref<2x128x128xf32, #tpu.memory_space<vmem>> -> memref<1x128x128xf32, #tpu.memory_space<vmem>>
        %dma_start3A_215 = tpu.memref_squeeze %dma_start3A_214 : memref<1x128x128xf32, #tpu.memory_space<vmem>> -> memref<128x128xf32, #tpu.memory_space<vmem>>
        %dma_start3A_216 = arith.constant 0 : i32
        %dma_start3A_217 = tpu.memref_slice %arg9[%add3A_186, %dma_start3A_216] : memref<40x128xi32, #tpu.memory_space<vmem>> -> memref<1x128xi32, #tpu.memory_space<vmem>>
        %dma_start3A_218 = tpu.memref_squeeze %dma_start3A_217 : memref<1x128xi32, #tpu.memory_space<vmem>> -> memref<128xi32, #tpu.memory_space<vmem>>
        %dma_start3A_219 = arith.constant 0 : i32
        %dma_start3A_220 = arith.constant 0 : i32
        %dma_start3A_221 = tpu.memref_slice %arg2[%dma_start3A_219, %dma_start3A_220] : memref<10000x128xf32, #tpu.memory_space<hbm>> -> memref<10000x128xf32, #tpu.memory_space<hbm>>
        tpu.enqueue_indirect_dma source(%dma_start3A_221 : memref<10000x128xf32, #tpu.memory_space<hbm>>) target(%dma_start3A_215 : memref<128x128xf32, #tpu.memory_space<vmem>>) offsets(%dma_start3A_218 : memref<128xi32, #tpu.memory_space<vmem>>) semaphore(%arg11 : memref<!tpu.dma_semaphore, #tpu.memory_space<semaphore_mem>>)
      } else {
      }
      %add3A_189 = arith.constant 2 : i32
      %add3A_190 = arith.addi %mul3A_130, %add3A_189 : i32
      %add3A_191 = arith.constant 1 : i32
      %add3A_192 = arith.addi %add3A_190, %add3A_191 : i32
      %lt3A_193 = arith.constant 40 : i32
      %lt3A_194 = arith.cmpi slt, %add3A_192, %lt3A_193 : i32
      %convert_element_type3A_195 = arith.extui %lt3A_194 : i1 to i32
      %cond3A_196 = arith.constant 0 : i32
      %cond3A_197 = arith.cmpi ne, %convert_element_type3A_195, %cond3A_196 : i32
      scf.if %cond3A_197 {
        %add3A_198 = arith.constant 1 : i32
        %add3A_199 = arith.addi %mul3A_130, %add3A_198 : i32
        %dma_wait3A_200 = arith.constant 1 : i32
        %dma_wait3A_201 = arith.constant 0 : i32
        %dma_wait3A_202 = arith.constant 0 : i32
        %dma_wait3A_203 = tpu.memref_slice %arg8[%dma_wait3A_200, %dma_wait3A_201, %dma_wait3A_202] : memref<2x128x128xf32, #tpu.memory_space<vmem>> -> memref<1x128x128xf32, #tpu.memory_space<vmem>>
        %dma_wait3A_204 = tpu.memref_squeeze %dma_wait3A_203 : memref<1x128x128xf32, #tpu.memory_space<vmem>> -> memref<128x128xf32, #tpu.memory_space<vmem>>
        %dma_wait3A_205 = arith.constant 0 : i32
        %dma_wait3A_206 = tpu.memref_slice %arg10[%add3A_199, %dma_wait3A_205] : memref<40x128xi32, #tpu.memory_space<vmem>> -> memref<1x128xi32, #tpu.memory_space<vmem>>
        %dma_wait3A_207 = tpu.memref_squeeze %dma_wait3A_206 : memref<1x128xi32, #tpu.memory_space<vmem>> -> memref<128xi32, #tpu.memory_space<vmem>>
        %dma_wait3A_208 = arith.constant 0 : i32
        %dma_wait3A_209 = arith.constant 0 : i32
        %dma_wait3A_210 = tpu.memref_slice %arg7[%dma_wait3A_208, %dma_wait3A_209] : memref<10240x128xf32, #tpu.memory_space<vmem_shared>> -> memref<10240x128xf32, #tpu.memory_space<vmem_shared>>
        tpu.wait_indirect_dma semaphore(%arg14 : memref<!tpu.dma_semaphore, #tpu.memory_space<semaphore_mem>>) src(%dma_wait3A_204 : memref<128x128xf32, #tpu.memory_space<vmem>>) dst(%dma_wait3A_210 : memref<10240x128xf32, #tpu.memory_space<vmem_shared>>)
        %dma_start3A_211 = arith.constant 1 : i32
        %dma_start3A_212 = arith.constant 0 : i32
        %dma_start3A_213 = arith.constant 0 : i32
        %dma_start3A_214 = tpu.memref_slice %arg8[%dma_start3A_211, %dma_start3A_212, %dma_start3A_213] : memref<2x128x128xf32, #tpu.memory_space<vmem>> -> memref<1x128x128xf32, #tpu.memory_space<vmem>>
        %dma_start3A_215 = tpu.memref_squeeze %dma_start3A_214 : memref<1x128x128xf32, #tpu.memory_space<vmem>> -> memref<128x128xf32, #tpu.memory_space<vmem>>
        %dma_start3A_216 = arith.constant 0 : i32
        %dma_start3A_217 = tpu.memref_slice %arg9[%add3A_192, %dma_start3A_216] : memref<40x128xi32, #tpu.memory_space<vmem>> -> memref<1x128xi32, #tpu.memory_space<vmem>>
        %dma_start3A_218 = tpu.memref_squeeze %dma_start3A_217 : memref<1x128xi32, #tpu.memory_space<vmem>> -> memref<128xi32, #tpu.memory_space<vmem>>
        %dma_start3A_219 = arith.constant 0 : i32
        %dma_start3A_220 = arith.constant 0 : i32
        %dma_start3A_221 = tpu.memref_slice %arg2[%dma_start3A_219, %dma_start3A_220] : memref<10000x128xf32, #tpu.memory_space<hbm>> -> memref<10000x128xf32, #tpu.memory_space<hbm>>
        tpu.enqueue_indirect_dma source(%dma_start3A_221 : memref<10000x128xf32, #tpu.memory_space<hbm>>) target(%dma_start3A_215 : memref<128x128xf32, #tpu.memory_space<vmem>>) offsets(%dma_start3A_218 : memref<128xi32, #tpu.memory_space<vmem>>) semaphore(%arg12 : memref<!tpu.dma_semaphore, #tpu.memory_space<semaphore_mem>>)
      } else {
      }
    }
    %scan3A_35 = arith.constant 20 : i32
    %dma_wait3A = arith.constant 0 : i32
    %dma_wait3A_36 = arith.constant 38 : i32
    %dma_wait3A_37 = arith.constant 0 : i32
    %dma_wait3A_38 = arith.constant 0 : i32
    %dma_wait3A_39 = tpu.memref_slice %arg8[%dma_wait3A, %dma_wait3A_37, %dma_wait3A_38] : memref<2x128x128xf32, #tpu.memory_space<vmem>> -> memref<1x128x128xf32, #tpu.memory_space<vmem>>
    %dma_wait3A_40 = tpu.memref_squeeze %dma_wait3A_39 : memref<1x128x128xf32, #tpu.memory_space<vmem>> -> memref<128x128xf32, #tpu.memory_space<vmem>>
    %dma_wait3A_41 = arith.constant 0 : i32
    %dma_wait3A_42 = tpu.memref_slice %arg10[%dma_wait3A_36, %dma_wait3A_41] : memref<40x128xi32, #tpu.memory_space<vmem>> -> memref<1x128xi32, #tpu.memory_space<vmem>>
    %dma_wait3A_43 = tpu.memref_squeeze %dma_wait3A_42 : memref<1x128xi32, #tpu.memory_space<vmem>> -> memref<128xi32, #tpu.memory_space<vmem>>
    %dma_wait3A_44 = arith.constant 0 : i32
    %dma_wait3A_45 = arith.constant 0 : i32
    %dma_wait3A_46 = tpu.memref_slice %arg7[%dma_wait3A_44, %dma_wait3A_45] : memref<10240x128xf32, #tpu.memory_space<vmem_shared>> -> memref<10240x128xf32, #tpu.memory_space<vmem_shared>>
    tpu.wait_indirect_dma semaphore(%arg13 : memref<!tpu.dma_semaphore, #tpu.memory_space<semaphore_mem>>) src(%dma_wait3A_40 : memref<128x128xf32, #tpu.memory_space<vmem>>) dst(%dma_wait3A_46 : memref<10240x128xf32, #tpu.memory_space<vmem_shared>>)
    %dma_wait3A_47 = arith.constant 1 : i32
    %dma_wait3A_48 = arith.constant 39 : i32
    %dma_wait3A_49 = arith.constant 0 : i32
    %dma_wait3A_50 = arith.constant 0 : i32
    %dma_wait3A_51 = tpu.memref_slice %arg8[%dma_wait3A_47, %dma_wait3A_49, %dma_wait3A_50] : memref<2x128x128xf32, #tpu.memory_space<vmem>> -> memref<1x128x128xf32, #tpu.memory_space<vmem>>
    %dma_wait3A_52 = tpu.memref_squeeze %dma_wait3A_51 : memref<1x128x128xf32, #tpu.memory_space<vmem>> -> memref<128x128xf32, #tpu.memory_space<vmem>>
    %dma_wait3A_53 = arith.constant 0 : i32
    %dma_wait3A_54 = tpu.memref_slice %arg10[%dma_wait3A_48, %dma_wait3A_53] : memref<40x128xi32, #tpu.memory_space<vmem>> -> memref<1x128xi32, #tpu.memory_space<vmem>>
    %dma_wait3A_55 = tpu.memref_squeeze %dma_wait3A_54 : memref<1x128xi32, #tpu.memory_space<vmem>> -> memref<128xi32, #tpu.memory_space<vmem>>
    %dma_wait3A_56 = arith.constant 0 : i32
    %dma_wait3A_57 = arith.constant 0 : i32
    %dma_wait3A_58 = tpu.memref_slice %arg7[%dma_wait3A_56, %dma_wait3A_57] : memref<10240x128xf32, #tpu.memory_space<vmem_shared>> -> memref<10240x128xf32, #tpu.memory_space<vmem_shared>>
    tpu.wait_indirect_dma semaphore(%arg14 : memref<!tpu.dma_semaphore, #tpu.memory_space<semaphore_mem>>) src(%dma_wait3A_52 : memref<128x128xf32, #tpu.memory_space<vmem>>) dst(%dma_wait3A_58 : memref<10240x128xf32, #tpu.memory_space<vmem_shared>>)
    %mul3A_59 = arith.constant 16 : i32
    %mul3A_60 = arith.muli %arg0, %mul3A_59 : i32
    %add3A_61 = arith.addi %mul3A_60, %arg1 : i32
    %mul3A_62 = arith.constant 80 : i32
    %mul3A_63 = arith.muli %add3A_61, %mul3A_62 : i32
    %add3A_64 = arith.constant 40 : i32
    %add3A_65 = arith.addi %mul3A_63, %add3A_64 : i32
    "tpu.region"() ({
      %run_scoped3A = tpu.sem_alloc : memref<!tpu.dma_semaphore, #tpu.memory_space<semaphore_mem>>
      %dma_start3A_124 = arith.constant 0 : i32
      %dma_start3A_125 = tpu.memref_slice %arg3[%add3A_65, %dma_start3A_124] : memref<2560x128xi32, #tpu.memory_space<hbm>> -> memref<40x128xi32, #tpu.memory_space<hbm>>
      %dma_start3A_126 = arith.constant 0 : i32
      %dma_start3A_127 = tpu.memref_slice %arg3[%add3A_65, %dma_start3A_126] : memref<2560x128xi32, #tpu.memory_space<hbm>> -> memref<40x128xi32, #tpu.memory_space<hbm>>
      tpu.enqueue_dma source(%dma_start3A_127 : memref<40x128xi32, #tpu.memory_space<hbm>>) target(%arg9 : memref<40x128xi32, #tpu.memory_space<vmem>>) target_semaphore(%run_scoped3A : memref<!tpu.dma_semaphore, #tpu.memory_space<semaphore_mem>>)
      %dma_wait3A_128 = arith.constant 0 : i32
      %dma_wait3A_129 = tpu.memref_slice %arg3[%add3A_65, %dma_wait3A_128] : memref<2560x128xi32, #tpu.memory_space<hbm>> -> memref<40x128xi32, #tpu.memory_space<hbm>>
      %dma_wait3A_130 = arith.constant 0 : i32
      %dma_wait3A_131 = tpu.memref_slice %arg3[%add3A_65, %dma_wait3A_130] : memref<2560x128xi32, #tpu.memory_space<hbm>> -> memref<40x128xi32, #tpu.memory_space<hbm>>
      tpu.wait_dma2 semaphore(%run_scoped3A : memref<!tpu.dma_semaphore, #tpu.memory_space<semaphore_mem>>) src(%dma_wait3A_131 : memref<40x128xi32, #tpu.memory_space<hbm>>) dst(%arg9 : memref<40x128xi32, #tpu.memory_space<vmem>>)
      tpu.yield
    }) : () -> ()
    "tpu.region"() ({
      %run_scoped3A = tpu.sem_alloc : memref<!tpu.dma_semaphore, #tpu.memory_space<semaphore_mem>>
      %dma_start3A_124 = arith.constant 0 : i32
      %dma_start3A_125 = tpu.memref_slice %arg4[%add3A_65, %dma_start3A_124] : memref<2560x128xi32, #tpu.memory_space<hbm>> -> memref<40x128xi32, #tpu.memory_space<hbm>>
      %dma_start3A_126 = arith.constant 0 : i32
      %dma_start3A_127 = tpu.memref_slice %arg4[%add3A_65, %dma_start3A_126] : memref<2560x128xi32, #tpu.memory_space<hbm>> -> memref<40x128xi32, #tpu.memory_space<hbm>>
      tpu.enqueue_dma source(%dma_start3A_127 : memref<40x128xi32, #tpu.memory_space<hbm>>) target(%arg10 : memref<40x128xi32, #tpu.memory_space<vmem>>) target_semaphore(%run_scoped3A : memref<!tpu.dma_semaphore, #tpu.memory_space<semaphore_mem>>)
      %dma_wait3A_128 = arith.constant 0 : i32
      %dma_wait3A_129 = tpu.memref_slice %arg4[%add3A_65, %dma_wait3A_128] : memref<2560x128xi32, #tpu.memory_space<hbm>> -> memref<40x128xi32, #tpu.memory_space<hbm>>
      %dma_wait3A_130 = arith.constant 0 : i32
      %dma_wait3A_131 = tpu.memref_slice %arg4[%add3A_65, %dma_wait3A_130] : memref<2560x128xi32, #tpu.memory_space<hbm>> -> memref<40x128xi32, #tpu.memory_space<hbm>>
      tpu.wait_dma2 semaphore(%run_scoped3A : memref<!tpu.dma_semaphore, #tpu.memory_space<semaphore_mem>>) src(%dma_wait3A_131 : memref<40x128xi32, #tpu.memory_space<hbm>>) dst(%arg10 : memref<40x128xi32, #tpu.memory_space<vmem>>)
      tpu.yield
    }) : () -> ()
    %dma_start3A_66 = arith.constant 0 : i32
    %dma_start3A_67 = arith.constant 0 : i32
    %dma_start3A_68 = arith.constant 0 : i32
    %dma_start3A_69 = arith.constant 0 : i32
    %dma_start3A_70 = tpu.memref_slice %arg8[%dma_start3A_67, %dma_start3A_68, %dma_start3A_69] : memref<2x128x128xf32, #tpu.memory_space<vmem>> -> memref<1x128x128xf32, #tpu.memory_space<vmem>>
    %dma_start3A_71 = tpu.memref_squeeze %dma_start3A_70 : memref<1x128x128xf32, #tpu.memory_space<vmem>> -> memref<128x128xf32, #tpu.memory_space<vmem>>
    %dma_start3A_72 = arith.constant 0 : i32
    %dma_start3A_73 = tpu.memref_slice %arg9[%dma_start3A_66, %dma_start3A_72] : memref<40x128xi32, #tpu.memory_space<vmem>> -> memref<1x128xi32, #tpu.memory_space<vmem>>
    %dma_start3A_74 = tpu.memref_squeeze %dma_start3A_73 : memref<1x128xi32, #tpu.memory_space<vmem>> -> memref<128xi32, #tpu.memory_space<vmem>>
    %dma_start3A_75 = arith.constant 0 : i32
    %dma_start3A_76 = arith.constant 0 : i32
    %dma_start3A_77 = tpu.memref_slice %arg2[%dma_start3A_75, %dma_start3A_76] : memref<10000x128xf32, #tpu.memory_space<hbm>> -> memref<10000x128xf32, #tpu.memory_space<hbm>>
    tpu.enqueue_indirect_dma source(%dma_start3A_77 : memref<10000x128xf32, #tpu.memory_space<hbm>>) target(%dma_start3A_71 : memref<128x128xf32, #tpu.memory_space<vmem>>) offsets(%dma_start3A_74 : memref<128xi32, #tpu.memory_space<vmem>>) semaphore(%arg11 : memref<!tpu.dma_semaphore, #tpu.memory_space<semaphore_mem>>)
    %dma_start3A_78 = arith.constant 1 : i32
    %dma_start3A_79 = arith.constant 1 : i32
    %dma_start3A_80 = arith.constant 0 : i32
    %dma_start3A_81 = arith.constant 0 : i32
    %dma_start3A_82 = tpu.memref_slice %arg8[%dma_start3A_79, %dma_start3A_80, %dma_start3A_81] : memref<2x128x128xf32, #tpu.memory_space<vmem>> -> memref<1x128x128xf32, #tpu.memory_space<vmem>>
    %dma_start3A_83 = tpu.memref_squeeze %dma_start3A_82 : memref<1x128x128xf32, #tpu.memory_space<vmem>> -> memref<128x128xf32, #tpu.memory_space<vmem>>
    %dma_start3A_84 = arith.constant 0 : i32
    %dma_start3A_85 = tpu.memref_slice %arg9[%dma_start3A_78, %dma_start3A_84] : memref<40x128xi32, #tpu.memory_space<vmem>> -> memref<1x128xi32, #tpu.memory_space<vmem>>
    %dma_start3A_86 = tpu.memref_squeeze %dma_start3A_85 : memref<1x128xi32, #tpu.memory_space<vmem>> -> memref<128xi32, #tpu.memory_space<vmem>>
    %dma_start3A_87 = arith.constant 0 : i32
    %dma_start3A_88 = arith.constant 0 : i32
    %dma_start3A_89 = tpu.memref_slice %arg2[%dma_start3A_87, %dma_start3A_88] : memref<10000x128xf32, #tpu.memory_space<hbm>> -> memref<10000x128xf32, #tpu.memory_space<hbm>>
    tpu.enqueue_indirect_dma source(%dma_start3A_89 : memref<10000x128xf32, #tpu.memory_space<hbm>>) target(%dma_start3A_83 : memref<128x128xf32, #tpu.memory_space<vmem>>) offsets(%dma_start3A_86 : memref<128xi32, #tpu.memory_space<vmem>>) semaphore(%arg12 : memref<!tpu.dma_semaphore, #tpu.memory_space<semaphore_mem>>)
    %scan3A_90 = arith.constant 0 : i32
    %scan3A_91 = arith.constant 20 : i32
    %scan3A_92 = arith.addi %scan3A_90, %scan3A_91 : i32
    %scan3A_93 = arith.constant 1 : i32
    scf.for %scan3A_124 = %scan3A_90 to %scan3A_92 step %scan3A_93  : i32 {
      %mul3A_125 = arith.constant 1 : i32
      %mul3A_126 = arith.muli %scan3A_124, %mul3A_125 : i32
      %add3A_127 = arith.constant 0 : i32
      %add3A_128 = arith.addi %add3A_127, %mul3A_126 : i32
      %mul3A_129 = arith.constant 2 : i32
      %mul3A_130 = arith.muli %add3A_128, %mul3A_129 : i32
      %add3A_131 = arith.constant 0 : i32
      %add3A_132 = arith.addi %mul3A_130, %add3A_131 : i32
      %dma_wait3A_133 = arith.constant 0 : i32
      %dma_wait3A_134 = arith.constant 0 : i32
      %dma_wait3A_135 = arith.constant 0 : i32
      %dma_wait3A_136 = tpu.memref_slice %arg8[%dma_wait3A_133, %dma_wait3A_134, %dma_wait3A_135] : memref<2x128x128xf32, #tpu.memory_space<vmem>> -> memref<1x128x128xf32, #tpu.memory_space<vmem>>
      %dma_wait3A_137 = tpu.memref_squeeze %dma_wait3A_136 : memref<1x128x128xf32, #tpu.memory_space<vmem>> -> memref<128x128xf32, #tpu.memory_space<vmem>>
      %dma_wait3A_138 = arith.constant 0 : i32
      %dma_wait3A_139 = tpu.memref_slice %arg9[%add3A_132, %dma_wait3A_138] : memref<40x128xi32, #tpu.memory_space<vmem>> -> memref<1x128xi32, #tpu.memory_space<vmem>>
      %dma_wait3A_140 = tpu.memref_squeeze %dma_wait3A_139 : memref<1x128xi32, #tpu.memory_space<vmem>> -> memref<128xi32, #tpu.memory_space<vmem>>
      %dma_wait3A_141 = arith.constant 0 : i32
      %dma_wait3A_142 = arith.constant 0 : i32
      %dma_wait3A_143 = tpu.memref_slice %arg2[%dma_wait3A_141, %dma_wait3A_142] : memref<10000x128xf32, #tpu.memory_space<hbm>> -> memref<10000x128xf32, #tpu.memory_space<hbm>>
      tpu.wait_indirect_dma semaphore(%arg11 : memref<!tpu.dma_semaphore, #tpu.memory_space<semaphore_mem>>) src(%dma_wait3A_143 : memref<10000x128xf32, #tpu.memory_space<hbm>>) dst(%dma_wait3A_137 : memref<128x128xf32, #tpu.memory_space<vmem>>)
      %add3A_144 = arith.constant 0 : i32
      %add3A_145 = arith.addi %mul3A_130, %add3A_144 : i32
      %dma_start3A_146 = arith.constant 0 : i32
      %dma_start3A_147 = arith.constant 0 : i32
      %dma_start3A_148 = arith.constant 0 : i32
      %dma_start3A_149 = tpu.memref_slice %arg8[%dma_start3A_146, %dma_start3A_147, %dma_start3A_148] : memref<2x128x128xf32, #tpu.memory_space<vmem>> -> memref<1x128x128xf32, #tpu.memory_space<vmem>>
      %dma_start3A_150 = tpu.memref_squeeze %dma_start3A_149 : memref<1x128x128xf32, #tpu.memory_space<vmem>> -> memref<128x128xf32, #tpu.memory_space<vmem>>
      %dma_start3A_151 = arith.constant 0 : i32
      %dma_start3A_152 = tpu.memref_slice %arg10[%add3A_145, %dma_start3A_151] : memref<40x128xi32, #tpu.memory_space<vmem>> -> memref<1x128xi32, #tpu.memory_space<vmem>>
      %dma_start3A_153 = tpu.memref_squeeze %dma_start3A_152 : memref<1x128xi32, #tpu.memory_space<vmem>> -> memref<128xi32, #tpu.memory_space<vmem>>
      %dma_start3A_154 = arith.constant 0 : i32
      %dma_start3A_155 = arith.constant 0 : i32
      %dma_start3A_156 = tpu.memref_slice %arg7[%dma_start3A_154, %dma_start3A_155] : memref<10240x128xf32, #tpu.memory_space<vmem_shared>> -> memref<10240x128xf32, #tpu.memory_space<vmem_shared>>
      tpu.enqueue_indirect_dma source(%dma_start3A_150 : memref<128x128xf32, #tpu.memory_space<vmem>>) target(%dma_start3A_156 : memref<10240x128xf32, #tpu.memory_space<vmem_shared>>) offsets(%dma_start3A_153 : memref<128xi32, #tpu.memory_space<vmem>>) semaphore(%arg13 : memref<!tpu.dma_semaphore, #tpu.memory_space<semaphore_mem>>) {add = true}
      %add3A_157 = arith.constant 1 : i32
      %add3A_158 = arith.addi %mul3A_130, %add3A_157 : i32
      %dma_wait3A_159 = arith.constant 1 : i32
      %dma_wait3A_160 = arith.constant 0 : i32
      %dma_wait3A_161 = arith.constant 0 : i32
      %dma_wait3A_162 = tpu.memref_slice %arg8[%dma_wait3A_159, %dma_wait3A_160, %dma_wait3A_161] : memref<2x128x128xf32, #tpu.memory_space<vmem>> -> memref<1x128x128xf32, #tpu.memory_space<vmem>>
      %dma_wait3A_163 = tpu.memref_squeeze %dma_wait3A_162 : memref<1x128x128xf32, #tpu.memory_space<vmem>> -> memref<128x128xf32, #tpu.memory_space<vmem>>
      %dma_wait3A_164 = arith.constant 0 : i32
      %dma_wait3A_165 = tpu.memref_slice %arg9[%add3A_158, %dma_wait3A_164] : memref<40x128xi32, #tpu.memory_space<vmem>> -> memref<1x128xi32, #tpu.memory_space<vmem>>
      %dma_wait3A_166 = tpu.memref_squeeze %dma_wait3A_165 : memref<1x128xi32, #tpu.memory_space<vmem>> -> memref<128xi32, #tpu.memory_space<vmem>>
      %dma_wait3A_167 = arith.constant 0 : i32
      %dma_wait3A_168 = arith.constant 0 : i32
      %dma_wait3A_169 = tpu.memref_slice %arg2[%dma_wait3A_167, %dma_wait3A_168] : memref<10000x128xf32, #tpu.memory_space<hbm>> -> memref<10000x128xf32, #tpu.memory_space<hbm>>
      tpu.wait_indirect_dma semaphore(%arg12 : memref<!tpu.dma_semaphore, #tpu.memory_space<semaphore_mem>>) src(%dma_wait3A_169 : memref<10000x128xf32, #tpu.memory_space<hbm>>) dst(%dma_wait3A_163 : memref<128x128xf32, #tpu.memory_space<vmem>>)
      %add3A_170 = arith.constant 1 : i32
      %add3A_171 = arith.addi %mul3A_130, %add3A_170 : i32
      %dma_start3A_172 = arith.constant 1 : i32
      %dma_start3A_173 = arith.constant 0 : i32
      %dma_start3A_174 = arith.constant 0 : i32
      %dma_start3A_175 = tpu.memref_slice %arg8[%dma_start3A_172, %dma_start3A_173, %dma_start3A_174] : memref<2x128x128xf32, #tpu.memory_space<vmem>> -> memref<1x128x128xf32, #tpu.memory_space<vmem>>
      %dma_start3A_176 = tpu.memref_squeeze %dma_start3A_175 : memref<1x128x128xf32, #tpu.memory_space<vmem>> -> memref<128x128xf32, #tpu.memory_space<vmem>>
      %dma_start3A_177 = arith.constant 0 : i32
      %dma_start3A_178 = tpu.memref_slice %arg10[%add3A_171, %dma_start3A_177] : memref<40x128xi32, #tpu.memory_space<vmem>> -> memref<1x128xi32, #tpu.memory_space<vmem>>
      %dma_start3A_179 = tpu.memref_squeeze %dma_start3A_178 : memref<1x128xi32, #tpu.memory_space<vmem>> -> memref<128xi32, #tpu.memory_space<vmem>>
      %dma_start3A_180 = arith.constant 0 : i32
      %dma_start3A_181 = arith.constant 0 : i32
      %dma_start3A_182 = tpu.memref_slice %arg7[%dma_start3A_180, %dma_start3A_181] : memref<10240x128xf32, #tpu.memory_space<vmem_shared>> -> memref<10240x128xf32, #tpu.memory_space<vmem_shared>>
      tpu.enqueue_indirect_dma source(%dma_start3A_176 : memref<128x128xf32, #tpu.memory_space<vmem>>) target(%dma_start3A_182 : memref<10240x128xf32, #tpu.memory_space<vmem_shared>>) offsets(%dma_start3A_179 : memref<128xi32, #tpu.memory_space<vmem>>) semaphore(%arg14 : memref<!tpu.dma_semaphore, #tpu.memory_space<semaphore_mem>>) {add = true}
      %add3A_183 = arith.constant 2 : i32
      %add3A_184 = arith.addi %mul3A_130, %add3A_183 : i32
      %add3A_185 = arith.constant 0 : i32
      %add3A_186 = arith.addi %add3A_184, %add3A_185 : i32
      %lt3A = arith.constant 40 : i32
      %lt3A_187 = arith.cmpi slt, %add3A_186, %lt3A : i32
      %convert_element_type3A = arith.extui %lt3A_187 : i1 to i32
      %cond3A = arith.constant 0 : i32
      %cond3A_188 = arith.cmpi ne, %convert_element_type3A, %cond3A : i32
      scf.if %cond3A_188 {
        %add3A_198 = arith.constant 0 : i32
        %add3A_199 = arith.addi %mul3A_130, %add3A_198 : i32
        %dma_wait3A_200 = arith.constant 0 : i32
        %dma_wait3A_201 = arith.constant 0 : i32
        %dma_wait3A_202 = arith.constant 0 : i32
        %dma_wait3A_203 = tpu.memref_slice %arg8[%dma_wait3A_200, %dma_wait3A_201, %dma_wait3A_202] : memref<2x128x128xf32, #tpu.memory_space<vmem>> -> memref<1x128x128xf32, #tpu.memory_space<vmem>>
        %dma_wait3A_204 = tpu.memref_squeeze %dma_wait3A_203 : memref<1x128x128xf32, #tpu.memory_space<vmem>> -> memref<128x128xf32, #tpu.memory_space<vmem>>
        %dma_wait3A_205 = arith.constant 0 : i32
        %dma_wait3A_206 = tpu.memref_slice %arg10[%add3A_199, %dma_wait3A_205] : memref<40x128xi32, #tpu.memory_space<vmem>> -> memref<1x128xi32, #tpu.memory_space<vmem>>
        %dma_wait3A_207 = tpu.memref_squeeze %dma_wait3A_206 : memref<1x128xi32, #tpu.memory_space<vmem>> -> memref<128xi32, #tpu.memory_space<vmem>>
        %dma_wait3A_208 = arith.constant 0 : i32
        %dma_wait3A_209 = arith.constant 0 : i32
        %dma_wait3A_210 = tpu.memref_slice %arg7[%dma_wait3A_208, %dma_wait3A_209] : memref<10240x128xf32, #tpu.memory_space<vmem_shared>> -> memref<10240x128xf32, #tpu.memory_space<vmem_shared>>
        tpu.wait_indirect_dma semaphore(%arg13 : memref<!tpu.dma_semaphore, #tpu.memory_space<semaphore_mem>>) src(%dma_wait3A_204 : memref<128x128xf32, #tpu.memory_space<vmem>>) dst(%dma_wait3A_210 : memref<10240x128xf32, #tpu.memory_space<vmem_shared>>)
        %dma_start3A_211 = arith.constant 0 : i32
        %dma_start3A_212 = arith.constant 0 : i32
        %dma_start3A_213 = arith.constant 0 : i32
        %dma_start3A_214 = tpu.memref_slice %arg8[%dma_start3A_211, %dma_start3A_212, %dma_start3A_213] : memref<2x128x128xf32, #tpu.memory_space<vmem>> -> memref<1x128x128xf32, #tpu.memory_space<vmem>>
        %dma_start3A_215 = tpu.memref_squeeze %dma_start3A_214 : memref<1x128x128xf32, #tpu.memory_space<vmem>> -> memref<128x128xf32, #tpu.memory_space<vmem>>
        %dma_start3A_216 = arith.constant 0 : i32
        %dma_start3A_217 = tpu.memref_slice %arg9[%add3A_186, %dma_start3A_216] : memref<40x128xi32, #tpu.memory_space<vmem>> -> memref<1x128xi32, #tpu.memory_space<vmem>>
        %dma_start3A_218 = tpu.memref_squeeze %dma_start3A_217 : memref<1x128xi32, #tpu.memory_space<vmem>> -> memref<128xi32, #tpu.memory_space<vmem>>
        %dma_start3A_219 = arith.constant 0 : i32
        %dma_start3A_220 = arith.constant 0 : i32
        %dma_start3A_221 = tpu.memref_slice %arg2[%dma_start3A_219, %dma_start3A_220] : memref<10000x128xf32, #tpu.memory_space<hbm>> -> memref<10000x128xf32, #tpu.memory_space<hbm>>
        tpu.enqueue_indirect_dma source(%dma_start3A_221 : memref<10000x128xf32, #tpu.memory_space<hbm>>) target(%dma_start3A_215 : memref<128x128xf32, #tpu.memory_space<vmem>>) offsets(%dma_start3A_218 : memref<128xi32, #tpu.memory_space<vmem>>) semaphore(%arg11 : memref<!tpu.dma_semaphore, #tpu.memory_space<semaphore_mem>>)
      } else {
      }
      %add3A_189 = arith.constant 2 : i32
      %add3A_190 = arith.addi %mul3A_130, %add3A_189 : i32
      %add3A_191 = arith.constant 1 : i32
      %add3A_192 = arith.addi %add3A_190, %add3A_191 : i32
      %lt3A_193 = arith.constant 40 : i32
      %lt3A_194 = arith.cmpi slt, %add3A_192, %lt3A_193 : i32
      %convert_element_type3A_195 = arith.extui %lt3A_194 : i1 to i32
      %cond3A_196 = arith.constant 0 : i32
      %cond3A_197 = arith.cmpi ne, %convert_element_type3A_195, %cond3A_196 : i32
      scf.if %cond3A_197 {
        %add3A_198 = arith.constant 1 : i32
        %add3A_199 = arith.addi %mul3A_130, %add3A_198 : i32
        %dma_wait3A_200 = arith.constant 1 : i32
        %dma_wait3A_201 = arith.constant 0 : i32
        %dma_wait3A_202 = arith.constant 0 : i32
        %dma_wait3A_203 = tpu.memref_slice %arg8[%dma_wait3A_200, %dma_wait3A_201, %dma_wait3A_202] : memref<2x128x128xf32, #tpu.memory_space<vmem>> -> memref<1x128x128xf32, #tpu.memory_space<vmem>>
        %dma_wait3A_204 = tpu.memref_squeeze %dma_wait3A_203 : memref<1x128x128xf32, #tpu.memory_space<vmem>> -> memref<128x128xf32, #tpu.memory_space<vmem>>
        %dma_wait3A_205 = arith.constant 0 : i32
        %dma_wait3A_206 = tpu.memref_slice %arg10[%add3A_199, %dma_wait3A_205] : memref<40x128xi32, #tpu.memory_space<vmem>> -> memref<1x128xi32, #tpu.memory_space<vmem>>
        %dma_wait3A_207 = tpu.memref_squeeze %dma_wait3A_206 : memref<1x128xi32, #tpu.memory_space<vmem>> -> memref<128xi32, #tpu.memory_space<vmem>>
        %dma_wait3A_208 = arith.constant 0 : i32
        %dma_wait3A_209 = arith.constant 0 : i32
        %dma_wait3A_210 = tpu.memref_slice %arg7[%dma_wait3A_208, %dma_wait3A_209] : memref<10240x128xf32, #tpu.memory_space<vmem_shared>> -> memref<10240x128xf32, #tpu.memory_space<vmem_shared>>
        tpu.wait_indirect_dma semaphore(%arg14 : memref<!tpu.dma_semaphore, #tpu.memory_space<semaphore_mem>>) src(%dma_wait3A_204 : memref<128x128xf32, #tpu.memory_space<vmem>>) dst(%dma_wait3A_210 : memref<10240x128xf32, #tpu.memory_space<vmem_shared>>)
        %dma_start3A_211 = arith.constant 1 : i32
        %dma_start3A_212 = arith.constant 0 : i32
        %dma_start3A_213 = arith.constant 0 : i32
        %dma_start3A_214 = tpu.memref_slice %arg8[%dma_start3A_211, %dma_start3A_212, %dma_start3A_213] : memref<2x128x128xf32, #tpu.memory_space<vmem>> -> memref<1x128x128xf32, #tpu.memory_space<vmem>>
        %dma_start3A_215 = tpu.memref_squeeze %dma_start3A_214 : memref<1x128x128xf32, #tpu.memory_space<vmem>> -> memref<128x128xf32, #tpu.memory_space<vmem>>
        %dma_start3A_216 = arith.constant 0 : i32
        %dma_start3A_217 = tpu.memref_slice %arg9[%add3A_192, %dma_start3A_216] : memref<40x128xi32, #tpu.memory_space<vmem>> -> memref<1x128xi32, #tpu.memory_space<vmem>>
        %dma_start3A_218 = tpu.memref_squeeze %dma_start3A_217 : memref<1x128xi32, #tpu.memory_space<vmem>> -> memref<128xi32, #tpu.memory_space<vmem>>
        %dma_start3A_219 = arith.constant 0 : i32
        %dma_start3A_220 = arith.constant 0 : i32
        %dma_start3A_221 = tpu.memref_slice %arg2[%dma_start3A_219, %dma_start3A_220] : memref<10000x128xf32, #tpu.memory_space<hbm>> -> memref<10000x128xf32, #tpu.memory_space<hbm>>
        tpu.enqueue_indirect_dma source(%dma_start3A_221 : memref<10000x128xf32, #tpu.memory_space<hbm>>) target(%dma_start3A_215 : memref<128x128xf32, #tpu.memory_space<vmem>>) offsets(%dma_start3A_218 : memref<128xi32, #tpu.memory_space<vmem>>) semaphore(%arg12 : memref<!tpu.dma_semaphore, #tpu.memory_space<semaphore_mem>>)
      } else {
      }
    }
    %scan3A_94 = arith.constant 20 : i32
    %dma_wait3A_95 = arith.constant 0 : i32
    %dma_wait3A_96 = arith.constant 38 : i32
    %dma_wait3A_97 = arith.constant 0 : i32
    %dma_wait3A_98 = arith.constant 0 : i32
    %dma_wait3A_99 = tpu.memref_slice %arg8[%dma_wait3A_95, %dma_wait3A_97, %dma_wait3A_98] : memref<2x128x128xf32, #tpu.memory_space<vmem>> -> memref<1x128x128xf32, #tpu.memory_space<vmem>>
    %dma_wait3A_100 = tpu.memref_squeeze %dma_wait3A_99 : memref<1x128x128xf32, #tpu.memory_space<vmem>> -> memref<128x128xf32, #tpu.memory_space<vmem>>
    %dma_wait3A_101 = arith.constant 0 : i32
    %dma_wait3A_102 = tpu.memref_slice %arg10[%dma_wait3A_96, %dma_wait3A_101] : memref<40x128xi32, #tpu.memory_space<vmem>> -> memref<1x128xi32, #tpu.memory_space<vmem>>
    %dma_wait3A_103 = tpu.memref_squeeze %dma_wait3A_102 : memref<1x128xi32, #tpu.memory_space<vmem>> -> memref<128xi32, #tpu.memory_space<vmem>>
    %dma_wait3A_104 = arith.constant 0 : i32
    %dma_wait3A_105 = arith.constant 0 : i32
    %dma_wait3A_106 = tpu.memref_slice %arg7[%dma_wait3A_104, %dma_wait3A_105] : memref<10240x128xf32, #tpu.memory_space<vmem_shared>> -> memref<10240x128xf32, #tpu.memory_space<vmem_shared>>
    tpu.wait_indirect_dma semaphore(%arg13 : memref<!tpu.dma_semaphore, #tpu.memory_space<semaphore_mem>>) src(%dma_wait3A_100 : memref<128x128xf32, #tpu.memory_space<vmem>>) dst(%dma_wait3A_106 : memref<10240x128xf32, #tpu.memory_space<vmem_shared>>)
    %dma_wait3A_107 = arith.constant 1 : i32
    %dma_wait3A_108 = arith.constant 39 : i32
    %dma_wait3A_109 = arith.constant 0 : i32
    %dma_wait3A_110 = arith.constant 0 : i32
    %dma_wait3A_111 = tpu.memref_slice %arg8[%dma_wait3A_107, %dma_wait3A_109, %dma_wait3A_110] : memref<2x128x128xf32, #tpu.memory_space<vmem>> -> memref<1x128x128xf32, #tpu.memory_space<vmem>>
    %dma_wait3A_112 = tpu.memref_squeeze %dma_wait3A_111 : memref<1x128x128xf32, #tpu.memory_space<vmem>> -> memref<128x128xf32, #tpu.memory_space<vmem>>
    %dma_wait3A_113 = arith.constant 0 : i32
    %dma_wait3A_114 = tpu.memref_slice %arg10[%dma_wait3A_108, %dma_wait3A_113] : memref<40x128xi32, #tpu.memory_space<vmem>> -> memref<1x128xi32, #tpu.memory_space<vmem>>
    %dma_wait3A_115 = tpu.memref_squeeze %dma_wait3A_114 : memref<1x128xi32, #tpu.memory_space<vmem>> -> memref<128xi32, #tpu.memory_space<vmem>>
    %dma_wait3A_116 = arith.constant 0 : i32
    %dma_wait3A_117 = arith.constant 0 : i32
    %dma_wait3A_118 = tpu.memref_slice %arg7[%dma_wait3A_116, %dma_wait3A_117] : memref<10240x128xf32, #tpu.memory_space<vmem_shared>> -> memref<10240x128xf32, #tpu.memory_space<vmem_shared>>
    tpu.wait_indirect_dma semaphore(%arg14 : memref<!tpu.dma_semaphore, #tpu.memory_space<semaphore_mem>>) src(%dma_wait3A_112 : memref<128x128xf32, #tpu.memory_space<vmem>>) dst(%dma_wait3A_118 : memref<10240x128xf32, #tpu.memory_space<vmem_shared>>)
    %barrier3A_119 = arith.constant 0 : index
    tpu.barrier barrier_id(%barrier3A_119)
    %mul3A_120 = arith.constant 640 : i32
    %mul3A_121 = arith.muli %arg1, %mul3A_120 : i32
    %mul3A_122 = arith.constant 640 : i32
    %mul3A_123 = arith.muli %arg1, %mul3A_122 : i32
    "tpu.region"() ({
      %run_scoped3A = tpu.sem_alloc : memref<!tpu.dma_semaphore, #tpu.memory_space<semaphore_mem>>
      %dma_start3A_124 = arith.constant 0 : i32
      %dma_start3A_125 = arith.constant 0 : i32
      %dma_start3A_126 = tpu.memref_slice %arg6[%arg0, %dma_start3A_124, %dma_start3A_125] : memref<2x10240x128xf32, #tpu.memory_space<hbm>> -> memref<1x10240x128xf32, #tpu.memory_space<hbm>>
      %dma_start3A_127 = tpu.memref_squeeze %dma_start3A_126 : memref<1x10240x128xf32, #tpu.memory_space<hbm>> -> memref<10240x128xf32, #tpu.memory_space<hbm>>
      %dma_start3A_128 = arith.constant 0 : i32
      %dma_start3A_129 = tpu.memref_slice %dma_start3A_127[%mul3A_123, %dma_start3A_128] : memref<10240x128xf32, #tpu.memory_space<hbm>> -> memref<640x128xf32, #tpu.memory_space<hbm>>
      %dma_start3A_130 = arith.constant 0 : i32
      %dma_start3A_131 = tpu.memref_slice %arg7[%mul3A_121, %dma_start3A_130] : memref<10240x128xf32, #tpu.memory_space<vmem_shared>> -> memref<640x128xf32, #tpu.memory_space<vmem_shared>>
      tpu.enqueue_dma source(%dma_start3A_131 : memref<640x128xf32, #tpu.memory_space<vmem_shared>>) target(%dma_start3A_129 : memref<640x128xf32, #tpu.memory_space<hbm>>) target_semaphore(%run_scoped3A : memref<!tpu.dma_semaphore, #tpu.memory_space<semaphore_mem>>)
      %dma_wait3A_132 = arith.constant 0 : i32
      %dma_wait3A_133 = arith.constant 0 : i32
      %dma_wait3A_134 = tpu.memref_slice %arg6[%arg0, %dma_wait3A_132, %dma_wait3A_133] : memref<2x10240x128xf32, #tpu.memory_space<hbm>> -> memref<1x10240x128xf32, #tpu.memory_space<hbm>>
      %dma_wait3A_135 = tpu.memref_squeeze %dma_wait3A_134 : memref<1x10240x128xf32, #tpu.memory_space<hbm>> -> memref<10240x128xf32, #tpu.memory_space<hbm>>
      %dma_wait3A_136 = arith.constant 0 : i32
      %dma_wait3A_137 = tpu.memref_slice %dma_wait3A_135[%mul3A_123, %dma_wait3A_136] : memref<10240x128xf32, #tpu.memory_space<hbm>> -> memref<640x128xf32, #tpu.memory_space<hbm>>
      %dma_wait3A_138 = arith.constant 0 : i32
      %dma_wait3A_139 = tpu.memref_slice %arg7[%mul3A_121, %dma_wait3A_138] : memref<10240x128xf32, #tpu.memory_space<vmem_shared>> -> memref<640x128xf32, #tpu.memory_space<vmem_shared>>
      tpu.wait_dma2 semaphore(%run_scoped3A : memref<!tpu.dma_semaphore, #tpu.memory_space<semaphore_mem>>) src(%dma_wait3A_139 : memref<640x128xf32, #tpu.memory_space<vmem_shared>>) dst(%dma_wait3A_137 : memref<640x128xf32, #tpu.memory_space<hbm>>)
      tpu.yield
    }) : () -> ()
    return
  }
}

#map = affine_map<(d0, d1) -> (0, 0)>
#map1 = affine_map<(d0, d1) -> (0, 0, 0)>
module attributes {stable_mosaic.version = 14 : i64} {
  func.func @_agg_kernel(%arg0: i32, %arg1: i32, %arg2: memref<10000x128xf32, #tpu.memory_space<hbm>>, %arg3: memref<2560x128xi32, #tpu.memory_space<hbm>>, %arg4: memref<2560x128xi32, #tpu.memory_space<hbm>>, %arg5: memref<10240x128xf32, #tpu.memory_space<hbm>>, %arg6: memref<2x10240x128xf32, #tpu.memory_space<hbm>>, %arg7: memref<10240x128xf32, #tpu.memory_space<vmem_shared>>, %arg8: memref<2x128x128xf32, #tpu.memory_space<vmem>>, %arg9: memref<40x128xi32, #tpu.memory_space<vmem>>, %arg10: memref<40x128xi32, #tpu.memory_space<vmem>>, %arg11: memref<!tpu.dma_semaphore, #tpu.memory_space<semaphore_mem>>, %arg12: memref<!tpu.dma_semaphore, #tpu.memory_space<semaphore_mem>>, %arg13: memref<!tpu.dma_semaphore, #tpu.memory_space<semaphore_mem>>, %arg14: memref<!tpu.dma_semaphore, #tpu.memory_space<semaphore_mem>>) attributes {dimension_semantics = [#tpu.dimension_semantics<core_parallel>, #tpu.dimension_semantics<subcore_parallel>], iteration_bounds = array<i64: 2, 16>, scalar_prefetch = 0 : i64, scratch_operands = 8 : i64, tpu.core_type = #tpu.core_type<sc_vector_subcore>, window_params = [{transform_indices = #map}, {transform_indices = #map}, {transform_indices = #map}, {transform_indices = #map}, {transform_indices = #map1}]} {
    %mul3A = arith.constant 16 : i32
    %mul3A_0 = arith.muli %arg0, %mul3A : i32
    %add3A = arith.addi %mul3A_0, %arg1 : i32
    %mul3A_1 = arith.constant 80 : i32
    %mul3A_2 = arith.muli %add3A, %mul3A_1 : i32
    %add3A_3 = arith.constant 0 : i32
    %add3A_4 = arith.addi %mul3A_2, %add3A_3 : i32
    "tpu.region"() ({
      %run_scoped3A = tpu.sem_alloc : memref<!tpu.dma_semaphore, #tpu.memory_space<semaphore_mem>>
      %dma_start3A_124 = arith.constant 0 : i32
      %dma_start3A_125 = tpu.memref_slice %arg3[%add3A_4, %dma_start3A_124] : memref<2560x128xi32, #tpu.memory_space<hbm>> -> memref<40x128xi32, #tpu.memory_space<hbm>>
      %dma_start3A_126 = arith.constant 0 : i32
      %dma_start3A_127 = tpu.memref_slice %arg3[%add3A_4, %dma_start3A_126] : memref<2560x128xi32, #tpu.memory_space<hbm>> -> memref<40x128xi32, #tpu.memory_space<hbm>>
      tpu.enqueue_dma source(%dma_start3A_127 : memref<40x128xi32, #tpu.memory_space<hbm>>) target(%arg9 : memref<40x128xi32, #tpu.memory_space<vmem>>) target_semaphore(%run_scoped3A : memref<!tpu.dma_semaphore, #tpu.memory_space<semaphore_mem>>)
      %dma_wait3A_128 = arith.constant 0 : i32
      %dma_wait3A_129 = tpu.memref_slice %arg3[%add3A_4, %dma_wait3A_128] : memref<2560x128xi32, #tpu.memory_space<hbm>> -> memref<40x128xi32, #tpu.memory_space<hbm>>
      %dma_wait3A_130 = arith.constant 0 : i32
      %dma_wait3A_131 = tpu.memref_slice %arg3[%add3A_4, %dma_wait3A_130] : memref<2560x128xi32, #tpu.memory_space<hbm>> -> memref<40x128xi32, #tpu.memory_space<hbm>>
      tpu.wait_dma2 semaphore(%run_scoped3A : memref<!tpu.dma_semaphore, #tpu.memory_space<semaphore_mem>>) src(%dma_wait3A_131 : memref<40x128xi32, #tpu.memory_space<hbm>>) dst(%arg9 : memref<40x128xi32, #tpu.memory_space<vmem>>)
      tpu.yield
    }) : () -> ()
    "tpu.region"() ({
      %run_scoped3A = tpu.sem_alloc : memref<!tpu.dma_semaphore, #tpu.memory_space<semaphore_mem>>
      %dma_start3A_124 = arith.constant 0 : i32
      %dma_start3A_125 = tpu.memref_slice %arg4[%add3A_4, %dma_start3A_124] : memref<2560x128xi32, #tpu.memory_space<hbm>> -> memref<40x128xi32, #tpu.memory_space<hbm>>
      %dma_start3A_126 = arith.constant 0 : i32
      %dma_start3A_127 = tpu.memref_slice %arg4[%add3A_4, %dma_start3A_126] : memref<2560x128xi32, #tpu.memory_space<hbm>> -> memref<40x128xi32, #tpu.memory_space<hbm>>
      tpu.enqueue_dma source(%dma_start3A_127 : memref<40x128xi32, #tpu.memory_space<hbm>>) target(%arg10 : memref<40x128xi32, #tpu.memory_space<vmem>>) target_semaphore(%run_scoped3A : memref<!tpu.dma_semaphore, #tpu.memory_space<semaphore_mem>>)
      %dma_wait3A_128 = arith.constant 0 : i32
      %dma_wait3A_129 = tpu.memref_slice %arg4[%add3A_4, %dma_wait3A_128] : memref<2560x128xi32, #tpu.memory_space<hbm>> -> memref<40x128xi32, #tpu.memory_space<hbm>>
      %dma_wait3A_130 = arith.constant 0 : i32
      %dma_wait3A_131 = tpu.memref_slice %arg4[%add3A_4, %dma_wait3A_130] : memref<2560x128xi32, #tpu.memory_space<hbm>> -> memref<40x128xi32, #tpu.memory_space<hbm>>
      tpu.wait_dma2 semaphore(%run_scoped3A : memref<!tpu.dma_semaphore, #tpu.memory_space<semaphore_mem>>) src(%dma_wait3A_131 : memref<40x128xi32, #tpu.memory_space<hbm>>) dst(%arg10 : memref<40x128xi32, #tpu.memory_space<vmem>>)
      tpu.yield
    }) : () -> ()
    %dma_start3A = arith.constant 0 : i32
    %dma_start3A_5 = arith.constant 0 : i32
    %dma_start3A_6 = arith.constant 0 : i32
    %dma_start3A_7 = arith.constant 0 : i32
    %dma_start3A_8 = tpu.memref_slice %arg8[%dma_start3A_5, %dma_start3A_6, %dma_start3A_7] : memref<2x128x128xf32, #tpu.memory_space<vmem>> -> memref<1x128x128xf32, #tpu.memory_space<vmem>>
    %dma_start3A_9 = tpu.memref_squeeze %dma_start3A_8 : memref<1x128x128xf32, #tpu.memory_space<vmem>> -> memref<128x128xf32, #tpu.memory_space<vmem>>
    %dma_start3A_10 = arith.constant 0 : i32
    %dma_start3A_11 = tpu.memref_slice %arg9[%dma_start3A, %dma_start3A_10] : memref<40x128xi32, #tpu.memory_space<vmem>> -> memref<1x128xi32, #tpu.memory_space<vmem>>
    %dma_start3A_12 = tpu.memref_squeeze %dma_start3A_11 : memref<1x128xi32, #tpu.memory_space<vmem>> -> memref<128xi32, #tpu.memory_space<vmem>>
    %dma_start3A_13 = arith.constant 0 : i32
    %dma_start3A_14 = arith.constant 0 : i32
    %dma_start3A_15 = tpu.memref_slice %arg2[%dma_start3A_13, %dma_start3A_14] : memref<10000x128xf32, #tpu.memory_space<hbm>> -> memref<10000x128xf32, #tpu.memory_space<hbm>>
    tpu.enqueue_indirect_dma source(%dma_start3A_15 : memref<10000x128xf32, #tpu.memory_space<hbm>>) target(%dma_start3A_9 : memref<128x128xf32, #tpu.memory_space<vmem>>) offsets(%dma_start3A_12 : memref<128xi32, #tpu.memory_space<vmem>>) semaphore(%arg11 : memref<!tpu.dma_semaphore, #tpu.memory_space<semaphore_mem>>)
    %dma_start3A_16 = arith.constant 1 : i32
    %dma_start3A_17 = arith.constant 1 : i32
    %dma_start3A_18 = arith.constant 0 : i32
    %dma_start3A_19 = arith.constant 0 : i32
    %dma_start3A_20 = tpu.memref_slice %arg8[%dma_start3A_17, %dma_start3A_18, %dma_start3A_19] : memref<2x128x128xf32, #tpu.memory_space<vmem>> -> memref<1x128x128xf32, #tpu.memory_space<vmem>>
    %dma_start3A_21 = tpu.memref_squeeze %dma_start3A_20 : memref<1x128x128xf32, #tpu.memory_space<vmem>> -> memref<128x128xf32, #tpu.memory_space<vmem>>
    %dma_start3A_22 = arith.constant 0 : i32
    %dma_start3A_23 = tpu.memref_slice %arg9[%dma_start3A_16, %dma_start3A_22] : memref<40x128xi32, #tpu.memory_space<vmem>> -> memref<1x128xi32, #tpu.memory_space<vmem>>
    %dma_start3A_24 = tpu.memref_squeeze %dma_start3A_23 : memref<1x128xi32, #tpu.memory_space<vmem>> -> memref<128xi32, #tpu.memory_space<vmem>>
    %dma_start3A_25 = arith.constant 0 : i32
    %dma_start3A_26 = arith.constant 0 : i32
    %dma_start3A_27 = tpu.memref_slice %arg2[%dma_start3A_25, %dma_start3A_26] : memref<10000x128xf32, #tpu.memory_space<hbm>> -> memref<10000x128xf32, #tpu.memory_space<hbm>>
    tpu.enqueue_indirect_dma source(%dma_start3A_27 : memref<10000x128xf32, #tpu.memory_space<hbm>>) target(%dma_start3A_21 : memref<128x128xf32, #tpu.memory_space<vmem>>) offsets(%dma_start3A_24 : memref<128xi32, #tpu.memory_space<vmem>>) semaphore(%arg12 : memref<!tpu.dma_semaphore, #tpu.memory_space<semaphore_mem>>)
    %mul3A_28 = arith.constant 640 : i32
    %mul3A_29 = arith.muli %arg1, %mul3A_28 : i32
    %mul3A_30 = arith.constant 640 : i32
    %mul3A_31 = arith.muli %arg1, %mul3A_30 : i32
    "tpu.region"() ({
      %run_scoped3A = tpu.sem_alloc : memref<!tpu.dma_semaphore, #tpu.memory_space<semaphore_mem>>
      %dma_start3A_124 = arith.constant 0 : i32
      %dma_start3A_125 = tpu.memref_slice %arg7[%mul3A_31, %dma_start3A_124] : memref<10240x128xf32, #tpu.memory_space<vmem_shared>> -> memref<640x128xf32, #tpu.memory_space<vmem_shared>>
      %dma_start3A_126 = arith.constant 0 : i32
      %dma_start3A_127 = tpu.memref_slice %arg5[%mul3A_29, %dma_start3A_126] : memref<10240x128xf32, #tpu.memory_space<hbm>> -> memref<640x128xf32, #tpu.memory_space<hbm>>
      tpu.enqueue_dma source(%dma_start3A_127 : memref<640x128xf32, #tpu.memory_space<hbm>>) target(%dma_start3A_125 : memref<640x128xf32, #tpu.memory_space<vmem_shared>>) target_semaphore(%run_scoped3A : memref<!tpu.dma_semaphore, #tpu.memory_space<semaphore_mem>>)
      %dma_wait3A_128 = arith.constant 0 : i32
      %dma_wait3A_129 = tpu.memref_slice %arg7[%mul3A_31, %dma_wait3A_128] : memref<10240x128xf32, #tpu.memory_space<vmem_shared>> -> memref<640x128xf32, #tpu.memory_space<vmem_shared>>
      %dma_wait3A_130 = arith.constant 0 : i32
      %dma_wait3A_131 = tpu.memref_slice %arg5[%mul3A_29, %dma_wait3A_130] : memref<10240x128xf32, #tpu.memory_space<hbm>> -> memref<640x128xf32, #tpu.memory_space<hbm>>
      tpu.wait_dma2 semaphore(%run_scoped3A : memref<!tpu.dma_semaphore, #tpu.memory_space<semaphore_mem>>) src(%dma_wait3A_131 : memref<640x128xf32, #tpu.memory_space<hbm>>) dst(%dma_wait3A_129 : memref<640x128xf32, #tpu.memory_space<vmem_shared>>)
      tpu.yield
    }) : () -> ()
    %barrier3A = arith.constant 0 : index
    tpu.barrier barrier_id(%barrier3A)
    %scan3A = arith.constant 0 : i32
    %scan3A_32 = arith.constant 20 : i32
    %scan3A_33 = arith.addi %scan3A, %scan3A_32 : i32
    %scan3A_34 = arith.constant 1 : i32
    scf.for %scan3A_124 = %scan3A to %scan3A_33 step %scan3A_34  : i32 {
      %mul3A_125 = arith.constant 1 : i32
      %mul3A_126 = arith.muli %scan3A_124, %mul3A_125 : i32
      %add3A_127 = arith.constant 0 : i32
      %add3A_128 = arith.addi %add3A_127, %mul3A_126 : i32
      %mul3A_129 = arith.constant 2 : i32
      %mul3A_130 = arith.muli %add3A_128, %mul3A_129 : i32
      %add3A_131 = arith.constant 0 : i32
      %add3A_132 = arith.addi %mul3A_130, %add3A_131 : i32
      %dma_wait3A_133 = arith.constant 0 : i32
      %dma_wait3A_134 = arith.constant 0 : i32
      %dma_wait3A_135 = arith.constant 0 : i32
      %dma_wait3A_136 = tpu.memref_slice %arg8[%dma_wait3A_133, %dma_wait3A_134, %dma_wait3A_135] : memref<2x128x128xf32, #tpu.memory_space<vmem>> -> memref<1x128x128xf32, #tpu.memory_space<vmem>>
      %dma_wait3A_137 = tpu.memref_squeeze %dma_wait3A_136 : memref<1x128x128xf32, #tpu.memory_space<vmem>> -> memref<128x128xf32, #tpu.memory_space<vmem>>
      %dma_wait3A_138 = arith.constant 0 : i32
      %dma_wait3A_139 = tpu.memref_slice %arg9[%add3A_132, %dma_wait3A_138] : memref<40x128xi32, #tpu.memory_space<vmem>> -> memref<1x128xi32, #tpu.memory_space<vmem>>
      %dma_wait3A_140 = tpu.memref_squeeze %dma_wait3A_139 : memref<1x128xi32, #tpu.memory_space<vmem>> -> memref<128xi32, #tpu.memory_space<vmem>>
      %dma_wait3A_141 = arith.constant 0 : i32
      %dma_wait3A_142 = arith.constant 0 : i32
      %dma_wait3A_143 = tpu.memref_slice %arg2[%dma_wait3A_141, %dma_wait3A_142] : memref<10000x128xf32, #tpu.memory_space<hbm>> -> memref<10000x128xf32, #tpu.memory_space<hbm>>
      tpu.wait_indirect_dma semaphore(%arg11 : memref<!tpu.dma_semaphore, #tpu.memory_space<semaphore_mem>>) src(%dma_wait3A_143 : memref<10000x128xf32, #tpu.memory_space<hbm>>) dst(%dma_wait3A_137 : memref<128x128xf32, #tpu.memory_space<vmem>>)
      %add3A_144 = arith.constant 0 : i32
      %add3A_145 = arith.addi %mul3A_130, %add3A_144 : i32
      %dma_start3A_146 = arith.constant 0 : i32
      %dma_start3A_147 = arith.constant 0 : i32
      %dma_start3A_148 = arith.constant 0 : i32
      %dma_start3A_149 = tpu.memref_slice %arg8[%dma_start3A_146, %dma_start3A_147, %dma_start3A_148] : memref<2x128x128xf32, #tpu.memory_space<vmem>> -> memref<1x128x128xf32, #tpu.memory_space<vmem>>
      %dma_start3A_150 = tpu.memref_squeeze %dma_start3A_149 : memref<1x128x128xf32, #tpu.memory_space<vmem>> -> memref<128x128xf32, #tpu.memory_space<vmem>>
      %dma_start3A_151 = arith.constant 0 : i32
      %dma_start3A_152 = tpu.memref_slice %arg10[%add3A_145, %dma_start3A_151] : memref<40x128xi32, #tpu.memory_space<vmem>> -> memref<1x128xi32, #tpu.memory_space<vmem>>
      %dma_start3A_153 = tpu.memref_squeeze %dma_start3A_152 : memref<1x128xi32, #tpu.memory_space<vmem>> -> memref<128xi32, #tpu.memory_space<vmem>>
      %dma_start3A_154 = arith.constant 0 : i32
      %dma_start3A_155 = arith.constant 0 : i32
      %dma_start3A_156 = tpu.memref_slice %arg7[%dma_start3A_154, %dma_start3A_155] : memref<10240x128xf32, #tpu.memory_space<vmem_shared>> -> memref<10240x128xf32, #tpu.memory_space<vmem_shared>>
      tpu.enqueue_indirect_dma source(%dma_start3A_150 : memref<128x128xf32, #tpu.memory_space<vmem>>) target(%dma_start3A_156 : memref<10240x128xf32, #tpu.memory_space<vmem_shared>>) offsets(%dma_start3A_153 : memref<128xi32, #tpu.memory_space<vmem>>) semaphore(%arg13 : memref<!tpu.dma_semaphore, #tpu.memory_space<semaphore_mem>>) {add = true}
      %add3A_157 = arith.constant 1 : i32
      %add3A_158 = arith.addi %mul3A_130, %add3A_157 : i32
      %dma_wait3A_159 = arith.constant 1 : i32
      %dma_wait3A_160 = arith.constant 0 : i32
      %dma_wait3A_161 = arith.constant 0 : i32
      %dma_wait3A_162 = tpu.memref_slice %arg8[%dma_wait3A_159, %dma_wait3A_160, %dma_wait3A_161] : memref<2x128x128xf32, #tpu.memory_space<vmem>> -> memref<1x128x128xf32, #tpu.memory_space<vmem>>
      %dma_wait3A_163 = tpu.memref_squeeze %dma_wait3A_162 : memref<1x128x128xf32, #tpu.memory_space<vmem>> -> memref<128x128xf32, #tpu.memory_space<vmem>>
      %dma_wait3A_164 = arith.constant 0 : i32
      %dma_wait3A_165 = tpu.memref_slice %arg9[%add3A_158, %dma_wait3A_164] : memref<40x128xi32, #tpu.memory_space<vmem>> -> memref<1x128xi32, #tpu.memory_space<vmem>>
      %dma_wait3A_166 = tpu.memref_squeeze %dma_wait3A_165 : memref<1x128xi32, #tpu.memory_space<vmem>> -> memref<128xi32, #tpu.memory_space<vmem>>
      %dma_wait3A_167 = arith.constant 0 : i32
      %dma_wait3A_168 = arith.constant 0 : i32
      %dma_wait3A_169 = tpu.memref_slice %arg2[%dma_wait3A_167, %dma_wait3A_168] : memref<10000x128xf32, #tpu.memory_space<hbm>> -> memref<10000x128xf32, #tpu.memory_space<hbm>>
      tpu.wait_indirect_dma semaphore(%arg12 : memref<!tpu.dma_semaphore, #tpu.memory_space<semaphore_mem>>) src(%dma_wait3A_169 : memref<10000x128xf32, #tpu.memory_space<hbm>>) dst(%dma_wait3A_163 : memref<128x128xf32, #tpu.memory_space<vmem>>)
      %add3A_170 = arith.constant 1 : i32
      %add3A_171 = arith.addi %mul3A_130, %add3A_170 : i32
      %dma_start3A_172 = arith.constant 1 : i32
      %dma_start3A_173 = arith.constant 0 : i32
      %dma_start3A_174 = arith.constant 0 : i32
      %dma_start3A_175 = tpu.memref_slice %arg8[%dma_start3A_172, %dma_start3A_173, %dma_start3A_174] : memref<2x128x128xf32, #tpu.memory_space<vmem>> -> memref<1x128x128xf32, #tpu.memory_space<vmem>>
      %dma_start3A_176 = tpu.memref_squeeze %dma_start3A_175 : memref<1x128x128xf32, #tpu.memory_space<vmem>> -> memref<128x128xf32, #tpu.memory_space<vmem>>
      %dma_start3A_177 = arith.constant 0 : i32
      %dma_start3A_178 = tpu.memref_slice %arg10[%add3A_171, %dma_start3A_177] : memref<40x128xi32, #tpu.memory_space<vmem>> -> memref<1x128xi32, #tpu.memory_space<vmem>>
      %dma_start3A_179 = tpu.memref_squeeze %dma_start3A_178 : memref<1x128xi32, #tpu.memory_space<vmem>> -> memref<128xi32, #tpu.memory_space<vmem>>
      %dma_start3A_180 = arith.constant 0 : i32
      %dma_start3A_181 = arith.constant 0 : i32
      %dma_start3A_182 = tpu.memref_slice %arg7[%dma_start3A_180, %dma_start3A_181] : memref<10240x128xf32, #tpu.memory_space<vmem_shared>> -> memref<10240x128xf32, #tpu.memory_space<vmem_shared>>
      tpu.enqueue_indirect_dma source(%dma_start3A_176 : memref<128x128xf32, #tpu.memory_space<vmem>>) target(%dma_start3A_182 : memref<10240x128xf32, #tpu.memory_space<vmem_shared>>) offsets(%dma_start3A_179 : memref<128xi32, #tpu.memory_space<vmem>>) semaphore(%arg14 : memref<!tpu.dma_semaphore, #tpu.memory_space<semaphore_mem>>) {add = true}
      %add3A_183 = arith.constant 2 : i32
      %add3A_184 = arith.addi %mul3A_130, %add3A_183 : i32
      %add3A_185 = arith.constant 0 : i32
      %add3A_186 = arith.addi %add3A_184, %add3A_185 : i32
      %lt3A = arith.constant 40 : i32
      %lt3A_187 = arith.cmpi slt, %add3A_186, %lt3A : i32
      %convert_element_type3A = arith.extui %lt3A_187 : i1 to i32
      %cond3A = arith.constant 0 : i32
      %cond3A_188 = arith.cmpi ne, %convert_element_type3A, %cond3A : i32
      scf.if %cond3A_188 {
        %add3A_198 = arith.constant 0 : i32
        %add3A_199 = arith.addi %mul3A_130, %add3A_198 : i32
        %dma_wait3A_200 = arith.constant 0 : i32
        %dma_wait3A_201 = arith.constant 0 : i32
        %dma_wait3A_202 = arith.constant 0 : i32
        %dma_wait3A_203 = tpu.memref_slice %arg8[%dma_wait3A_200, %dma_wait3A_201, %dma_wait3A_202] : memref<2x128x128xf32, #tpu.memory_space<vmem>> -> memref<1x128x128xf32, #tpu.memory_space<vmem>>
        %dma_wait3A_204 = tpu.memref_squeeze %dma_wait3A_203 : memref<1x128x128xf32, #tpu.memory_space<vmem>> -> memref<128x128xf32, #tpu.memory_space<vmem>>
        %dma_wait3A_205 = arith.constant 0 : i32
        %dma_wait3A_206 = tpu.memref_slice %arg10[%add3A_199, %dma_wait3A_205] : memref<40x128xi32, #tpu.memory_space<vmem>> -> memref<1x128xi32, #tpu.memory_space<vmem>>
        %dma_wait3A_207 = tpu.memref_squeeze %dma_wait3A_206 : memref<1x128xi32, #tpu.memory_space<vmem>> -> memref<128xi32, #tpu.memory_space<vmem>>
        %dma_wait3A_208 = arith.constant 0 : i32
        %dma_wait3A_209 = arith.constant 0 : i32
        %dma_wait3A_210 = tpu.memref_slice %arg7[%dma_wait3A_208, %dma_wait3A_209] : memref<10240x128xf32, #tpu.memory_space<vmem_shared>> -> memref<10240x128xf32, #tpu.memory_space<vmem_shared>>
        tpu.wait_indirect_dma semaphore(%arg13 : memref<!tpu.dma_semaphore, #tpu.memory_space<semaphore_mem>>) src(%dma_wait3A_204 : memref<128x128xf32, #tpu.memory_space<vmem>>) dst(%dma_wait3A_210 : memref<10240x128xf32, #tpu.memory_space<vmem_shared>>)
        %dma_start3A_211 = arith.constant 0 : i32
        %dma_start3A_212 = arith.constant 0 : i32
        %dma_start3A_213 = arith.constant 0 : i32
        %dma_start3A_214 = tpu.memref_slice %arg8[%dma_start3A_211, %dma_start3A_212, %dma_start3A_213] : memref<2x128x128xf32, #tpu.memory_space<vmem>> -> memref<1x128x128xf32, #tpu.memory_space<vmem>>
        %dma_start3A_215 = tpu.memref_squeeze %dma_start3A_214 : memref<1x128x128xf32, #tpu.memory_space<vmem>> -> memref<128x128xf32, #tpu.memory_space<vmem>>
        %dma_start3A_216 = arith.constant 0 : i32
        %dma_start3A_217 = tpu.memref_slice %arg9[%add3A_186, %dma_start3A_216] : memref<40x128xi32, #tpu.memory_space<vmem>> -> memref<1x128xi32, #tpu.memory_space<vmem>>
        %dma_start3A_218 = tpu.memref_squeeze %dma_start3A_217 : memref<1x128xi32, #tpu.memory_space<vmem>> -> memref<128xi32, #tpu.memory_space<vmem>>
        %dma_start3A_219 = arith.constant 0 : i32
        %dma_start3A_220 = arith.constant 0 : i32
        %dma_start3A_221 = tpu.memref_slice %arg2[%dma_start3A_219, %dma_start3A_220] : memref<10000x128xf32, #tpu.memory_space<hbm>> -> memref<10000x128xf32, #tpu.memory_space<hbm>>
        tpu.enqueue_indirect_dma source(%dma_start3A_221 : memref<10000x128xf32, #tpu.memory_space<hbm>>) target(%dma_start3A_215 : memref<128x128xf32, #tpu.memory_space<vmem>>) offsets(%dma_start3A_218 : memref<128xi32, #tpu.memory_space<vmem>>) semaphore(%arg11 : memref<!tpu.dma_semaphore, #tpu.memory_space<semaphore_mem>>)
      } else {
      }
      %add3A_189 = arith.constant 2 : i32
      %add3A_190 = arith.addi %mul3A_130, %add3A_189 : i32
      %add3A_191 = arith.constant 1 : i32
      %add3A_192 = arith.addi %add3A_190, %add3A_191 : i32
      %lt3A_193 = arith.constant 40 : i32
      %lt3A_194 = arith.cmpi slt, %add3A_192, %lt3A_193 : i32
      %convert_element_type3A_195 = arith.extui %lt3A_194 : i1 to i32
      %cond3A_196 = arith.constant 0 : i32
      %cond3A_197 = arith.cmpi ne, %convert_element_type3A_195, %cond3A_196 : i32
      scf.if %cond3A_197 {
        %add3A_198 = arith.constant 1 : i32
        %add3A_199 = arith.addi %mul3A_130, %add3A_198 : i32
        %dma_wait3A_200 = arith.constant 1 : i32
        %dma_wait3A_201 = arith.constant 0 : i32
        %dma_wait3A_202 = arith.constant 0 : i32
        %dma_wait3A_203 = tpu.memref_slice %arg8[%dma_wait3A_200, %dma_wait3A_201, %dma_wait3A_202] : memref<2x128x128xf32, #tpu.memory_space<vmem>> -> memref<1x128x128xf32, #tpu.memory_space<vmem>>
        %dma_wait3A_204 = tpu.memref_squeeze %dma_wait3A_203 : memref<1x128x128xf32, #tpu.memory_space<vmem>> -> memref<128x128xf32, #tpu.memory_space<vmem>>
        %dma_wait3A_205 = arith.constant 0 : i32
        %dma_wait3A_206 = tpu.memref_slice %arg10[%add3A_199, %dma_wait3A_205] : memref<40x128xi32, #tpu.memory_space<vmem>> -> memref<1x128xi32, #tpu.memory_space<vmem>>
        %dma_wait3A_207 = tpu.memref_squeeze %dma_wait3A_206 : memref<1x128xi32, #tpu.memory_space<vmem>> -> memref<128xi32, #tpu.memory_space<vmem>>
        %dma_wait3A_208 = arith.constant 0 : i32
        %dma_wait3A_209 = arith.constant 0 : i32
        %dma_wait3A_210 = tpu.memref_slice %arg7[%dma_wait3A_208, %dma_wait3A_209] : memref<10240x128xf32, #tpu.memory_space<vmem_shared>> -> memref<10240x128xf32, #tpu.memory_space<vmem_shared>>
        tpu.wait_indirect_dma semaphore(%arg14 : memref<!tpu.dma_semaphore, #tpu.memory_space<semaphore_mem>>) src(%dma_wait3A_204 : memref<128x128xf32, #tpu.memory_space<vmem>>) dst(%dma_wait3A_210 : memref<10240x128xf32, #tpu.memory_space<vmem_shared>>)
        %dma_start3A_211 = arith.constant 1 : i32
        %dma_start3A_212 = arith.constant 0 : i32
        %dma_start3A_213 = arith.constant 0 : i32
        %dma_start3A_214 = tpu.memref_slice %arg8[%dma_start3A_211, %dma_start3A_212, %dma_start3A_213] : memref<2x128x128xf32, #tpu.memory_space<vmem>> -> memref<1x128x128xf32, #tpu.memory_space<vmem>>
        %dma_start3A_215 = tpu.memref_squeeze %dma_start3A_214 : memref<1x128x128xf32, #tpu.memory_space<vmem>> -> memref<128x128xf32, #tpu.memory_space<vmem>>
        %dma_start3A_216 = arith.constant 0 : i32
        %dma_start3A_217 = tpu.memref_slice %arg9[%add3A_192, %dma_start3A_216] : memref<40x128xi32, #tpu.memory_space<vmem>> -> memref<1x128xi32, #tpu.memory_space<vmem>>
        %dma_start3A_218 = tpu.memref_squeeze %dma_start3A_217 : memref<1x128xi32, #tpu.memory_space<vmem>> -> memref<128xi32, #tpu.memory_space<vmem>>
        %dma_start3A_219 = arith.constant 0 : i32
        %dma_start3A_220 = arith.constant 0 : i32
        %dma_start3A_221 = tpu.memref_slice %arg2[%dma_start3A_219, %dma_start3A_220] : memref<10000x128xf32, #tpu.memory_space<hbm>> -> memref<10000x128xf32, #tpu.memory_space<hbm>>
        tpu.enqueue_indirect_dma source(%dma_start3A_221 : memref<10000x128xf32, #tpu.memory_space<hbm>>) target(%dma_start3A_215 : memref<128x128xf32, #tpu.memory_space<vmem>>) offsets(%dma_start3A_218 : memref<128xi32, #tpu.memory_space<vmem>>) semaphore(%arg12 : memref<!tpu.dma_semaphore, #tpu.memory_space<semaphore_mem>>)
      } else {
      }
    }
    %scan3A_35 = arith.constant 20 : i32
    %dma_wait3A = arith.constant 0 : i32
    %dma_wait3A_36 = arith.constant 38 : i32
    %dma_wait3A_37 = arith.constant 0 : i32
    %dma_wait3A_38 = arith.constant 0 : i32
    %dma_wait3A_39 = tpu.memref_slice %arg8[%dma_wait3A, %dma_wait3A_37, %dma_wait3A_38] : memref<2x128x128xf32, #tpu.memory_space<vmem>> -> memref<1x128x128xf32, #tpu.memory_space<vmem>>
    %dma_wait3A_40 = tpu.memref_squeeze %dma_wait3A_39 : memref<1x128x128xf32, #tpu.memory_space<vmem>> -> memref<128x128xf32, #tpu.memory_space<vmem>>
    %dma_wait3A_41 = arith.constant 0 : i32
    %dma_wait3A_42 = tpu.memref_slice %arg10[%dma_wait3A_36, %dma_wait3A_41] : memref<40x128xi32, #tpu.memory_space<vmem>> -> memref<1x128xi32, #tpu.memory_space<vmem>>
    %dma_wait3A_43 = tpu.memref_squeeze %dma_wait3A_42 : memref<1x128xi32, #tpu.memory_space<vmem>> -> memref<128xi32, #tpu.memory_space<vmem>>
    %dma_wait3A_44 = arith.constant 0 : i32
    %dma_wait3A_45 = arith.constant 0 : i32
    %dma_wait3A_46 = tpu.memref_slice %arg7[%dma_wait3A_44, %dma_wait3A_45] : memref<10240x128xf32, #tpu.memory_space<vmem_shared>> -> memref<10240x128xf32, #tpu.memory_space<vmem_shared>>
    tpu.wait_indirect_dma semaphore(%arg13 : memref<!tpu.dma_semaphore, #tpu.memory_space<semaphore_mem>>) src(%dma_wait3A_40 : memref<128x128xf32, #tpu.memory_space<vmem>>) dst(%dma_wait3A_46 : memref<10240x128xf32, #tpu.memory_space<vmem_shared>>)
    %dma_wait3A_47 = arith.constant 1 : i32
    %dma_wait3A_48 = arith.constant 39 : i32
    %dma_wait3A_49 = arith.constant 0 : i32
    %dma_wait3A_50 = arith.constant 0 : i32
    %dma_wait3A_51 = tpu.memref_slice %arg8[%dma_wait3A_47, %dma_wait3A_49, %dma_wait3A_50] : memref<2x128x128xf32, #tpu.memory_space<vmem>> -> memref<1x128x128xf32, #tpu.memory_space<vmem>>
    %dma_wait3A_52 = tpu.memref_squeeze %dma_wait3A_51 : memref<1x128x128xf32, #tpu.memory_space<vmem>> -> memref<128x128xf32, #tpu.memory_space<vmem>>
    %dma_wait3A_53 = arith.constant 0 : i32
    %dma_wait3A_54 = tpu.memref_slice %arg10[%dma_wait3A_48, %dma_wait3A_53] : memref<40x128xi32, #tpu.memory_space<vmem>> -> memref<1x128xi32, #tpu.memory_space<vmem>>
    %dma_wait3A_55 = tpu.memref_squeeze %dma_wait3A_54 : memref<1x128xi32, #tpu.memory_space<vmem>> -> memref<128xi32, #tpu.memory_space<vmem>>
    %dma_wait3A_56 = arith.constant 0 : i32
    %dma_wait3A_57 = arith.constant 0 : i32
    %dma_wait3A_58 = tpu.memref_slice %arg7[%dma_wait3A_56, %dma_wait3A_57] : memref<10240x128xf32, #tpu.memory_space<vmem_shared>> -> memref<10240x128xf32, #tpu.memory_space<vmem_shared>>
    tpu.wait_indirect_dma semaphore(%arg14 : memref<!tpu.dma_semaphore, #tpu.memory_space<semaphore_mem>>) src(%dma_wait3A_52 : memref<128x128xf32, #tpu.memory_space<vmem>>) dst(%dma_wait3A_58 : memref<10240x128xf32, #tpu.memory_space<vmem_shared>>)
    %mul3A_59 = arith.constant 16 : i32
    %mul3A_60 = arith.muli %arg0, %mul3A_59 : i32
    %add3A_61 = arith.addi %mul3A_60, %arg1 : i32
    %mul3A_62 = arith.constant 80 : i32
    %mul3A_63 = arith.muli %add3A_61, %mul3A_62 : i32
    %add3A_64 = arith.constant 40 : i32
    %add3A_65 = arith.addi %mul3A_63, %add3A_64 : i32
    "tpu.region"() ({
      %run_scoped3A = tpu.sem_alloc : memref<!tpu.dma_semaphore, #tpu.memory_space<semaphore_mem>>
      %dma_start3A_124 = arith.constant 0 : i32
      %dma_start3A_125 = tpu.memref_slice %arg3[%add3A_65, %dma_start3A_124] : memref<2560x128xi32, #tpu.memory_space<hbm>> -> memref<40x128xi32, #tpu.memory_space<hbm>>
      %dma_start3A_126 = arith.constant 0 : i32
      %dma_start3A_127 = tpu.memref_slice %arg3[%add3A_65, %dma_start3A_126] : memref<2560x128xi32, #tpu.memory_space<hbm>> -> memref<40x128xi32, #tpu.memory_space<hbm>>
      tpu.enqueue_dma source(%dma_start3A_127 : memref<40x128xi32, #tpu.memory_space<hbm>>) target(%arg9 : memref<40x128xi32, #tpu.memory_space<vmem>>) target_semaphore(%run_scoped3A : memref<!tpu.dma_semaphore, #tpu.memory_space<semaphore_mem>>)
      %dma_wait3A_128 = arith.constant 0 : i32
      %dma_wait3A_129 = tpu.memref_slice %arg3[%add3A_65, %dma_wait3A_128] : memref<2560x128xi32, #tpu.memory_space<hbm>> -> memref<40x128xi32, #tpu.memory_space<hbm>>
      %dma_wait3A_130 = arith.constant 0 : i32
      %dma_wait3A_131 = tpu.memref_slice %arg3[%add3A_65, %dma_wait3A_130] : memref<2560x128xi32, #tpu.memory_space<hbm>> -> memref<40x128xi32, #tpu.memory_space<hbm>>
      tpu.wait_dma2 semaphore(%run_scoped3A : memref<!tpu.dma_semaphore, #tpu.memory_space<semaphore_mem>>) src(%dma_wait3A_131 : memref<40x128xi32, #tpu.memory_space<hbm>>) dst(%arg9 : memref<40x128xi32, #tpu.memory_space<vmem>>)
      tpu.yield
    }) : () -> ()
    "tpu.region"() ({
      %run_scoped3A = tpu.sem_alloc : memref<!tpu.dma_semaphore, #tpu.memory_space<semaphore_mem>>
      %dma_start3A_124 = arith.constant 0 : i32
      %dma_start3A_125 = tpu.memref_slice %arg4[%add3A_65, %dma_start3A_124] : memref<2560x128xi32, #tpu.memory_space<hbm>> -> memref<40x128xi32, #tpu.memory_space<hbm>>
      %dma_start3A_126 = arith.constant 0 : i32
      %dma_start3A_127 = tpu.memref_slice %arg4[%add3A_65, %dma_start3A_126] : memref<2560x128xi32, #tpu.memory_space<hbm>> -> memref<40x128xi32, #tpu.memory_space<hbm>>
      tpu.enqueue_dma source(%dma_start3A_127 : memref<40x128xi32, #tpu.memory_space<hbm>>) target(%arg10 : memref<40x128xi32, #tpu.memory_space<vmem>>) target_semaphore(%run_scoped3A : memref<!tpu.dma_semaphore, #tpu.memory_space<semaphore_mem>>)
      %dma_wait3A_128 = arith.constant 0 : i32
      %dma_wait3A_129 = tpu.memref_slice %arg4[%add3A_65, %dma_wait3A_128] : memref<2560x128xi32, #tpu.memory_space<hbm>> -> memref<40x128xi32, #tpu.memory_space<hbm>>
      %dma_wait3A_130 = arith.constant 0 : i32
      %dma_wait3A_131 = tpu.memref_slice %arg4[%add3A_65, %dma_wait3A_130] : memref<2560x128xi32, #tpu.memory_space<hbm>> -> memref<40x128xi32, #tpu.memory_space<hbm>>
      tpu.wait_dma2 semaphore(%run_scoped3A : memref<!tpu.dma_semaphore, #tpu.memory_space<semaphore_mem>>) src(%dma_wait3A_131 : memref<40x128xi32, #tpu.memory_space<hbm>>) dst(%arg10 : memref<40x128xi32, #tpu.memory_space<vmem>>)
      tpu.yield
    }) : () -> ()
    %dma_start3A_66 = arith.constant 0 : i32
    %dma_start3A_67 = arith.constant 0 : i32
    %dma_start3A_68 = arith.constant 0 : i32
    %dma_start3A_69 = arith.constant 0 : i32
    %dma_start3A_70 = tpu.memref_slice %arg8[%dma_start3A_67, %dma_start3A_68, %dma_start3A_69] : memref<2x128x128xf32, #tpu.memory_space<vmem>> -> memref<1x128x128xf32, #tpu.memory_space<vmem>>
    %dma_start3A_71 = tpu.memref_squeeze %dma_start3A_70 : memref<1x128x128xf32, #tpu.memory_space<vmem>> -> memref<128x128xf32, #tpu.memory_space<vmem>>
    %dma_start3A_72 = arith.constant 0 : i32
    %dma_start3A_73 = tpu.memref_slice %arg9[%dma_start3A_66, %dma_start3A_72] : memref<40x128xi32, #tpu.memory_space<vmem>> -> memref<1x128xi32, #tpu.memory_space<vmem>>
    %dma_start3A_74 = tpu.memref_squeeze %dma_start3A_73 : memref<1x128xi32, #tpu.memory_space<vmem>> -> memref<128xi32, #tpu.memory_space<vmem>>
    %dma_start3A_75 = arith.constant 0 : i32
    %dma_start3A_76 = arith.constant 0 : i32
    %dma_start3A_77 = tpu.memref_slice %arg2[%dma_start3A_75, %dma_start3A_76] : memref<10000x128xf32, #tpu.memory_space<hbm>> -> memref<10000x128xf32, #tpu.memory_space<hbm>>
    tpu.enqueue_indirect_dma source(%dma_start3A_77 : memref<10000x128xf32, #tpu.memory_space<hbm>>) target(%dma_start3A_71 : memref<128x128xf32, #tpu.memory_space<vmem>>) offsets(%dma_start3A_74 : memref<128xi32, #tpu.memory_space<vmem>>) semaphore(%arg11 : memref<!tpu.dma_semaphore, #tpu.memory_space<semaphore_mem>>)
    %dma_start3A_78 = arith.constant 1 : i32
    %dma_start3A_79 = arith.constant 1 : i32
    %dma_start3A_80 = arith.constant 0 : i32
    %dma_start3A_81 = arith.constant 0 : i32
    %dma_start3A_82 = tpu.memref_slice %arg8[%dma_start3A_79, %dma_start3A_80, %dma_start3A_81] : memref<2x128x128xf32, #tpu.memory_space<vmem>> -> memref<1x128x128xf32, #tpu.memory_space<vmem>>
    %dma_start3A_83 = tpu.memref_squeeze %dma_start3A_82 : memref<1x128x128xf32, #tpu.memory_space<vmem>> -> memref<128x128xf32, #tpu.memory_space<vmem>>
    %dma_start3A_84 = arith.constant 0 : i32
    %dma_start3A_85 = tpu.memref_slice %arg9[%dma_start3A_78, %dma_start3A_84] : memref<40x128xi32, #tpu.memory_space<vmem>> -> memref<1x128xi32, #tpu.memory_space<vmem>>
    %dma_start3A_86 = tpu.memref_squeeze %dma_start3A_85 : memref<1x128xi32, #tpu.memory_space<vmem>> -> memref<128xi32, #tpu.memory_space<vmem>>
    %dma_start3A_87 = arith.constant 0 : i32
    %dma_start3A_88 = arith.constant 0 : i32
    %dma_start3A_89 = tpu.memref_slice %arg2[%dma_start3A_87, %dma_start3A_88] : memref<10000x128xf32, #tpu.memory_space<hbm>> -> memref<10000x128xf32, #tpu.memory_space<hbm>>
    tpu.enqueue_indirect_dma source(%dma_start3A_89 : memref<10000x128xf32, #tpu.memory_space<hbm>>) target(%dma_start3A_83 : memref<128x128xf32, #tpu.memory_space<vmem>>) offsets(%dma_start3A_86 : memref<128xi32, #tpu.memory_space<vmem>>) semaphore(%arg12 : memref<!tpu.dma_semaphore, #tpu.memory_space<semaphore_mem>>)
    %scan3A_90 = arith.constant 0 : i32
    %scan3A_91 = arith.constant 20 : i32
    %scan3A_92 = arith.addi %scan3A_90, %scan3A_91 : i32
    %scan3A_93 = arith.constant 1 : i32
    scf.for %scan3A_124 = %scan3A_90 to %scan3A_92 step %scan3A_93  : i32 {
      %mul3A_125 = arith.constant 1 : i32
      %mul3A_126 = arith.muli %scan3A_124, %mul3A_125 : i32
      %add3A_127 = arith.constant 0 : i32
      %add3A_128 = arith.addi %add3A_127, %mul3A_126 : i32
      %mul3A_129 = arith.constant 2 : i32
      %mul3A_130 = arith.muli %add3A_128, %mul3A_129 : i32
      %add3A_131 = arith.constant 0 : i32
      %add3A_132 = arith.addi %mul3A_130, %add3A_131 : i32
      %dma_wait3A_133 = arith.constant 0 : i32
      %dma_wait3A_134 = arith.constant 0 : i32
      %dma_wait3A_135 = arith.constant 0 : i32
      %dma_wait3A_136 = tpu.memref_slice %arg8[%dma_wait3A_133, %dma_wait3A_134, %dma_wait3A_135] : memref<2x128x128xf32, #tpu.memory_space<vmem>> -> memref<1x128x128xf32, #tpu.memory_space<vmem>>
      %dma_wait3A_137 = tpu.memref_squeeze %dma_wait3A_136 : memref<1x128x128xf32, #tpu.memory_space<vmem>> -> memref<128x128xf32, #tpu.memory_space<vmem>>
      %dma_wait3A_138 = arith.constant 0 : i32
      %dma_wait3A_139 = tpu.memref_slice %arg9[%add3A_132, %dma_wait3A_138] : memref<40x128xi32, #tpu.memory_space<vmem>> -> memref<1x128xi32, #tpu.memory_space<vmem>>
      %dma_wait3A_140 = tpu.memref_squeeze %dma_wait3A_139 : memref<1x128xi32, #tpu.memory_space<vmem>> -> memref<128xi32, #tpu.memory_space<vmem>>
      %dma_wait3A_141 = arith.constant 0 : i32
      %dma_wait3A_142 = arith.constant 0 : i32
      %dma_wait3A_143 = tpu.memref_slice %arg2[%dma_wait3A_141, %dma_wait3A_142] : memref<10000x128xf32, #tpu.memory_space<hbm>> -> memref<10000x128xf32, #tpu.memory_space<hbm>>
      tpu.wait_indirect_dma semaphore(%arg11 : memref<!tpu.dma_semaphore, #tpu.memory_space<semaphore_mem>>) src(%dma_wait3A_143 : memref<10000x128xf32, #tpu.memory_space<hbm>>) dst(%dma_wait3A_137 : memref<128x128xf32, #tpu.memory_space<vmem>>)
      %add3A_144 = arith.constant 0 : i32
      %add3A_145 = arith.addi %mul3A_130, %add3A_144 : i32
      %dma_start3A_146 = arith.constant 0 : i32
      %dma_start3A_147 = arith.constant 0 : i32
      %dma_start3A_148 = arith.constant 0 : i32
      %dma_start3A_149 = tpu.memref_slice %arg8[%dma_start3A_146, %dma_start3A_147, %dma_start3A_148] : memref<2x128x128xf32, #tpu.memory_space<vmem>> -> memref<1x128x128xf32, #tpu.memory_space<vmem>>
      %dma_start3A_150 = tpu.memref_squeeze %dma_start3A_149 : memref<1x128x128xf32, #tpu.memory_space<vmem>> -> memref<128x128xf32, #tpu.memory_space<vmem>>
      %dma_start3A_151 = arith.constant 0 : i32
      %dma_start3A_152 = tpu.memref_slice %arg10[%add3A_145, %dma_start3A_151] : memref<40x128xi32, #tpu.memory_space<vmem>> -> memref<1x128xi32, #tpu.memory_space<vmem>>
      %dma_start3A_153 = tpu.memref_squeeze %dma_start3A_152 : memref<1x128xi32, #tpu.memory_space<vmem>> -> memref<128xi32, #tpu.memory_space<vmem>>
      %dma_start3A_154 = arith.constant 0 : i32
      %dma_start3A_155 = arith.constant 0 : i32
      %dma_start3A_156 = tpu.memref_slice %arg7[%dma_start3A_154, %dma_start3A_155] : memref<10240x128xf32, #tpu.memory_space<vmem_shared>> -> memref<10240x128xf32, #tpu.memory_space<vmem_shared>>
      tpu.enqueue_indirect_dma source(%dma_start3A_150 : memref<128x128xf32, #tpu.memory_space<vmem>>) target(%dma_start3A_156 : memref<10240x128xf32, #tpu.memory_space<vmem_shared>>) offsets(%dma_start3A_153 : memref<128xi32, #tpu.memory_space<vmem>>) semaphore(%arg13 : memref<!tpu.dma_semaphore, #tpu.memory_space<semaphore_mem>>) {add = true}
      %add3A_157 = arith.constant 1 : i32
      %add3A_158 = arith.addi %mul3A_130, %add3A_157 : i32
      %dma_wait3A_159 = arith.constant 1 : i32
      %dma_wait3A_160 = arith.constant 0 : i32
      %dma_wait3A_161 = arith.constant 0 : i32
      %dma_wait3A_162 = tpu.memref_slice %arg8[%dma_wait3A_159, %dma_wait3A_160, %dma_wait3A_161] : memref<2x128x128xf32, #tpu.memory_space<vmem>> -> memref<1x128x128xf32, #tpu.memory_space<vmem>>
      %dma_wait3A_163 = tpu.memref_squeeze %dma_wait3A_162 : memref<1x128x128xf32, #tpu.memory_space<vmem>> -> memref<128x128xf32, #tpu.memory_space<vmem>>
      %dma_wait3A_164 = arith.constant 0 : i32
      %dma_wait3A_165 = tpu.memref_slice %arg9[%add3A_158, %dma_wait3A_164] : memref<40x128xi32, #tpu.memory_space<vmem>> -> memref<1x128xi32, #tpu.memory_space<vmem>>
      %dma_wait3A_166 = tpu.memref_squeeze %dma_wait3A_165 : memref<1x128xi32, #tpu.memory_space<vmem>> -> memref<128xi32, #tpu.memory_space<vmem>>
      %dma_wait3A_167 = arith.constant 0 : i32
      %dma_wait3A_168 = arith.constant 0 : i32
      %dma_wait3A_169 = tpu.memref_slice %arg2[%dma_wait3A_167, %dma_wait3A_168] : memref<10000x128xf32, #tpu.memory_space<hbm>> -> memref<10000x128xf32, #tpu.memory_space<hbm>>
      tpu.wait_indirect_dma semaphore(%arg12 : memref<!tpu.dma_semaphore, #tpu.memory_space<semaphore_mem>>) src(%dma_wait3A_169 : memref<10000x128xf32, #tpu.memory_space<hbm>>) dst(%dma_wait3A_163 : memref<128x128xf32, #tpu.memory_space<vmem>>)
      %add3A_170 = arith.constant 1 : i32
      %add3A_171 = arith.addi %mul3A_130, %add3A_170 : i32
      %dma_start3A_172 = arith.constant 1 : i32
      %dma_start3A_173 = arith.constant 0 : i32
      %dma_start3A_174 = arith.constant 0 : i32
      %dma_start3A_175 = tpu.memref_slice %arg8[%dma_start3A_172, %dma_start3A_173, %dma_start3A_174] : memref<2x128x128xf32, #tpu.memory_space<vmem>> -> memref<1x128x128xf32, #tpu.memory_space<vmem>>
      %dma_start3A_176 = tpu.memref_squeeze %dma_start3A_175 : memref<1x128x128xf32, #tpu.memory_space<vmem>> -> memref<128x128xf32, #tpu.memory_space<vmem>>
      %dma_start3A_177 = arith.constant 0 : i32
      %dma_start3A_178 = tpu.memref_slice %arg10[%add3A_171, %dma_start3A_177] : memref<40x128xi32, #tpu.memory_space<vmem>> -> memref<1x128xi32, #tpu.memory_space<vmem>>
      %dma_start3A_179 = tpu.memref_squeeze %dma_start3A_178 : memref<1x128xi32, #tpu.memory_space<vmem>> -> memref<128xi32, #tpu.memory_space<vmem>>
      %dma_start3A_180 = arith.constant 0 : i32
      %dma_start3A_181 = arith.constant 0 : i32
      %dma_start3A_182 = tpu.memref_slice %arg7[%dma_start3A_180, %dma_start3A_181] : memref<10240x128xf32, #tpu.memory_space<vmem_shared>> -> memref<10240x128xf32, #tpu.memory_space<vmem_shared>>
      tpu.enqueue_indirect_dma source(%dma_start3A_176 : memref<128x128xf32, #tpu.memory_space<vmem>>) target(%dma_start3A_182 : memref<10240x128xf32, #tpu.memory_space<vmem_shared>>) offsets(%dma_start3A_179 : memref<128xi32, #tpu.memory_space<vmem>>) semaphore(%arg14 : memref<!tpu.dma_semaphore, #tpu.memory_space<semaphore_mem>>) {add = true}
      %add3A_183 = arith.constant 2 : i32
      %add3A_184 = arith.addi %mul3A_130, %add3A_183 : i32
      %add3A_185 = arith.constant 0 : i32
      %add3A_186 = arith.addi %add3A_184, %add3A_185 : i32
      %lt3A = arith.constant 40 : i32
      %lt3A_187 = arith.cmpi slt, %add3A_186, %lt3A : i32
      %convert_element_type3A = arith.extui %lt3A_187 : i1 to i32
      %cond3A = arith.constant 0 : i32
      %cond3A_188 = arith.cmpi ne, %convert_element_type3A, %cond3A : i32
      scf.if %cond3A_188 {
        %add3A_198 = arith.constant 0 : i32
        %add3A_199 = arith.addi %mul3A_130, %add3A_198 : i32
        %dma_wait3A_200 = arith.constant 0 : i32
        %dma_wait3A_201 = arith.constant 0 : i32
        %dma_wait3A_202 = arith.constant 0 : i32
        %dma_wait3A_203 = tpu.memref_slice %arg8[%dma_wait3A_200, %dma_wait3A_201, %dma_wait3A_202] : memref<2x128x128xf32, #tpu.memory_space<vmem>> -> memref<1x128x128xf32, #tpu.memory_space<vmem>>
        %dma_wait3A_204 = tpu.memref_squeeze %dma_wait3A_203 : memref<1x128x128xf32, #tpu.memory_space<vmem>> -> memref<128x128xf32, #tpu.memory_space<vmem>>
        %dma_wait3A_205 = arith.constant 0 : i32
        %dma_wait3A_206 = tpu.memref_slice %arg10[%add3A_199, %dma_wait3A_205] : memref<40x128xi32, #tpu.memory_space<vmem>> -> memref<1x128xi32, #tpu.memory_space<vmem>>
        %dma_wait3A_207 = tpu.memref_squeeze %dma_wait3A_206 : memref<1x128xi32, #tpu.memory_space<vmem>> -> memref<128xi32, #tpu.memory_space<vmem>>
        %dma_wait3A_208 = arith.constant 0 : i32
        %dma_wait3A_209 = arith.constant 0 : i32
        %dma_wait3A_210 = tpu.memref_slice %arg7[%dma_wait3A_208, %dma_wait3A_209] : memref<10240x128xf32, #tpu.memory_space<vmem_shared>> -> memref<10240x128xf32, #tpu.memory_space<vmem_shared>>
        tpu.wait_indirect_dma semaphore(%arg13 : memref<!tpu.dma_semaphore, #tpu.memory_space<semaphore_mem>>) src(%dma_wait3A_204 : memref<128x128xf32, #tpu.memory_space<vmem>>) dst(%dma_wait3A_210 : memref<10240x128xf32, #tpu.memory_space<vmem_shared>>)
        %dma_start3A_211 = arith.constant 0 : i32
        %dma_start3A_212 = arith.constant 0 : i32
        %dma_start3A_213 = arith.constant 0 : i32
        %dma_start3A_214 = tpu.memref_slice %arg8[%dma_start3A_211, %dma_start3A_212, %dma_start3A_213] : memref<2x128x128xf32, #tpu.memory_space<vmem>> -> memref<1x128x128xf32, #tpu.memory_space<vmem>>
        %dma_start3A_215 = tpu.memref_squeeze %dma_start3A_214 : memref<1x128x128xf32, #tpu.memory_space<vmem>> -> memref<128x128xf32, #tpu.memory_space<vmem>>
        %dma_start3A_216 = arith.constant 0 : i32
        %dma_start3A_217 = tpu.memref_slice %arg9[%add3A_186, %dma_start3A_216] : memref<40x128xi32, #tpu.memory_space<vmem>> -> memref<1x128xi32, #tpu.memory_space<vmem>>
        %dma_start3A_218 = tpu.memref_squeeze %dma_start3A_217 : memref<1x128xi32, #tpu.memory_space<vmem>> -> memref<128xi32, #tpu.memory_space<vmem>>
        %dma_start3A_219 = arith.constant 0 : i32
        %dma_start3A_220 = arith.constant 0 : i32
        %dma_start3A_221 = tpu.memref_slice %arg2[%dma_start3A_219, %dma_start3A_220] : memref<10000x128xf32, #tpu.memory_space<hbm>> -> memref<10000x128xf32, #tpu.memory_space<hbm>>
        tpu.enqueue_indirect_dma source(%dma_start3A_221 : memref<10000x128xf32, #tpu.memory_space<hbm>>) target(%dma_start3A_215 : memref<128x128xf32, #tpu.memory_space<vmem>>) offsets(%dma_start3A_218 : memref<128xi32, #tpu.memory_space<vmem>>) semaphore(%arg11 : memref<!tpu.dma_semaphore, #tpu.memory_space<semaphore_mem>>)
      } else {
      }
      %add3A_189 = arith.constant 2 : i32
      %add3A_190 = arith.addi %mul3A_130, %add3A_189 : i32
      %add3A_191 = arith.constant 1 : i32
      %add3A_192 = arith.addi %add3A_190, %add3A_191 : i32
      %lt3A_193 = arith.constant 40 : i32
      %lt3A_194 = arith.cmpi slt, %add3A_192, %lt3A_193 : i32
      %convert_element_type3A_195 = arith.extui %lt3A_194 : i1 to i32
      %cond3A_196 = arith.constant 0 : i32
      %cond3A_197 = arith.cmpi ne, %convert_element_type3A_195, %cond3A_196 : i32
      scf.if %cond3A_197 {
        %add3A_198 = arith.constant 1 : i32
        %add3A_199 = arith.addi %mul3A_130, %add3A_198 : i32
        %dma_wait3A_200 = arith.constant 1 : i32
        %dma_wait3A_201 = arith.constant 0 : i32
        %dma_wait3A_202 = arith.constant 0 : i32
        %dma_wait3A_203 = tpu.memref_slice %arg8[%dma_wait3A_200, %dma_wait3A_201, %dma_wait3A_202] : memref<2x128x128xf32, #tpu.memory_space<vmem>> -> memref<1x128x128xf32, #tpu.memory_space<vmem>>
        %dma_wait3A_204 = tpu.memref_squeeze %dma_wait3A_203 : memref<1x128x128xf32, #tpu.memory_space<vmem>> -> memref<128x128xf32, #tpu.memory_space<vmem>>
        %dma_wait3A_205 = arith.constant 0 : i32
        %dma_wait3A_206 = tpu.memref_slice %arg10[%add3A_199, %dma_wait3A_205] : memref<40x128xi32, #tpu.memory_space<vmem>> -> memref<1x128xi32, #tpu.memory_space<vmem>>
        %dma_wait3A_207 = tpu.memref_squeeze %dma_wait3A_206 : memref<1x128xi32, #tpu.memory_space<vmem>> -> memref<128xi32, #tpu.memory_space<vmem>>
        %dma_wait3A_208 = arith.constant 0 : i32
        %dma_wait3A_209 = arith.constant 0 : i32
        %dma_wait3A_210 = tpu.memref_slice %arg7[%dma_wait3A_208, %dma_wait3A_209] : memref<10240x128xf32, #tpu.memory_space<vmem_shared>> -> memref<10240x128xf32, #tpu.memory_space<vmem_shared>>
        tpu.wait_indirect_dma semaphore(%arg14 : memref<!tpu.dma_semaphore, #tpu.memory_space<semaphore_mem>>) src(%dma_wait3A_204 : memref<128x128xf32, #tpu.memory_space<vmem>>) dst(%dma_wait3A_210 : memref<10240x128xf32, #tpu.memory_space<vmem_shared>>)
        %dma_start3A_211 = arith.constant 1 : i32
        %dma_start3A_212 = arith.constant 0 : i32
        %dma_start3A_213 = arith.constant 0 : i32
        %dma_start3A_214 = tpu.memref_slice %arg8[%dma_start3A_211, %dma_start3A_212, %dma_start3A_213] : memref<2x128x128xf32, #tpu.memory_space<vmem>> -> memref<1x128x128xf32, #tpu.memory_space<vmem>>
        %dma_start3A_215 = tpu.memref_squeeze %dma_start3A_214 : memref<1x128x128xf32, #tpu.memory_space<vmem>> -> memref<128x128xf32, #tpu.memory_space<vmem>>
        %dma_start3A_216 = arith.constant 0 : i32
        %dma_start3A_217 = tpu.memref_slice %arg9[%add3A_192, %dma_start3A_216] : memref<40x128xi32, #tpu.memory_space<vmem>> -> memref<1x128xi32, #tpu.memory_space<vmem>>
        %dma_start3A_218 = tpu.memref_squeeze %dma_start3A_217 : memref<1x128xi32, #tpu.memory_space<vmem>> -> memref<128xi32, #tpu.memory_space<vmem>>
        %dma_start3A_219 = arith.constant 0 : i32
        %dma_start3A_220 = arith.constant 0 : i32
        %dma_start3A_221 = tpu.memref_slice %arg2[%dma_start3A_219, %dma_start3A_220] : memref<10000x128xf32, #tpu.memory_space<hbm>> -> memref<10000x128xf32, #tpu.memory_space<hbm>>
        tpu.enqueue_indirect_dma source(%dma_start3A_221 : memref<10000x128xf32, #tpu.memory_space<hbm>>) target(%dma_start3A_215 : memref<128x128xf32, #tpu.memory_space<vmem>>) offsets(%dma_start3A_218 : memref<128xi32, #tpu.memory_space<vmem>>) semaphore(%arg12 : memref<!tpu.dma_semaphore, #tpu.memory_space<semaphore_mem>>)
      } else {
      }
    }
    %scan3A_94 = arith.constant 20 : i32
    %dma_wait3A_95 = arith.constant 0 : i32
    %dma_wait3A_96 = arith.constant 38 : i32
    %dma_wait3A_97 = arith.constant 0 : i32
    %dma_wait3A_98 = arith.constant 0 : i32
    %dma_wait3A_99 = tpu.memref_slice %arg8[%dma_wait3A_95, %dma_wait3A_97, %dma_wait3A_98] : memref<2x128x128xf32, #tpu.memory_space<vmem>> -> memref<1x128x128xf32, #tpu.memory_space<vmem>>
    %dma_wait3A_100 = tpu.memref_squeeze %dma_wait3A_99 : memref<1x128x128xf32, #tpu.memory_space<vmem>> -> memref<128x128xf32, #tpu.memory_space<vmem>>
    %dma_wait3A_101 = arith.constant 0 : i32
    %dma_wait3A_102 = tpu.memref_slice %arg10[%dma_wait3A_96, %dma_wait3A_101] : memref<40x128xi32, #tpu.memory_space<vmem>> -> memref<1x128xi32, #tpu.memory_space<vmem>>
    %dma_wait3A_103 = tpu.memref_squeeze %dma_wait3A_102 : memref<1x128xi32, #tpu.memory_space<vmem>> -> memref<128xi32, #tpu.memory_space<vmem>>
    %dma_wait3A_104 = arith.constant 0 : i32
    %dma_wait3A_105 = arith.constant 0 : i32
    %dma_wait3A_106 = tpu.memref_slice %arg7[%dma_wait3A_104, %dma_wait3A_105] : memref<10240x128xf32, #tpu.memory_space<vmem_shared>> -> memref<10240x128xf32, #tpu.memory_space<vmem_shared>>
    tpu.wait_indirect_dma semaphore(%arg13 : memref<!tpu.dma_semaphore, #tpu.memory_space<semaphore_mem>>) src(%dma_wait3A_100 : memref<128x128xf32, #tpu.memory_space<vmem>>) dst(%dma_wait3A_106 : memref<10240x128xf32, #tpu.memory_space<vmem_shared>>)
    %dma_wait3A_107 = arith.constant 1 : i32
    %dma_wait3A_108 = arith.constant 39 : i32
    %dma_wait3A_109 = arith.constant 0 : i32
    %dma_wait3A_110 = arith.constant 0 : i32
    %dma_wait3A_111 = tpu.memref_slice %arg8[%dma_wait3A_107, %dma_wait3A_109, %dma_wait3A_110] : memref<2x128x128xf32, #tpu.memory_space<vmem>> -> memref<1x128x128xf32, #tpu.memory_space<vmem>>
    %dma_wait3A_112 = tpu.memref_squeeze %dma_wait3A_111 : memref<1x128x128xf32, #tpu.memory_space<vmem>> -> memref<128x128xf32, #tpu.memory_space<vmem>>
    %dma_wait3A_113 = arith.constant 0 : i32
    %dma_wait3A_114 = tpu.memref_slice %arg10[%dma_wait3A_108, %dma_wait3A_113] : memref<40x128xi32, #tpu.memory_space<vmem>> -> memref<1x128xi32, #tpu.memory_space<vmem>>
    %dma_wait3A_115 = tpu.memref_squeeze %dma_wait3A_114 : memref<1x128xi32, #tpu.memory_space<vmem>> -> memref<128xi32, #tpu.memory_space<vmem>>
    %dma_wait3A_116 = arith.constant 0 : i32
    %dma_wait3A_117 = arith.constant 0 : i32
    %dma_wait3A_118 = tpu.memref_slice %arg7[%dma_wait3A_116, %dma_wait3A_117] : memref<10240x128xf32, #tpu.memory_space<vmem_shared>> -> memref<10240x128xf32, #tpu.memory_space<vmem_shared>>
    tpu.wait_indirect_dma semaphore(%arg14 : memref<!tpu.dma_semaphore, #tpu.memory_space<semaphore_mem>>) src(%dma_wait3A_112 : memref<128x128xf32, #tpu.memory_space<vmem>>) dst(%dma_wait3A_118 : memref<10240x128xf32, #tpu.memory_space<vmem_shared>>)
    %barrier3A_119 = arith.constant 0 : index
    tpu.barrier barrier_id(%barrier3A_119)
    %mul3A_120 = arith.constant 640 : i32
    %mul3A_121 = arith.muli %arg1, %mul3A_120 : i32
    %mul3A_122 = arith.constant 640 : i32
    %mul3A_123 = arith.muli %arg1, %mul3A_122 : i32
    "tpu.region"() ({
      %run_scoped3A = tpu.sem_alloc : memref<!tpu.dma_semaphore, #tpu.memory_space<semaphore_mem>>
      %dma_start3A_124 = arith.constant 0 : i32
      %dma_start3A_125 = arith.constant 0 : i32
      %dma_start3A_126 = tpu.memref_slice %arg6[%arg0, %dma_start3A_124, %dma_start3A_125] : memref<2x10240x128xf32, #tpu.memory_space<hbm>> -> memref<1x10240x128xf32, #tpu.memory_space<hbm>>
      %dma_start3A_127 = tpu.memref_squeeze %dma_start3A_126 : memref<1x10240x128xf32, #tpu.memory_space<hbm>> -> memref<10240x128xf32, #tpu.memory_space<hbm>>
      %dma_start3A_128 = arith.constant 0 : i32
      %dma_start3A_129 = tpu.memref_slice %dma_start3A_127[%mul3A_123, %dma_start3A_128] : memref<10240x128xf32, #tpu.memory_space<hbm>> -> memref<640x128xf32, #tpu.memory_space<hbm>>
      %dma_start3A_130 = arith.constant 0 : i32
      %dma_start3A_131 = tpu.memref_slice %arg7[%mul3A_121, %dma_start3A_130] : memref<10240x128xf32, #tpu.memory_space<vmem_shared>> -> memref<640x128xf32, #tpu.memory_space<vmem_shared>>
      tpu.enqueue_dma source(%dma_start3A_131 : memref<640x128xf32, #tpu.memory_space<vmem_shared>>) target(%dma_start3A_129 : memref<640x128xf32, #tpu.memory_space<hbm>>) target_semaphore(%run_scoped3A : memref<!tpu.dma_semaphore, #tpu.memory_space<semaphore_mem>>)
      %dma_wait3A_132 = arith.constant 0 : i32
      %dma_wait3A_133 = arith.constant 0 : i32
      %dma_wait3A_134 = tpu.memref_slice %arg6[%arg0, %dma_wait3A_132, %dma_wait3A_133] : memref<2x10240x128xf32, #tpu.memory_space<hbm>> -> memref<1x10240x128xf32, #tpu.memory_space<hbm>>
      %dma_wait3A_135 = tpu.memref_squeeze %dma_wait3A_134 : memref<1x10240x128xf32, #tpu.memory_space<hbm>> -> memref<10240x128xf32, #tpu.memory_space<hbm>>
      %dma_wait3A_136 = arith.constant 0 : i32
      %dma_wait3A_137 = tpu.memref_slice %dma_wait3A_135[%mul3A_123, %dma_wait3A_136] : memref<10240x128xf32, #tpu.memory_space<hbm>> -> memref<640x128xf32, #tpu.memory_space<hbm>>
      %dma_wait3A_138 = arith.constant 0 : i32
      %dma_wait3A_139 = tpu.memref_slice %arg7[%mul3A_121, %dma_wait3A_138] : memref<10240x128xf32, #tpu.memory_space<vmem_shared>> -> memref<640x128xf32, #tpu.memory_space<vmem_shared>>
      tpu.wait_dma2 semaphore(%run_scoped3A : memref<!tpu.dma_semaphore, #tpu.memory_space<semaphore_mem>>) src(%dma_wait3A_139 : memref<640x128xf32, #tpu.memory_space<vmem_shared>>) dst(%dma_wait3A_137 : memref<640x128xf32, #tpu.memory_space<hbm>>)
      tpu.yield
    }) : () -> ()
    return
  }
}

module attributes {stable_mosaic.version = 14 : i64} {
  func.func @_pre_body(%arg0: memref<10000x128xf32, #tpu.memory_space<vmem>>, %arg1: memref<128x128xf32, #tpu.memory_space<vmem>>, %arg2: memref<32x16384xf32, #tpu.memory_space<vmem>>, %arg3: memref<10000x128xf32, #tpu.memory_space<vmem>>, %arg4: memref<10000x1xf32, #tpu.memory_space<vmem>>) attributes {dimension_semantics = [], scalar_prefetch = 0 : i64, scratch_operands = 0 : i64, tpu.core_type = #tpu.core_type<tc>} {
    %get3A = arith.constant 0 : index
    %get3A_0 = arith.constant 0 : index
    %get3A_1 = vector.load %arg2[%get3A, %get3A_0] : memref<32x16384xf32, #tpu.memory_space<vmem>>, vector<32x16384xf32>
    %slice3A = vector.extract_strided_slice %get3A_1 {offsets = [0, 0], sizes = [32, 10000], strides = [1, 1]} : vector<32x16384xf32> to vector<32x10000xf32>
    %reduce_sum3A = arith.constant dense<0.000000e+00> : vector<10000xf32>
    %reduce_sum3A_2 = vector.multi_reduction <add>, %slice3A, %reduce_sum3A [0] : vector<32x10000xf32> to vector<10000xf32>
    %add3A = arith.constant 1.000000e+00 : f32
    %add3A_3 = vector.broadcast %add3A : f32 to vector<10000xf32>
    %add3A_4 = arith.addf %reduce_sum3A_2, %add3A_3 : vector<10000xf32>
    %rsqrt3A = math.rsqrt %add3A_4 : vector<10000xf32>
    %broadcast_in_dim3A = vector.shape_cast %rsqrt3A : vector<10000xf32> to vector<10000x1xf32>
    %get3A_5 = arith.constant 0 : index
    %get3A_6 = arith.constant 0 : index
    %get3A_7 = vector.load %arg0[%get3A_5, %get3A_6] : memref<10000x128xf32, #tpu.memory_space<vmem>>, vector<10000x128xf32>
    %get3A_8 = arith.constant 0 : index
    %get3A_9 = arith.constant 0 : index
    %get3A_10 = vector.load %arg1[%get3A_8, %get3A_9] : memref<128x128xf32, #tpu.memory_space<vmem>>, vector<128x128xf32>
    %bitcast_convert_type3A = tpu.bitcast %get3A_7 : vector<10000x128xf32> -> vector<10000x128xi32>
    %and3A = arith.constant -65536 : i32
    %and3A_11 = vector.broadcast %and3A : i32 to vector<10000x128xi32>
    %and3A_12 = arith.andi %bitcast_convert_type3A, %and3A_11 : vector<10000x128xi32>
    %bitcast_convert_type3A_13 = tpu.bitcast %and3A_12 : vector<10000x128xi32> -> vector<10000x128xf32>
    %sub3A = arith.subf %get3A_7, %bitcast_convert_type3A_13 : vector<10000x128xf32>
    %convert_element_type3A = arith.truncf %bitcast_convert_type3A_13 : vector<10000x128xf32> to vector<10000x128xbf16>
    %convert_element_type3A_14 = arith.truncf %sub3A : vector<10000x128xf32> to vector<10000x128xbf16>
    %bitcast_convert_type3A_15 = tpu.bitcast %get3A_10 : vector<128x128xf32> -> vector<128x128xi32>
    %and3A_16 = arith.constant -65536 : i32
    %and3A_17 = vector.broadcast %and3A_16 : i32 to vector<128x128xi32>
    %and3A_18 = arith.andi %bitcast_convert_type3A_15, %and3A_17 : vector<128x128xi32>
    %bitcast_convert_type3A_19 = tpu.bitcast %and3A_18 : vector<128x128xi32> -> vector<128x128xf32>
    %sub3A_20 = arith.subf %get3A_10, %bitcast_convert_type3A_19 : vector<128x128xf32>
    %convert_element_type3A_21 = arith.truncf %bitcast_convert_type3A_19 : vector<128x128xf32> to vector<128x128xbf16>
    %convert_element_type3A_22 = arith.truncf %sub3A_20 : vector<128x128xf32> to vector<128x128xbf16>
    %dot_general3A = arith.constant dense<0.000000e+00> : vector<10000x128xf32>
    %dot_general3A_23 = tpu.matmul %convert_element_type3A, %convert_element_type3A_21, %dot_general3A {dimension_numbers = #tpu.dot_dimension_numbers<[1], [0], [0], [1], [0, 0, 1, 1], [], []>, transpose_lhs_hint = false} : vector<10000x128xbf16>, vector<128x128xbf16>, vector<10000x128xf32> -> vector<10000x128xf32>
    %dot_general3A_24 = arith.constant dense<0.000000e+00> : vector<10000x128xf32>
    %dot_general3A_25 = tpu.matmul %convert_element_type3A, %convert_element_type3A_22, %dot_general3A_24 {dimension_numbers = #tpu.dot_dimension_numbers<[1], [0], [0], [1], [0, 0, 1, 1], [], []>, transpose_lhs_hint = false} : vector<10000x128xbf16>, vector<128x128xbf16>, vector<10000x128xf32> -> vector<10000x128xf32>
    %dot_general3A_26 = arith.constant dense<0.000000e+00> : vector<10000x128xf32>
    %dot_general3A_27 = tpu.matmul %convert_element_type3A_14, %convert_element_type3A_21, %dot_general3A_26 {dimension_numbers = #tpu.dot_dimension_numbers<[1], [0], [0], [1], [0, 0, 1, 1], [], []>, transpose_lhs_hint = false} : vector<10000x128xbf16>, vector<128x128xbf16>, vector<10000x128xf32> -> vector<10000x128xf32>
    %add3A_28 = arith.addf %dot_general3A_25, %dot_general3A_27 : vector<10000x128xf32>
    %add3A_29 = arith.addf %dot_general3A_23, %add3A_28 : vector<10000x128xf32>
    %mul3A = vector.broadcast %broadcast_in_dim3A : vector<10000x1xf32> to vector<10000x128xf32>
    %mul3A_30 = arith.mulf %add3A_29, %mul3A : vector<10000x128xf32>
    %swap3A = arith.constant 0 : index
    %swap3A_31 = arith.constant 0 : index
    %swap3A_32 = vector.load %arg3[%swap3A, %swap3A_31] : memref<10000x128xf32, #tpu.memory_space<vmem>>, vector<10000x128xf32>
    tpu.vector_store %arg3[%swap3A, %swap3A_31], %mul3A_30 {strides = array<i32>} : memref<10000x128xf32, #tpu.memory_space<vmem>>, vector<10000x128xf32>,
    %swap3A_33 = arith.constant 0 : index
    %swap3A_34 = arith.constant 0 : index
    %swap3A_35 = vector.load %arg4[%swap3A_33, %swap3A_34] : memref<10000x1xf32, #tpu.memory_space<vmem>>, vector<10000x1xf32>
    tpu.vector_store %arg4[%swap3A_33, %swap3A_34], %broadcast_in_dim3A {strides = array<i32>} : memref<10000x1xf32, #tpu.memory_space<vmem>>, vector<10000x1xf32>,
    return
  }
}

module attributes {stable_mosaic.version = 14 : i64} {
  func.func @_mid_body(%arg0: memref<2x10240x128xf32, #tpu.memory_space<vmem>>, %arg1: memref<10000x128xf32, #tpu.memory_space<vmem>>, %arg2: memref<10000x1xf32, #tpu.memory_space<vmem>>, %arg3: memref<128xf32, #tpu.memory_space<vmem>>, %arg4: memref<128xf32, #tpu.memory_space<vmem>>, %arg5: memref<128xf32, #tpu.memory_space<vmem>>, %arg6: memref<128x128xf32, #tpu.memory_space<vmem>>, %arg7: memref<10000x128xf32, #tpu.memory_space<vmem>>) attributes {dimension_semantics = [], scalar_prefetch = 0 : i64, scratch_operands = 0 : i64, tpu.core_type = #tpu.core_type<tc>} {
    %get3A = arith.constant 0 : index
    %get3A_0 = arith.constant 0 : index
    %get3A_1 = arith.constant 0 : index
    %get3A_2 = vector.load %arg0[%get3A, %get3A_0, %get3A_1] : memref<2x10240x128xf32, #tpu.memory_space<vmem>>, vector<2x10240x128xf32>
    %slice3A = vector.extract_strided_slice %get3A_2 {offsets = [0, 0, 0], sizes = [1, 10000, 128], strides = [1, 1, 1]} : vector<2x10240x128xf32> to vector<1x10000x128xf32>
    %squeeze3A = vector.shape_cast %slice3A : vector<1x10000x128xf32> to vector<10000x128xf32>
    %slice3A_3 = vector.extract_strided_slice %get3A_2 {offsets = [1, 0, 0], sizes = [1, 10000, 128], strides = [1, 1, 1]} : vector<2x10240x128xf32> to vector<1x10000x128xf32>
    %squeeze3A_4 = vector.shape_cast %slice3A_3 : vector<1x10000x128xf32> to vector<10000x128xf32>
    %add3A = arith.addf %squeeze3A, %squeeze3A_4 : vector<10000x128xf32>
    %get3A_5 = arith.constant 0 : index
    %get3A_6 = arith.constant 0 : index
    %get3A_7 = vector.load %arg1[%get3A_5, %get3A_6] : memref<10000x128xf32, #tpu.memory_space<vmem>>, vector<10000x128xf32>
    %add3A_8 = arith.addf %add3A, %get3A_7 : vector<10000x128xf32>
    %get3A_9 = arith.constant 0 : index
    %get3A_10 = arith.constant 0 : index
    %get3A_11 = vector.load %arg2[%get3A_9, %get3A_10] : memref<10000x1xf32, #tpu.memory_space<vmem>>, vector<10000x1xf32>
    %mul3A = vector.broadcast %get3A_11 : vector<10000x1xf32> to vector<10000x128xf32>
    %mul3A_12 = arith.mulf %add3A_8, %mul3A : vector<10000x128xf32>
    %get3A_13 = arith.constant 0 : index
    %get3A_14 = vector.load %arg3[%get3A_13] : memref<128xf32, #tpu.memory_space<vmem>>, vector<128xf32>
    %broadcast_in_dim3A = vector.shape_cast %get3A_14 : vector<128xf32> to vector<1x128xf32>
    %add3A_15 = vector.broadcast %broadcast_in_dim3A : vector<1x128xf32> to vector<10000x128xf32>
    %add3A_16 = arith.addf %mul3A_12, %add3A_15 : vector<10000x128xf32>
    %max3A = arith.constant 0.000000e+00 : f32
    %max3A_17 = vector.broadcast %max3A : f32 to vector<10000x128xf32>
    %max3A_18 = arith.maximumf %add3A_16, %max3A_17 : vector<10000x128xf32>
    %reduce_sum3A = arith.constant dense<0.000000e+00> : vector<128xf32>
    %reduce_sum3A_19 = vector.multi_reduction <add>, %max3A_18, %reduce_sum3A [0] : vector<10000x128xf32> to vector<128xf32>
    %div3A = arith.constant 1.000000e+04 : f32
    %div3A_20 = vector.broadcast %div3A : f32 to vector<128xf32>
    %div3A_21 = arith.divf %reduce_sum3A_19, %div3A_20 : vector<128xf32>
    %broadcast_in_dim3A_22 = vector.shape_cast %div3A_21 : vector<128xf32> to vector<1x128xf32>
    %sub3A = vector.broadcast %broadcast_in_dim3A_22 : vector<1x128xf32> to vector<10000x128xf32>
    %sub3A_23 = arith.subf %max3A_18, %sub3A : vector<10000x128xf32>
    %mul3A_24 = arith.mulf %sub3A_23, %sub3A_23 : vector<10000x128xf32>
    %reduce_sum3A_25 = arith.constant dense<0.000000e+00> : vector<128xf32>
    %reduce_sum3A_26 = vector.multi_reduction <add>, %mul3A_24, %reduce_sum3A_25 [0] : vector<10000x128xf32> to vector<128xf32>
    %div3A_27 = arith.constant 1.000000e+04 : f32
    %div3A_28 = vector.broadcast %div3A_27 : f32 to vector<128xf32>
    %div3A_29 = arith.divf %reduce_sum3A_26, %div3A_28 : vector<128xf32>
    %add3A_30 = arith.constant 9.99999974E-6 : f32
    %add3A_31 = vector.broadcast %add3A_30 : f32 to vector<128xf32>
    %add3A_32 = arith.addf %div3A_29, %add3A_31 : vector<128xf32>
    %rsqrt3A = math.rsqrt %add3A_32 : vector<128xf32>
    %broadcast_in_dim3A_33 = vector.shape_cast %rsqrt3A : vector<128xf32> to vector<1x128xf32>
    %mul3A_34 = vector.broadcast %broadcast_in_dim3A_33 : vector<1x128xf32> to vector<10000x128xf32>
    %mul3A_35 = arith.mulf %sub3A_23, %mul3A_34 : vector<10000x128xf32>
    %get3A_36 = arith.constant 0 : index
    %get3A_37 = vector.load %arg4[%get3A_36] : memref<128xf32, #tpu.memory_space<vmem>>, vector<128xf32>
    %broadcast_in_dim3A_38 = vector.shape_cast %get3A_37 : vector<128xf32> to vector<1x128xf32>
    %mul3A_39 = vector.broadcast %broadcast_in_dim3A_38 : vector<1x128xf32> to vector<10000x128xf32>
    %mul3A_40 = arith.mulf %mul3A_35, %mul3A_39 : vector<10000x128xf32>
    %get3A_41 = arith.constant 0 : index
    %get3A_42 = vector.load %arg5[%get3A_41] : memref<128xf32, #tpu.memory_space<vmem>>, vector<128xf32>
    %broadcast_in_dim3A_43 = vector.shape_cast %get3A_42 : vector<128xf32> to vector<1x128xf32>
    %add3A_44 = vector.broadcast %broadcast_in_dim3A_43 : vector<1x128xf32> to vector<10000x128xf32>
    %add3A_45 = arith.addf %mul3A_40, %add3A_44 : vector<10000x128xf32>
    %get3A_46 = arith.constant 0 : index
    %get3A_47 = arith.constant 0 : index
    %get3A_48 = vector.load %arg6[%get3A_46, %get3A_47] : memref<128x128xf32, #tpu.memory_space<vmem>>, vector<128x128xf32>
    %bitcast_convert_type3A = tpu.bitcast %add3A_45 : vector<10000x128xf32> -> vector<10000x128xi32>
    %and3A = arith.constant -65536 : i32
    %and3A_49 = vector.broadcast %and3A : i32 to vector<10000x128xi32>
    %and3A_50 = arith.andi %bitcast_convert_type3A, %and3A_49 : vector<10000x128xi32>
    %bitcast_convert_type3A_51 = tpu.bitcast %and3A_50 : vector<10000x128xi32> -> vector<10000x128xf32>
    %sub3A_52 = arith.subf %add3A_45, %bitcast_convert_type3A_51 : vector<10000x128xf32>
    %convert_element_type3A = arith.truncf %bitcast_convert_type3A_51 : vector<10000x128xf32> to vector<10000x128xbf16>
    %convert_element_type3A_53 = arith.truncf %sub3A_52 : vector<10000x128xf32> to vector<10000x128xbf16>
    %bitcast_convert_type3A_54 = tpu.bitcast %get3A_48 : vector<128x128xf32> -> vector<128x128xi32>
    %and3A_55 = arith.constant -65536 : i32
    %and3A_56 = vector.broadcast %and3A_55 : i32 to vector<128x128xi32>
    %and3A_57 = arith.andi %bitcast_convert_type3A_54, %and3A_56 : vector<128x128xi32>
    %bitcast_convert_type3A_58 = tpu.bitcast %and3A_57 : vector<128x128xi32> -> vector<128x128xf32>
    %sub3A_59 = arith.subf %get3A_48, %bitcast_convert_type3A_58 : vector<128x128xf32>
    %convert_element_type3A_60 = arith.truncf %bitcast_convert_type3A_58 : vector<128x128xf32> to vector<128x128xbf16>
    %convert_element_type3A_61 = arith.truncf %sub3A_59 : vector<128x128xf32> to vector<128x128xbf16>
    %dot_general3A = arith.constant dense<0.000000e+00> : vector<10000x128xf32>
    %dot_general3A_62 = tpu.matmul %convert_element_type3A, %convert_element_type3A_60, %dot_general3A {dimension_numbers = #tpu.dot_dimension_numbers<[1], [0], [0], [1], [0, 0, 1, 1], [], []>, transpose_lhs_hint = false} : vector<10000x128xbf16>, vector<128x128xbf16>, vector<10000x128xf32> -> vector<10000x128xf32>
    %dot_general3A_63 = arith.constant dense<0.000000e+00> : vector<10000x128xf32>
    %dot_general3A_64 = tpu.matmul %convert_element_type3A, %convert_element_type3A_61, %dot_general3A_63 {dimension_numbers = #tpu.dot_dimension_numbers<[1], [0], [0], [1], [0, 0, 1, 1], [], []>, transpose_lhs_hint = false} : vector<10000x128xbf16>, vector<128x128xbf16>, vector<10000x128xf32> -> vector<10000x128xf32>
    %dot_general3A_65 = arith.constant dense<0.000000e+00> : vector<10000x128xf32>
    %dot_general3A_66 = tpu.matmul %convert_element_type3A_53, %convert_element_type3A_60, %dot_general3A_65 {dimension_numbers = #tpu.dot_dimension_numbers<[1], [0], [0], [1], [0, 0, 1, 1], [], []>, transpose_lhs_hint = false} : vector<10000x128xbf16>, vector<128x128xbf16>, vector<10000x128xf32> -> vector<10000x128xf32>
    %add3A_67 = arith.addf %dot_general3A_64, %dot_general3A_66 : vector<10000x128xf32>
    %add3A_68 = arith.addf %dot_general3A_62, %add3A_67 : vector<10000x128xf32>
    %get3A_69 = arith.constant 0 : index
    %get3A_70 = arith.constant 0 : index
    %get3A_71 = vector.load %arg2[%get3A_69, %get3A_70] : memref<10000x1xf32, #tpu.memory_space<vmem>>, vector<10000x1xf32>
    %mul3A_72 = vector.broadcast %get3A_71 : vector<10000x1xf32> to vector<10000x128xf32>
    %mul3A_73 = arith.mulf %add3A_68, %mul3A_72 : vector<10000x128xf32>
    %swap3A = arith.constant 0 : index
    %swap3A_74 = arith.constant 0 : index
    %swap3A_75 = vector.load %arg7[%swap3A, %swap3A_74] : memref<10000x128xf32, #tpu.memory_space<vmem>>, vector<10000x128xf32>
    tpu.vector_store %arg7[%swap3A, %swap3A_74], %mul3A_73 {strides = array<i32>} : memref<10000x128xf32, #tpu.memory_space<vmem>>, vector<10000x128xf32>,
    return
  }
}

module attributes {stable_mosaic.version = 14 : i64} {
  func.func @_post_body(%arg0: memref<2x10240x128xf32, #tpu.memory_space<vmem>>, %arg1: memref<10000x128xf32, #tpu.memory_space<vmem>>, %arg2: memref<10000x1xf32, #tpu.memory_space<vmem>>, %arg3: memref<128xf32, #tpu.memory_space<vmem>>, %arg4: memref<128xf32, #tpu.memory_space<vmem>>, %arg5: memref<128xf32, #tpu.memory_space<vmem>>, %arg6: memref<10000xi32, #tpu.memory_space<vmem>>, %arg7: memref<64x128xf32, #tpu.memory_space<vmem>>) attributes {dimension_semantics = [], scalar_prefetch = 0 : i64, scratch_operands = 0 : i64, tpu.core_type = #tpu.core_type<tc>} {
    %get3A = arith.constant 0 : index
    %get3A_0 = arith.constant 0 : index
    %get3A_1 = arith.constant 0 : index
    %get3A_2 = vector.load %arg0[%get3A, %get3A_0, %get3A_1] : memref<2x10240x128xf32, #tpu.memory_space<vmem>>, vector<2x10240x128xf32>
    %slice3A = vector.extract_strided_slice %get3A_2 {offsets = [0, 0, 0], sizes = [1, 10000, 128], strides = [1, 1, 1]} : vector<2x10240x128xf32> to vector<1x10000x128xf32>
    %squeeze3A = vector.shape_cast %slice3A : vector<1x10000x128xf32> to vector<10000x128xf32>
    %slice3A_3 = vector.extract_strided_slice %get3A_2 {offsets = [1, 0, 0], sizes = [1, 10000, 128], strides = [1, 1, 1]} : vector<2x10240x128xf32> to vector<1x10000x128xf32>
    %squeeze3A_4 = vector.shape_cast %slice3A_3 : vector<1x10000x128xf32> to vector<10000x128xf32>
    %add3A = arith.addf %squeeze3A, %squeeze3A_4 : vector<10000x128xf32>
    %get3A_5 = arith.constant 0 : index
    %get3A_6 = arith.constant 0 : index
    %get3A_7 = vector.load %arg1[%get3A_5, %get3A_6] : memref<10000x128xf32, #tpu.memory_space<vmem>>, vector<10000x128xf32>
    %add3A_8 = arith.addf %add3A, %get3A_7 : vector<10000x128xf32>
    %get3A_9 = arith.constant 0 : index
    %get3A_10 = arith.constant 0 : index
    %get3A_11 = vector.load %arg2[%get3A_9, %get3A_10] : memref<10000x1xf32, #tpu.memory_space<vmem>>, vector<10000x1xf32>
    %mul3A = vector.broadcast %get3A_11 : vector<10000x1xf32> to vector<10000x128xf32>
    %mul3A_12 = arith.mulf %add3A_8, %mul3A : vector<10000x128xf32>
    %get3A_13 = arith.constant 0 : index
    %get3A_14 = vector.load %arg3[%get3A_13] : memref<128xf32, #tpu.memory_space<vmem>>, vector<128xf32>
    %broadcast_in_dim3A = vector.shape_cast %get3A_14 : vector<128xf32> to vector<1x128xf32>
    %add3A_15 = vector.broadcast %broadcast_in_dim3A : vector<1x128xf32> to vector<10000x128xf32>
    %add3A_16 = arith.addf %mul3A_12, %add3A_15 : vector<10000x128xf32>
    %max3A = arith.constant 0.000000e+00 : f32
    %max3A_17 = vector.broadcast %max3A : f32 to vector<10000x128xf32>
    %max3A_18 = arith.maximumf %add3A_16, %max3A_17 : vector<10000x128xf32>
    %reduce_sum3A = arith.constant dense<0.000000e+00> : vector<128xf32>
    %reduce_sum3A_19 = vector.multi_reduction <add>, %max3A_18, %reduce_sum3A [0] : vector<10000x128xf32> to vector<128xf32>
    %div3A = arith.constant 1.000000e+04 : f32
    %div3A_20 = vector.broadcast %div3A : f32 to vector<128xf32>
    %div3A_21 = arith.divf %reduce_sum3A_19, %div3A_20 : vector<128xf32>
    %broadcast_in_dim3A_22 = vector.shape_cast %div3A_21 : vector<128xf32> to vector<1x128xf32>
    %sub3A = vector.broadcast %broadcast_in_dim3A_22 : vector<1x128xf32> to vector<10000x128xf32>
    %sub3A_23 = arith.subf %max3A_18, %sub3A : vector<10000x128xf32>
    %mul3A_24 = arith.mulf %sub3A_23, %sub3A_23 : vector<10000x128xf32>
    %reduce_sum3A_25 = arith.constant dense<0.000000e+00> : vector<128xf32>
    %reduce_sum3A_26 = vector.multi_reduction <add>, %mul3A_24, %reduce_sum3A_25 [0] : vector<10000x128xf32> to vector<128xf32>
    %div3A_27 = arith.constant 1.000000e+04 : f32
    %div3A_28 = vector.broadcast %div3A_27 : f32 to vector<128xf32>
    %div3A_29 = arith.divf %reduce_sum3A_26, %div3A_28 : vector<128xf32>
    %add3A_30 = arith.constant 9.99999974E-6 : f32
    %add3A_31 = vector.broadcast %add3A_30 : f32 to vector<128xf32>
    %add3A_32 = arith.addf %div3A_29, %add3A_31 : vector<128xf32>
    %rsqrt3A = math.rsqrt %add3A_32 : vector<128xf32>
    %broadcast_in_dim3A_33 = vector.shape_cast %rsqrt3A : vector<128xf32> to vector<1x128xf32>
    %mul3A_34 = vector.broadcast %broadcast_in_dim3A_33 : vector<1x128xf32> to vector<10000x128xf32>
    %mul3A_35 = arith.mulf %sub3A_23, %mul3A_34 : vector<10000x128xf32>
    %get3A_36 = arith.constant 0 : index
    %get3A_37 = vector.load %arg4[%get3A_36] : memref<128xf32, #tpu.memory_space<vmem>>, vector<128xf32>
    %broadcast_in_dim3A_38 = vector.shape_cast %get3A_37 : vector<128xf32> to vector<1x128xf32>
    %mul3A_39 = vector.broadcast %broadcast_in_dim3A_38 : vector<1x128xf32> to vector<10000x128xf32>
    %mul3A_40 = arith.mulf %mul3A_35, %mul3A_39 : vector<10000x128xf32>
    %get3A_41 = arith.constant 0 : index
    %get3A_42 = vector.load %arg5[%get3A_41] : memref<128xf32, #tpu.memory_space<vmem>>, vector<128xf32>
    %broadcast_in_dim3A_43 = vector.shape_cast %get3A_42 : vector<128xf32> to vector<1x128xf32>
    %add3A_44 = vector.broadcast %broadcast_in_dim3A_43 : vector<1x128xf32> to vector<10000x128xf32>
    %add3A_45 = arith.addf %mul3A_40, %add3A_44 : vector<10000x128xf32>
    %iota3A = tpu.iota {dimensions = array<i32: 0>} : vector<64x10000xi32>
    %get3A_46 = arith.constant 0 : index
    %get3A_47 = vector.load %arg6[%get3A_46] : memref<10000xi32, #tpu.memory_space<vmem>>, vector<10000xi32>
    %broadcast_in_dim3A_48 = vector.shape_cast %get3A_47 : vector<10000xi32> to vector<1x10000xi32>
    %eq3A = vector.broadcast %broadcast_in_dim3A_48 : vector<1x10000xi32> to vector<64x10000xi32>
    %eq3A_49 = arith.cmpi eq, %iota3A, %eq3A : vector<64x10000xi32>
    %convert_element_type3A = arith.extui %eq3A_49 : vector<64x10000xi1> to vector<64x10000xi32>
    %convert_element_type3A_50 = arith.sitofp %convert_element_type3A : vector<64x10000xi32> to vector<64x10000xf32>
    %bitcast_convert_type3A = tpu.bitcast %convert_element_type3A_50 : vector<64x10000xf32> -> vector<64x10000xi32>
    %and3A = arith.constant -65536 : i32
    %and3A_51 = vector.broadcast %and3A : i32 to vector<64x10000xi32>
    %and3A_52 = arith.andi %bitcast_convert_type3A, %and3A_51 : vector<64x10000xi32>
    %bitcast_convert_type3A_53 = tpu.bitcast %and3A_52 : vector<64x10000xi32> -> vector<64x10000xf32>
    %sub3A_54 = arith.subf %convert_element_type3A_50, %bitcast_convert_type3A_53 : vector<64x10000xf32>
    %convert_element_type3A_55 = arith.truncf %bitcast_convert_type3A_53 : vector<64x10000xf32> to vector<64x10000xbf16>
    %convert_element_type3A_56 = arith.truncf %sub3A_54 : vector<64x10000xf32> to vector<64x10000xbf16>
    %bitcast_convert_type3A_57 = tpu.bitcast %add3A_45 : vector<10000x128xf32> -> vector<10000x128xi32>
    %and3A_58 = arith.constant -65536 : i32
    %and3A_59 = vector.broadcast %and3A_58 : i32 to vector<10000x128xi32>
    %and3A_60 = arith.andi %bitcast_convert_type3A_57, %and3A_59 : vector<10000x128xi32>
    %bitcast_convert_type3A_61 = tpu.bitcast %and3A_60 : vector<10000x128xi32> -> vector<10000x128xf32>
    %sub3A_62 = arith.subf %add3A_45, %bitcast_convert_type3A_61 : vector<10000x128xf32>
    %convert_element_type3A_63 = arith.truncf %bitcast_convert_type3A_61 : vector<10000x128xf32> to vector<10000x128xbf16>
    %convert_element_type3A_64 = arith.truncf %sub3A_62 : vector<10000x128xf32> to vector<10000x128xbf16>
    %dot_general3A = arith.constant dense<0.000000e+00> : vector<64x128xf32>
    %dot_general3A_65 = tpu.matmul %convert_element_type3A_55, %convert_element_type3A_63, %dot_general3A {dimension_numbers = #tpu.dot_dimension_numbers<[1], [0], [0], [1], [0, 0, 1, 1], [], []>, transpose_lhs_hint = false} : vector<64x10000xbf16>, vector<10000x128xbf16>, vector<64x128xf32> -> vector<64x128xf32>
    %dot_general3A_66 = arith.constant dense<0.000000e+00> : vector<64x128xf32>
    %dot_general3A_67 = tpu.matmul %convert_element_type3A_55, %convert_element_type3A_64, %dot_general3A_66 {dimension_numbers = #tpu.dot_dimension_numbers<[1], [0], [0], [1], [0, 0, 1, 1], [], []>, transpose_lhs_hint = false} : vector<64x10000xbf16>, vector<10000x128xbf16>, vector<64x128xf32> -> vector<64x128xf32>
    %dot_general3A_68 = arith.constant dense<0.000000e+00> : vector<64x128xf32>
    %dot_general3A_69 = tpu.matmul %convert_element_type3A_56, %convert_element_type3A_63, %dot_general3A_68 {dimension_numbers = #tpu.dot_dimension_numbers<[1], [0], [0], [1], [0, 0, 1, 1], [], []>, transpose_lhs_hint = false} : vector<64x10000xbf16>, vector<10000x128xbf16>, vector<64x128xf32> -> vector<64x128xf32>
    %add3A_70 = arith.addf %dot_general3A_67, %dot_general3A_69 : vector<64x128xf32>
    %add3A_71 = arith.addf %dot_general3A_65, %add3A_70 : vector<64x128xf32>
    %swap3A = arith.constant 0 : index
    %swap3A_72 = arith.constant 0 : index
    %swap3A_73 = vector.load %arg7[%swap3A, %swap3A_72] : memref<64x128xf32, #tpu.memory_space<vmem>>, vector<64x128xf32>
    tpu.vector_store %arg7[%swap3A, %swap3A_72], %add3A_71 {strides = array<i32>} : memref<64x128xf32, #tpu.memory_space<vmem>>, vector<64x128xf32>,
    return
  }
}

</mosaic_0001>

<sc_bundles>
// kernel: kernel.12.cloned.1.call-start
scs
__scs_entry_jumppad:
0x0: {  	(pc) =	sbr.rel $0x88, $3  }
0x1: {  	(tag) =	ssettag $0x0;
	lr =	simm.s32 $0x1  }
0x2: {  	[smem:$0x3F8E] =	sst lr;
	_ =	strace $0xD0000000  }
0x3: {  	_ = 	snop  }
0x4: {  	_ = 	snop  }
0x5: {  	_ = 	snop  }
0x6: {  	_ = 	snop  }
0x7: {  	_ = 	snop  }
__scs_overlays_trampoline_lowered:
0x8: {  	[smem:$0x3F9D] =	sst s0  }
0x9: {  	[smem:$0x3F9E] =	sst s1  }
0xa: {  	[smem:$0x3F9F] =	sst s2  }
0xb: {  	[smem:$0x3FA0] =	sst s3  }
0xc: {  	[smem:$0x3FA1] =	sst s4  }
0xd: {  	[smem:$0x3FA2] =	sst s5  }
0xe: {  	[smem:$0x3FA3] =	sst s6  }
0xf: {  	[smem:$0x3FA4] =	sst s7  }
0x10: {  	[smem:$0x3FA5] =	sst s8  }
0x11: {  	[smem:$0x3FA6] =	sst s9;
	s0 =	simm.s32 @!p0 $0x0  }
0x12: {  	s1 =	sld [smem:$0x3F8C];
	s0 =	simm.s32 @p0 $0x1  }
0x13: {  	[smem:$0x3FA7] =	sst s0;
	s0 =	simm.s32 @!p1 $0x0  }
0x14: {  	s2 =	sld [smem:$0x3F8B];
	s0 =	simm.s32 @p1 $0x1  }
0x15: {  	[smem:$0x3FA8] =	sst s0;
	s0 =	simm.s32 @!p2 $0x0  }
0x16: {  	s3 =	sld [smem:$0x3FDB];
	s0 =	simm.s32 @p2 $0x1  }
0x17: {  	s4 =	simm.s32 $0x1BF5;
	[smem:$0x3FAA] =	sst s0  }
0x18: {  	s0 =	sld [smem:$0x3F8D];
	_ =	swait.ge [sflag:s4], $0x0  }
0x19: {  	s7 =	sld [smem:$0x3F8E]  }
0x1a: {  	s8 =	sadd.s32 $0xFFFFE003, lr  }
0x1b: {  	s9 =	sadd.s32 $0xFFFFFEF7, lr;
	s5 =	simm.s32 $0xFFFFFFFF;
	p2 =	slt.u32 s8, $0xFFFFF086  }
0x1c: {  	p1 =	slt.u32 s9, $0xF7A;
	s5 =	simm.s32 @!p2 $0x0  }
0x1d: {  	s5 =	simm.s32 @p1 $0x1;
	p0 =	seq.s32 s7, s2  }
0x1e: {  	s7 =	smul.u32 @!p0 $0xF7A, s2;
	p2 =	seq.s32 @!p0 s5, $0x0  }
0x1f: {  	s9 =	smul.u32 $0xF7A, s1;
	s8 =	simm.s32 @!p0 $0x1BF5;
	p2 =	por !p2, p0  }
0x20: {  	[sflag:s8] =	ssyncset.s32 @!p0 $0xFFFFF086;
	s6 =	sadd.s32 @!p0 s3, s7;
	s7 =	simm.s32 @!p0 $0x108  }
0x21: {  	s3 =	sadd.s32 s3, s9;
	s6 =	sadd.s32 @!p0 $0x88, s6;
	s7 =	simm.s32 @p2 $0x1082  }
0x22: {  	[simem:s7], [sflag:s8] =	dma.local @!p0 [hbm:s6], $0xF7A  }
0x23: {  	s9 =	sor.u32 $0xD0000000, s2;
	s6 =	simm.s32 $0x108;
	_ =	swait.ge @!p0 [sflag:s8], $0x0  }
0x24: {  	s3 =	sadd.s32 $0x88, s3;
	s6 =	simm.s32 @!p1 $0x1082;
	[sflag:s4] =	ssyncset.s32 $0xFFFFF086  }
0x25: {  	[simem:s6], [sflag:s4] =	dma.local [hbm:s3], $0xF7A  }
0x26: {  	[smem:$0x3F8E] =	sst s1;
	(tag) =	ssettag s2;
	_ =	strace s9  }
0x27: {  	s1 =	sld [smem:$0x3F9E]  }
0x28: {  	s2 =	sld [smem:$0x3F9F]  }
0x29: {  	s4 =	sld [smem:$0x3FA1]  }
0x2a: {  	p0 =	seq.s32 s5, $0x0;
	s5 =	sld [smem:$0x3FA2]  }
0x2b: {  	s6 =	sld [smem:$0x3FA3]  }
0x2c: {  	s7 =	sld [smem:$0x3FA4]  }
0x2d: {  	s3 =	simm.s32 $0x108;
	s8 =	sld [smem:$0x3FA5]  }
0x2e: {  	s3 =	simm.s32 @!p0 $0x1082;
	s9 =	sld [smem:$0x3FA6]  }
0x2f: {  	lr =	sadd.s32 s0, s3;
	s0 =	sld [smem:$0x3F9D]  }
0x30: {  	s3 =	sld [smem:$0x3FA0]  }
0x31: {  	[smem:$0x3FA9] =	sst s10  }
0x32: {  	s10 =	sld [smem:$0x3FA7];
	_ =	sdelay $0x3  }
0x33: {  	p0 =	seq.s32 s10, $0x1;
	s10 =	sld [smem:$0x3FA9];
	_ =	sdelay $0x3  }
0x34: {  	[smem:$0x3FA9] =	sst s10  }
0x35: {  	s10 =	sld [smem:$0x3FA8];
	_ =	sdelay $0x3  }
0x36: {  	p1 =	seq.s32 s10, $0x1;
	s10 =	sld [smem:$0x3FA9];
	_ =	sdelay $0x3  }
0x37: {  	[smem:$0x3FA9] =	sst s10  }
0x38: {  	s10 =	sld [smem:$0x3FAA]  }
0x39: {  	_ = 	snop;
	(pc) =	sbr.ind lr, $3  }
0x3a: {  	_ = 	snop  }
0x3b: {  	_ = 	snop  }
0x3c: {  	p2 =	seq.s32 s10, $0x1;
	s10 =	sld [smem:$0x3FA9]  }
0x3d: {  	_ =	shalt  }
0x3e: {  	_ =	shalt  }
0x3f: {  	_ =	shalt  }
0x40: {  	_ =	shalt  }
0x41: {  	_ =	shalt  }
0x42: {  	_ =	shalt  }
0x43: {  	_ =	shalt  }
0x44: {  	_ =	shalt  }
0x45: {  	_ =	shalt  }
0x46: {  	_ =	shalt  }
0x47: {  	_ =	shalt  }
0x48: {  	_ =	shalt  }
0x49: {  	_ =	shalt  }
0x4a: {  	_ =	shalt  }
0x4b: {  	_ =	shalt  }
0x4c: {  	_ =	shalt  }
0x4d: {  	_ =	shalt  }
0x4e: {  	_ =	shalt  }
0x4f: {  	_ =	shalt  }
0x50: {  	_ =	shalt  }
0x51: {  	_ =	shalt  }
0x52: {  	_ =	shalt  }
0x53: {  	_ =	shalt  }
0x54: {  	_ =	shalt  }
0x55: {  	_ =	shalt  }
0x56: {  	_ =	shalt  }
0x57: {  	_ =	shalt  }
0x58: {  	_ =	shalt  }
0x59: {  	_ =	shalt  }
0x5a: {  	_ =	shalt  }
0x5b: {  	_ =	shalt  }
0x5c: {  	_ =	shalt  }
0x5d: {  	_ =	shalt  }
0x5e: {  	_ =	shalt  }
0x5f: {  	_ =	shalt  }
0x60: {  	_ =	shalt  }
0x61: {  	_ =	shalt  }
0x62: {  	_ =	shalt  }
0x63: {  	_ =	shalt  }
0x64: {  	_ =	shalt  }
0x65: {  	_ =	shalt  }
0x66: {  	_ =	shalt  }
0x67: {  	_ =	shalt  }
0x68: {  	_ =	shalt  }
0x69: {  	_ =	shalt  }
0x6a: {  	_ =	shalt  }
0x6b: {  	_ =	shalt  }
0x6c: {  	_ =	shalt  }
0x6d: {  	_ =	shalt  }
0x6e: {  	_ =	shalt  }
0x6f: {  	_ =	shalt  }
0x70: {  	_ =	shalt  }
0x71: {  	_ =	shalt  }
0x72: {  	_ =	shalt  }
0x73: {  	_ =	shalt  }
0x74: {  	_ =	shalt  }
0x75: {  	_ =	shalt  }
0x76: {  	_ =	shalt  }
0x77: {  	_ =	shalt  }
0x78: {  	_ =	shalt  }
0x79: {  	_ =	shalt  }
0x7a: {  	_ =	shalt  }
0x7b: {  	_ =	shalt  }
0x7c: {  	_ =	shalt  }
0x7d: {  	_ =	shalt  }
0x7e: {  	_ =	shalt  }
0x7f: {  	_ =	shalt  }
0x80: {  	_ =	shalt  }
0x81: {  	_ =	shalt  }
0x82: {  	_ =	shalt  }
0x83: {  	_ =	shalt  }
0x84: {  	_ =	shalt  }
0x85: {  	_ =	shalt  }
0x86: {  	_ =	shalt  }
0x87: {  	_ =	shalt  }
.Lfunc_end0:
.L_simem_size_0:
called_computation_lowered:
.L_overlay_start_0:
0x88: {  	s2 =	sld [smem:$0x3FD9]  }
0x89: {  	s3 =	sld [smem:$0x3FFE];
	_ =	sdelay $0x1  }
0x8a: {  	s1 =	srdreg.scid  }
0x8b: {  	s0 =	sand.u32 $0x1, s1  }
0x8c: {  	s16 =	sshll.u32 s0, $0xA;
	s2 =	sadd.s32 s3, s2  }
0x8d: {  	s2 =	sadd.s32 s2, s16  }
0x8e: {  	[smem:$0x3FB5] =	sst s2  }
0x8f: {  	_ = 	snop  }
0x90: {  	(tm) =	ssettm $0x1  }
0x91: {  	s17 =	sld [smem:$0x3FFB];
	_ =	sdelay $0x3  }
0x92: {  	_ =	strace s17  }
0x93: {  	s2 =	sld [smem:$0x3FFC];
	_ =	sdelay $0x3  }
0x94: {  	_ =	strace s2  }
0x95: {  	s2 =	sld [smem:$0x3FFD];
	_ =	sdelay $0x3  }
0x96: {  	_ =	strace s2  }
0x97: {  	_ =	strace $0x8FFFFFFF  }
0x98: {  	s18 =	sld [smem:$0x3FDB];
	_ =	sdelay $0x1  }
0x99: {  	s19 =	simm.s32 $_scs_section_size  }
0x9a: {  	s4 =	simm.s32 $_size__tile_overlayer_lowered;
	s5 =	simm.s32 $_tile_overlayer_lowered  }
0x9b: {  	s22 =	simm.s32 $0x1BFF;
	s21 =	sshll.u32 s5, $0x1;
	s2 =	sadd.s32 s19, s18  }
0x9c: {  	s6 =	simm.s32 $0x0;
	s20 =	sshll.u32 s4, $0x1;
	s4 =	sadd.s32 s21, s2  }
0x9d: {  	[timem:s6], [sflag:s22] =	dma.local [hbm:s4], s20  }
0x9e: {  	_ =	swait.ge [sflag:s22], s20  }
0x9f: {  	s3 =	ssub.s32 $0x0, s20;
	[sflag:s22] =	ssyncset.done $0x0  }
0xa0: {  	[sflag:s22] =	ssyncadd.s32 s3;
	_ =	sdelay $0x1  }
0xa1: {  	s23 =	simm.s32 $0x1B8B  }
0xa2: {  	_ =	swait.ge [sflag:s23], $0x1  }
0xa3: {  	[sflag:s23] =	ssyncset.done $0x0  }
0xa4: {  	s25 =	simm.s32 $0x1B8E;
	s24 =	sld [smem:$0x3FFE];
	[sflag:s23] =	ssyncadd.s32 $0xFFFFFFFF  }
0xa5: {  	s26 =	simm.s32 $execute0_lowered;
	[smem:$0x3FD2] =	sst s25  }
0xa6: {  	s4 =	sshll.u32 s26, $0x1;
	_ =	strace $0x80000046;
	[dreg:$0x1] =	wrdreg $0xFFFFFFFF  }
0xa7: {  	s28 =	simm.s32 $_size_execute0_lowered;
	s2 =	sadd.s32 s2, s4;
	[dreg:$0x0] =	wrdreg $0x0  }
0xa8: {  	s4 =	sshll.u32 s28, $0x1;
	[dreg:$0x2] =	wrdreg s2  }
0xa9: {  	[dreg:$0x3] =	wrdreg s4  }
0xaa: {  	[dreg:$0x4] =	wrdreg $0xC0  }
0xab: {  	_ =	task [dreg:s6], $0x5FFFF  }
0xac: {  	[dreg:$0x1] =	wrdreg $0xFFFFFFFF  }
0xad: {  	[dreg:$0x0] =	wrdreg $0x60  }
0xae: {  	[dreg:$0x2] =	wrdreg s24  }
0xaf: {  	[dreg:$0x3] =	wrdreg $0x9  }
0xb0: {  	_ =	task.clear_ibuf [dreg:s6], $0x4FFFF;
	_ =	strace $0x90000046  }
0xb1: {  	s29 =	simm.s32 $0x9;
	_ =	strace $0x80000048  }
0xb2: {  	_ =	swait.ge [sflag:s29], $0x1  }
0xb3: {  	[sflag:s29] =	ssyncadd.s32 $0xFFFFFFFF  }
0xb4: {  	_ =	strace $0x90000048  }
0xb5: {  	_ =	sfence  }
0xb6: {  	s30 =	sld [smem:$0x0];
	_ =	sdelay $0x2  }
0xb7: {  	s31 =	sshll.u32 s1, $0xD;
	s1 =	sshrl.u32 s1, $0x2  }
0xb8: {  	s3 =	sand.u32 $0x4000, s31;
	s1 =	sadd.s32 s1, s30  }
0xb9: {  	s0 =	sor.u32 s3, s0;
	s1 =	sshll.u32 s1, $0x11  }
0xba: {  	s0 =	sor.u32 s1, s0  }
0xbb: {  	s0 =	sadd.s32 $0x8F2B, s0  }
0xbc: {  	[sflag:s0] =	ssyncadd.remote.s32 $0x1  }
0xbd: {  	_ =	sfence.sel $0xFFFF  }
0xbe: {  	[dreg:$0x0] =	wrdreg $0xFFFFFFFF;
	(pc) =	sbr.abs _section_cstart, $3  }
0xbf: {  	[dreg:$0x1] =	wrdreg $0xFFFFFFFF  }
0xc0: {  	_ =	task.clear_ibuf [dreg:s6], $0x2FFFF;
	_ =	strace $0x9FFFFFFF  }
0xc1: {  	(tm) =	ssettm $0x7FFFFFFF  }
tec
execute0_lowered:
.L_overlay_start_1:
0x0: {  	(tag) =	ssettag $0x1  }
0x1: {  	s3 =	rddreg [dreg:$0x0];
	s1 =	srdreg.scid  }
0x2: {  	s0 =	rddreg [dreg:$0x1];
	s4 =	sand.u32 $0x1, s1  }
0x3: {  	s2 =	simm.s32 $0x0;
	s1 =	stileid.u32;
	s5 =	sshll.u32 s4, $0x4  }
0x4: {  	[smem:$0x7FF] =	sst s2;
	s5 =	sor.u32 s1, s5  }
0x5: {  	s6 =	sadd.s32 $0x4C00, s3;
	s4 =	ssub.s32 $0x2, s4;
	s7 =	smul.u32 $0x2800, s5  }
0x6: {  	s30 =	sshrl.u32 s4, $0x1;
	s8 =	sshll.u32 s5, $0xB;
	s5 =	smul.u32 $0x500, s5  }
0x7: {  	_ =	strace $0x80000047;
	s9 =	ssub.s32 s4, s30;
	s8 =	sadd.s32 s8, s3  }
0x8: {  	s7 =	sshrl.u32 s7, $0x3;
	s3 =	sadd.s32 s6, s5;
	s5 =	sadd.s32 $0x18C00, s8  }
0x9: {  	s8 =	simm.s32 $0x1;
	s31 =	sadd.s32 s6, s7;
	s6 =	smax.u32 s9, $0x1  }
0xa: {  	v0 =	vimm.f32 $0.0e+00;
	v1 =	vimm.f32 $1.000000000e+00;
	s7 =	simm.s32 $0x4000;
	s9 =	simm.s32 $0x0;
	s4 =	sadd.s32 $0x280, s31  }
.LBB2_1:
0xb: {  	s10 =	simm.s32 $0x0  }
.LBB2_2:
0xc: {  	s11 =	sshll.u32 s10, $0xA;
	s12 =	sshll.u32 s10, $0x7  }
0xd: {  	s13 =	sand.u32 $0x2000, s11;
	s12 =	sand.u32 $0x380, s12;
	s11 =	simm.s32 $0x0  }
0xe: {  	s12 =	sor.u32 s12, s13;
	s31 =	sand.u32 $0x1C00, s11  }
0xf: {  	s14 =	sand.u32 $0x70, s11;
	s15 =	sadd.s32 s31, s12  }
0x10: {  	s13 =	simm.s32 $0x10;
	s14 =	sadd.s32 s14, s15  }
.LBB2_3:
0x11: {  	p0 =	sne.s32 s13, $0x3F0  }
0x12: {  	[tilespmem:s14+$0x0] =	vst v0;
	s11 =	sadd.s32 $0x80, s11;
	s14 =	smov.u32 s13;
	s13 =	sadd.s32 $0x10, s13  }
.Ltmp0:
0x13: {  	(pc) =	sbr.rel @p0 .LBB2_3-.Ltmp0, $4  }
0x14: {  	_ = 	snop  }
0x15: {  	s15 =	sand.u32 $0x1C00, s11  }
0x16: {  	s14 =	sand.u32 $0x70, s14;
	s15 =	sadd.s32 s15, s12  }
0x17: {  	s14 =	sadd.s32 s14, s15  }
0x18: {  	s10 =	sadd.s32 $0x1, s10  }
0x19: {  	p0 =	sne.s32 s10, $0x10  }
.Ltmp1:
0x1a: {  	_ = 	snop;
	(pc) =	sbr.rel @p0 .LBB2_2-.Ltmp1, $2  }
0x1b: {  	_ =	sdelay $0x2  }
0x1c: {  	[tilespmem:s14+$0x0] =	vst v0  }
0x1d: {  	[tilespmem:s7], [sflag:$0x1] =	stream.linear.gather [hbm4b:s3+s2], $0x1400, $0x38;
	[tilespmem:$0x5400] =	vst v63  }
0x1e: {  	_ =	swait.ge [sflag:s8], $0x1400  }
0x1f: {  	[sflag:s8] =	ssyncset.done $0x0  }
0x20: {  	s10 =	simm.s32 $0x1C0;
	[sflag:s8] =	ssyncadd.s32 $0xFFFFEC00  }
.LBB2_6:
0x21: {  	s11 =	sshra.s32 s10, $0x2  }
0x22: {  	v2 =	vld [tilespmem:s11+$0x3F90];
	_ =	sdelay $0x4  }
0x23: {  	v3 =	vshll.u32 v2, $0x3  }
0x24: {  	v4 =	vshrl.u32 v2, $0x3;
	v2 =	vand.u32 $0xFFFFE07F, v2;
	v3 =	vand.u32 $0x1C00, v3  }
0x25: {  	v4 =	vand.u32 $0x380, v4;
	v2 =	vor.u32 v3, v2  }
0x26: {  	v2 =	vor.u32 v4, v2;
	_ =	sdelay $0x4  }
0x27: {  	[tilespmem:v2+s2+$0x0] =	vst.idx.add.f32.msk $0xffff, v1  }
0x28: {  	v2 =	vld [tilespmem:s11+$0x3FA0];
	_ =	sdelay $0x4  }
0x29: {  	v3 =	vshll.u32 v2, $0x3  }
0x2a: {  	v57 =	vshrl.u32 v2, $0x3;
	v2 =	vand.u32 $0xFFFFE07F, v2;
	v3 =	vand.u32 $0x1C00, v3  }
0x2b: {  	v4 =	vand.u32 $0x380, v57;
	v2 =	vor.u32 v3, v2  }
0x2c: {  	v2 =	vor.u32 v4, v2;
	_ =	sdelay $0x4  }
0x2d: {  	[tilespmem:v2+s2+$0x0] =	vst.idx.add.f32.msk $0xffff, v1  }
0x2e: {  	v2 =	vld [tilespmem:s11+$0x3FB0];
	_ =	sdelay $0x4  }
0x2f: {  	v3 =	vshll.u32 v2, $0x3  }
0x30: {  	v58 =	vshrl.u32 v2, $0x3;
	v2 =	vand.u32 $0xFFFFE07F, v2;
	v3 =	vand.u32 $0x1C00, v3  }
0x31: {  	v4 =	vand.u32 $0x380, v58;
	v2 =	vor.u32 v3, v2  }
0x32: {  	v2 =	vor.u32 v4, v2;
	_ =	sdelay $0x4  }
0x33: {  	[tilespmem:v2+s2+$0x0] =	vst.idx.add.f32.msk $0xffff, v1  }
0x34: {  	v2 =	vld [tilespmem:s11+$0x3FC0];
	_ =	sdelay $0x4  }
0x35: {  	v3 =	vshll.u32 v2, $0x3  }
0x36: {  	v59 =	vshrl.u32 v2, $0x3;
	v2 =	vand.u32 $0xFFFFE07F, v2;
	v3 =	vand.u32 $0x1C00, v3  }
0x37: {  	v4 =	vand.u32 $0x380, v59;
	v2 =	vor.u32 v3, v2  }
0x38: {  	v2 =	vor.u32 v4, v2;
	_ =	sdelay $0x4  }
0x39: {  	[tilespmem:v2+s2+$0x0] =	vst.idx.add.f32.msk $0xffff, v1  }
0x3a: {  	v2 =	vld [tilespmem:s11+$0x3FD0];
	_ =	sdelay $0x4  }
0x3b: {  	v3 =	vshll.u32 v2, $0x3  }
0x3c: {  	v60 =	vshrl.u32 v2, $0x3;
	v2 =	vand.u32 $0xFFFFE07F, v2;
	v3 =	vand.u32 $0x1C00, v3  }
0x3d: {  	v4 =	vand.u32 $0x380, v60;
	v2 =	vor.u32 v3, v2  }
0x3e: {  	v2 =	vor.u32 v4, v2;
	_ =	sdelay $0x4  }
0x3f: {  	[tilespmem:v2+s2+$0x0] =	vst.idx.add.f32.msk $0xffff, v1  }
0x40: {  	v2 =	vld [tilespmem:s11+$0x3FE0];
	_ =	sdelay $0x4  }
0x41: {  	v3 =	vshll.u32 v2, $0x3  }
0x42: {  	v61 =	vshrl.u32 v2, $0x3;
	v2 =	vand.u32 $0xFFFFE07F, v2;
	v3 =	vand.u32 $0x1C00, v3  }
0x43: {  	v4 =	vand.u32 $0x380, v61;
	v2 =	vor.u32 v3, v2  }
0x44: {  	v2 =	vor.u32 v4, v2;
	_ =	sdelay $0x4  }
0x45: {  	[tilespmem:v2+s2+$0x0] =	vst.idx.add.f32.msk $0xffff, v1  }
0x46: {  	v2 =	vld [tilespmem:s11+$0x3FF0];
	_ =	sdelay $0x4  }
0x47: {  	v3 =	vshll.u32 v2, $0x3  }
0x48: {  	v62 =	vshrl.u32 v2, $0x3;
	v2 =	vand.u32 $0xFFFFE07F, v2;
	v3 =	vand.u32 $0x1C00, v3  }
0x49: {  	v4 =	vand.u32 $0x380, v62;
	v2 =	vor.u32 v3, v2  }
0x4a: {  	v2 =	vor.u32 v4, v2;
	_ =	sdelay $0x4  }
0x4b: {  	[tilespmem:v2+s2+$0x0] =	vst.idx.add.f32.msk $0xffff, v1  }
0x4c: {  	v2 =	vld [tilespmem:s11+$0x4000];
	_ =	sdelay $0x4  }
0x4d: {  	v3 =	vshll.u32 v2, $0x3  }
0x4e: {  	v63 =	vshrl.u32 v2, $0x3;
	v2 =	vand.u32 $0xFFFFE07F, v2;
	v3 =	vand.u32 $0x1C00, v3  }
0x4f: {  	v4 =	vand.u32 $0x380, v63;
	v2 =	vor.u32 v3, v2  }
0x50: {  	p0 =	sne.s32 s10, $0x4FC0;
	v2 =	vor.u32 v4, v2  }
.Ltmp2:
0x51: {  	_ = 	snop;
	(pc) =	sbr.rel @p0 .LBB2_6-.Ltmp2, $2  }
0x52: {  	_ =	sdelay $0x2  }
0x53: {  	s10 =	sadd.s32 $0x200, s10;
	[tilespmem:v2+s2+$0x0] =	vst.idx.add.f32.msk $0xffff, v1  }
0x54: {  	[tilespmem:s7], [sflag:$0x1] =	stream.linear.gather [hbm4b:s4+s2], $0x1400, $0x38;
	[tilespmem:$0x5400] =	vst v63  }
0x55: {  	_ =	swait.ge [sflag:s8], $0x1400  }
0x56: {  	[sflag:s8] =	ssyncset.done $0x0  }
0x57: {  	s10 =	simm.s32 $0x1C0;
	[sflag:s8] =	ssyncadd.s32 $0xFFFFEC00  }
.LBB2_8:
0x58: {  	s11 =	sshra.s32 s10, $0x2  }
0x59: {  	v2 =	vld [tilespmem:s11+$0x3F90];
	_ =	sdelay $0x4  }
0x5a: {  	v3 =	vshll.u32 v2, $0x3  }
0x5b: {  	v4 =	vshrl.u32 v2, $0x3;
	v2 =	vand.u32 $0xFFFFE07F, v2;
	v3 =	vand.u32 $0x1C00, v3  }
0x5c: {  	v4 =	vand.u32 $0x380, v4;
	v2 =	vor.u32 v3, v2  }
0x5d: {  	v2 =	vor.u32 v4, v2;
	_ =	sdelay $0x4  }
0x5e: {  	[tilespmem:v2+s2+$0x0] =	vst.idx.add.f32.msk $0xffff, v1  }
0x5f: {  	v2 =	vld [tilespmem:s11+$0x3FA0];
	_ =	sdelay $0x4  }
0x60: {  	v3 =	vshll.u32 v2, $0x3  }
0x61: {  	v57 =	vshrl.u32 v2, $0x3;
	v2 =	vand.u32 $0xFFFFE07F, v2;
	v3 =	vand.u32 $0x1C00, v3  }
0x62: {  	v4 =	vand.u32 $0x380, v57;
	v2 =	vor.u32 v3, v2  }
0x63: {  	v2 =	vor.u32 v4, v2;
	_ =	sdelay $0x4  }
0x64: {  	[tilespmem:v2+s2+$0x0] =	vst.idx.add.f32.msk $0xffff, v1  }
0x65: {  	v2 =	vld [tilespmem:s11+$0x3FB0];
	_ =	sdelay $0x4  }
0x66: {  	v3 =	vshll.u32 v2, $0x3  }
0x67: {  	v58 =	vshrl.u32 v2, $0x3;
	v2 =	vand.u32 $0xFFFFE07F, v2;
	v3 =	vand.u32 $0x1C00, v3  }
0x68: {  	v4 =	vand.u32 $0x380, v58;
	v2 =	vor.u32 v3, v2  }
0x69: {  	v2 =	vor.u32 v4, v2;
	_ =	sdelay $0x4  }
0x6a: {  	[tilespmem:v2+s2+$0x0] =	vst.idx.add.f32.msk $0xffff, v1  }
0x6b: {  	v2 =	vld [tilespmem:s11+$0x3FC0];
	_ =	sdelay $0x4  }
0x6c: {  	v3 =	vshll.u32 v2, $0x3  }
0x6d: {  	v59 =	vshrl.u32 v2, $0x3;
	v2 =	vand.u32 $0xFFFFE07F, v2;
	v3 =	vand.u32 $0x1C00, v3  }
0x6e: {  	v4 =	vand.u32 $0x380, v59;
	v2 =	vor.u32 v3, v2  }
0x6f: {  	v2 =	vor.u32 v4, v2;
	_ =	sdelay $0x4  }
0x70: {  	[tilespmem:v2+s2+$0x0] =	vst.idx.add.f32.msk $0xffff, v1  }
0x71: {  	v2 =	vld [tilespmem:s11+$0x3FD0];
	_ =	sdelay $0x4  }
0x72: {  	v3 =	vshll.u32 v2, $0x3  }
0x73: {  	v60 =	vshrl.u32 v2, $0x3;
	v2 =	vand.u32 $0xFFFFE07F, v2;
	v3 =	vand.u32 $0x1C00, v3  }
0x74: {  	v4 =	vand.u32 $0x380, v60;
	v2 =	vor.u32 v3, v2  }
0x75: {  	v2 =	vor.u32 v4, v2;
	_ =	sdelay $0x4  }
0x76: {  	[tilespmem:v2+s2+$0x0] =	vst.idx.add.f32.msk $0xffff, v1  }
0x77: {  	v2 =	vld [tilespmem:s11+$0x3FE0];
	_ =	sdelay $0x4  }
0x78: {  	v3 =	vshll.u32 v2, $0x3  }
0x79: {  	v61 =	vshrl.u32 v2, $0x3;
	v2 =	vand.u32 $0xFFFFE07F, v2;
	v3 =	vand.u32 $0x1C00, v3  }
0x7a: {  	v4 =	vand.u32 $0x380, v61;
	v2 =	vor.u32 v3, v2  }
0x7b: {  	v2 =	vor.u32 v4, v2;
	_ =	sdelay $0x4  }
0x7c: {  	[tilespmem:v2+s2+$0x0] =	vst.idx.add.f32.msk $0xffff, v1  }
0x7d: {  	v2 =	vld [tilespmem:s11+$0x3FF0];
	_ =	sdelay $0x4  }
0x7e: {  	v3 =	vshll.u32 v2, $0x3  }
0x7f: {  	v62 =	vshrl.u32 v2, $0x3;
	v2 =	vand.u32 $0xFFFFE07F, v2;
	v3 =	vand.u32 $0x1C00, v3  }
0x80: {  	v4 =	vand.u32 $0x380, v62;
	v2 =	vor.u32 v3, v2  }
0x81: {  	v2 =	vor.u32 v4, v2;
	_ =	sdelay $0x4  }
0x82: {  	[tilespmem:v2+s2+$0x0] =	vst.idx.add.f32.msk $0xffff, v1  }
0x83: {  	v2 =	vld [tilespmem:s11+$0x4000];
	_ =	sdelay $0x4  }
0x84: {  	v3 =	vshll.u32 v2, $0x3  }
0x85: {  	v63 =	vshrl.u32 v2, $0x3;
	v2 =	vand.u32 $0xFFFFE07F, v2;
	v3 =	vand.u32 $0x1C00, v3  }
0x86: {  	v4 =	vand.u32 $0x380, v63;
	v2 =	vor.u32 v3, v2  }
0x87: {  	p0 =	sne.s32 s10, $0x4FC0;
	v2 =	vor.u32 v4, v2  }
.Ltmp3:
0x88: {  	_ = 	snop;
	(pc) =	sbr.rel @p0 .LBB2_8-.Ltmp3, $2  }
0x89: {  	_ =	sdelay $0x2  }
0x8a: {  	s10 =	sadd.s32 $0x200, s10;
	[tilespmem:v2+s2+$0x0] =	vst.idx.add.f32.msk $0xffff, v1  }
0x8b: {  	s9 =	sadd.s32 $0x1, s9  }
0x8c: {  	p0 =	sne.s32 s9, s6  }
.Ltmp4:
0x8d: {  	_ = 	snop;
	(pc) =	sbr.rel @p0 .LBB2_1-.Ltmp4, $4  }
0x8e: {  	[hbm4b:s5+s2] =	stream.linear.scatter [tilespmem:s2], [sflag:$0x1], $0x4000, $0x38;
	[tilespmem:$0x5400] =	vst v63  }
0x8f: {  	_ =	swait.ge [sflag:s8], $0x4000  }
0x90: {  	[sflag:s8] =	ssyncset.done $0x0  }
0x91: {  	[sflag:s8] =	ssyncadd.s32 $0xFFFFC000  }
0x92: {  	_ =	sfence.sel $0x180000  }
0x93: {  	[bflag:$0x0] =	sbarrier.arrive $0xFFFF  }
0x94: {  	p0 =	sne.s32 s1, $0x0;
	_ =	strace $0x90000047  }
0x95: {  	s0 =	sadd.s32 @!p0 $0x100000, s0;
	[bflag:$0x2] =	sbarrier.arrive $0xFFFF  }
0x96: {  	[sflag:s0] =	ssyncadd.tile.s32 @!p0 $0x1;
	_ =	shalt  }
.Lfunc_end2:
_tile_overlayer_lowered:
.L_overlay_start_2:
0x97: {  	(tag) =	ssettag $0x2  }
0x98: {  	s0 =	rddreg [dreg:$0x0];
	s2 =	stileid.u32  }
0x99: {  	s1 =	rddreg [dreg:$0x1];
	p0 =	sne.s32 s2, $0x0  }
0x9a: {  	s3 =	rddreg [dreg:$0x2];
	[bflag:$0x3] =	sbarrier.arrive $0xFFFF;
	s2 =	simm.s32 @!p0 $0x1C01  }
0x9b: {  	[timem:s3], [sflag:s2] =	dma.local @!p0 [hbm:s0], s1  }
0x9c: {  	s0 =	simm.s32 @!p0 $0x1  }
0x9d: {  	_ =	swait.ge @!p0 [sflag:s0], s1  }
0x9e: {  	s1 =	ssub.s32 @!p0 $0x0, s1;
	[sflag:s0] =	ssyncset.done @!p0 $0x0  }
0x9f: {  	[sflag:s0] =	ssyncadd.s32 @!p0 s1  }
0xa0: {  	[bflag:$0x3] =	sbarrier.arrive $0xFFFF  }
0xa1: {  	_ =	shalt  }

// kernel: kernel.15.cloned.1.call-start
scs
__scs_entry_jumppad:
0x0: {  	(pc) =	sbr.rel $0x88, $3  }
0x1: {  	(tag) =	ssettag $0x0;
	lr =	simm.s32 $0x1  }
0x2: {  	[smem:$0x3F8E] =	sst lr;
	_ =	strace $0xD0000000  }
0x3: {  	_ = 	snop  }
0x4: {  	_ = 	snop  }
0x5: {  	_ = 	snop  }
0x6: {  	_ = 	snop  }
0x7: {  	_ = 	snop  }
__scs_overlays_trampoline_lowered:
0x8: {  	[smem:$0x3F9D] =	sst s0  }
0x9: {  	[smem:$0x3F9E] =	sst s1  }
0xa: {  	[smem:$0x3F9F] =	sst s2  }
0xb: {  	[smem:$0x3FA0] =	sst s3  }
0xc: {  	[smem:$0x3FA1] =	sst s4  }
0xd: {  	[smem:$0x3FA2] =	sst s5  }
0xe: {  	[smem:$0x3FA3] =	sst s6  }
0xf: {  	[smem:$0x3FA4] =	sst s7  }
0x10: {  	[smem:$0x3FA5] =	sst s8  }
0x11: {  	[smem:$0x3FA6] =	sst s9;
	s0 =	simm.s32 @!p0 $0x0  }
0x12: {  	s1 =	sld [smem:$0x3F8C];
	s0 =	simm.s32 @p0 $0x1  }
0x13: {  	[smem:$0x3FA7] =	sst s0;
	s0 =	simm.s32 @!p1 $0x0  }
0x14: {  	s2 =	sld [smem:$0x3F8B];
	s0 =	simm.s32 @p1 $0x1  }
0x15: {  	[smem:$0x3FA8] =	sst s0;
	s0 =	simm.s32 @!p2 $0x0  }
0x16: {  	s3 =	sld [smem:$0x3FDB];
	s0 =	simm.s32 @p2 $0x1  }
0x17: {  	s4 =	simm.s32 $0x1BF5;
	[smem:$0x3FAA] =	sst s0  }
0x18: {  	s0 =	sld [smem:$0x3F8D];
	_ =	swait.ge [sflag:s4], $0x0  }
0x19: {  	s7 =	sld [smem:$0x3F8E]  }
0x1a: {  	s8 =	sadd.s32 $0xFFFFE003, lr  }
0x1b: {  	s9 =	sadd.s32 $0xFFFFFEF7, lr;
	s5 =	simm.s32 $0xFFFFFFFF;
	p2 =	slt.u32 s8, $0xFFFFF086  }
0x1c: {  	p1 =	slt.u32 s9, $0xF7A;
	s5 =	simm.s32 @!p2 $0x0  }
0x1d: {  	s5 =	simm.s32 @p1 $0x1;
	p0 =	seq.s32 s7, s2  }
0x1e: {  	s7 =	smul.u32 @!p0 $0xF7A, s2;
	p2 =	seq.s32 @!p0 s5, $0x0  }
0x1f: {  	s9 =	smul.u32 $0xF7A, s1;
	s8 =	simm.s32 @!p0 $0x1BF5;
	p2 =	por !p2, p0  }
0x20: {  	[sflag:s8] =	ssyncset.s32 @!p0 $0xFFFFF086;
	s6 =	sadd.s32 @!p0 s3, s7;
	s7 =	simm.s32 @!p0 $0x108  }
0x21: {  	s3 =	sadd.s32 s3, s9;
	s6 =	sadd.s32 @!p0 $0x88, s6;
	s7 =	simm.s32 @p2 $0x1082  }
0x22: {  	[simem:s7], [sflag:s8] =	dma.local @!p0 [hbm:s6], $0xF7A  }
0x23: {  	s9 =	sor.u32 $0xD0000000, s2;
	s6 =	simm.s32 $0x108;
	_ =	swait.ge @!p0 [sflag:s8], $0x0  }
0x24: {  	s3 =	sadd.s32 $0x88, s3;
	s6 =	simm.s32 @!p1 $0x1082;
	[sflag:s4] =	ssyncset.s32 $0xFFFFF086  }
0x25: {  	[simem:s6], [sflag:s4] =	dma.local [hbm:s3], $0xF7A  }
0x26: {  	[smem:$0x3F8E] =	sst s1;
	(tag) =	ssettag s2;
	_ =	strace s9  }
0x27: {  	s1 =	sld [smem:$0x3F9E]  }
0x28: {  	s2 =	sld [smem:$0x3F9F]  }
0x29: {  	s4 =	sld [smem:$0x3FA1]  }
0x2a: {  	p0 =	seq.s32 s5, $0x0;
	s5 =	sld [smem:$0x3FA2]  }
0x2b: {  	s6 =	sld [smem:$0x3FA3]  }
0x2c: {  	s7 =	sld [smem:$0x3FA4]  }
0x2d: {  	s3 =	simm.s32 $0x108;
	s8 =	sld [smem:$0x3FA5]  }
0x2e: {  	s3 =	simm.s32 @!p0 $0x1082;
	s9 =	sld [smem:$0x3FA6]  }
0x2f: {  	lr =	sadd.s32 s0, s3;
	s0 =	sld [smem:$0x3F9D]  }
0x30: {  	s3 =	sld [smem:$0x3FA0]  }
0x31: {  	[smem:$0x3FA9] =	sst s10  }
0x32: {  	s10 =	sld [smem:$0x3FA7];
	_ =	sdelay $0x3  }
0x33: {  	p0 =	seq.s32 s10, $0x1;
	s10 =	sld [smem:$0x3FA9];
	_ =	sdelay $0x3  }
0x34: {  	[smem:$0x3FA9] =	sst s10  }
0x35: {  	s10 =	sld [smem:$0x3FA8];
	_ =	sdelay $0x3  }
0x36: {  	p1 =	seq.s32 s10, $0x1;
	s10 =	sld [smem:$0x3FA9];
	_ =	sdelay $0x3  }
0x37: {  	[smem:$0x3FA9] =	sst s10  }
0x38: {  	s10 =	sld [smem:$0x3FAA]  }
0x39: {  	_ = 	snop;
	(pc) =	sbr.ind lr, $3  }
0x3a: {  	_ = 	snop  }
0x3b: {  	_ = 	snop  }
0x3c: {  	p2 =	seq.s32 s10, $0x1;
	s10 =	sld [smem:$0x3FA9]  }
0x3d: {  	_ =	shalt  }
0x3e: {  	_ =	shalt  }
0x3f: {  	_ =	shalt  }
0x40: {  	_ =	shalt  }
0x41: {  	_ =	shalt  }
0x42: {  	_ =	shalt  }
0x43: {  	_ =	shalt  }
0x44: {  	_ =	shalt  }
0x45: {  	_ =	shalt  }
0x46: {  	_ =	shalt  }
0x47: {  	_ =	shalt  }
0x48: {  	_ =	shalt  }
0x49: {  	_ =	shalt  }
0x4a: {  	_ =	shalt  }
0x4b: {  	_ =	shalt  }
0x4c: {  	_ =	shalt  }
0x4d: {  	_ =	shalt  }
0x4e: {  	_ =	shalt  }
0x4f: {  	_ =	shalt  }
0x50: {  	_ =	shalt  }
0x51: {  	_ =	shalt  }
0x52: {  	_ =	shalt  }
0x53: {  	_ =	shalt  }
0x54: {  	_ =	shalt  }
0x55: {  	_ =	shalt  }
0x56: {  	_ =	shalt  }
0x57: {  	_ =	shalt  }
0x58: {  	_ =	shalt  }
0x59: {  	_ =	shalt  }
0x5a: {  	_ =	shalt  }
0x5b: {  	_ =	shalt  }
0x5c: {  	_ =	shalt  }
0x5d: {  	_ =	shalt  }
0x5e: {  	_ =	shalt  }
0x5f: {  	_ =	shalt  }
0x60: {  	_ =	shalt  }
0x61: {  	_ =	shalt  }
0x62: {  	_ =	shalt  }
0x63: {  	_ =	shalt  }
0x64: {  	_ =	shalt  }
0x65: {  	_ =	shalt  }
0x66: {  	_ =	shalt  }
0x67: {  	_ =	shalt  }
0x68: {  	_ =	shalt  }
0x69: {  	_ =	shalt  }
0x6a: {  	_ =	shalt  }
0x6b: {  	_ =	shalt  }
0x6c: {  	_ =	shalt  }
0x6d: {  	_ =	shalt  }
0x6e: {  	_ =	shalt  }
0x6f: {  	_ =	shalt  }
0x70: {  	_ =	shalt  }
0x71: {  	_ =	shalt  }
0x72: {  	_ =	shalt  }
0x73: {  	_ =	shalt  }
0x74: {  	_ =	shalt  }
0x75: {  	_ =	shalt  }
0x76: {  	_ =	shalt  }
0x77: {  	_ =	shalt  }
0x78: {  	_ =	shalt  }
0x79: {  	_ =	shalt  }
0x7a: {  	_ =	shalt  }
0x7b: {  	_ =	shalt  }
0x7c: {  	_ =	shalt  }
0x7d: {  	_ =	shalt  }
0x7e: {  	_ =	shalt  }
0x7f: {  	_ =	shalt  }
0x80: {  	_ =	shalt  }
0x81: {  	_ =	shalt  }
0x82: {  	_ =	shalt  }
0x83: {  	_ =	shalt  }
0x84: {  	_ =	shalt  }
0x85: {  	_ =	shalt  }
0x86: {  	_ =	shalt  }
0x87: {  	_ =	shalt  }
.Lfunc_end0:
.L_simem_size_0:
called_computation.1_lowered:
.L_overlay_start_0:
0x88: {  	s2 =	sld [smem:$0x3FD9]  }
0x89: {  	s3 =	sld [smem:$0x3FFE];
	_ =	sdelay $0x1  }
0x8a: {  	s1 =	srdreg.scid  }
0x8b: {  	s0 =	sand.u32 $0x1, s1  }
0x8c: {  	s16 =	sshll.u32 s0, $0xA;
	s2 =	sadd.s32 s3, s2  }
0x8d: {  	s2 =	sadd.s32 s2, s16  }
0x8e: {  	[smem:$0x3FB5] =	sst s2  }
0x8f: {  	_ = 	snop  }
0x90: {  	(tm) =	ssettm $0x1  }
0x91: {  	s17 =	sld [smem:$0x3FFB];
	_ =	sdelay $0x3  }
0x92: {  	_ =	strace s17  }
0x93: {  	s2 =	sld [smem:$0x3FFC];
	_ =	sdelay $0x3  }
0x94: {  	_ =	strace s2  }
0x95: {  	s2 =	sld [smem:$0x3FFD];
	_ =	sdelay $0x3  }
0x96: {  	_ =	strace s2  }
0x97: {  	_ =	strace $0x8FFFFFFF  }
0x98: {  	s18 =	sld [smem:$0x3FDB];
	_ =	sdelay $0x1  }
0x99: {  	s19 =	simm.s32 $_scs_section_size  }
0x9a: {  	s4 =	simm.s32 $_size__tile_overlayer_lowered;
	s5 =	simm.s32 $_tile_overlayer_lowered  }
0x9b: {  	s22 =	simm.s32 $0x1BFF;
	s21 =	sshll.u32 s5, $0x1;
	s2 =	sadd.s32 s19, s18  }
0x9c: {  	s6 =	simm.s32 $0x0;
	s20 =	sshll.u32 s4, $0x1;
	s4 =	sadd.s32 s21, s2  }
0x9d: {  	[timem:s6], [sflag:s22] =	dma.local [hbm:s4], s20  }
0x9e: {  	_ =	swait.ge [sflag:s22], s20  }
0x9f: {  	s3 =	ssub.s32 $0x0, s20;
	[sflag:s22] =	ssyncset.done $0x0  }
0xa0: {  	[sflag:s22] =	ssyncadd.s32 s3;
	_ =	sdelay $0x1  }
0xa1: {  	s23 =	simm.s32 $0x1B8B  }
0xa2: {  	_ =	swait.ge [sflag:s23], $0x1  }
0xa3: {  	[sflag:s23] =	ssyncset.done $0x0  }
0xa4: {  	s25 =	simm.s32 $0x1B8E;
	s24 =	sld [smem:$0x3FFE];
	[sflag:s23] =	ssyncadd.s32 $0xFFFFFFFF  }
0xa5: {  	s26 =	simm.s32 $execute0_lowered;
	[smem:$0x3FD2] =	sst s25  }
0xa6: {  	s4 =	sshll.u32 s26, $0x1;
	_ =	strace $0x80000049;
	[dreg:$0x1] =	wrdreg $0xFFFFFFFF  }
0xa7: {  	s28 =	simm.s32 $_size_execute0_lowered;
	s2 =	sadd.s32 s2, s4;
	[dreg:$0x0] =	wrdreg $0x0  }
0xa8: {  	s4 =	sshll.u32 s28, $0x1;
	[dreg:$0x2] =	wrdreg s2  }
0xa9: {  	[dreg:$0x3] =	wrdreg s4  }
0xaa: {  	[dreg:$0x4] =	wrdreg $0xC0  }
0xab: {  	_ =	task [dreg:s6], $0x5FFFF  }
0xac: {  	[dreg:$0x1] =	wrdreg $0xFFFFFFFF  }
0xad: {  	[dreg:$0x0] =	wrdreg $0x60  }
0xae: {  	[dreg:$0x2] =	wrdreg s24  }
0xaf: {  	[dreg:$0x3] =	wrdreg $0x0  }
0xb0: {  	[dreg:$0x4] =	wrdreg $0x9  }
0xb1: {  	_ =	task.clear_ibuf [dreg:s6], $0x5FFFF;
	_ =	strace $0x90000049  }
0xb2: {  	s29 =	simm.s32 $0x9;
	_ =	strace $0x8000004B  }
0xb3: {  	_ =	swait.ge [sflag:s29], $0x1  }
0xb4: {  	[sflag:s29] =	ssyncadd.s32 $0xFFFFFFFF  }
0xb5: {  	_ =	strace $0x9000004B  }
0xb6: {  	_ =	sfence  }
0xb7: {  	s30 =	sld [smem:$0x0];
	_ =	sdelay $0x2  }
0xb8: {  	s31 =	sshll.u32 s1, $0xD;
	s1 =	sshrl.u32 s1, $0x2  }
0xb9: {  	s3 =	sand.u32 $0x4000, s31;
	s1 =	sadd.s32 s1, s30  }
0xba: {  	s0 =	sor.u32 s3, s0;
	s1 =	sshll.u32 s1, $0x11  }
0xbb: {  	s0 =	sor.u32 s1, s0  }
0xbc: {  	s0 =	sadd.s32 $0x8F2B, s0  }
0xbd: {  	[sflag:s0] =	ssyncadd.remote.s32 $0x1  }
0xbe: {  	_ =	sfence.sel $0xFFFF  }
0xbf: {  	[dreg:$0x0] =	wrdreg $0xFFFFFFFF;
	(pc) =	sbr.abs _section_cstart, $3  }
0xc0: {  	[dreg:$0x1] =	wrdreg $0xFFFFFFFF  }
0xc1: {  	_ =	task.clear_ibuf [dreg:s6], $0x2FFFF;
	_ =	strace $0x9FFFFFFF  }
0xc2: {  	(tm) =	ssettm $0x7FFFFFFF  }
0xc3: {  	_ =	shalt  }
tec
execute0_lowered:
.L_overlay_start_1:
0x0: {  	(tag) =	ssettag $0x1  }
0x1: {  	s5 =	rddreg [dreg:$0x0]  }
0x2: {  	s1 =	rddreg [dreg:$0x1]  }
0x3: {  	s0 =	rddreg [dreg:$0x2];
	s3 =	simm.s32 $0x0;
	s4 =	srdreg.scid  }
0x4: {  	s2 =	stileid.u32;
	s15 =	simm.s32 $0x14000;
	s16 =	simm.s32 $0x1C080  }
0x5: {  	s17 =	simm.s32 $0x18000;
	s20 =	simm.s32 $0x1;
	s21 =	simm.s32 $0x2  }
0x6: {  	s22 =	simm.s32 $0x3;
	s23 =	simm.s32 $0x4;
	s26 =	simm.s32 $0x1E780  }
0x7: {  	s28 =	simm.s32 $0x0;
	[smem:$0x7FF] =	sst s3;
	s6 =	sand.u32 $0x1, s4  }
0x8: {  	s24 =	smul.u32 $0x2800, s2;
	s4 =	sadd.s32 $0x18C00, s5;
	s9 =	sadd.s32 $0xEC00, s5  }
0x9: {  	s10 =	sadd.s32 $0x4C00, s5;
	s30 =	smul.u32 $0x50000, s2;
	s18 =	sshll.u32 s2, $0x6  }
0xa: {  	_ =	strace $0x8000004A;
	s7 =	sshll.u32 s6, $0x4;
	s8 =	smul.u32 $0x28000, s6  }
0xb: {  	s6 =	ssub.s32 $0x2, s6;
	s18 =	sor.u32 $0x1C05, s18;
	s7 =	sor.u32 s2, s7  }
0xc: {  	s12 =	sadd.s32 s24, s5;
	s29 =	sshrl.u32 s6, $0x1;
	s11 =	smul.u32 $0x500, s7  }
0xd: {  	s7 =	smul.u32 $0x2800, s7;
	s13 =	sadd.s32 s8, s5;
	s8 =	sshrl.u32 s30, $0x2  }
0xe: {  	s14 =	ssub.s32 s6, s29;
	s19 =	sadd.s32 s8, s1;
	s25 =	sadd.s32 $0x67E00, s13  }
0xf: {  	s13 =	simm.s32 $0x1D400;
	s5 =	sadd.s32 s9, s11;
	s7 =	sshrl.u32 s7, $0x3  }
0x10: {  	s6 =	sadd.s32 s10, s11;
	s11 =	simm.s32 $0x1C000;
	s19 =	sshrl.u32 s19, $0x3  }
0x11: {  	s24 =	sadd.s32 s24, s25;
	s25 =	simm.s32 $0x1E700;
	s31 =	sadd.s32 $0x280, s7  }
0x12: {  	s7 =	sadd.s32 $0x3FE00, s12;
	s12 =	simm.s32 $0x5;
	s8 =	sadd.s32 s9, s31  }
0x13: {  	s9 =	sadd.s32 s10, s31;
	s10 =	smax.u32 s14, $0x1;
	s14 =	simm.s32 $0x80  }
.LBB2_1:
0x14: {  	[tilespmem:s11], [sflag:$0x5] =	stream.linear.gather [hbm4b:s5+s3], $0x1400, $0x38;
	[tilespmem:$0x1E800] =	vst v63  }
0x15: {  	_ =	swait.ge [sflag:s12], $0x1400  }
0x16: {  	[sflag:s12] =	ssyncset.done $0x0  }
0x17: {  	[sflag:s12] =	ssyncadd.s32 $0xFFFFEC00  }
0x18: {  	[tilespmem:s13], [sflag:$0x5] =	stream.linear.gather [hbm4b:s6+s3], $0x1400, $0x38;
	[tilespmem:$0x1E800] =	vst v63  }
0x19: {  	_ =	swait.ge [sflag:s12], $0x1400  }
0x1a: {  	[sflag:s12] =	ssyncset.done $0x0  }
0x1b: {  	[sflag:s12] =	ssyncadd.s32 $0xFFFFEC00  }
0x1c: {  	[tilespmem:s15], [sflag:$0x1] =	stream.indirect.gather [hbm4b:s4+s14], $0x80, s11, s14, $0xb8;
	[tilespmem:$0x1E800] =	vst v63  }
0x1d: {  	_ = 	snop  }
0x1e: {  	[tilespmem:s17], [sflag:$0x2] =	stream.indirect.gather [hbm4b:s4+s14], $0x80, s16, s14, $0xb8;
	[tilespmem:$0x1E800] =	vst v63  }
0x1f: {  	[spmem:s19], [sflag:s18] =	dma.local [hbm:s7], $0x2800  }
0x20: {  	_ =	swait.ge [sflag:s12], $0x2800  }
0x21: {  	[sflag:s12] =	ssyncset.done $0x0  }
0x22: {  	[sflag:s12] =	ssyncadd.s32 $0xFFFFD800  }
0x23: {  	[bflag:$0x0] =	sbarrier.arrive $0xFFFF  }
0x24: {  	_ =	swait.ge [sflag:s20], $0x4000  }
0x25: {  	[sflag:s20] =	ssyncset.done $0x0  }
0x26: {  	s29 =	simm.s32 $0x1D400;
	[sflag:s20] =	ssyncadd.s32 $0xFFFFC000  }
0x27: {  	[spmem:s1] =	stream.indirect.scatter.add.f32 [tilespmem:s15], [sflag:$0x3], $0x80, s29, s14, $0xb8;
	[tilespmem:$0x1E800] =	vst v63  }
0x28: {  	_ =	swait.ge [sflag:s21], $0x4000  }
0x29: {  	[sflag:s21] =	ssyncset.done $0x0  }
0x2a: {  	s29 =	simm.s32 $0x1D480;
	[sflag:s21] =	ssyncadd.s32 $0xFFFFC000  }
0x2b: {  	[spmem:s1] =	stream.indirect.scatter.add.f32 [tilespmem:s17], [sflag:$0x4], $0x80, s29, s14, $0xb8;
	[tilespmem:$0x1E800] =	vst v63  }
0x2c: {  	_ =	swait.ge [sflag:s22], $0x4000  }
0x2d: {  	[sflag:s22] =	ssyncset.done $0x0  }
0x2e: {  	s29 =	simm.s32 $0x1C100;
	[sflag:s22] =	ssyncadd.s32 $0xFFFFC000  }
0x2f: {  	[tilespmem:s15], [sflag:$0x1] =	stream.indirect.gather [hbm4b:s4+s14], $0x80, s29, s14, $0xb8;
	[tilespmem:$0x1E800] =	vst v63  }
0x30: {  	_ =	swait.ge [sflag:s23], $0x4000  }
0x31: {  	[sflag:s23] =	ssyncset.done $0x0  }
0x32: {  	s30 =	simm.s32 $0x1C180;
	s29 =	simm.s32 $0x400;
	[sflag:s23] =	ssyncadd.s32 $0xFFFFC000  }
.LBB2_2:
0x33: {  	[tilespmem:s17], [sflag:$0x2] =	stream.indirect.gather [hbm4b:s4+s14], $0x80, s30, s14, $0xb8;
	[tilespmem:$0x1E800] =	vst v63  }
0x34: {  	s30 =	smov.u32 s29  }
0x35: {  	p0 =	sne.s32 s29, $0x4800;
	s29 =	sadd.s32 $0x400, s29;
	_ =	swait.ge [sflag:s20], $0x4000  }
0x36: {  	s30 =	sshra.s32 s30, $0x2;
	[sflag:s20] =	ssyncset.done $0x0  }
0x37: {  	s31 =	sadd.s32 $0x1D400, s30;
	[sflag:s20] =	ssyncadd.s32 $0xFFFFC000  }
0x38: {  	[spmem:s1] =	stream.indirect.scatter.add.f32 [tilespmem:s15], [sflag:$0x3], $0x80, s31, s14, $0xb8;
	[tilespmem:$0x1E800] =	vst v63  }
0x39: {  	_ =	swait.ge [sflag:s21], $0x4000  }
0x3a: {  	[sflag:s21] =	ssyncset.done $0x0  }
0x3b: {  	s31 =	sadd.s32 $0x1D480, s30;
	[sflag:s21] =	ssyncadd.s32 $0xFFFFC000  }
0x3c: {  	[spmem:s1] =	stream.indirect.scatter.add.f32 [tilespmem:s17], [sflag:$0x4], $0x80, s31, s14, $0xb8;
	[tilespmem:$0x1E800] =	vst v63  }
0x3d: {  	_ =	swait.ge [sflag:s22], $0x4000  }
0x3e: {  	[sflag:s22] =	ssyncset.done $0x0  }
.Ltmp0:
0x3f: {  	s31 =	sadd.s32 $0x1C100, s30;
	[sflag:s22] =	ssyncadd.s32 $0xFFFFC000;
	(pc) =	sbr.rel @p0 .LBB2_2-.Ltmp0, $4  }
0x40: {  	[tilespmem:s15], [sflag:$0x1] =	stream.indirect.gather [hbm4b:s4+s14], $0x80, s31, s14, $0xb8;
	[tilespmem:$0x1E800] =	vst v63  }
0x41: {  	_ =	swait.ge [sflag:s23], $0x4000  }
0x42: {  	[sflag:s23] =	ssyncset.done $0x0  }
0x43: {  	s30 =	sadd.s32 $0x1C180, s30;
	[sflag:s23] =	ssyncadd.s32 $0xFFFFC000  }
0x44: {  	[tilespmem:s17], [sflag:$0x2] =	stream.indirect.gather [hbm4b:s4+s14], $0x80, s30, s14, $0xb8;
	[tilespmem:$0x1E800] =	vst v63  }
0x45: {  	_ =	swait.ge [sflag:s20], $0x4000  }
0x46: {  	[sflag:s20] =	ssyncset.done $0x0  }
0x47: {  	[sflag:s20] =	ssyncadd.s32 $0xFFFFC000  }
0x48: {  	[spmem:s1] =	stream.indirect.scatter.add.f32 [tilespmem:s15], [sflag:$0x3], $0x80, s25, s14, $0xb8;
	[tilespmem:$0x1E800] =	vst v63  }
0x49: {  	_ =	swait.ge [sflag:s21], $0x4000  }
0x4a: {  	[sflag:s21] =	ssyncset.done $0x0  }
0x4b: {  	[sflag:s21] =	ssyncadd.s32 $0xFFFFC000  }
0x4c: {  	[spmem:s1] =	stream.indirect.scatter.add.f32 [tilespmem:s17], [sflag:$0x4], $0x80, s26, s14, $0xb8;
	[tilespmem:$0x1E800] =	vst v63  }
0x4d: {  	_ =	swait.ge [sflag:s22], $0x4000  }
0x4e: {  	[sflag:s22] =	ssyncset.done $0x0  }
0x4f: {  	[sflag:s22] =	ssyncadd.s32 $0xFFFFC000  }
0x50: {  	_ =	swait.ge [sflag:s23], $0x4000  }
0x51: {  	[sflag:s23] =	ssyncset.done $0x0  }
0x52: {  	s29 =	simm.s32 $0x0;
	[sflag:s23] =	ssyncadd.s32 $0xFFFFC000  }
0x53: {  	[tilespmem:s11], [sflag:$0x5] =	stream.linear.gather [hbm4b:s8+s29], $0x1400, $0x38;
	[tilespmem:$0x1E800] =	vst v63  }
0x54: {  	_ =	swait.ge [sflag:s12], $0x1400  }
0x55: {  	[sflag:s12] =	ssyncset.done $0x0  }
0x56: {  	[sflag:s12] =	ssyncadd.s32 $0xFFFFEC00  }
0x57: {  	[tilespmem:s13], [sflag:$0x5] =	stream.linear.gather [hbm4b:s9+s29], $0x1400, $0x38;
	[tilespmem:$0x1E800] =	vst v63  }
0x58: {  	_ =	swait.ge [sflag:s12], $0x1400  }
0x59: {  	[sflag:s12] =	ssyncset.done $0x0  }
0x5a: {  	[sflag:s12] =	ssyncadd.s32 $0xFFFFEC00  }
0x5b: {  	[tilespmem:s15], [sflag:$0x1] =	stream.indirect.gather [hbm4b:s4+s14], $0x80, s11, s14, $0xb8;
	[tilespmem:$0x1E800] =	vst v63  }
0x5c: {  	_ = 	snop  }
0x5d: {  	[tilespmem:s17], [sflag:$0x2] =	stream.indirect.gather [hbm4b:s4+s14], $0x80, s16, s14, $0xb8;
	[tilespmem:$0x1E800] =	vst v63  }
0x5e: {  	_ =	swait.ge [sflag:s20], $0x4000  }
0x5f: {  	[sflag:s20] =	ssyncset.done $0x0  }
0x60: {  	s29 =	simm.s32 $0x1D400;
	[sflag:s20] =	ssyncadd.s32 $0xFFFFC000  }
0x61: {  	[spmem:s1] =	stream.indirect.scatter.add.f32 [tilespmem:s15], [sflag:$0x3], $0x80, s29, s14, $0xb8;
	[tilespmem:$0x1E800] =	vst v63  }
0x62: {  	_ =	swait.ge [sflag:s21], $0x4000  }
0x63: {  	[sflag:s21] =	ssyncset.done $0x0  }
0x64: {  	s29 =	simm.s32 $0x1D480;
	[sflag:s21] =	ssyncadd.s32 $0xFFFFC000  }
0x65: {  	[spmem:s1] =	stream.indirect.scatter.add.f32 [tilespmem:s17], [sflag:$0x4], $0x80, s29, s14, $0xb8;
	[tilespmem:$0x1E800] =	vst v63  }
0x66: {  	_ =	swait.ge [sflag:s22], $0x4000  }
0x67: {  	[sflag:s22] =	ssyncset.done $0x0  }
0x68: {  	s29 =	simm.s32 $0x1C100;
	[sflag:s22] =	ssyncadd.s32 $0xFFFFC000  }
0x69: {  	[tilespmem:s15], [sflag:$0x1] =	stream.indirect.gather [hbm4b:s4+s14], $0x80, s29, s14, $0xb8;
	[tilespmem:$0x1E800] =	vst v63  }
0x6a: {  	_ =	swait.ge [sflag:s23], $0x4000  }
0x6b: {  	[sflag:s23] =	ssyncset.done $0x0  }
0x6c: {  	s30 =	simm.s32 $0x1C180;
	s29 =	simm.s32 $0x400;
	[sflag:s23] =	ssyncadd.s32 $0xFFFFC000  }
.LBB2_4:
0x6d: {  	[tilespmem:s17], [sflag:$0x2] =	stream.indirect.gather [hbm4b:s4+s14], $0x80, s30, s14, $0xb8;
	[tilespmem:$0x1E800] =	vst v63  }
0x6e: {  	s30 =	smov.u32 s29  }
0x6f: {  	p0 =	sne.s32 s29, $0x4800;
	s29 =	sadd.s32 $0x400, s29;
	_ =	swait.ge [sflag:s20], $0x4000  }
0x70: {  	s30 =	sshra.s32 s30, $0x2;
	[sflag:s20] =	ssyncset.done $0x0  }
0x71: {  	s31 =	sadd.s32 $0x1D400, s30;
	[sflag:s20] =	ssyncadd.s32 $0xFFFFC000  }
0x72: {  	[spmem:s1] =	stream.indirect.scatter.add.f32 [tilespmem:s15], [sflag:$0x3], $0x80, s31, s14, $0xb8;
	[tilespmem:$0x1E800] =	vst v63  }
0x73: {  	_ =	swait.ge [sflag:s21], $0x4000  }
0x74: {  	[sflag:s21] =	ssyncset.done $0x0  }
0x75: {  	s31 =	sadd.s32 $0x1D480, s30;
	[sflag:s21] =	ssyncadd.s32 $0xFFFFC000  }
0x76: {  	[spmem:s1] =	stream.indirect.scatter.add.f32 [tilespmem:s17], [sflag:$0x4], $0x80, s31, s14, $0xb8;
	[tilespmem:$0x1E800] =	vst v63  }
0x77: {  	_ =	swait.ge [sflag:s22], $0x4000  }
0x78: {  	[sflag:s22] =	ssyncset.done $0x0  }
.Ltmp1:
0x79: {  	s31 =	sadd.s32 $0x1C100, s30;
	[sflag:s22] =	ssyncadd.s32 $0xFFFFC000;
	(pc) =	sbr.rel @p0 .LBB2_4-.Ltmp1, $4  }
0x7a: {  	[tilespmem:s15], [sflag:$0x1] =	stream.indirect.gather [hbm4b:s4+s14], $0x80, s31, s14, $0xb8;
	[tilespmem:$0x1E800] =	vst v63  }
0x7b: {  	_ =	swait.ge [sflag:s23], $0x4000  }
0x7c: {  	[sflag:s23] =	ssyncset.done $0x0  }
0x7d: {  	s30 =	sadd.s32 $0x1C180, s30;
	[sflag:s23] =	ssyncadd.s32 $0xFFFFC000  }
0x7e: {  	[tilespmem:s17], [sflag:$0x2] =	stream.indirect.gather [hbm4b:s4+s14], $0x80, s30, s14, $0xb8;
	[tilespmem:$0x1E800] =	vst v63  }
0x7f: {  	_ =	swait.ge [sflag:s20], $0x4000  }
0x80: {  	[sflag:s20] =	ssyncset.done $0x0  }
0x81: {  	[sflag:s20] =	ssyncadd.s32 $0xFFFFC000  }
0x82: {  	[spmem:s1] =	stream.indirect.scatter.add.f32 [tilespmem:s15], [sflag:$0x3], $0x80, s25, s14, $0xb8;
	[tilespmem:$0x1E800] =	vst v63  }
0x83: {  	_ =	swait.ge [sflag:s21], $0x4000  }
0x84: {  	[sflag:s21] =	ssyncset.done $0x0  }
0x85: {  	[sflag:s21] =	ssyncadd.s32 $0xFFFFC000  }
0x86: {  	[spmem:s1] =	stream.indirect.scatter.add.f32 [tilespmem:s17], [sflag:$0x4], $0x80, s26, s14, $0xb8;
	[tilespmem:$0x1E800] =	vst v63  }
0x87: {  	_ =	swait.ge [sflag:s22], $0x4000  }
0x88: {  	[sflag:s22] =	ssyncset.done $0x0  }
0x89: {  	[sflag:s22] =	ssyncadd.s32 $0xFFFFC000  }
0x8a: {  	_ =	swait.ge [sflag:s23], $0x4000  }
0x8b: {  	s28 =	sadd.s32 $0x1, s28;
	[sflag:s23] =	ssyncset.done $0x0  }
0x8c: {  	p0 =	sne.s32 s28, s10;
	[sflag:s23] =	ssyncadd.s32 $0xFFFFC000  }
.Ltmp2:
0x8d: {  	[bflag:$0x0] =	sbarrier.arrive $0xFFFF;
	(pc) =	sbr.rel @p0 .LBB2_1-.Ltmp2, $4  }
0x8e: {  	[hbm:s24], [sflag:s18] =	dma.local [spmem:s19], $0x2800  }
0x8f: {  	_ =	swait.ge [sflag:s12], $0x2800  }
0x90: {  	[sflag:s12] =	ssyncset.done $0x0  }
0x91: {  	[sflag:s12] =	ssyncadd.s32 $0xFFFFD800  }
0x92: {  	_ =	sfence.sel $0x180000  }
0x93: {  	[bflag:$0x0] =	sbarrier.arrive $0xFFFF  }
0x94: {  	p0 =	sne.s32 s2, $0x0;
	_ =	strace $0x9000004A  }
0x95: {  	s0 =	sadd.s32 @!p0 $0x100000, s0;
	[bflag:$0x2] =	sbarrier.arrive $0xFFFF  }
0x96: {  	[sflag:s0] =	ssyncadd.tile.s32 @!p0 $0x1;
	_ =	shalt  }
.Lfunc_end2:
_tile_overlayer_lowered:
.L_overlay_start_2:
0x97: {  	(tag) =	ssettag $0x2  }
0x98: {  	s0 =	rddreg [dreg:$0x0];
	s2 =	stileid.u32  }
0x99: {  	s1 =	rddreg [dreg:$0x1];
	p0 =	sne.s32 s2, $0x0  }
0x9a: {  	s3 =	rddreg [dreg:$0x2];
	[bflag:$0x3] =	sbarrier.arrive $0xFFFF;
	s2 =	simm.s32 @!p0 $0x1C05  }
0x9b: {  	[timem:s3], [sflag:s2] =	dma.local @!p0 [hbm:s0], s1  }
0x9c: {  	s0 =	simm.s32 @!p0 $0x5  }
0x9d: {  	_ =	swait.ge @!p0 [sflag:s0], s1  }
0x9e: {  	s1 =	ssub.s32 @!p0 $0x0, s1;
	[sflag:s0] =	ssyncset.done @!p0 $0x0  }
0x9f: {  	[sflag:s0] =	ssyncadd.s32 @!p0 s1  }
0xa0: {  	[bflag:$0x3] =	sbarrier.arrive $0xFFFF  }
0xa1: {  	_ =	shalt  }

// kernel: kernel.18.cloned.1.call-start
scs
__scs_entry_jumppad:
0x0: {  	(pc) =	sbr.rel $0x88, $3  }
0x1: {  	(tag) =	ssettag $0x0;
	lr =	simm.s32 $0x1  }
0x2: {  	[smem:$0x3F8E] =	sst lr;
	_ =	strace $0xD0000000  }
0x3: {  	_ = 	snop  }
0x4: {  	_ = 	snop  }
0x5: {  	_ = 	snop  }
0x6: {  	_ = 	snop  }
0x7: {  	_ = 	snop  }
__scs_overlays_trampoline_lowered:
0x8: {  	[smem:$0x3F9D] =	sst s0  }
0x9: {  	[smem:$0x3F9E] =	sst s1  }
0xa: {  	[smem:$0x3F9F] =	sst s2  }
0xb: {  	[smem:$0x3FA0] =	sst s3  }
0xc: {  	[smem:$0x3FA1] =	sst s4  }
0xd: {  	[smem:$0x3FA2] =	sst s5  }
0xe: {  	[smem:$0x3FA3] =	sst s6  }
0xf: {  	[smem:$0x3FA4] =	sst s7  }
0x10: {  	[smem:$0x3FA5] =	sst s8  }
0x11: {  	[smem:$0x3FA6] =	sst s9;
	s0 =	simm.s32 @!p0 $0x0  }
0x12: {  	s1 =	sld [smem:$0x3F8C];
	s0 =	simm.s32 @p0 $0x1  }
0x13: {  	[smem:$0x3FA7] =	sst s0;
	s0 =	simm.s32 @!p1 $0x0  }
0x14: {  	s2 =	sld [smem:$0x3F8B];
	s0 =	simm.s32 @p1 $0x1  }
0x15: {  	[smem:$0x3FA8] =	sst s0;
	s0 =	simm.s32 @!p2 $0x0  }
0x16: {  	s3 =	sld [smem:$0x3FDB];
	s0 =	simm.s32 @p2 $0x1  }
0x17: {  	s4 =	simm.s32 $0x1BF5;
	[smem:$0x3FAA] =	sst s0  }
0x18: {  	s0 =	sld [smem:$0x3F8D];
	_ =	swait.ge [sflag:s4], $0x0  }
0x19: {  	s7 =	sld [smem:$0x3F8E]  }
0x1a: {  	s8 =	sadd.s32 $0xFFFFE003, lr  }
0x1b: {  	s9 =	sadd.s32 $0xFFFFFEF7, lr;
	s5 =	simm.s32 $0xFFFFFFFF;
	p2 =	slt.u32 s8, $0xFFFFF086  }
0x1c: {  	p1 =	slt.u32 s9, $0xF7A;
	s5 =	simm.s32 @!p2 $0x0  }
0x1d: {  	s5 =	simm.s32 @p1 $0x1;
	p0 =	seq.s32 s7, s2  }
0x1e: {  	s7 =	smul.u32 @!p0 $0xF7A, s2;
	p2 =	seq.s32 @!p0 s5, $0x0  }
0x1f: {  	s9 =	smul.u32 $0xF7A, s1;
	s8 =	simm.s32 @!p0 $0x1BF5;
	p2 =	por !p2, p0  }
0x20: {  	[sflag:s8] =	ssyncset.s32 @!p0 $0xFFFFF086;
	s6 =	sadd.s32 @!p0 s3, s7;
	s7 =	simm.s32 @!p0 $0x108  }
0x21: {  	s3 =	sadd.s32 s3, s9;
	s6 =	sadd.s32 @!p0 $0x88, s6;
	s7 =	simm.s32 @p2 $0x1082  }
0x22: {  	[simem:s7], [sflag:s8] =	dma.local @!p0 [hbm:s6], $0xF7A  }
0x23: {  	s9 =	sor.u32 $0xD0000000, s2;
	s6 =	simm.s32 $0x108;
	_ =	swait.ge @!p0 [sflag:s8], $0x0  }
0x24: {  	s3 =	sadd.s32 $0x88, s3;
	s6 =	simm.s32 @!p1 $0x1082;
	[sflag:s4] =	ssyncset.s32 $0xFFFFF086  }
0x25: {  	[simem:s6], [sflag:s4] =	dma.local [hbm:s3], $0xF7A  }
0x26: {  	[smem:$0x3F8E] =	sst s1;
	(tag) =	ssettag s2;
	_ =	strace s9  }
0x27: {  	s1 =	sld [smem:$0x3F9E]  }
0x28: {  	s2 =	sld [smem:$0x3F9F]  }
0x29: {  	s4 =	sld [smem:$0x3FA1]  }
0x2a: {  	p0 =	seq.s32 s5, $0x0;
	s5 =	sld [smem:$0x3FA2]  }
0x2b: {  	s6 =	sld [smem:$0x3FA3]  }
0x2c: {  	s7 =	sld [smem:$0x3FA4]  }
0x2d: {  	s3 =	simm.s32 $0x108;
	s8 =	sld [smem:$0x3FA5]  }
0x2e: {  	s3 =	simm.s32 @!p0 $0x1082;
	s9 =	sld [smem:$0x3FA6]  }
0x2f: {  	lr =	sadd.s32 s0, s3;
	s0 =	sld [smem:$0x3F9D]  }
0x30: {  	s3 =	sld [smem:$0x3FA0]  }
0x31: {  	[smem:$0x3FA9] =	sst s10  }
0x32: {  	s10 =	sld [smem:$0x3FA7];
	_ =	sdelay $0x3  }
0x33: {  	p0 =	seq.s32 s10, $0x1;
	s10 =	sld [smem:$0x3FA9];
	_ =	sdelay $0x3  }
0x34: {  	[smem:$0x3FA9] =	sst s10  }
0x35: {  	s10 =	sld [smem:$0x3FA8];
	_ =	sdelay $0x3  }
0x36: {  	p1 =	seq.s32 s10, $0x1;
	s10 =	sld [smem:$0x3FA9];
	_ =	sdelay $0x3  }
0x37: {  	[smem:$0x3FA9] =	sst s10  }
0x38: {  	s10 =	sld [smem:$0x3FAA]  }
0x39: {  	_ = 	snop;
	(pc) =	sbr.ind lr, $3  }
0x3a: {  	_ = 	snop  }
0x3b: {  	_ = 	snop  }
0x3c: {  	p2 =	seq.s32 s10, $0x1;
	s10 =	sld [smem:$0x3FA9]  }
0x3d: {  	_ =	shalt  }
0x3e: {  	_ =	shalt  }
0x3f: {  	_ =	shalt  }
0x40: {  	_ =	shalt  }
0x41: {  	_ =	shalt  }
0x42: {  	_ =	shalt  }
0x43: {  	_ =	shalt  }
0x44: {  	_ =	shalt  }
0x45: {  	_ =	shalt  }
0x46: {  	_ =	shalt  }
0x47: {  	_ =	shalt  }
0x48: {  	_ =	shalt  }
0x49: {  	_ =	shalt  }
0x4a: {  	_ =	shalt  }
0x4b: {  	_ =	shalt  }
0x4c: {  	_ =	shalt  }
0x4d: {  	_ =	shalt  }
0x4e: {  	_ =	shalt  }
0x4f: {  	_ =	shalt  }
0x50: {  	_ =	shalt  }
0x51: {  	_ =	shalt  }
0x52: {  	_ =	shalt  }
0x53: {  	_ =	shalt  }
0x54: {  	_ =	shalt  }
0x55: {  	_ =	shalt  }
0x56: {  	_ =	shalt  }
0x57: {  	_ =	shalt  }
0x58: {  	_ =	shalt  }
0x59: {  	_ =	shalt  }
0x5a: {  	_ =	shalt  }
0x5b: {  	_ =	shalt  }
0x5c: {  	_ =	shalt  }
0x5d: {  	_ =	shalt  }
0x5e: {  	_ =	shalt  }
0x5f: {  	_ =	shalt  }
0x60: {  	_ =	shalt  }
0x61: {  	_ =	shalt  }
0x62: {  	_ =	shalt  }
0x63: {  	_ =	shalt  }
0x64: {  	_ =	shalt  }
0x65: {  	_ =	shalt  }
0x66: {  	_ =	shalt  }
0x67: {  	_ =	shalt  }
0x68: {  	_ =	shalt  }
0x69: {  	_ =	shalt  }
0x6a: {  	_ =	shalt  }
0x6b: {  	_ =	shalt  }
0x6c: {  	_ =	shalt  }
0x6d: {  	_ =	shalt  }
0x6e: {  	_ =	shalt  }
0x6f: {  	_ =	shalt  }
0x70: {  	_ =	shalt  }
0x71: {  	_ =	shalt  }
0x72: {  	_ =	shalt  }
0x73: {  	_ =	shalt  }
0x74: {  	_ =	shalt  }
0x75: {  	_ =	shalt  }
0x76: {  	_ =	shalt  }
0x77: {  	_ =	shalt  }
0x78: {  	_ =	shalt  }
0x79: {  	_ =	shalt  }
0x7a: {  	_ =	shalt  }
0x7b: {  	_ =	shalt  }
0x7c: {  	_ =	shalt  }
0x7d: {  	_ =	shalt  }
0x7e: {  	_ =	shalt  }
0x7f: {  	_ =	shalt  }
0x80: {  	_ =	shalt  }
0x81: {  	_ =	shalt  }
0x82: {  	_ =	shalt  }
0x83: {  	_ =	shalt  }
0x84: {  	_ =	shalt  }
0x85: {  	_ =	shalt  }
0x86: {  	_ =	shalt  }
0x87: {  	_ =	shalt  }
.Lfunc_end0:
.L_simem_size_0:
called_computation.2_lowered:
.L_overlay_start_0:
0x88: {  	s2 =	sld [smem:$0x3FD9]  }
0x89: {  	s3 =	sld [smem:$0x3FFE];
	_ =	sdelay $0x1  }
0x8a: {  	s1 =	srdreg.scid  }
0x8b: {  	s0 =	sand.u32 $0x1, s1  }
0x8c: {  	s16 =	sshll.u32 s0, $0xA;
	s2 =	sadd.s32 s3, s2  }
0x8d: {  	s2 =	sadd.s32 s2, s16  }
0x8e: {  	[smem:$0x3FB5] =	sst s2  }
0x8f: {  	_ = 	snop  }
0x90: {  	(tm) =	ssettm $0x1  }
0x91: {  	s17 =	sld [smem:$0x3FFB];
	_ =	sdelay $0x3  }
0x92: {  	_ =	strace s17  }
0x93: {  	s2 =	sld [smem:$0x3FFC];
	_ =	sdelay $0x3  }
0x94: {  	_ =	strace s2  }
0x95: {  	s2 =	sld [smem:$0x3FFD];
	_ =	sdelay $0x3  }
0x96: {  	_ =	strace s2  }
0x97: {  	_ =	strace $0x8FFFFFFF  }
0x98: {  	s18 =	sld [smem:$0x3FDB];
	_ =	sdelay $0x1  }
0x99: {  	s19 =	simm.s32 $_scs_section_size  }
0x9a: {  	s4 =	simm.s32 $_size__tile_overlayer_lowered;
	s5 =	simm.s32 $_tile_overlayer_lowered  }
0x9b: {  	s22 =	simm.s32 $0x1BFF;
	s21 =	sshll.u32 s5, $0x1;
	s2 =	sadd.s32 s19, s18  }
0x9c: {  	s6 =	simm.s32 $0x0;
	s20 =	sshll.u32 s4, $0x1;
	s4 =	sadd.s32 s21, s2  }
0x9d: {  	[timem:s6], [sflag:s22] =	dma.local [hbm:s4], s20  }
0x9e: {  	_ =	swait.ge [sflag:s22], s20  }
0x9f: {  	s3 =	ssub.s32 $0x0, s20;
	[sflag:s22] =	ssyncset.done $0x0  }
0xa0: {  	[sflag:s22] =	ssyncadd.s32 s3;
	_ =	sdelay $0x1  }
0xa1: {  	s23 =	simm.s32 $0x1B8B  }
0xa2: {  	_ =	swait.ge [sflag:s23], $0x1  }
0xa3: {  	[sflag:s23] =	ssyncset.done $0x0  }
0xa4: {  	s25 =	simm.s32 $0x1B8E;
	s24 =	sld [smem:$0x3FFE];
	[sflag:s23] =	ssyncadd.s32 $0xFFFFFFFF  }
0xa5: {  	s26 =	simm.s32 $execute0_lowered;
	[smem:$0x3FD2] =	sst s25  }
0xa6: {  	s4 =	sshll.u32 s26, $0x1;
	_ =	strace $0x8000004C;
	[dreg:$0x1] =	wrdreg $0xFFFFFFFF  }
0xa7: {  	s28 =	simm.s32 $_size_execute0_lowered;
	s2 =	sadd.s32 s2, s4;
	[dreg:$0x0] =	wrdreg $0x0  }
0xa8: {  	s4 =	sshll.u32 s28, $0x1;
	[dreg:$0x2] =	wrdreg s2  }
0xa9: {  	[dreg:$0x3] =	wrdreg s4  }
0xaa: {  	[dreg:$0x4] =	wrdreg $0xC0  }
0xab: {  	_ =	task [dreg:s6], $0x5FFFF  }
0xac: {  	[dreg:$0x1] =	wrdreg $0xFFFFFFFF  }
0xad: {  	[dreg:$0x0] =	wrdreg $0x60  }
0xae: {  	[dreg:$0x2] =	wrdreg s24  }
0xaf: {  	[dreg:$0x3] =	wrdreg $0x0  }
0xb0: {  	[dreg:$0x4] =	wrdreg $0x9  }
0xb1: {  	_ =	task.clear_ibuf [dreg:s6], $0x5FFFF;
	_ =	strace $0x9000004C  }
0xb2: {  	s29 =	simm.s32 $0x9;
	_ =	strace $0x8000004E  }
0xb3: {  	_ =	swait.ge [sflag:s29], $0x1  }
0xb4: {  	[sflag:s29] =	ssyncadd.s32 $0xFFFFFFFF  }
0xb5: {  	_ =	strace $0x9000004E  }
0xb6: {  	_ =	sfence  }
0xb7: {  	s30 =	sld [smem:$0x0];
	_ =	sdelay $0x2  }
0xb8: {  	s31 =	sshll.u32 s1, $0xD;
	s1 =	sshrl.u32 s1, $0x2  }
0xb9: {  	s3 =	sand.u32 $0x4000, s31;
	s1 =	sadd.s32 s1, s30  }
0xba: {  	s0 =	sor.u32 s3, s0;
	s1 =	sshll.u32 s1, $0x11  }
0xbb: {  	s0 =	sor.u32 s1, s0  }
0xbc: {  	s0 =	sadd.s32 $0x8F2B, s0  }
0xbd: {  	[sflag:s0] =	ssyncadd.remote.s32 $0x1  }
0xbe: {  	_ =	sfence.sel $0xFFFF  }
0xbf: {  	[dreg:$0x0] =	wrdreg $0xFFFFFFFF;
	(pc) =	sbr.abs _section_cstart, $3  }
0xc0: {  	[dreg:$0x1] =	wrdreg $0xFFFFFFFF  }
0xc1: {  	_ =	task.clear_ibuf [dreg:s6], $0x2FFFF;
	_ =	strace $0x9FFFFFFF  }
0xc2: {  	(tm) =	ssettm $0x7FFFFFFF  }
0xc3: {  	_ =	shalt  }
tec
execute0_lowered:
.L_overlay_start_1:
0x0: {  	(tag) =	ssettag $0x1  }
0x1: {  	s5 =	rddreg [dreg:$0x0]  }
0x2: {  	s1 =	rddreg [dreg:$0x1]  }
0x3: {  	s0 =	rddreg [dreg:$0x2];
	s3 =	simm.s32 $0x0;
	s4 =	srdreg.scid  }
0x4: {  	s2 =	stileid.u32;
	s15 =	simm.s32 $0x14000;
	s16 =	simm.s32 $0x1C080  }
0x5: {  	s17 =	simm.s32 $0x18000;
	s20 =	simm.s32 $0x1;
	s21 =	simm.s32 $0x2  }
0x6: {  	s22 =	simm.s32 $0x3;
	s23 =	simm.s32 $0x4;
	s26 =	simm.s32 $0x1E780  }
0x7: {  	s28 =	simm.s32 $0x0;
	[smem:$0x7FF] =	sst s3;
	s6 =	sand.u32 $0x1, s4  }
0x8: {  	s24 =	smul.u32 $0x2800, s2;
	s4 =	sadd.s32 $0x18C00, s5;
	s9 =	sadd.s32 $0xEC00, s5  }
0x9: {  	s10 =	sadd.s32 $0x4C00, s5;
	s30 =	smul.u32 $0x50000, s2;
	s18 =	sshll.u32 s2, $0x6  }
0xa: {  	_ =	strace $0x8000004D;
	s7 =	sshll.u32 s6, $0x4;
	s8 =	smul.u32 $0x28000, s6  }
0xb: {  	s6 =	ssub.s32 $0x2, s6;
	s18 =	sor.u32 $0x1C05, s18;
	s7 =	sor.u32 s2, s7  }
0xc: {  	s12 =	sadd.s32 s24, s5;
	s29 =	sshrl.u32 s6, $0x1;
	s11 =	smul.u32 $0x500, s7  }
0xd: {  	s7 =	smul.u32 $0x2800, s7;
	s13 =	sadd.s32 s8, s5;
	s8 =	sshrl.u32 s30, $0x2  }
0xe: {  	s14 =	ssub.s32 s6, s29;
	s19 =	sadd.s32 s8, s1;
	s25 =	sadd.s32 $0x67E00, s13  }
0xf: {  	s13 =	simm.s32 $0x1D400;
	s5 =	sadd.s32 s9, s11;
	s7 =	sshrl.u32 s7, $0x3  }
0x10: {  	s6 =	sadd.s32 s10, s11;
	s11 =	simm.s32 $0x1C000;
	s19 =	sshrl.u32 s19, $0x3  }
0x11: {  	s24 =	sadd.s32 s24, s25;
	s25 =	simm.s32 $0x1E700;
	s31 =	sadd.s32 $0x280, s7  }
0x12: {  	s7 =	sadd.s32 $0x3FE00, s12;
	s12 =	simm.s32 $0x5;
	s8 =	sadd.s32 s9, s31  }
0x13: {  	s9 =	sadd.s32 s10, s31;
	s10 =	smax.u32 s14, $0x1;
	s14 =	simm.s32 $0x80  }
.LBB2_1:
0x14: {  	[tilespmem:s11], [sflag:$0x5] =	stream.linear.gather [hbm4b:s5+s3], $0x1400, $0x38;
	[tilespmem:$0x1E800] =	vst v63  }
0x15: {  	_ =	swait.ge [sflag:s12], $0x1400  }
0x16: {  	[sflag:s12] =	ssyncset.done $0x0  }
0x17: {  	[sflag:s12] =	ssyncadd.s32 $0xFFFFEC00  }
0x18: {  	[tilespmem:s13], [sflag:$0x5] =	stream.linear.gather [hbm4b:s6+s3], $0x1400, $0x38;
	[tilespmem:$0x1E800] =	vst v63  }
0x19: {  	_ =	swait.ge [sflag:s12], $0x1400  }
0x1a: {  	[sflag:s12] =	ssyncset.done $0x0  }
0x1b: {  	[sflag:s12] =	ssyncadd.s32 $0xFFFFEC00  }
0x1c: {  	[tilespmem:s15], [sflag:$0x1] =	stream.indirect.gather [hbm4b:s4+s14], $0x80, s11, s14, $0xb8;
	[tilespmem:$0x1E800] =	vst v63  }
0x1d: {  	_ = 	snop  }
0x1e: {  	[tilespmem:s17], [sflag:$0x2] =	stream.indirect.gather [hbm4b:s4+s14], $0x80, s16, s14, $0xb8;
	[tilespmem:$0x1E800] =	vst v63  }
0x1f: {  	[spmem:s19], [sflag:s18] =	dma.local [hbm:s7], $0x2800  }
0x20: {  	_ =	swait.ge [sflag:s12], $0x2800  }
0x21: {  	[sflag:s12] =	ssyncset.done $0x0  }
0x22: {  	[sflag:s12] =	ssyncadd.s32 $0xFFFFD800  }
0x23: {  	[bflag:$0x0] =	sbarrier.arrive $0xFFFF  }
0x24: {  	_ =	swait.ge [sflag:s20], $0x4000  }
0x25: {  	[sflag:s20] =	ssyncset.done $0x0  }
0x26: {  	s29 =	simm.s32 $0x1D400;
	[sflag:s20] =	ssyncadd.s32 $0xFFFFC000  }
0x27: {  	[spmem:s1] =	stream.indirect.scatter.add.f32 [tilespmem:s15], [sflag:$0x3], $0x80, s29, s14, $0xb8;
	[tilespmem:$0x1E800] =	vst v63  }
0x28: {  	_ =	swait.ge [sflag:s21], $0x4000  }
0x29: {  	[sflag:s21] =	ssyncset.done $0x0  }
0x2a: {  	s29 =	simm.s32 $0x1D480;
	[sflag:s21] =	ssyncadd.s32 $0xFFFFC000  }
0x2b: {  	[spmem:s1] =	stream.indirect.scatter.add.f32 [tilespmem:s17], [sflag:$0x4], $0x80, s29, s14, $0xb8;
	[tilespmem:$0x1E800] =	vst v63  }
0x2c: {  	_ =	swait.ge [sflag:s22], $0x4000  }
0x2d: {  	[sflag:s22] =	ssyncset.done $0x0  }
0x2e: {  	s29 =	simm.s32 $0x1C100;
	[sflag:s22] =	ssyncadd.s32 $0xFFFFC000  }
0x2f: {  	[tilespmem:s15], [sflag:$0x1] =	stream.indirect.gather [hbm4b:s4+s14], $0x80, s29, s14, $0xb8;
	[tilespmem:$0x1E800] =	vst v63  }
0x30: {  	_ =	swait.ge [sflag:s23], $0x4000  }
0x31: {  	[sflag:s23] =	ssyncset.done $0x0  }
0x32: {  	s30 =	simm.s32 $0x1C180;
	s29 =	simm.s32 $0x400;
	[sflag:s23] =	ssyncadd.s32 $0xFFFFC000  }
.LBB2_2:
0x33: {  	[tilespmem:s17], [sflag:$0x2] =	stream.indirect.gather [hbm4b:s4+s14], $0x80, s30, s14, $0xb8;
	[tilespmem:$0x1E800] =	vst v63  }
0x34: {  	s30 =	smov.u32 s29  }
0x35: {  	p0 =	sne.s32 s29, $0x4800;
	s29 =	sadd.s32 $0x400, s29;
	_ =	swait.ge [sflag:s20], $0x4000  }
0x36: {  	s30 =	sshra.s32 s30, $0x2;
	[sflag:s20] =	ssyncset.done $0x0  }
0x37: {  	s31 =	sadd.s32 $0x1D400, s30;
	[sflag:s20] =	ssyncadd.s32 $0xFFFFC000  }
0x38: {  	[spmem:s1] =	stream.indirect.scatter.add.f32 [tilespmem:s15], [sflag:$0x3], $0x80, s31, s14, $0xb8;
	[tilespmem:$0x1E800] =	vst v63  }
0x39: {  	_ =	swait.ge [sflag:s21], $0x4000  }
0x3a: {  	[sflag:s21] =	ssyncset.done $0x0  }
0x3b: {  	s31 =	sadd.s32 $0x1D480, s30;
	[sflag:s21] =	ssyncadd.s32 $0xFFFFC000  }
0x3c: {  	[spmem:s1] =	stream.indirect.scatter.add.f32 [tilespmem:s17], [sflag:$0x4], $0x80, s31, s14, $0xb8;
	[tilespmem:$0x1E800] =	vst v63  }
0x3d: {  	_ =	swait.ge [sflag:s22], $0x4000  }
0x3e: {  	[sflag:s22] =	ssyncset.done $0x0  }
.Ltmp0:
0x3f: {  	s31 =	sadd.s32 $0x1C100, s30;
	[sflag:s22] =	ssyncadd.s32 $0xFFFFC000;
	(pc) =	sbr.rel @p0 .LBB2_2-.Ltmp0, $4  }
0x40: {  	[tilespmem:s15], [sflag:$0x1] =	stream.indirect.gather [hbm4b:s4+s14], $0x80, s31, s14, $0xb8;
	[tilespmem:$0x1E800] =	vst v63  }
0x41: {  	_ =	swait.ge [sflag:s23], $0x4000  }
0x42: {  	[sflag:s23] =	ssyncset.done $0x0  }
0x43: {  	s30 =	sadd.s32 $0x1C180, s30;
	[sflag:s23] =	ssyncadd.s32 $0xFFFFC000  }
0x44: {  	[tilespmem:s17], [sflag:$0x2] =	stream.indirect.gather [hbm4b:s4+s14], $0x80, s30, s14, $0xb8;
	[tilespmem:$0x1E800] =	vst v63  }
0x45: {  	_ =	swait.ge [sflag:s20], $0x4000  }
0x46: {  	[sflag:s20] =	ssyncset.done $0x0  }
0x47: {  	[sflag:s20] =	ssyncadd.s32 $0xFFFFC000  }
0x48: {  	[spmem:s1] =	stream.indirect.scatter.add.f32 [tilespmem:s15], [sflag:$0x3], $0x80, s25, s14, $0xb8;
	[tilespmem:$0x1E800] =	vst v63  }
0x49: {  	_ =	swait.ge [sflag:s21], $0x4000  }
0x4a: {  	[sflag:s21] =	ssyncset.done $0x0  }
0x4b: {  	[sflag:s21] =	ssyncadd.s32 $0xFFFFC000  }
0x4c: {  	[spmem:s1] =	stream.indirect.scatter.add.f32 [tilespmem:s17], [sflag:$0x4], $0x80, s26, s14, $0xb8;
	[tilespmem:$0x1E800] =	vst v63  }
0x4d: {  	_ =	swait.ge [sflag:s22], $0x4000  }
0x4e: {  	[sflag:s22] =	ssyncset.done $0x0  }
0x4f: {  	[sflag:s22] =	ssyncadd.s32 $0xFFFFC000  }
0x50: {  	_ =	swait.ge [sflag:s23], $0x4000  }
0x51: {  	[sflag:s23] =	ssyncset.done $0x0  }
0x52: {  	s29 =	simm.s32 $0x0;
	[sflag:s23] =	ssyncadd.s32 $0xFFFFC000  }
0x53: {  	[tilespmem:s11], [sflag:$0x5] =	stream.linear.gather [hbm4b:s8+s29], $0x1400, $0x38;
	[tilespmem:$0x1E800] =	vst v63  }
0x54: {  	_ =	swait.ge [sflag:s12], $0x1400  }
0x55: {  	[sflag:s12] =	ssyncset.done $0x0  }
0x56: {  	[sflag:s12] =	ssyncadd.s32 $0xFFFFEC00  }
0x57: {  	[tilespmem:s13], [sflag:$0x5] =	stream.linear.gather [hbm4b:s9+s29], $0x1400, $0x38;
	[tilespmem:$0x1E800] =	vst v63  }
0x58: {  	_ =	swait.ge [sflag:s12], $0x1400  }
0x59: {  	[sflag:s12] =	ssyncset.done $0x0  }
0x5a: {  	[sflag:s12] =	ssyncadd.s32 $0xFFFFEC00  }
0x5b: {  	[tilespmem:s15], [sflag:$0x1] =	stream.indirect.gather [hbm4b:s4+s14], $0x80, s11, s14, $0xb8;
	[tilespmem:$0x1E800] =	vst v63  }
0x5c: {  	_ = 	snop  }
0x5d: {  	[tilespmem:s17], [sflag:$0x2] =	stream.indirect.gather [hbm4b:s4+s14], $0x80, s16, s14, $0xb8;
	[tilespmem:$0x1E800] =	vst v63  }
0x5e: {  	_ =	swait.ge [sflag:s20], $0x4000  }
0x5f: {  	[sflag:s20] =	ssyncset.done $0x0  }
0x60: {  	s29 =	simm.s32 $0x1D400;
	[sflag:s20] =	ssyncadd.s32 $0xFFFFC000  }
0x61: {  	[spmem:s1] =	stream.indirect.scatter.add.f32 [tilespmem:s15], [sflag:$0x3], $0x80, s29, s14, $0xb8;
	[tilespmem:$0x1E800] =	vst v63  }
0x62: {  	_ =	swait.ge [sflag:s21], $0x4000  }
0x63: {  	[sflag:s21] =	ssyncset.done $0x0  }
0x64: {  	s29 =	simm.s32 $0x1D480;
	[sflag:s21] =	ssyncadd.s32 $0xFFFFC000  }
0x65: {  	[spmem:s1] =	stream.indirect.scatter.add.f32 [tilespmem:s17], [sflag:$0x4], $0x80, s29, s14, $0xb8;
	[tilespmem:$0x1E800] =	vst v63  }
0x66: {  	_ =	swait.ge [sflag:s22], $0x4000  }
0x67: {  	[sflag:s22] =	ssyncset.done $0x0  }
0x68: {  	s29 =	simm.s32 $0x1C100;
	[sflag:s22] =	ssyncadd.s32 $0xFFFFC000  }
0x69: {  	[tilespmem:s15], [sflag:$0x1] =	stream.indirect.gather [hbm4b:s4+s14], $0x80, s29, s14, $0xb8;
	[tilespmem:$0x1E800] =	vst v63  }
0x6a: {  	_ =	swait.ge [sflag:s23], $0x4000  }
0x6b: {  	[sflag:s23] =	ssyncset.done $0x0  }
0x6c: {  	s30 =	simm.s32 $0x1C180;
	s29 =	simm.s32 $0x400;
	[sflag:s23] =	ssyncadd.s32 $0xFFFFC000  }
.LBB2_4:
0x6d: {  	[tilespmem:s17], [sflag:$0x2] =	stream.indirect.gather [hbm4b:s4+s14], $0x80, s30, s14, $0xb8;
	[tilespmem:$0x1E800] =	vst v63  }
0x6e: {  	s30 =	smov.u32 s29  }
0x6f: {  	p0 =	sne.s32 s29, $0x4800;
	s29 =	sadd.s32 $0x400, s29;
	_ =	swait.ge [sflag:s20], $0x4000  }
0x70: {  	s30 =	sshra.s32 s30, $0x2;
	[sflag:s20] =	ssyncset.done $0x0  }
0x71: {  	s31 =	sadd.s32 $0x1D400, s30;
	[sflag:s20] =	ssyncadd.s32 $0xFFFFC000  }
0x72: {  	[spmem:s1] =	stream.indirect.scatter.add.f32 [tilespmem:s15], [sflag:$0x3], $0x80, s31, s14, $0xb8;
	[tilespmem:$0x1E800] =	vst v63  }
0x73: {  	_ =	swait.ge [sflag:s21], $0x4000  }
0x74: {  	[sflag:s21] =	ssyncset.done $0x0  }
0x75: {  	s31 =	sadd.s32 $0x1D480, s30;
	[sflag:s21] =	ssyncadd.s32 $0xFFFFC000  }
0x76: {  	[spmem:s1] =	stream.indirect.scatter.add.f32 [tilespmem:s17], [sflag:$0x4], $0x80, s31, s14, $0xb8;
	[tilespmem:$0x1E800] =	vst v63  }
0x77: {  	_ =	swait.ge [sflag:s22], $0x4000  }
0x78: {  	[sflag:s22] =	ssyncset.done $0x0  }
.Ltmp1:
0x79: {  	s31 =	sadd.s32 $0x1C100, s30;
	[sflag:s22] =	ssyncadd.s32 $0xFFFFC000;
	(pc) =	sbr.rel @p0 .LBB2_4-.Ltmp1, $4  }
0x7a: {  	[tilespmem:s15], [sflag:$0x1] =	stream.indirect.gather [hbm4b:s4+s14], $0x80, s31, s14, $0xb8;
	[tilespmem:$0x1E800] =	vst v63  }
0x7b: {  	_ =	swait.ge [sflag:s23], $0x4000  }
0x7c: {  	[sflag:s23] =	ssyncset.done $0x0  }
0x7d: {  	s30 =	sadd.s32 $0x1C180, s30;
	[sflag:s23] =	ssyncadd.s32 $0xFFFFC000  }
0x7e: {  	[tilespmem:s17], [sflag:$0x2] =	stream.indirect.gather [hbm4b:s4+s14], $0x80, s30, s14, $0xb8;
	[tilespmem:$0x1E800] =	vst v63  }
0x7f: {  	_ =	swait.ge [sflag:s20], $0x4000  }
0x80: {  	[sflag:s20] =	ssyncset.done $0x0  }
0x81: {  	[sflag:s20] =	ssyncadd.s32 $0xFFFFC000  }
0x82: {  	[spmem:s1] =	stream.indirect.scatter.add.f32 [tilespmem:s15], [sflag:$0x3], $0x80, s25, s14, $0xb8;
	[tilespmem:$0x1E800] =	vst v63  }
0x83: {  	_ =	swait.ge [sflag:s21], $0x4000  }
0x84: {  	[sflag:s21] =	ssyncset.done $0x0  }
0x85: {  	[sflag:s21] =	ssyncadd.s32 $0xFFFFC000  }
0x86: {  	[spmem:s1] =	stream.indirect.scatter.add.f32 [tilespmem:s17], [sflag:$0x4], $0x80, s26, s14, $0xb8;
	[tilespmem:$0x1E800] =	vst v63  }
0x87: {  	_ =	swait.ge [sflag:s22], $0x4000  }
0x88: {  	[sflag:s22] =	ssyncset.done $0x0  }
0x89: {  	[sflag:s22] =	ssyncadd.s32 $0xFFFFC000  }
0x8a: {  	_ =	swait.ge [sflag:s23], $0x4000  }
0x8b: {  	s28 =	sadd.s32 $0x1, s28;
	[sflag:s23] =	ssyncset.done $0x0  }
0x8c: {  	p0 =	sne.s32 s28, s10;
	[sflag:s23] =	ssyncadd.s32 $0xFFFFC000  }
.Ltmp2:
0x8d: {  	[bflag:$0x0] =	sbarrier.arrive $0xFFFF;
	(pc) =	sbr.rel @p0 .LBB2_1-.Ltmp2, $4  }
0x8e: {  	[hbm:s24], [sflag:s18] =	dma.local [spmem:s19], $0x2800  }
0x8f: {  	_ =	swait.ge [sflag:s12], $0x2800  }
0x90: {  	[sflag:s12] =	ssyncset.done $0x0  }
0x91: {  	[sflag:s12] =	ssyncadd.s32 $0xFFFFD800  }
0x92: {  	_ =	sfence.sel $0x180000  }
0x93: {  	[bflag:$0x0] =	sbarrier.arrive $0xFFFF  }
0x94: {  	p0 =	sne.s32 s2, $0x0;
	_ =	strace $0x9000004D  }
0x95: {  	s0 =	sadd.s32 @!p0 $0x100000, s0;
	[bflag:$0x2] =	sbarrier.arrive $0xFFFF  }
0x96: {  	[sflag:s0] =	ssyncadd.tile.s32 @!p0 $0x1;
	_ =	shalt  }
.Lfunc_end2:
_tile_overlayer_lowered:
.L_overlay_start_2:
0x97: {  	(tag) =	ssettag $0x2  }
0x98: {  	s0 =	rddreg [dreg:$0x0];
	s2 =	stileid.u32  }
0x99: {  	s1 =	rddreg [dreg:$0x1];
	p0 =	sne.s32 s2, $0x0  }
0x9a: {  	s3 =	rddreg [dreg:$0x2];
	[bflag:$0x3] =	sbarrier.arrive $0xFFFF;
	s2 =	simm.s32 @!p0 $0x1C05  }
0x9b: {  	[timem:s3], [sflag:s2] =	dma.local @!p0 [hbm:s0], s1  }
0x9c: {  	s0 =	simm.s32 @!p0 $0x5  }
0x9d: {  	_ =	swait.ge @!p0 [sflag:s0], s1  }
0x9e: {  	s1 =	ssub.s32 @!p0 $0x0, s1;
	[sflag:s0] =	ssyncset.done @!p0 $0x0  }
0x9f: {  	[sflag:s0] =	ssyncadd.s32 @!p0 s1  }
0xa0: {  	[bflag:$0x3] =	sbarrier.arrive $0xFFFF  }
0xa1: {  	_ =	shalt  }

// kernel: kernel.21.cloned.1.call-start
scs
__scs_entry_jumppad:
0x0: {  	(pc) =	sbr.rel $0x88, $3  }
0x1: {  	(tag) =	ssettag $0x0;
	lr =	simm.s32 $0x1  }
0x2: {  	[smem:$0x3F8E] =	sst lr;
	_ =	strace $0xD0000000  }
0x3: {  	_ = 	snop  }
0x4: {  	_ = 	snop  }
0x5: {  	_ = 	snop  }
0x6: {  	_ = 	snop  }
0x7: {  	_ = 	snop  }
__scs_overlays_trampoline_lowered:
0x8: {  	[smem:$0x3F9D] =	sst s0  }
0x9: {  	[smem:$0x3F9E] =	sst s1  }
0xa: {  	[smem:$0x3F9F] =	sst s2  }
0xb: {  	[smem:$0x3FA0] =	sst s3  }
0xc: {  	[smem:$0x3FA1] =	sst s4  }
0xd: {  	[smem:$0x3FA2] =	sst s5  }
0xe: {  	[smem:$0x3FA3] =	sst s6  }
0xf: {  	[smem:$0x3FA4] =	sst s7  }
0x10: {  	[smem:$0x3FA5] =	sst s8  }
0x11: {  	[smem:$0x3FA6] =	sst s9;
	s0 =	simm.s32 @!p0 $0x0  }
0x12: {  	s1 =	sld [smem:$0x3F8C];
	s0 =	simm.s32 @p0 $0x1  }
0x13: {  	[smem:$0x3FA7] =	sst s0;
	s0 =	simm.s32 @!p1 $0x0  }
0x14: {  	s2 =	sld [smem:$0x3F8B];
	s0 =	simm.s32 @p1 $0x1  }
0x15: {  	[smem:$0x3FA8] =	sst s0;
	s0 =	simm.s32 @!p2 $0x0  }
0x16: {  	s3 =	sld [smem:$0x3FDB];
	s0 =	simm.s32 @p2 $0x1  }
0x17: {  	s4 =	simm.s32 $0x1BF5;
	[smem:$0x3FAA] =	sst s0  }
0x18: {  	s0 =	sld [smem:$0x3F8D];
	_ =	swait.ge [sflag:s4], $0x0  }
0x19: {  	s7 =	sld [smem:$0x3F8E]  }
0x1a: {  	s8 =	sadd.s32 $0xFFFFE003, lr  }
0x1b: {  	s9 =	sadd.s32 $0xFFFFFEF7, lr;
	s5 =	simm.s32 $0xFFFFFFFF;
	p2 =	slt.u32 s8, $0xFFFFF086  }
0x1c: {  	p1 =	slt.u32 s9, $0xF7A;
	s5 =	simm.s32 @!p2 $0x0  }
0x1d: {  	s5 =	simm.s32 @p1 $0x1;
	p0 =	seq.s32 s7, s2  }
0x1e: {  	s7 =	smul.u32 @!p0 $0xF7A, s2;
	p2 =	seq.s32 @!p0 s5, $0x0  }
0x1f: {  	s9 =	smul.u32 $0xF7A, s1;
	s8 =	simm.s32 @!p0 $0x1BF5;
	p2 =	por !p2, p0  }
0x20: {  	[sflag:s8] =	ssyncset.s32 @!p0 $0xFFFFF086;
	s6 =	sadd.s32 @!p0 s3, s7;
	s7 =	simm.s32 @!p0 $0x108  }
0x21: {  	s3 =	sadd.s32 s3, s9;
	s6 =	sadd.s32 @!p0 $0x88, s6;
	s7 =	simm.s32 @p2 $0x1082  }
0x22: {  	[simem:s7], [sflag:s8] =	dma.local @!p0 [hbm:s6], $0xF7A  }
0x23: {  	s9 =	sor.u32 $0xD0000000, s2;
	s6 =	simm.s32 $0x108;
	_ =	swait.ge @!p0 [sflag:s8], $0x0  }
0x24: {  	s3 =	sadd.s32 $0x88, s3;
	s6 =	simm.s32 @!p1 $0x1082;
	[sflag:s4] =	ssyncset.s32 $0xFFFFF086  }
0x25: {  	[simem:s6], [sflag:s4] =	dma.local [hbm:s3], $0xF7A  }
0x26: {  	[smem:$0x3F8E] =	sst s1;
	(tag) =	ssettag s2;
	_ =	strace s9  }
0x27: {  	s1 =	sld [smem:$0x3F9E]  }
0x28: {  	s2 =	sld [smem:$0x3F9F]  }
0x29: {  	s4 =	sld [smem:$0x3FA1]  }
0x2a: {  	p0 =	seq.s32 s5, $0x0;
	s5 =	sld [smem:$0x3FA2]  }
0x2b: {  	s6 =	sld [smem:$0x3FA3]  }
0x2c: {  	s7 =	sld [smem:$0x3FA4]  }
0x2d: {  	s3 =	simm.s32 $0x108;
	s8 =	sld [smem:$0x3FA5]  }
0x2e: {  	s3 =	simm.s32 @!p0 $0x1082;
	s9 =	sld [smem:$0x3FA6]  }
0x2f: {  	lr =	sadd.s32 s0, s3;
	s0 =	sld [smem:$0x3F9D]  }
0x30: {  	s3 =	sld [smem:$0x3FA0]  }
0x31: {  	[smem:$0x3FA9] =	sst s10  }
0x32: {  	s10 =	sld [smem:$0x3FA7];
	_ =	sdelay $0x3  }
0x33: {  	p0 =	seq.s32 s10, $0x1;
	s10 =	sld [smem:$0x3FA9];
	_ =	sdelay $0x3  }
0x34: {  	[smem:$0x3FA9] =	sst s10  }
0x35: {  	s10 =	sld [smem:$0x3FA8];
	_ =	sdelay $0x3  }
0x36: {  	p1 =	seq.s32 s10, $0x1;
	s10 =	sld [smem:$0x3FA9];
	_ =	sdelay $0x3  }
0x37: {  	[smem:$0x3FA9] =	sst s10  }
0x38: {  	s10 =	sld [smem:$0x3FAA]  }
0x39: {  	_ = 	snop;
	(pc) =	sbr.ind lr, $3  }
0x3a: {  	_ = 	snop  }
0x3b: {  	_ = 	snop  }
0x3c: {  	p2 =	seq.s32 s10, $0x1;
	s10 =	sld [smem:$0x3FA9]  }
0x3d: {  	_ =	shalt  }
0x3e: {  	_ =	shalt  }
0x3f: {  	_ =	shalt  }
0x40: {  	_ =	shalt  }
0x41: {  	_ =	shalt  }
0x42: {  	_ =	shalt  }
0x43: {  	_ =	shalt  }
0x44: {  	_ =	shalt  }
0x45: {  	_ =	shalt  }
0x46: {  	_ =	shalt  }
0x47: {  	_ =	shalt  }
0x48: {  	_ =	shalt  }
0x49: {  	_ =	shalt  }
0x4a: {  	_ =	shalt  }
0x4b: {  	_ =	shalt  }
0x4c: {  	_ =	shalt  }
0x4d: {  	_ =	shalt  }
0x4e: {  	_ =	shalt  }
0x4f: {  	_ =	shalt  }
0x50: {  	_ =	shalt  }
0x51: {  	_ =	shalt  }
0x52: {  	_ =	shalt  }
0x53: {  	_ =	shalt  }
0x54: {  	_ =	shalt  }
0x55: {  	_ =	shalt  }
0x56: {  	_ =	shalt  }
0x57: {  	_ =	shalt  }
0x58: {  	_ =	shalt  }
0x59: {  	_ =	shalt  }
0x5a: {  	_ =	shalt  }
0x5b: {  	_ =	shalt  }
0x5c: {  	_ =	shalt  }
0x5d: {  	_ =	shalt  }
0x5e: {  	_ =	shalt  }
0x5f: {  	_ =	shalt  }
0x60: {  	_ =	shalt  }
0x61: {  	_ =	shalt  }
0x62: {  	_ =	shalt  }
0x63: {  	_ =	shalt  }
0x64: {  	_ =	shalt  }
0x65: {  	_ =	shalt  }
0x66: {  	_ =	shalt  }
0x67: {  	_ =	shalt  }
0x68: {  	_ =	shalt  }
0x69: {  	_ =	shalt  }
0x6a: {  	_ =	shalt  }
0x6b: {  	_ =	shalt  }
0x6c: {  	_ =	shalt  }
0x6d: {  	_ =	shalt  }
0x6e: {  	_ =	shalt  }
0x6f: {  	_ =	shalt  }
0x70: {  	_ =	shalt  }
0x71: {  	_ =	shalt  }
0x72: {  	_ =	shalt  }
0x73: {  	_ =	shalt  }
0x74: {  	_ =	shalt  }
0x75: {  	_ =	shalt  }
0x76: {  	_ =	shalt  }
0x77: {  	_ =	shalt  }
0x78: {  	_ =	shalt  }
0x79: {  	_ =	shalt  }
0x7a: {  	_ =	shalt  }
0x7b: {  	_ =	shalt  }
0x7c: {  	_ =	shalt  }
0x7d: {  	_ =	shalt  }
0x7e: {  	_ =	shalt  }
0x7f: {  	_ =	shalt  }
0x80: {  	_ =	shalt  }
0x81: {  	_ =	shalt  }
0x82: {  	_ =	shalt  }
0x83: {  	_ =	shalt  }
0x84: {  	_ =	shalt  }
0x85: {  	_ =	shalt  }
0x86: {  	_ =	shalt  }
0x87: {  	_ =	shalt  }
.Lfunc_end0:
.L_simem_size_0:
called_computation.3_lowered:
.L_overlay_start_0:
0x88: {  	s2 =	sld [smem:$0x3FD9]  }
0x89: {  	s3 =	sld [smem:$0x3FFE];
	_ =	sdelay $0x1  }
0x8a: {  	s1 =	srdreg.scid  }
0x8b: {  	s0 =	sand.u32 $0x1, s1  }
0x8c: {  	s16 =	sshll.u32 s0, $0xA;
	s2 =	sadd.s32 s3, s2  }
0x8d: {  	s2 =	sadd.s32 s2, s16  }
0x8e: {  	[smem:$0x3FB5] =	sst s2  }
0x8f: {  	_ = 	snop  }
0x90: {  	(tm) =	ssettm $0x1  }
0x91: {  	s17 =	sld [smem:$0x3FFB];
	_ =	sdelay $0x3  }
0x92: {  	_ =	strace s17  }
0x93: {  	s2 =	sld [smem:$0x3FFC];
	_ =	sdelay $0x3  }
0x94: {  	_ =	strace s2  }
0x95: {  	s2 =	sld [smem:$0x3FFD];
	_ =	sdelay $0x3  }
0x96: {  	_ =	strace s2  }
0x97: {  	_ =	strace $0x8FFFFFFF  }
0x98: {  	s18 =	sld [smem:$0x3FDB];
	_ =	sdelay $0x1  }
0x99: {  	s19 =	simm.s32 $_scs_section_size  }
0x9a: {  	s4 =	simm.s32 $_size__tile_overlayer_lowered;
	s5 =	simm.s32 $_tile_overlayer_lowered  }
0x9b: {  	s22 =	simm.s32 $0x1BFF;
	s21 =	sshll.u32 s5, $0x1;
	s2 =	sadd.s32 s19, s18  }
0x9c: {  	s6 =	simm.s32 $0x0;
	s20 =	sshll.u32 s4, $0x1;
	s4 =	sadd.s32 s21, s2  }
0x9d: {  	[timem:s6], [sflag:s22] =	dma.local [hbm:s4], s20  }
0x9e: {  	_ =	swait.ge [sflag:s22], s20  }
0x9f: {  	s3 =	ssub.s32 $0x0, s20;
	[sflag:s22] =	ssyncset.done $0x0  }
0xa0: {  	[sflag:s22] =	ssyncadd.s32 s3;
	_ =	sdelay $0x1  }
0xa1: {  	s23 =	simm.s32 $0x1B8B  }
0xa2: {  	_ =	swait.ge [sflag:s23], $0x1  }
0xa3: {  	[sflag:s23] =	ssyncset.done $0x0  }
0xa4: {  	s25 =	simm.s32 $0x1B8E;
	s24 =	sld [smem:$0x3FFE];
	[sflag:s23] =	ssyncadd.s32 $0xFFFFFFFF  }
0xa5: {  	s26 =	simm.s32 $execute0_lowered;
	[smem:$0x3FD2] =	sst s25  }
0xa6: {  	s4 =	sshll.u32 s26, $0x1;
	_ =	strace $0x8000004F;
	[dreg:$0x1] =	wrdreg $0xFFFFFFFF  }
0xa7: {  	s28 =	simm.s32 $_size_execute0_lowered;
	s2 =	sadd.s32 s2, s4;
	[dreg:$0x0] =	wrdreg $0x0  }
0xa8: {  	s4 =	sshll.u32 s28, $0x1;
	[dreg:$0x2] =	wrdreg s2  }
0xa9: {  	[dreg:$0x3] =	wrdreg s4  }
0xaa: {  	[dreg:$0x4] =	wrdreg $0xC0  }
0xab: {  	_ =	task [dreg:s6], $0x5FFFF  }
0xac: {  	[dreg:$0x1] =	wrdreg $0xFFFFFFFF  }
0xad: {  	[dreg:$0x0] =	wrdreg $0x60  }
0xae: {  	[dreg:$0x2] =	wrdreg s24  }
0xaf: {  	[dreg:$0x3] =	wrdreg $0x0  }
0xb0: {  	[dreg:$0x4] =	wrdreg $0x9  }
0xb1: {  	_ =	task.clear_ibuf [dreg:s6], $0x5FFFF;
	_ =	strace $0x9000004F  }
0xb2: {  	s29 =	simm.s32 $0x9;
	_ =	strace $0x80000051  }
0xb3: {  	_ =	swait.ge [sflag:s29], $0x1  }
0xb4: {  	[sflag:s29] =	ssyncadd.s32 $0xFFFFFFFF  }
0xb5: {  	_ =	strace $0x90000051  }
0xb6: {  	_ =	sfence  }
0xb7: {  	s30 =	sld [smem:$0x0];
	_ =	sdelay $0x2  }
0xb8: {  	s31 =	sshll.u32 s1, $0xD;
	s1 =	sshrl.u32 s1, $0x2  }
0xb9: {  	s3 =	sand.u32 $0x4000, s31;
	s1 =	sadd.s32 s1, s30  }
0xba: {  	s0 =	sor.u32 s3, s0;
	s1 =	sshll.u32 s1, $0x11  }
0xbb: {  	s0 =	sor.u32 s1, s0  }
0xbc: {  	s0 =	sadd.s32 $0x8F2B, s0  }
0xbd: {  	[sflag:s0] =	ssyncadd.remote.s32 $0x1  }
0xbe: {  	_ =	sfence.sel $0xFFFF  }
0xbf: {  	[dreg:$0x0] =	wrdreg $0xFFFFFFFF;
	(pc) =	sbr.abs _section_cstart, $3  }
0xc0: {  	[dreg:$0x1] =	wrdreg $0xFFFFFFFF  }
0xc1: {  	_ =	task.clear_ibuf [dreg:s6], $0x2FFFF;
	_ =	strace $0x9FFFFFFF  }
0xc2: {  	(tm) =	ssettm $0x7FFFFFFF  }
0xc3: {  	_ =	shalt  }
tec
execute0_lowered:
.L_overlay_start_1:
0x0: {  	(tag) =	ssettag $0x1  }
0x1: {  	s5 =	rddreg [dreg:$0x0]  }
0x2: {  	s1 =	rddreg [dreg:$0x1]  }
0x3: {  	s0 =	rddreg [dreg:$0x2];
	s3 =	simm.s32 $0x0;
	s4 =	srdreg.scid  }
0x4: {  	s2 =	stileid.u32;
	s15 =	simm.s32 $0x14000;
	s16 =	simm.s32 $0x1C080  }
0x5: {  	s17 =	simm.s32 $0x18000;
	s20 =	simm.s32 $0x1;
	s21 =	simm.s32 $0x2  }
0x6: {  	s22 =	simm.s32 $0x3;
	s23 =	simm.s32 $0x4;
	s26 =	simm.s32 $0x1E780  }
0x7: {  	s28 =	simm.s32 $0x0;
	[smem:$0x7FF] =	sst s3;
	s6 =	sand.u32 $0x1, s4  }
0x8: {  	s24 =	smul.u32 $0x2800, s2;
	s4 =	sadd.s32 $0x18C00, s5;
	s9 =	sadd.s32 $0xEC00, s5  }
0x9: {  	s10 =	sadd.s32 $0x4C00, s5;
	s30 =	smul.u32 $0x50000, s2;
	s18 =	sshll.u32 s2, $0x6  }
0xa: {  	_ =	strace $0x80000050;
	s7 =	sshll.u32 s6, $0x4;
	s8 =	smul.u32 $0x28000, s6  }
0xb: {  	s6 =	ssub.s32 $0x2, s6;
	s18 =	sor.u32 $0x1C05, s18;
	s7 =	sor.u32 s2, s7  }
0xc: {  	s12 =	sadd.s32 s24, s5;
	s29 =	sshrl.u32 s6, $0x1;
	s11 =	smul.u32 $0x500, s7  }
0xd: {  	s7 =	smul.u32 $0x2800, s7;
	s13 =	sadd.s32 s8, s5;
	s8 =	sshrl.u32 s30, $0x2  }
0xe: {  	s14 =	ssub.s32 s6, s29;
	s19 =	sadd.s32 s8, s1;
	s25 =	sadd.s32 $0x67E00, s13  }
0xf: {  	s13 =	simm.s32 $0x1D400;
	s5 =	sadd.s32 s9, s11;
	s7 =	sshrl.u32 s7, $0x3  }
0x10: {  	s6 =	sadd.s32 s10, s11;
	s11 =	simm.s32 $0x1C000;
	s19 =	sshrl.u32 s19, $0x3  }
0x11: {  	s24 =	sadd.s32 s24, s25;
	s25 =	simm.s32 $0x1E700;
	s31 =	sadd.s32 $0x280, s7  }
0x12: {  	s7 =	sadd.s32 $0x3FE00, s12;
	s12 =	simm.s32 $0x5;
	s8 =	sadd.s32 s9, s31  }
0x13: {  	s9 =	sadd.s32 s10, s31;
	s10 =	smax.u32 s14, $0x1;
	s14 =	simm.s32 $0x80  }
.LBB2_1:
0x14: {  	[tilespmem:s11], [sflag:$0x5] =	stream.linear.gather [hbm4b:s5+s3], $0x1400, $0x38;
	[tilespmem:$0x1E800] =	vst v63  }
0x15: {  	_ =	swait.ge [sflag:s12], $0x1400  }
0x16: {  	[sflag:s12] =	ssyncset.done $0x0  }
0x17: {  	[sflag:s12] =	ssyncadd.s32 $0xFFFFEC00  }
0x18: {  	[tilespmem:s13], [sflag:$0x5] =	stream.linear.gather [hbm4b:s6+s3], $0x1400, $0x38;
	[tilespmem:$0x1E800] =	vst v63  }
0x19: {  	_ =	swait.ge [sflag:s12], $0x1400  }
0x1a: {  	[sflag:s12] =	ssyncset.done $0x0  }
0x1b: {  	[sflag:s12] =	ssyncadd.s32 $0xFFFFEC00  }
0x1c: {  	[tilespmem:s15], [sflag:$0x1] =	stream.indirect.gather [hbm4b:s4+s14], $0x80, s11, s14, $0xb8;
	[tilespmem:$0x1E800] =	vst v63  }
0x1d: {  	_ = 	snop  }
0x1e: {  	[tilespmem:s17], [sflag:$0x2] =	stream.indirect.gather [hbm4b:s4+s14], $0x80, s16, s14, $0xb8;
	[tilespmem:$0x1E800] =	vst v63  }
0x1f: {  	[spmem:s19], [sflag:s18] =	dma.local [hbm:s7], $0x2800  }
0x20: {  	_ =	swait.ge [sflag:s12], $0x2800  }
0x21: {  	[sflag:s12] =	ssyncset.done $0x0  }
0x22: {  	[sflag:s12] =	ssyncadd.s32 $0xFFFFD800  }
0x23: {  	[bflag:$0x0] =	sbarrier.arrive $0xFFFF  }
0x24: {  	_ =	swait.ge [sflag:s20], $0x4000  }
0x25: {  	[sflag:s20] =	ssyncset.done $0x0  }
0x26: {  	s29 =	simm.s32 $0x1D400;
	[sflag:s20] =	ssyncadd.s32 $0xFFFFC000  }
0x27: {  	[spmem:s1] =	stream.indirect.scatter.add.f32 [tilespmem:s15], [sflag:$0x3], $0x80, s29, s14, $0xb8;
	[tilespmem:$0x1E800] =	vst v63  }
0x28: {  	_ =	swait.ge [sflag:s21], $0x4000  }
0x29: {  	[sflag:s21] =	ssyncset.done $0x0  }
0x2a: {  	s29 =	simm.s32 $0x1D480;
	[sflag:s21] =	ssyncadd.s32 $0xFFFFC000  }
0x2b: {  	[spmem:s1] =	stream.indirect.scatter.add.f32 [tilespmem:s17], [sflag:$0x4], $0x80, s29, s14, $0xb8;
	[tilespmem:$0x1E800] =	vst v63  }
0x2c: {  	_ =	swait.ge [sflag:s22], $0x4000  }
0x2d: {  	[sflag:s22] =	ssyncset.done $0x0  }
0x2e: {  	s29 =	simm.s32 $0x1C100;
	[sflag:s22] =	ssyncadd.s32 $0xFFFFC000  }
0x2f: {  	[tilespmem:s15], [sflag:$0x1] =	stream.indirect.gather [hbm4b:s4+s14], $0x80, s29, s14, $0xb8;
	[tilespmem:$0x1E800] =	vst v63  }
0x30: {  	_ =	swait.ge [sflag:s23], $0x4000  }
0x31: {  	[sflag:s23] =	ssyncset.done $0x0  }
0x32: {  	s30 =	simm.s32 $0x1C180;
	s29 =	simm.s32 $0x400;
	[sflag:s23] =	ssyncadd.s32 $0xFFFFC000  }
.LBB2_2:
0x33: {  	[tilespmem:s17], [sflag:$0x2] =	stream.indirect.gather [hbm4b:s4+s14], $0x80, s30, s14, $0xb8;
	[tilespmem:$0x1E800] =	vst v63  }
0x34: {  	s30 =	smov.u32 s29  }
0x35: {  	p0 =	sne.s32 s29, $0x4800;
	s29 =	sadd.s32 $0x400, s29;
	_ =	swait.ge [sflag:s20], $0x4000  }
0x36: {  	s30 =	sshra.s32 s30, $0x2;
	[sflag:s20] =	ssyncset.done $0x0  }
0x37: {  	s31 =	sadd.s32 $0x1D400, s30;
	[sflag:s20] =	ssyncadd.s32 $0xFFFFC000  }
0x38: {  	[spmem:s1] =	stream.indirect.scatter.add.f32 [tilespmem:s15], [sflag:$0x3], $0x80, s31, s14, $0xb8;
	[tilespmem:$0x1E800] =	vst v63  }
0x39: {  	_ =	swait.ge [sflag:s21], $0x4000  }
0x3a: {  	[sflag:s21] =	ssyncset.done $0x0  }
0x3b: {  	s31 =	sadd.s32 $0x1D480, s30;
	[sflag:s21] =	ssyncadd.s32 $0xFFFFC000  }
0x3c: {  	[spmem:s1] =	stream.indirect.scatter.add.f32 [tilespmem:s17], [sflag:$0x4], $0x80, s31, s14, $0xb8;
	[tilespmem:$0x1E800] =	vst v63  }
0x3d: {  	_ =	swait.ge [sflag:s22], $0x4000  }
0x3e: {  	[sflag:s22] =	ssyncset.done $0x0  }
.Ltmp0:
0x3f: {  	s31 =	sadd.s32 $0x1C100, s30;
	[sflag:s22] =	ssyncadd.s32 $0xFFFFC000;
	(pc) =	sbr.rel @p0 .LBB2_2-.Ltmp0, $4  }
0x40: {  	[tilespmem:s15], [sflag:$0x1] =	stream.indirect.gather [hbm4b:s4+s14], $0x80, s31, s14, $0xb8;
	[tilespmem:$0x1E800] =	vst v63  }
0x41: {  	_ =	swait.ge [sflag:s23], $0x4000  }
0x42: {  	[sflag:s23] =	ssyncset.done $0x0  }
0x43: {  	s30 =	sadd.s32 $0x1C180, s30;
	[sflag:s23] =	ssyncadd.s32 $0xFFFFC000  }
0x44: {  	[tilespmem:s17], [sflag:$0x2] =	stream.indirect.gather [hbm4b:s4+s14], $0x80, s30, s14, $0xb8;
	[tilespmem:$0x1E800] =	vst v63  }
0x45: {  	_ =	swait.ge [sflag:s20], $0x4000  }
0x46: {  	[sflag:s20] =	ssyncset.done $0x0  }
0x47: {  	[sflag:s20] =	ssyncadd.s32 $0xFFFFC000  }
0x48: {  	[spmem:s1] =	stream.indirect.scatter.add.f32 [tilespmem:s15], [sflag:$0x3], $0x80, s25, s14, $0xb8;
	[tilespmem:$0x1E800] =	vst v63  }
0x49: {  	_ =	swait.ge [sflag:s21], $0x4000  }
0x4a: {  	[sflag:s21] =	ssyncset.done $0x0  }
0x4b: {  	[sflag:s21] =	ssyncadd.s32 $0xFFFFC000  }
0x4c: {  	[spmem:s1] =	stream.indirect.scatter.add.f32 [tilespmem:s17], [sflag:$0x4], $0x80, s26, s14, $0xb8;
	[tilespmem:$0x1E800] =	vst v63  }
0x4d: {  	_ =	swait.ge [sflag:s22], $0x4000  }
0x4e: {  	[sflag:s22] =	ssyncset.done $0x0  }
0x4f: {  	[sflag:s22] =	ssyncadd.s32 $0xFFFFC000  }
0x50: {  	_ =	swait.ge [sflag:s23], $0x4000  }
0x51: {  	[sflag:s23] =	ssyncset.done $0x0  }
0x52: {  	s29 =	simm.s32 $0x0;
	[sflag:s23] =	ssyncadd.s32 $0xFFFFC000  }
0x53: {  	[tilespmem:s11], [sflag:$0x5] =	stream.linear.gather [hbm4b:s8+s29], $0x1400, $0x38;
	[tilespmem:$0x1E800] =	vst v63  }
0x54: {  	_ =	swait.ge [sflag:s12], $0x1400  }
0x55: {  	[sflag:s12] =	ssyncset.done $0x0  }
0x56: {  	[sflag:s12] =	ssyncadd.s32 $0xFFFFEC00  }
0x57: {  	[tilespmem:s13], [sflag:$0x5] =	stream.linear.gather [hbm4b:s9+s29], $0x1400, $0x38;
	[tilespmem:$0x1E800] =	vst v63  }
0x58: {  	_ =	swait.ge [sflag:s12], $0x1400  }
0x59: {  	[sflag:s12] =	ssyncset.done $0x0  }
0x5a: {  	[sflag:s12] =	ssyncadd.s32 $0xFFFFEC00  }
0x5b: {  	[tilespmem:s15], [sflag:$0x1] =	stream.indirect.gather [hbm4b:s4+s14], $0x80, s11, s14, $0xb8;
	[tilespmem:$0x1E800] =	vst v63  }
0x5c: {  	_ = 	snop  }
0x5d: {  	[tilespmem:s17], [sflag:$0x2] =	stream.indirect.gather [hbm4b:s4+s14], $0x80, s16, s14, $0xb8;
	[tilespmem:$0x1E800] =	vst v63  }
0x5e: {  	_ =	swait.ge [sflag:s20], $0x4000  }
0x5f: {  	[sflag:s20] =	ssyncset.done $0x0  }
0x60: {  	s29 =	simm.s32 $0x1D400;
	[sflag:s20] =	ssyncadd.s32 $0xFFFFC000  }
0x61: {  	[spmem:s1] =	stream.indirect.scatter.add.f32 [tilespmem:s15], [sflag:$0x3], $0x80, s29, s14, $0xb8;
	[tilespmem:$0x1E800] =	vst v63  }
0x62: {  	_ =	swait.ge [sflag:s21], $0x4000  }
0x63: {  	[sflag:s21] =	ssyncset.done $0x0  }
0x64: {  	s29 =	simm.s32 $0x1D480;
	[sflag:s21] =	ssyncadd.s32 $0xFFFFC000  }
0x65: {  	[spmem:s1] =	stream.indirect.scatter.add.f32 [tilespmem:s17], [sflag:$0x4], $0x80, s29, s14, $0xb8;
	[tilespmem:$0x1E800] =	vst v63  }
0x66: {  	_ =	swait.ge [sflag:s22], $0x4000  }
0x67: {  	[sflag:s22] =	ssyncset.done $0x0  }
0x68: {  	s29 =	simm.s32 $0x1C100;
	[sflag:s22] =	ssyncadd.s32 $0xFFFFC000  }
0x69: {  	[tilespmem:s15], [sflag:$0x1] =	stream.indirect.gather [hbm4b:s4+s14], $0x80, s29, s14, $0xb8;
	[tilespmem:$0x1E800] =	vst v63  }
0x6a: {  	_ =	swait.ge [sflag:s23], $0x4000  }
0x6b: {  	[sflag:s23] =	ssyncset.done $0x0  }
0x6c: {  	s30 =	simm.s32 $0x1C180;
	s29 =	simm.s32 $0x400;
	[sflag:s23] =	ssyncadd.s32 $0xFFFFC000  }
.LBB2_4:
0x6d: {  	[tilespmem:s17], [sflag:$0x2] =	stream.indirect.gather [hbm4b:s4+s14], $0x80, s30, s14, $0xb8;
	[tilespmem:$0x1E800] =	vst v63  }
0x6e: {  	s30 =	smov.u32 s29  }
0x6f: {  	p0 =	sne.s32 s29, $0x4800;
	s29 =	sadd.s32 $0x400, s29;
	_ =	swait.ge [sflag:s20], $0x4000  }
0x70: {  	s30 =	sshra.s32 s30, $0x2;
	[sflag:s20] =	ssyncset.done $0x0  }
0x71: {  	s31 =	sadd.s32 $0x1D400, s30;
	[sflag:s20] =	ssyncadd.s32 $0xFFFFC000  }
0x72: {  	[spmem:s1] =	stream.indirect.scatter.add.f32 [tilespmem:s15], [sflag:$0x3], $0x80, s31, s14, $0xb8;
	[tilespmem:$0x1E800] =	vst v63  }
0x73: {  	_ =	swait.ge [sflag:s21], $0x4000  }
0x74: {  	[sflag:s21] =	ssyncset.done $0x0  }
0x75: {  	s31 =	sadd.s32 $0x1D480, s30;
	[sflag:s21] =	ssyncadd.s32 $0xFFFFC000  }
0x76: {  	[spmem:s1] =	stream.indirect.scatter.add.f32 [tilespmem:s17], [sflag:$0x4], $0x80, s31, s14, $0xb8;
	[tilespmem:$0x1E800] =	vst v63  }
0x77: {  	_ =	swait.ge [sflag:s22], $0x4000  }
0x78: {  	[sflag:s22] =	ssyncset.done $0x0  }
.Ltmp1:
0x79: {  	s31 =	sadd.s32 $0x1C100, s30;
	[sflag:s22] =	ssyncadd.s32 $0xFFFFC000;
	(pc) =	sbr.rel @p0 .LBB2_4-.Ltmp1, $4  }
0x7a: {  	[tilespmem:s15], [sflag:$0x1] =	stream.indirect.gather [hbm4b:s4+s14], $0x80, s31, s14, $0xb8;
	[tilespmem:$0x1E800] =	vst v63  }
0x7b: {  	_ =	swait.ge [sflag:s23], $0x4000  }
0x7c: {  	[sflag:s23] =	ssyncset.done $0x0  }
0x7d: {  	s30 =	sadd.s32 $0x1C180, s30;
	[sflag:s23] =	ssyncadd.s32 $0xFFFFC000  }
0x7e: {  	[tilespmem:s17], [sflag:$0x2] =	stream.indirect.gather [hbm4b:s4+s14], $0x80, s30, s14, $0xb8;
	[tilespmem:$0x1E800] =	vst v63  }
0x7f: {  	_ =	swait.ge [sflag:s20], $0x4000  }
0x80: {  	[sflag:s20] =	ssyncset.done $0x0  }
0x81: {  	[sflag:s20] =	ssyncadd.s32 $0xFFFFC000  }
0x82: {  	[spmem:s1] =	stream.indirect.scatter.add.f32 [tilespmem:s15], [sflag:$0x3], $0x80, s25, s14, $0xb8;
	[tilespmem:$0x1E800] =	vst v63  }
0x83: {  	_ =	swait.ge [sflag:s21], $0x4000  }
0x84: {  	[sflag:s21] =	ssyncset.done $0x0  }
0x85: {  	[sflag:s21] =	ssyncadd.s32 $0xFFFFC000  }
0x86: {  	[spmem:s1] =	stream.indirect.scatter.add.f32 [tilespmem:s17], [sflag:$0x4], $0x80, s26, s14, $0xb8;
	[tilespmem:$0x1E800] =	vst v63  }
0x87: {  	_ =	swait.ge [sflag:s22], $0x4000  }
0x88: {  	[sflag:s22] =	ssyncset.done $0x0  }
0x89: {  	[sflag:s22] =	ssyncadd.s32 $0xFFFFC000  }
0x8a: {  	_ =	swait.ge [sflag:s23], $0x4000  }
0x8b: {  	s28 =	sadd.s32 $0x1, s28;
	[sflag:s23] =	ssyncset.done $0x0  }
0x8c: {  	p0 =	sne.s32 s28, s10;
	[sflag:s23] =	ssyncadd.s32 $0xFFFFC000  }
.Ltmp2:
0x8d: {  	[bflag:$0x0] =	sbarrier.arrive $0xFFFF;
	(pc) =	sbr.rel @p0 .LBB2_1-.Ltmp2, $4  }
0x8e: {  	[hbm:s24], [sflag:s18] =	dma.local [spmem:s19], $0x2800  }
0x8f: {  	_ =	swait.ge [sflag:s12], $0x2800  }
0x90: {  	[sflag:s12] =	ssyncset.done $0x0  }
0x91: {  	[sflag:s12] =	ssyncadd.s32 $0xFFFFD800  }
0x92: {  	_ =	sfence.sel $0x180000  }
0x93: {  	[bflag:$0x0] =	sbarrier.arrive $0xFFFF  }
0x94: {  	p0 =	sne.s32 s2, $0x0;
	_ =	strace $0x90000050  }
0x95: {  	s0 =	sadd.s32 @!p0 $0x100000, s0;
	[bflag:$0x2] =	sbarrier.arrive $0xFFFF  }
0x96: {  	[sflag:s0] =	ssyncadd.tile.s32 @!p0 $0x1;
	_ =	shalt  }
.Lfunc_end2:
_tile_overlayer_lowered:
.L_overlay_start_2:
0x97: {  	(tag) =	ssettag $0x2  }
0x98: {  	s0 =	rddreg [dreg:$0x0];
	s2 =	stileid.u32  }
0x99: {  	s1 =	rddreg [dreg:$0x1];
	p0 =	sne.s32 s2, $0x0  }
0x9a: {  	s3 =	rddreg [dreg:$0x2];
	[bflag:$0x3] =	sbarrier.arrive $0xFFFF;
	s2 =	simm.s32 @!p0 $0x1C05  }
0x9b: {  	[timem:s3], [sflag:s2] =	dma.local @!p0 [hbm:s0], s1  }
0x9c: {  	s0 =	simm.s32 @!p0 $0x5  }
0x9d: {  	_ =	swait.ge @!p0 [sflag:s0], s1  }
0x9e: {  	s1 =	ssub.s32 @!p0 $0x0, s1;
	[sflag:s0] =	ssyncset.done @!p0 $0x0  }
0x9f: {  	[sflag:s0] =	ssyncadd.s32 @!p0 s1  }
0xa0: {  	[bflag:$0x3] =	sbarrier.arrive $0xFFFF  }
0xa1: {  	_ =	shalt  }

// kernel: kernel.24.cloned.1.call-start
scs
__scs_entry_jumppad:
0x0: {  	(pc) =	sbr.rel $0x88, $3  }
0x1: {  	(tag) =	ssettag $0x0;
	lr =	simm.s32 $0x1  }
0x2: {  	[smem:$0x3F8E] =	sst lr;
	_ =	strace $0xD0000000  }
0x3: {  	_ = 	snop  }
0x4: {  	_ = 	snop  }
0x5: {  	_ = 	snop  }
0x6: {  	_ = 	snop  }
0x7: {  	_ = 	snop  }
__scs_overlays_trampoline_lowered:
0x8: {  	[smem:$0x3F9D] =	sst s0  }
0x9: {  	[smem:$0x3F9E] =	sst s1  }
0xa: {  	[smem:$0x3F9F] =	sst s2  }
0xb: {  	[smem:$0x3FA0] =	sst s3  }
0xc: {  	[smem:$0x3FA1] =	sst s4  }
0xd: {  	[smem:$0x3FA2] =	sst s5  }
0xe: {  	[smem:$0x3FA3] =	sst s6  }
0xf: {  	[smem:$0x3FA4] =	sst s7  }
0x10: {  	[smem:$0x3FA5] =	sst s8  }
0x11: {  	[smem:$0x3FA6] =	sst s9;
	s0 =	simm.s32 @!p0 $0x0  }
0x12: {  	s1 =	sld [smem:$0x3F8C];
	s0 =	simm.s32 @p0 $0x1  }
0x13: {  	[smem:$0x3FA7] =	sst s0;
	s0 =	simm.s32 @!p1 $0x0  }
0x14: {  	s2 =	sld [smem:$0x3F8B];
	s0 =	simm.s32 @p1 $0x1  }
0x15: {  	[smem:$0x3FA8] =	sst s0;
	s0 =	simm.s32 @!p2 $0x0  }
0x16: {  	s3 =	sld [smem:$0x3FDB];
	s0 =	simm.s32 @p2 $0x1  }
0x17: {  	s4 =	simm.s32 $0x1BF5;
	[smem:$0x3FAA] =	sst s0  }
0x18: {  	s0 =	sld [smem:$0x3F8D];
	_ =	swait.ge [sflag:s4], $0x0  }
0x19: {  	s7 =	sld [smem:$0x3F8E]  }
0x1a: {  	s8 =	sadd.s32 $0xFFFFE003, lr  }
0x1b: {  	s9 =	sadd.s32 $0xFFFFFEF7, lr;
	s5 =	simm.s32 $0xFFFFFFFF;
	p2 =	slt.u32 s8, $0xFFFFF086  }
0x1c: {  	p1 =	slt.u32 s9, $0xF7A;
	s5 =	simm.s32 @!p2 $0x0  }
0x1d: {  	s5 =	simm.s32 @p1 $0x1;
	p0 =	seq.s32 s7, s2  }
0x1e: {  	s7 =	smul.u32 @!p0 $0xF7A, s2;
	p2 =	seq.s32 @!p0 s5, $0x0  }
0x1f: {  	s9 =	smul.u32 $0xF7A, s1;
	s8 =	simm.s32 @!p0 $0x1BF5;
	p2 =	por !p2, p0  }
0x20: {  	[sflag:s8] =	ssyncset.s32 @!p0 $0xFFFFF086;
	s6 =	sadd.s32 @!p0 s3, s7;
	s7 =	simm.s32 @!p0 $0x108  }
0x21: {  	s3 =	sadd.s32 s3, s9;
	s6 =	sadd.s32 @!p0 $0x88, s6;
	s7 =	simm.s32 @p2 $0x1082  }
0x22: {  	[simem:s7], [sflag:s8] =	dma.local @!p0 [hbm:s6], $0xF7A  }
0x23: {  	s9 =	sor.u32 $0xD0000000, s2;
	s6 =	simm.s32 $0x108;
	_ =	swait.ge @!p0 [sflag:s8], $0x0  }
0x24: {  	s3 =	sadd.s32 $0x88, s3;
	s6 =	simm.s32 @!p1 $0x1082;
	[sflag:s4] =	ssyncset.s32 $0xFFFFF086  }
0x25: {  	[simem:s6], [sflag:s4] =	dma.local [hbm:s3], $0xF7A  }
0x26: {  	[smem:$0x3F8E] =	sst s1;
	(tag) =	ssettag s2;
	_ =	strace s9  }
0x27: {  	s1 =	sld [smem:$0x3F9E]  }
0x28: {  	s2 =	sld [smem:$0x3F9F]  }
0x29: {  	s4 =	sld [smem:$0x3FA1]  }
0x2a: {  	p0 =	seq.s32 s5, $0x0;
	s5 =	sld [smem:$0x3FA2]  }
0x2b: {  	s6 =	sld [smem:$0x3FA3]  }
0x2c: {  	s7 =	sld [smem:$0x3FA4]  }
0x2d: {  	s3 =	simm.s32 $0x108;
	s8 =	sld [smem:$0x3FA5]  }
0x2e: {  	s3 =	simm.s32 @!p0 $0x1082;
	s9 =	sld [smem:$0x3FA6]  }
0x2f: {  	lr =	sadd.s32 s0, s3;
	s0 =	sld [smem:$0x3F9D]  }
0x30: {  	s3 =	sld [smem:$0x3FA0]  }
0x31: {  	[smem:$0x3FA9] =	sst s10  }
0x32: {  	s10 =	sld [smem:$0x3FA7];
	_ =	sdelay $0x3  }
0x33: {  	p0 =	seq.s32 s10, $0x1;
	s10 =	sld [smem:$0x3FA9];
	_ =	sdelay $0x3  }
0x34: {  	[smem:$0x3FA9] =	sst s10  }
0x35: {  	s10 =	sld [smem:$0x3FA8];
	_ =	sdelay $0x3  }
0x36: {  	p1 =	seq.s32 s10, $0x1;
	s10 =	sld [smem:$0x3FA9];
	_ =	sdelay $0x3  }
0x37: {  	[smem:$0x3FA9] =	sst s10  }
0x38: {  	s10 =	sld [smem:$0x3FAA]  }
0x39: {  	_ = 	snop;
	(pc) =	sbr.ind lr, $3  }
0x3a: {  	_ = 	snop  }
0x3b: {  	_ = 	snop  }
0x3c: {  	p2 =	seq.s32 s10, $0x1;
	s10 =	sld [smem:$0x3FA9]  }
0x3d: {  	_ =	shalt  }
0x3e: {  	_ =	shalt  }
0x3f: {  	_ =	shalt  }
0x40: {  	_ =	shalt  }
0x41: {  	_ =	shalt  }
0x42: {  	_ =	shalt  }
0x43: {  	_ =	shalt  }
0x44: {  	_ =	shalt  }
0x45: {  	_ =	shalt  }
0x46: {  	_ =	shalt  }
0x47: {  	_ =	shalt  }
0x48: {  	_ =	shalt  }
0x49: {  	_ =	shalt  }
0x4a: {  	_ =	shalt  }
0x4b: {  	_ =	shalt  }
0x4c: {  	_ =	shalt  }
0x4d: {  	_ =	shalt  }
0x4e: {  	_ =	shalt  }
0x4f: {  	_ =	shalt  }
0x50: {  	_ =	shalt  }
0x51: {  	_ =	shalt  }
0x52: {  	_ =	shalt  }
0x53: {  	_ =	shalt  }
0x54: {  	_ =	shalt  }
0x55: {  	_ =	shalt  }
0x56: {  	_ =	shalt  }
0x57: {  	_ =	shalt  }
0x58: {  	_ =	shalt  }
0x59: {  	_ =	shalt  }
0x5a: {  	_ =	shalt  }
0x5b: {  	_ =	shalt  }
0x5c: {  	_ =	shalt  }
0x5d: {  	_ =	shalt  }
0x5e: {  	_ =	shalt  }
0x5f: {  	_ =	shalt  }
0x60: {  	_ =	shalt  }
0x61: {  	_ =	shalt  }
0x62: {  	_ =	shalt  }
0x63: {  	_ =	shalt  }
0x64: {  	_ =	shalt  }
0x65: {  	_ =	shalt  }
0x66: {  	_ =	shalt  }
0x67: {  	_ =	shalt  }
0x68: {  	_ =	shalt  }
0x69: {  	_ =	shalt  }
0x6a: {  	_ =	shalt  }
0x6b: {  	_ =	shalt  }
0x6c: {  	_ =	shalt  }
0x6d: {  	_ =	shalt  }
0x6e: {  	_ =	shalt  }
0x6f: {  	_ =	shalt  }
0x70: {  	_ =	shalt  }
0x71: {  	_ =	shalt  }
0x72: {  	_ =	shalt  }
0x73: {  	_ =	shalt  }
0x74: {  	_ =	shalt  }
0x75: {  	_ =	shalt  }
0x76: {  	_ =	shalt  }
0x77: {  	_ =	shalt  }
0x78: {  	_ =	shalt  }
0x79: {  	_ =	shalt  }
0x7a: {  	_ =	shalt  }
0x7b: {  	_ =	shalt  }
0x7c: {  	_ =	shalt  }
0x7d: {  	_ =	shalt  }
0x7e: {  	_ =	shalt  }
0x7f: {  	_ =	shalt  }
0x80: {  	_ =	shalt  }
0x81: {  	_ =	shalt  }
0x82: {  	_ =	shalt  }
0x83: {  	_ =	shalt  }
0x84: {  	_ =	shalt  }
0x85: {  	_ =	shalt  }
0x86: {  	_ =	shalt  }
0x87: {  	_ =	shalt  }
.Lfunc_end0:
.L_simem_size_0:
called_computation.4_lowered:
.L_overlay_start_0:
0x88: {  	s2 =	sld [smem:$0x3FD9]  }
0x89: {  	s3 =	sld [smem:$0x3FFE];
	_ =	sdelay $0x1  }
0x8a: {  	s1 =	srdreg.scid  }
0x8b: {  	s0 =	sand.u32 $0x1, s1  }
0x8c: {  	s16 =	sshll.u32 s0, $0xA;
	s2 =	sadd.s32 s3, s2  }
0x8d: {  	s2 =	sadd.s32 s2, s16  }
0x8e: {  	[smem:$0x3FB5] =	sst s2  }
0x8f: {  	_ = 	snop  }
0x90: {  	(tm) =	ssettm $0x1  }
0x91: {  	s17 =	sld [smem:$0x3FFB];
	_ =	sdelay $0x3  }
0x92: {  	_ =	strace s17  }
0x93: {  	s2 =	sld [smem:$0x3FFC];
	_ =	sdelay $0x3  }
0x94: {  	_ =	strace s2  }
0x95: {  	s2 =	sld [smem:$0x3FFD];
	_ =	sdelay $0x3  }
0x96: {  	_ =	strace s2  }
0x97: {  	_ =	strace $0x8FFFFFFF  }
0x98: {  	s18 =	sld [smem:$0x3FDB];
	_ =	sdelay $0x1  }
0x99: {  	s19 =	simm.s32 $_scs_section_size  }
0x9a: {  	s4 =	simm.s32 $_size__tile_overlayer_lowered;
	s5 =	simm.s32 $_tile_overlayer_lowered  }
0x9b: {  	s22 =	simm.s32 $0x1BFF;
	s21 =	sshll.u32 s5, $0x1;
	s2 =	sadd.s32 s19, s18  }
0x9c: {  	s6 =	simm.s32 $0x0;
	s20 =	sshll.u32 s4, $0x1;
	s4 =	sadd.s32 s21, s2  }
0x9d: {  	[timem:s6], [sflag:s22] =	dma.local [hbm:s4], s20  }
0x9e: {  	_ =	swait.ge [sflag:s22], s20  }
0x9f: {  	s3 =	ssub.s32 $0x0, s20;
	[sflag:s22] =	ssyncset.done $0x0  }
0xa0: {  	[sflag:s22] =	ssyncadd.s32 s3;
	_ =	sdelay $0x1  }
0xa1: {  	s23 =	simm.s32 $0x1B8B  }
0xa2: {  	_ =	swait.ge [sflag:s23], $0x1  }
0xa3: {  	[sflag:s23] =	ssyncset.done $0x0  }
0xa4: {  	s25 =	simm.s32 $0x1B8E;
	s24 =	sld [smem:$0x3FFE];
	[sflag:s23] =	ssyncadd.s32 $0xFFFFFFFF  }
0xa5: {  	s26 =	simm.s32 $execute0_lowered;
	[smem:$0x3FD2] =	sst s25  }
0xa6: {  	s4 =	sshll.u32 s26, $0x1;
	_ =	strace $0x80000052;
	[dreg:$0x1] =	wrdreg $0xFFFFFFFF  }
0xa7: {  	s28 =	simm.s32 $_size_execute0_lowered;
	s2 =	sadd.s32 s2, s4;
	[dreg:$0x0] =	wrdreg $0x0  }
0xa8: {  	s4 =	sshll.u32 s28, $0x1;
	[dreg:$0x2] =	wrdreg s2  }
0xa9: {  	[dreg:$0x3] =	wrdreg s4  }
0xaa: {  	[dreg:$0x4] =	wrdreg $0xC0  }
0xab: {  	_ =	task [dreg:s6], $0x5FFFF  }
0xac: {  	[dreg:$0x1] =	wrdreg $0xFFFFFFFF  }
0xad: {  	[dreg:$0x0] =	wrdreg $0x60  }
0xae: {  	[dreg:$0x2] =	wrdreg s24  }
0xaf: {  	[dreg:$0x3] =	wrdreg $0x0  }
0xb0: {  	[dreg:$0x4] =	wrdreg $0x9  }
0xb1: {  	_ =	task.clear_ibuf [dreg:s6], $0x5FFFF;
	_ =	strace $0x90000052  }
0xb2: {  	s29 =	simm.s32 $0x9;
	_ =	strace $0x80000054  }
0xb3: {  	_ =	swait.ge [sflag:s29], $0x1  }
0xb4: {  	[sflag:s29] =	ssyncadd.s32 $0xFFFFFFFF  }
0xb5: {  	_ =	strace $0x90000054  }
0xb6: {  	_ =	sfence  }
0xb7: {  	s30 =	sld [smem:$0x0];
	_ =	sdelay $0x2  }
0xb8: {  	s31 =	sshll.u32 s1, $0xD;
	s1 =	sshrl.u32 s1, $0x2  }
0xb9: {  	s3 =	sand.u32 $0x4000, s31;
	s1 =	sadd.s32 s1, s30  }
0xba: {  	s0 =	sor.u32 s3, s0;
	s1 =	sshll.u32 s1, $0x11  }
0xbb: {  	s0 =	sor.u32 s1, s0  }
0xbc: {  	s0 =	sadd.s32 $0x8F2B, s0  }
0xbd: {  	[sflag:s0] =	ssyncadd.remote.s32 $0x1  }
0xbe: {  	_ =	sfence.sel $0xFFFF  }
0xbf: {  	[dreg:$0x0] =	wrdreg $0xFFFFFFFF;
	(pc) =	sbr.abs _section_cstart, $3  }
0xc0: {  	[dreg:$0x1] =	wrdreg $0xFFFFFFFF  }
0xc1: {  	_ =	task.clear_ibuf [dreg:s6], $0x2FFFF;
	_ =	strace $0x9FFFFFFF  }
0xc2: {  	(tm) =	ssettm $0x7FFFFFFF  }
0xc3: {  	_ =	shalt  }
tec
execute0_lowered:
.L_overlay_start_1:
0x0: {  	(tag) =	ssettag $0x1  }
0x1: {  	s5 =	rddreg [dreg:$0x0]  }
0x2: {  	s1 =	rddreg [dreg:$0x1]  }
0x3: {  	s0 =	rddreg [dreg:$0x2];
	s3 =	simm.s32 $0x0;
	s4 =	srdreg.scid  }
0x4: {  	s2 =	stileid.u32;
	s15 =	simm.s32 $0x14000;
	s16 =	simm.s32 $0x1C080  }
0x5: {  	s17 =	simm.s32 $0x18000;
	s20 =	simm.s32 $0x1;
	s21 =	simm.s32 $0x2  }
0x6: {  	s22 =	simm.s32 $0x3;
	s23 =	simm.s32 $0x4;
	s26 =	simm.s32 $0x1E780  }
0x7: {  	s28 =	simm.s32 $0x0;
	[smem:$0x7FF] =	sst s3;
	s6 =	sand.u32 $0x1, s4  }
0x8: {  	s24 =	smul.u32 $0x2800, s2;
	s4 =	sadd.s32 $0x18C00, s5;
	s9 =	sadd.s32 $0xEC00, s5  }
0x9: {  	s10 =	sadd.s32 $0x4C00, s5;
	s30 =	smul.u32 $0x50000, s2;
	s18 =	sshll.u32 s2, $0x6  }
0xa: {  	_ =	strace $0x80000053;
	s7 =	sshll.u32 s6, $0x4;
	s8 =	smul.u32 $0x28000, s6  }
0xb: {  	s6 =	ssub.s32 $0x2, s6;
	s18 =	sor.u32 $0x1C05, s18;
	s7 =	sor.u32 s2, s7  }
0xc: {  	s12 =	sadd.s32 s24, s5;
	s29 =	sshrl.u32 s6, $0x1;
	s11 =	smul.u32 $0x500, s7  }
0xd: {  	s7 =	smul.u32 $0x2800, s7;
	s13 =	sadd.s32 s8, s5;
	s8 =	sshrl.u32 s30, $0x2  }
0xe: {  	s14 =	ssub.s32 s6, s29;
	s19 =	sadd.s32 s8, s1;
	s25 =	sadd.s32 $0x67E00, s13  }
0xf: {  	s13 =	simm.s32 $0x1D400;
	s5 =	sadd.s32 s9, s11;
	s7 =	sshrl.u32 s7, $0x3  }
0x10: {  	s6 =	sadd.s32 s10, s11;
	s11 =	simm.s32 $0x1C000;
	s19 =	sshrl.u32 s19, $0x3  }
0x11: {  	s24 =	sadd.s32 s24, s25;
	s25 =	simm.s32 $0x1E700;
	s31 =	sadd.s32 $0x280, s7  }
0x12: {  	s7 =	sadd.s32 $0x3FE00, s12;
	s12 =	simm.s32 $0x5;
	s8 =	sadd.s32 s9, s31  }
0x13: {  	s9 =	sadd.s32 s10, s31;
	s10 =	smax.u32 s14, $0x1;
	s14 =	simm.s32 $0x80  }
.LBB2_1:
0x14: {  	[tilespmem:s11], [sflag:$0x5] =	stream.linear.gather [hbm4b:s5+s3], $0x1400, $0x38;
	[tilespmem:$0x1E800] =	vst v63  }
0x15: {  	_ =	swait.ge [sflag:s12], $0x1400  }
0x16: {  	[sflag:s12] =	ssyncset.done $0x0  }
0x17: {  	[sflag:s12] =	ssyncadd.s32 $0xFFFFEC00  }
0x18: {  	[tilespmem:s13], [sflag:$0x5] =	stream.linear.gather [hbm4b:s6+s3], $0x1400, $0x38;
	[tilespmem:$0x1E800] =	vst v63  }
0x19: {  	_ =	swait.ge [sflag:s12], $0x1400  }
0x1a: {  	[sflag:s12] =	ssyncset.done $0x0  }
0x1b: {  	[sflag:s12] =	ssyncadd.s32 $0xFFFFEC00  }
0x1c: {  	[tilespmem:s15], [sflag:$0x1] =	stream.indirect.gather [hbm4b:s4+s14], $0x80, s11, s14, $0xb8;
	[tilespmem:$0x1E800] =	vst v63  }
0x1d: {  	_ = 	snop  }
0x1e: {  	[tilespmem:s17], [sflag:$0x2] =	stream.indirect.gather [hbm4b:s4+s14], $0x80, s16, s14, $0xb8;
	[tilespmem:$0x1E800] =	vst v63  }
0x1f: {  	[spmem:s19], [sflag:s18] =	dma.local [hbm:s7], $0x2800  }
0x20: {  	_ =	swait.ge [sflag:s12], $0x2800  }
0x21: {  	[sflag:s12] =	ssyncset.done $0x0  }
0x22: {  	[sflag:s12] =	ssyncadd.s32 $0xFFFFD800  }
0x23: {  	[bflag:$0x0] =	sbarrier.arrive $0xFFFF  }
0x24: {  	_ =	swait.ge [sflag:s20], $0x4000  }
0x25: {  	[sflag:s20] =	ssyncset.done $0x0  }
0x26: {  	s29 =	simm.s32 $0x1D400;
	[sflag:s20] =	ssyncadd.s32 $0xFFFFC000  }
0x27: {  	[spmem:s1] =	stream.indirect.scatter.add.f32 [tilespmem:s15], [sflag:$0x3], $0x80, s29, s14, $0xb8;
	[tilespmem:$0x1E800] =	vst v63  }
0x28: {  	_ =	swait.ge [sflag:s21], $0x4000  }
0x29: {  	[sflag:s21] =	ssyncset.done $0x0  }
0x2a: {  	s29 =	simm.s32 $0x1D480;
	[sflag:s21] =	ssyncadd.s32 $0xFFFFC000  }
0x2b: {  	[spmem:s1] =	stream.indirect.scatter.add.f32 [tilespmem:s17], [sflag:$0x4], $0x80, s29, s14, $0xb8;
	[tilespmem:$0x1E800] =	vst v63  }
0x2c: {  	_ =	swait.ge [sflag:s22], $0x4000  }
0x2d: {  	[sflag:s22] =	ssyncset.done $0x0  }
0x2e: {  	s29 =	simm.s32 $0x1C100;
	[sflag:s22] =	ssyncadd.s32 $0xFFFFC000  }
0x2f: {  	[tilespmem:s15], [sflag:$0x1] =	stream.indirect.gather [hbm4b:s4+s14], $0x80, s29, s14, $0xb8;
	[tilespmem:$0x1E800] =	vst v63  }
0x30: {  	_ =	swait.ge [sflag:s23], $0x4000  }
0x31: {  	[sflag:s23] =	ssyncset.done $0x0  }
0x32: {  	s30 =	simm.s32 $0x1C180;
	s29 =	simm.s32 $0x400;
	[sflag:s23] =	ssyncadd.s32 $0xFFFFC000  }
.LBB2_2:
0x33: {  	[tilespmem:s17], [sflag:$0x2] =	stream.indirect.gather [hbm4b:s4+s14], $0x80, s30, s14, $0xb8;
	[tilespmem:$0x1E800] =	vst v63  }
0x34: {  	s30 =	smov.u32 s29  }
0x35: {  	p0 =	sne.s32 s29, $0x4800;
	s29 =	sadd.s32 $0x400, s29;
	_ =	swait.ge [sflag:s20], $0x4000  }
0x36: {  	s30 =	sshra.s32 s30, $0x2;
	[sflag:s20] =	ssyncset.done $0x0  }
0x37: {  	s31 =	sadd.s32 $0x1D400, s30;
	[sflag:s20] =	ssyncadd.s32 $0xFFFFC000  }
0x38: {  	[spmem:s1] =	stream.indirect.scatter.add.f32 [tilespmem:s15], [sflag:$0x3], $0x80, s31, s14, $0xb8;
	[tilespmem:$0x1E800] =	vst v63  }
0x39: {  	_ =	swait.ge [sflag:s21], $0x4000  }
0x3a: {  	[sflag:s21] =	ssyncset.done $0x0  }
0x3b: {  	s31 =	sadd.s32 $0x1D480, s30;
	[sflag:s21] =	ssyncadd.s32 $0xFFFFC000  }
0x3c: {  	[spmem:s1] =	stream.indirect.scatter.add.f32 [tilespmem:s17], [sflag:$0x4], $0x80, s31, s14, $0xb8;
	[tilespmem:$0x1E800] =	vst v63  }
0x3d: {  	_ =	swait.ge [sflag:s22], $0x4000  }
0x3e: {  	[sflag:s22] =	ssyncset.done $0x0  }
.Ltmp0:
0x3f: {  	s31 =	sadd.s32 $0x1C100, s30;
	[sflag:s22] =	ssyncadd.s32 $0xFFFFC000;
	(pc) =	sbr.rel @p0 .LBB2_2-.Ltmp0, $4  }
0x40: {  	[tilespmem:s15], [sflag:$0x1] =	stream.indirect.gather [hbm4b:s4+s14], $0x80, s31, s14, $0xb8;
	[tilespmem:$0x1E800] =	vst v63  }
0x41: {  	_ =	swait.ge [sflag:s23], $0x4000  }
0x42: {  	[sflag:s23] =	ssyncset.done $0x0  }
0x43: {  	s30 =	sadd.s32 $0x1C180, s30;
	[sflag:s23] =	ssyncadd.s32 $0xFFFFC000  }
0x44: {  	[tilespmem:s17], [sflag:$0x2] =	stream.indirect.gather [hbm4b:s4+s14], $0x80, s30, s14, $0xb8;
	[tilespmem:$0x1E800] =	vst v63  }
0x45: {  	_ =	swait.ge [sflag:s20], $0x4000  }
0x46: {  	[sflag:s20] =	ssyncset.done $0x0  }
0x47: {  	[sflag:s20] =	ssyncadd.s32 $0xFFFFC000  }
0x48: {  	[spmem:s1] =	stream.indirect.scatter.add.f32 [tilespmem:s15], [sflag:$0x3], $0x80, s25, s14, $0xb8;
	[tilespmem:$0x1E800] =	vst v63  }
0x49: {  	_ =	swait.ge [sflag:s21], $0x4000  }
0x4a: {  	[sflag:s21] =	ssyncset.done $0x0  }
0x4b: {  	[sflag:s21] =	ssyncadd.s32 $0xFFFFC000  }
0x4c: {  	[spmem:s1] =	stream.indirect.scatter.add.f32 [tilespmem:s17], [sflag:$0x4], $0x80, s26, s14, $0xb8;
	[tilespmem:$0x1E800] =	vst v63  }
0x4d: {  	_ =	swait.ge [sflag:s22], $0x4000  }
0x4e: {  	[sflag:s22] =	ssyncset.done $0x0  }
0x4f: {  	[sflag:s22] =	ssyncadd.s32 $0xFFFFC000  }
0x50: {  	_ =	swait.ge [sflag:s23], $0x4000  }
0x51: {  	[sflag:s23] =	ssyncset.done $0x0  }
0x52: {  	s29 =	simm.s32 $0x0;
	[sflag:s23] =	ssyncadd.s32 $0xFFFFC000  }
0x53: {  	[tilespmem:s11], [sflag:$0x5] =	stream.linear.gather [hbm4b:s8+s29], $0x1400, $0x38;
	[tilespmem:$0x1E800] =	vst v63  }
0x54: {  	_ =	swait.ge [sflag:s12], $0x1400  }
0x55: {  	[sflag:s12] =	ssyncset.done $0x0  }
0x56: {  	[sflag:s12] =	ssyncadd.s32 $0xFFFFEC00  }
0x57: {  	[tilespmem:s13], [sflag:$0x5] =	stream.linear.gather [hbm4b:s9+s29], $0x1400, $0x38;
	[tilespmem:$0x1E800] =	vst v63  }
0x58: {  	_ =	swait.ge [sflag:s12], $0x1400  }
0x59: {  	[sflag:s12] =	ssyncset.done $0x0  }
0x5a: {  	[sflag:s12] =	ssyncadd.s32 $0xFFFFEC00  }
0x5b: {  	[tilespmem:s15], [sflag:$0x1] =	stream.indirect.gather [hbm4b:s4+s14], $0x80, s11, s14, $0xb8;
	[tilespmem:$0x1E800] =	vst v63  }
0x5c: {  	_ = 	snop  }
0x5d: {  	[tilespmem:s17], [sflag:$0x2] =	stream.indirect.gather [hbm4b:s4+s14], $0x80, s16, s14, $0xb8;
	[tilespmem:$0x1E800] =	vst v63  }
0x5e: {  	_ =	swait.ge [sflag:s20], $0x4000  }
0x5f: {  	[sflag:s20] =	ssyncset.done $0x0  }
0x60: {  	s29 =	simm.s32 $0x1D400;
	[sflag:s20] =	ssyncadd.s32 $0xFFFFC000  }
0x61: {  	[spmem:s1] =	stream.indirect.scatter.add.f32 [tilespmem:s15], [sflag:$0x3], $0x80, s29, s14, $0xb8;
	[tilespmem:$0x1E800] =	vst v63  }
0x62: {  	_ =	swait.ge [sflag:s21], $0x4000  }
0x63: {  	[sflag:s21] =	ssyncset.done $0x0  }
0x64: {  	s29 =	simm.s32 $0x1D480;
	[sflag:s21] =	ssyncadd.s32 $0xFFFFC000  }
0x65: {  	[spmem:s1] =	stream.indirect.scatter.add.f32 [tilespmem:s17], [sflag:$0x4], $0x80, s29, s14, $0xb8;
	[tilespmem:$0x1E800] =	vst v63  }
0x66: {  	_ =	swait.ge [sflag:s22], $0x4000  }
0x67: {  	[sflag:s22] =	ssyncset.done $0x0  }
0x68: {  	s29 =	simm.s32 $0x1C100;
	[sflag:s22] =	ssyncadd.s32 $0xFFFFC000  }
0x69: {  	[tilespmem:s15], [sflag:$0x1] =	stream.indirect.gather [hbm4b:s4+s14], $0x80, s29, s14, $0xb8;
	[tilespmem:$0x1E800] =	vst v63  }
0x6a: {  	_ =	swait.ge [sflag:s23], $0x4000  }
0x6b: {  	[sflag:s23] =	ssyncset.done $0x0  }
0x6c: {  	s30 =	simm.s32 $0x1C180;
	s29 =	simm.s32 $0x400;
	[sflag:s23] =	ssyncadd.s32 $0xFFFFC000  }
.LBB2_4:
0x6d: {  	[tilespmem:s17], [sflag:$0x2] =	stream.indirect.gather [hbm4b:s4+s14], $0x80, s30, s14, $0xb8;
	[tilespmem:$0x1E800] =	vst v63  }
0x6e: {  	s30 =	smov.u32 s29  }
0x6f: {  	p0 =	sne.s32 s29, $0x4800;
	s29 =	sadd.s32 $0x400, s29;
	_ =	swait.ge [sflag:s20], $0x4000  }
0x70: {  	s30 =	sshra.s32 s30, $0x2;
	[sflag:s20] =	ssyncset.done $0x0  }
0x71: {  	s31 =	sadd.s32 $0x1D400, s30;
	[sflag:s20] =	ssyncadd.s32 $0xFFFFC000  }
0x72: {  	[spmem:s1] =	stream.indirect.scatter.add.f32 [tilespmem:s15], [sflag:$0x3], $0x80, s31, s14, $0xb8;
	[tilespmem:$0x1E800] =	vst v63  }
0x73: {  	_ =	swait.ge [sflag:s21], $0x4000  }
0x74: {  	[sflag:s21] =	ssyncset.done $0x0  }
0x75: {  	s31 =	sadd.s32 $0x1D480, s30;
	[sflag:s21] =	ssyncadd.s32 $0xFFFFC000  }
0x76: {  	[spmem:s1] =	stream.indirect.scatter.add.f32 [tilespmem:s17], [sflag:$0x4], $0x80, s31, s14, $0xb8;
	[tilespmem:$0x1E800] =	vst v63  }
0x77: {  	_ =	swait.ge [sflag:s22], $0x4000  }
0x78: {  	[sflag:s22] =	ssyncset.done $0x0  }
.Ltmp1:
0x79: {  	s31 =	sadd.s32 $0x1C100, s30;
	[sflag:s22] =	ssyncadd.s32 $0xFFFFC000;
	(pc) =	sbr.rel @p0 .LBB2_4-.Ltmp1, $4  }
0x7a: {  	[tilespmem:s15], [sflag:$0x1] =	stream.indirect.gather [hbm4b:s4+s14], $0x80, s31, s14, $0xb8;
	[tilespmem:$0x1E800] =	vst v63  }
0x7b: {  	_ =	swait.ge [sflag:s23], $0x4000  }
0x7c: {  	[sflag:s23] =	ssyncset.done $0x0  }
0x7d: {  	s30 =	sadd.s32 $0x1C180, s30;
	[sflag:s23] =	ssyncadd.s32 $0xFFFFC000  }
0x7e: {  	[tilespmem:s17], [sflag:$0x2] =	stream.indirect.gather [hbm4b:s4+s14], $0x80, s30, s14, $0xb8;
	[tilespmem:$0x1E800] =	vst v63  }
0x7f: {  	_ =	swait.ge [sflag:s20], $0x4000  }
0x80: {  	[sflag:s20] =	ssyncset.done $0x0  }
0x81: {  	[sflag:s20] =	ssyncadd.s32 $0xFFFFC000  }
0x82: {  	[spmem:s1] =	stream.indirect.scatter.add.f32 [tilespmem:s15], [sflag:$0x3], $0x80, s25, s14, $0xb8;
	[tilespmem:$0x1E800] =	vst v63  }
0x83: {  	_ =	swait.ge [sflag:s21], $0x4000  }
0x84: {  	[sflag:s21] =	ssyncset.done $0x0  }
0x85: {  	[sflag:s21] =	ssyncadd.s32 $0xFFFFC000  }
0x86: {  	[spmem:s1] =	stream.indirect.scatter.add.f32 [tilespmem:s17], [sflag:$0x4], $0x80, s26, s14, $0xb8;
	[tilespmem:$0x1E800] =	vst v63  }
0x87: {  	_ =	swait.ge [sflag:s22], $0x4000  }
0x88: {  	[sflag:s22] =	ssyncset.done $0x0  }
0x89: {  	[sflag:s22] =	ssyncadd.s32 $0xFFFFC000  }
0x8a: {  	_ =	swait.ge [sflag:s23], $0x4000  }
0x8b: {  	s28 =	sadd.s32 $0x1, s28;
	[sflag:s23] =	ssyncset.done $0x0  }
0x8c: {  	p0 =	sne.s32 s28, s10;
	[sflag:s23] =	ssyncadd.s32 $0xFFFFC000  }
.Ltmp2:
0x8d: {  	[bflag:$0x0] =	sbarrier.arrive $0xFFFF;
	(pc) =	sbr.rel @p0 .LBB2_1-.Ltmp2, $4  }
0x8e: {  	[hbm:s24], [sflag:s18] =	dma.local [spmem:s19], $0x2800  }
0x8f: {  	_ =	swait.ge [sflag:s12], $0x2800  }
0x90: {  	[sflag:s12] =	ssyncset.done $0x0  }
0x91: {  	[sflag:s12] =	ssyncadd.s32 $0xFFFFD800  }
0x92: {  	_ =	sfence.sel $0x180000  }
0x93: {  	[bflag:$0x0] =	sbarrier.arrive $0xFFFF  }
0x94: {  	p0 =	sne.s32 s2, $0x0;
	_ =	strace $0x90000053  }
0x95: {  	s0 =	sadd.s32 @!p0 $0x100000, s0;
	[bflag:$0x2] =	sbarrier.arrive $0xFFFF  }
0x96: {  	[sflag:s0] =	ssyncadd.tile.s32 @!p0 $0x1;
	_ =	shalt  }
.Lfunc_end2:
_tile_overlayer_lowered:
.L_overlay_start_2:
0x97: {  	(tag) =	ssettag $0x2  }
0x98: {  	s0 =	rddreg [dreg:$0x0];
	s2 =	stileid.u32  }
0x99: {  	s1 =	rddreg [dreg:$0x1];
	p0 =	sne.s32 s2, $0x0  }
0x9a: {  	s3 =	rddreg [dreg:$0x2];
	[bflag:$0x3] =	sbarrier.arrive $0xFFFF;
	s2 =	simm.s32 @!p0 $0x1C05  }
0x9b: {  	[timem:s3], [sflag:s2] =	dma.local @!p0 [hbm:s0], s1  }
0x9c: {  	s0 =	simm.s32 @!p0 $0x5  }
0x9d: {  	_ =	swait.ge @!p0 [sflag:s0], s1  }
0x9e: {  	s1 =	ssub.s32 @!p0 $0x0, s1;
	[sflag:s0] =	ssyncset.done @!p0 $0x0  }
0x9f: {  	[sflag:s0] =	ssyncadd.s32 @!p0 s1  }
0xa0: {  	[bflag:$0x3] =	sbarrier.arrive $0xFFFF  }
0xa1: {  	_ =	shalt  }

</sc_bundles>
